<compile_context>
chip_gen: v7x
topology: tpu7x:2x2x1
jax: 0.10.2.dev20260603
libtpu: 0.0.44.dev20260713+nightly
codegen_flags: <defaults>
</compile_context>

<pallas_src>
import functools

import jax
import jax.numpy as jnp
from jax import lax
from jax.experimental import pallas as pl
from jax.experimental.pallas import tpu as pltpu
from jax.experimental.pallas import tpu_sc as plsc

_N, _D, _M = 320000, 128, 10000
_L = 16
_NT = 16
_EV = _N // _NT
_B = 10
_MP = 10240
_CS = _MP // _NT
_MAIN = 624
_CH = 48
_RB = _EV + 2 * _L


def _repair(tab, idx, val):

    def rbody(r, _):
        c = plsc.load_gather(tab, [idx])
        u = val > c
        plsc.store_scatter(tab, [idx], val, mask=u)
        return 0

    lax.fori_loop(0, _L, rbody, 0)


def _scatter_max_batch(tab, idxs, vals, poss, retry, roff):
    curs = [plsc.load_gather(tab, [i]) for i in idxs]
    upds = [v > c for v, c in zip(vals, curs)]
    for i, v, u in zip(idxs, vals, upds):
        plsc.store_scatter(tab, [i], v, mask=u)
    backs = [plsc.load_gather(tab, [i], mask=u) for i, u in zip(idxs, upds)]
    for p, v, u, b in zip(poss, vals, upds, backs):
        badv = u & (b != v)
        plsc.store_compressed(retry.at[pl.ds(roff, _L)], p, mask=badv)
        roff = roff + plsc.all_reduce_population_count(badv)[0]
    return roff


def _replay(tab, retry, roff, ev_idx, value_fn):
    zeros = jnp.zeros((_L,), jnp.int32)
    plsc.store_compressed(retry.at[pl.ds(roff, _L)], zeros,
                          mask=jnp.full((_L,), True))

    def rv(k, _):
        pos = retry[pl.ds(k * _L, _L)]
        idx = plsc.load_gather(ev_idx, [pos])
        _repair(tab, idx, value_fn(pos))
        return 0

    lax.fori_loop(0, (roff + _L - 1) // _L, rv, 0)


def _merge_tables(tab, stage, merged, col, blkbuf, blkbuf2, accb, msem, msem2):
    pltpu.sync_copy(tab, stage.at[col // _CS])
    plsc.subcore_barrier()
    pltpu.sync_copy(stage.at[0, pl.ds(col, _CS)], accb)
    bufs = [blkbuf, blkbuf2]
    sems = [msem, msem2]
    cps = [None] * _NT
    cps[1] = pltpu.async_copy(stage.at[1, pl.ds(col, _CS)], bufs[1], sems[1])
    for r in range(1, _NT):
        if r + 1 < _NT:
            cps[r + 1] = pltpu.async_copy(
                stage.at[r + 1, pl.ds(col, _CS)], bufs[(r + 1) % 2],
                sems[(r + 1) % 2])
        cps[r].wait()
        buf = bufs[r % 2]

        def ubody(u, _):
            sl = pl.ds(u * _L, _L)
            accb[sl] = jnp.maximum(accb[sl], buf[sl])
            return 0

        lax.fori_loop(0, _CS // _L, ubody, 0)
    if merged is not None:
        pltpu.sync_copy(accb, merged.at[pl.ds(col, _CS)])
        plsc.subcore_barrier()
        pltpu.sync_copy(merged, tab)


def _build_kernel():
    mesh = plsc.VectorSubcoreMesh(core_axis_name="c", subcore_axis_name="s")

    @functools.partial(
        pl.kernel,
        out_type=[
            jax.ShapeDtypeStruct((_M,), jnp.int32),
            jax.ShapeDtypeStruct((_M, _D), jnp.float32),
        ],
        mesh=mesh,
        compiler_params=pltpu.CompilerParams(needs_layout_passes=False),
        scratch_types=[
            pltpu.VMEM((_EV,), jnp.int32),
            pltpu.VMEM((_EV,), jnp.int32),
            pltpu.VMEM((_MP,), jnp.int32),
            pltpu.VMEM((_MP,), jnp.int32),
            pltpu.VMEM((_MP,), jnp.int32),
            pltpu.VMEM((_MP,), jnp.int32),
            pltpu.VMEM((_CS,), jnp.int32),
            pltpu.VMEM((_CS,), jnp.int32),
            pltpu.VMEM((_CS,), jnp.int32),
            pltpu.VMEM((_RB,), jnp.int32),
            pltpu.VMEM((_MAIN + _L,), jnp.int32),
            pltpu.VMEM((_MAIN + _L,), jnp.int32),
            pltpu.VMEM((_NT * _L,), jnp.int32),
            pltpu.VMEM((2, _CH, _D), jnp.float32),
            pltpu.VMEM_SHARED((_NT, _MP), jnp.int32),
            pltpu.VMEM_SHARED((_MP,), jnp.int32),
            pltpu.SemaphoreType.DMA,
            pltpu.SemaphoreType.DMA,
        ],
    )
    def lastagg(msg_hbm, idx_hbm, t_hbm, uniq_hbm, out_hbm,
                ev_idx, ev_t, maxt, argt, uniqv, srcv, blkbuf, blkbuf2,
                accb, retry, idxb, ub, cntb, rowb, stage, merged,
                sem, sem2):
        cid = lax.axis_index("c")
        sid = lax.axis_index("s")

        @pl.when(cid == 0)
        def _core0():
            lane = lax.iota(jnp.int32, _L)
            neg1 = jnp.full((_L,), -1, jnp.int32)
            col = sid * _CS

            def ibody(u, _):
                sl = pl.ds(u * _L, _L)
                maxt[sl] = neg1
                argt[sl] = neg1
                return 0

            base = pl.multiple_of(sid * _EV, 8)
            cpi = pltpu.async_copy(idx_hbm.at[pl.ds(base, _EV)], ev_idx, sem)
            cpt = pltpu.async_copy(t_hbm.at[pl.ds(base, _EV)], ev_t, sem2)
            lax.fori_loop(0, _MP // _L, ibody, 0)
            cpi.wait()
            cpt.wait()

            def p1(v, roff):
                sls = [pl.ds((v * _B + j) * _L, _L) for j in range(_B)]
                poss = [jnp.full((_L,), (v * _B + j) * _L, jnp.int32) + lane
                        for j in range(_B)]
                return _scatter_max_batch(maxt,
                                          [ev_idx[s] for s in sls],
                                          [ev_t[s] for s in sls],
                                          poss, retry, roff)

            r1 = lax.fori_loop(0, _EV // (_L * _B), p1, jnp.int32(0))
            _replay(maxt, retry, r1, ev_idx,
                    lambda pos: plsc.load_gather(ev_t, [pos]))
            _merge_tables(maxt, stage, merged, col, blkbuf, blkbuf2, accb, sem, sem2)

            def p2cand(pos):
                ix = plsc.load_gather(ev_idx, [pos])
                tv = plsc.load_gather(ev_t, [pos])
                gm = plsc.load_gather(maxt, [ix])
                gid = jnp.full((_L,), sid * _EV, jnp.int32) + pos
                return jnp.where(tv == gm, gid, neg1)

            def p2(v, roff):
                sls = [pl.ds((v * _B + j) * _L, _L) for j in range(_B)]
                poss = [jnp.full((_L,), (v * _B + j) * _L, jnp.int32) + lane
                        for j in range(_B)]
                idxs = [ev_idx[s] for s in sls]
                cands = []
                for j, (s, ix) in enumerate(zip(sls, idxs)):
                    tv = ev_t[s]
                    gm = plsc.load_gather(maxt, [ix])
                    gid = jnp.full((_L,), sid * _EV + (v * _B + j) * _L,
                                   jnp.int32) + lane
                    cands.append(jnp.where(tv == gm, gid, neg1))
                return _scatter_max_batch(argt, idxs, cands, poss, retry, roff)

            r2 = lax.fori_loop(0, _EV // (_L * _B), p2, jnp.int32(0))
            _replay(argt, retry, r2, ev_idx, p2cand)
            _merge_tables(argt, stage, None, col, blkbuf, blkbuf2, accb, sem, sem2)

            def cbody(u, cnt):
                sl = pl.ds(col + u * _L, _L)
                pres = maxt[sl] >= 0
                ids = jnp.full((_L,), col + u * _L, jnp.int32) + lane
                plsc.store_compressed(uniqv.at[pl.ds(col + cnt, _L)], ids,
                                      mask=pres)
                plsc.store_compressed(srcv.at[pl.ds(col + cnt, _L)],
                                      accb[pl.ds(u * _L, _L)], mask=pres)
                return cnt + plsc.all_reduce_population_count(pres)[0]

            cnt = lax.fori_loop(0, _CS // _L, cbody, jnp.int32(0))
            pltpu.sync_copy(uniqv.at[pl.ds(col, _CS)],
                            stage.at[0, pl.ds(col, _CS)])
            pltpu.sync_copy(srcv.at[pl.ds(col, _CS)],
                            stage.at[1, pl.ds(col, _CS)])
            accb[pl.ds(0, _L)] = jnp.full((_L,), cnt, jnp.int32)
            pltpu.sync_copy(accb.at[pl.ds(0, _L)],
                            merged.at[pl.ds(sid * _L, _L)])
            plsc.subcore_barrier()
            pltpu.sync_copy(stage.at[0], uniqv)
            pltpu.sync_copy(stage.at[1], srcv)
            pltpu.sync_copy(merged.at[pl.ds(0, _NT * _L)], cntb)
            counts = plsc.load_gather(cntb, [lane * _L])
            pinc = plsc.cumsum(counts)
            pex = pinc - counts
            ktot = jnp.max(pinc)

            def obody(u, _):
                p = jnp.full((_L,), sid * _MAIN + u * _L, jnp.int32) + lane
                peff = jnp.where(p < ktot, p, 0)
                sslot = jnp.zeros((_L,), jnp.int32)
                for r in range(1, _NT):
                    thr = pex.at[jnp.full((_L,), r, jnp.int32)].get(
                        mode="promise_in_bounds")
                    sslot = sslot + (thr <= peff).astype(jnp.int32)
                psel = pex.at[sslot].get(mode="promise_in_bounds")
                q = sslot * _CS + (peff - psel)
                sl = pl.ds(u * _L, _L)
                ub[sl] = plsc.load_gather(uniqv, [q])
                idxb[sl] = plsc.load_gather(srcv, [q])
                return 0

            lax.fori_loop(0, _MAIN // _L, obody, 0)
            rbase = pl.multiple_of(sid * _MAIN, 8)
            pltpu.sync_copy(ub.at[pl.ds(0, _MAIN)],
                            uniq_hbm.at[pl.ds(rbase, _MAIN)])

            @pl.when(sid == _NT - 1)
            def _tailmap():
                u = _MAIN // _L
                p = jnp.full((_L,), _NT * _MAIN, jnp.int32) + lane
                peff = jnp.where(p < ktot, p, 0)
                sslot = jnp.zeros((_L,), jnp.int32)
                for r in range(1, _NT):
                    thr = pex.at[jnp.full((_L,), r, jnp.int32)].get(
                        mode="promise_in_bounds")
                    sslot = sslot + (thr <= peff).astype(jnp.int32)
                psel = pex.at[sslot].get(mode="promise_in_bounds")
                q = sslot * _CS + (peff - psel)
                sl = pl.ds(_MAIN, _L)
                ub[sl] = plsc.load_gather(uniqv, [q])
                idxb[sl] = plsc.load_gather(srcv, [q])
                toff = pl.multiple_of(_NT * _MAIN, 8)
                pltpu.sync_copy(ub.at[sl], uniq_hbm.at[pl.ds(toff, _L)])

            nch = _MAIN // _CH
            sems = [sem, sem2]
            cps = [None] * nch
            cps[0] = pltpu.async_copy(msg_hbm.at[idxb.at[pl.ds(0, _CH)]],
                                      rowb.at[0], sems[0])
            for k in range(nch):
                if k + 1 < nch:
                    cps[k + 1] = pltpu.async_copy(
                        msg_hbm.at[idxb.at[pl.ds((k + 1) * _CH, _CH)]],
                        rowb.at[(k + 1) % 2], sems[(k + 1) % 2])
                cps[k].wait()
                pltpu.sync_copy(rowb.at[k % 2],
                                out_hbm.at[pl.ds(rbase + k * _CH, _CH)])

            @pl.when(sid == _NT - 1)
            def _tail():
                toff = pl.multiple_of(_NT * _MAIN, 8)
                pltpu.async_copy(msg_hbm.at[idxb.at[pl.ds(_MAIN, _L)]],
                                 rowb.at[0, pl.ds(0, _L)], sem).wait()
                pltpu.sync_copy(rowb.at[0, pl.ds(0, _L)],
                                out_hbm.at[pl.ds(toff, _L)])

    return lastagg


_lastagg = _build_kernel()


@jax.jit
def kernel(msg, index, t):
    uniq, rows = _lastagg(msg, index, t)
    return uniq, rows

# --- scband reference (transcript-rebuilt; emitter-appended) ---
"""Pipeline reference for scband-last-aggregator-3255585210958 (READ-ONLY COPY).

The authoritative reference and input builder live on the scoring server;
editing this copy changes nothing except your own understanding.
"""

import jax, jax.numpy as jnp
import numpy as np

N, D, M = 320000, 128, 10000


def setup_inputs(seed: int = 0) -> dict:
    key = jax.random.key(seed)
    k1, k2, k3 = jax.random.split(key, 3)
    msg = jax.random.normal(k1, (N, D), dtype=jnp.float32)
    index = jax.random.randint(k2, (N,), 0, M, dtype=jnp.int32)
    t = jax.random.randint(k3, (N,), 0, 1000000, dtype=jnp.int32)
    return {"msg": msg, "index": index, "t": t}


def _scatter_max_argmax(t, index, num_segments):
    # emulates torch_scatter.scatter_max(t, index, dim=0) -> (max, argmax)
    n = t.shape[0]
    max_t = jax.ops.segment_max(t, index, num_segments=num_segments)
    is_max = t == max_t[index]
    pos = jnp.where(is_max, jnp.arange(n), -1)
    argmax = jax.ops.segment_max(pos, index, num_segments=num_segments)
    # empty segments would be -1; torch fills with out-of-range sentinel, but
    # they are never gathered (we only index argmax at occupied unique ids).
    return jnp.maximum(argmax, 0)


def reference(msg, index, t):
    num_segments = M
    argmax = _scatter_max_argmax(t, index, num_segments)
    uniq = jnp.unique(index, size=num_segments)
    return uniq, msg[argmax[uniq]]

if __name__ == "__main__":
    import jax
    _d = setup_inputs()
    print(jax.jit(kernel)(*tuple(_d.values())))

</pallas_src>

<mosaic_0001>
#map = affine_map<(d0, d1) -> (0, 0)>
#map1 = affine_map<(d0, d1) -> (0)>
module attributes {stable_mosaic.version = 14 : i64} {
  func.func @lastagg(%arg0: i32, %arg1: i32, %arg2: memref<320000x128xf32, #tpu.memory_space<hbm>>, %arg3: memref<320000xi32, #tpu.memory_space<hbm>>, %arg4: memref<320000xi32, #tpu.memory_space<hbm>>, %arg5: memref<10000xi32, #tpu.memory_space<hbm>>, %arg6: memref<10000x128xf32, #tpu.memory_space<hbm>>, %arg7: memref<20000xi32, #tpu.memory_space<vmem>>, %arg8: memref<20000xi32, #tpu.memory_space<vmem>>, %arg9: memref<10240xi32, #tpu.memory_space<vmem>>, %arg10: memref<10240xi32, #tpu.memory_space<vmem>>, %arg11: memref<10240xi32, #tpu.memory_space<vmem>>, %arg12: memref<10240xi32, #tpu.memory_space<vmem>>, %arg13: memref<640xi32, #tpu.memory_space<vmem>>, %arg14: memref<640xi32, #tpu.memory_space<vmem>>, %arg15: memref<640xi32, #tpu.memory_space<vmem>>, %arg16: memref<20032xi32, #tpu.memory_space<vmem>>, %arg17: memref<640xi32, #tpu.memory_space<vmem>>, %arg18: memref<640xi32, #tpu.memory_space<vmem>>, %arg19: memref<256xi32, #tpu.memory_space<vmem>>, %arg20: memref<2x48x128xf32, #tpu.memory_space<vmem>>, %arg21: memref<16x10240xi32, #tpu.memory_space<vmem_shared>>, %arg22: memref<10240xi32, #tpu.memory_space<vmem_shared>>, %arg23: memref<!tpu.dma_semaphore, #tpu.memory_space<semaphore_mem>>, %arg24: memref<!tpu.dma_semaphore, #tpu.memory_space<semaphore_mem>>) attributes {dimension_semantics = [#tpu.dimension_semantics<core_parallel>, #tpu.dimension_semantics<subcore_parallel>], iteration_bounds = array<i64: 2, 16>, scalar_prefetch = 0 : i64, scratch_operands = 18 : i64, tpu.core_type = #tpu.core_type<sc_vector_subcore>, window_params = [{transform_indices = #map}, {transform_indices = #map1}, {transform_indices = #map1}, {transform_indices = #map1}, {transform_indices = #map}]} {
    %eq3A = arith.constant 0 : i32
    %eq3A_0 = arith.cmpi eq, %arg0, %eq3A : i32
    %convert_element_type3A = arith.extui %eq3A_0 : i1 to i32
    %cond3A = arith.constant 0 : i32
    %cond3A_1 = arith.cmpi ne, %convert_element_type3A, %cond3A : i32
    scf.if %cond3A_1 {
      %iota3A = tpu.iota {dimensions = array<i32: 0>} : vector<16xi32>
      %broadcast_in_dim3A = arith.constant -1 : i32
      %broadcast_in_dim3A_2 = vector.broadcast %broadcast_in_dim3A : i32 to vector<16xi32>
      %mul3A = arith.constant 640 : i32
      %mul3A_3 = arith.muli %arg1, %mul3A : i32
      %mul3A_4 = arith.constant 20000 : i32
      %mul3A_5 = arith.muli %arg1, %mul3A_4 : i32
      %multiple_of3A = tpu.assume_multiple %mul3A_5, 8 : i32
      %dma_start3A = tpu.memref_slice %arg3[%multiple_of3A] : memref<320000xi32, #tpu.memory_space<hbm>> -> memref<20000xi32, #tpu.memory_space<hbm>>
      %dma_start3A_6 = tpu.memref_slice %arg3[%multiple_of3A] : memref<320000xi32, #tpu.memory_space<hbm>> -> memref<20000xi32, #tpu.memory_space<hbm>>
      tpu.enqueue_dma source(%dma_start3A_6 : memref<20000xi32, #tpu.memory_space<hbm>>) target(%arg7 : memref<20000xi32, #tpu.memory_space<vmem>>) target_semaphore(%arg23 : memref<!tpu.dma_semaphore, #tpu.memory_space<semaphore_mem>>)
      %dma_start3A_7 = tpu.memref_slice %arg4[%multiple_of3A] : memref<320000xi32, #tpu.memory_space<hbm>> -> memref<20000xi32, #tpu.memory_space<hbm>>
      %dma_start3A_8 = tpu.memref_slice %arg4[%multiple_of3A] : memref<320000xi32, #tpu.memory_space<hbm>> -> memref<20000xi32, #tpu.memory_space<hbm>>
      tpu.enqueue_dma source(%dma_start3A_8 : memref<20000xi32, #tpu.memory_space<hbm>>) target(%arg8 : memref<20000xi32, #tpu.memory_space<vmem>>) target_semaphore(%arg24 : memref<!tpu.dma_semaphore, #tpu.memory_space<semaphore_mem>>)
      %scan3A = arith.constant 0 : i32
      %scan3A_9 = arith.constant 0 : i32
      %scan3A_10 = arith.constant 640 : i32
      %scan3A_11 = arith.addi %scan3A_9, %scan3A_10 : i32
      %scan3A_12 = arith.constant 1 : i32
      %scan3A_13 = scf.for %scan3A_1023 = %scan3A_9 to %scan3A_11 step %scan3A_12 iter_args(%scan3A_1024 = %scan3A) -> (i32)  : i32 {
        %mul3A_1025 = arith.constant 16 : i32
        %mul3A_1026 = arith.muli %scan3A_1023, %mul3A_1025 : i32
        %swap3A_1027 = arith.index_cast %mul3A_1026 : i32 to index
        %swap3A_1028 = tpu.vector_load %arg9[%swap3A_1027] {strides = array<i32>} : memref<10240xi32, #tpu.memory_space<vmem>>, vector<16xi32>,
        tpu.vector_store %arg9[%swap3A_1027], %broadcast_in_dim3A_2 {strides = array<i32>} : memref<10240xi32, #tpu.memory_space<vmem>>, vector<16xi32>,
        %swap3A_1029 = arith.index_cast %mul3A_1026 : i32 to index
        %swap3A_1030 = tpu.vector_load %arg10[%swap3A_1029] {strides = array<i32>} : memref<10240xi32, #tpu.memory_space<vmem>>, vector<16xi32>,
        tpu.vector_store %arg10[%swap3A_1029], %broadcast_in_dim3A_2 {strides = array<i32>} : memref<10240xi32, #tpu.memory_space<vmem>>, vector<16xi32>,
        %scan3A_1031 = arith.constant 0 : i32
        scf.yield %scan3A_1031 : i32
      }
      %scan3A_14 = arith.constant 640 : i32
      %dma_wait3A = tpu.memref_slice %arg3[%multiple_of3A] : memref<320000xi32, #tpu.memory_space<hbm>> -> memref<20000xi32, #tpu.memory_space<hbm>>
      %dma_wait3A_15 = tpu.memref_slice %arg3[%multiple_of3A] : memref<320000xi32, #tpu.memory_space<hbm>> -> memref<20000xi32, #tpu.memory_space<hbm>>
      tpu.wait_dma2 semaphore(%arg23 : memref<!tpu.dma_semaphore, #tpu.memory_space<semaphore_mem>>) src(%dma_wait3A_15 : memref<20000xi32, #tpu.memory_space<hbm>>) dst(%arg7 : memref<20000xi32, #tpu.memory_space<vmem>>)
      %dma_wait3A_16 = tpu.memref_slice %arg4[%multiple_of3A] : memref<320000xi32, #tpu.memory_space<hbm>> -> memref<20000xi32, #tpu.memory_space<hbm>>
      %dma_wait3A_17 = tpu.memref_slice %arg4[%multiple_of3A] : memref<320000xi32, #tpu.memory_space<hbm>> -> memref<20000xi32, #tpu.memory_space<hbm>>
      tpu.wait_dma2 semaphore(%arg24 : memref<!tpu.dma_semaphore, #tpu.memory_space<semaphore_mem>>) src(%dma_wait3A_17 : memref<20000xi32, #tpu.memory_space<hbm>>) dst(%arg8 : memref<20000xi32, #tpu.memory_space<vmem>>)
      %scan3A_18 = arith.constant 0 : i32
      %scan3A_19 = arith.constant 0 : i32
      %scan3A_20 = arith.constant 125 : i32
      %scan3A_21 = arith.addi %scan3A_19, %scan3A_20 : i32
      %scan3A_22 = arith.constant 1 : i32
      %scan3A_23 = scf.for %scan3A_1023 = %scan3A_19 to %scan3A_21 step %scan3A_22 iter_args(%scan3A_1024 = %scan3A_18) -> (i32)  : i32 {
        %mul3A_1025 = arith.constant 10 : i32
        %mul3A_1026 = arith.muli %scan3A_1023, %mul3A_1025 : i32
        %add3A_1027 = arith.constant 0 : i32
        %add3A_1028 = arith.addi %mul3A_1026, %add3A_1027 : i32
        %mul3A_1029 = arith.constant 16 : i32
        %mul3A_1030 = arith.muli %add3A_1028, %mul3A_1029 : i32
        %mul3A_1031 = arith.constant 10 : i32
        %mul3A_1032 = arith.muli %scan3A_1023, %mul3A_1031 : i32
        %add3A_1033 = arith.constant 1 : i32
        %add3A_1034 = arith.addi %mul3A_1032, %add3A_1033 : i32
        %mul3A_1035 = arith.constant 16 : i32
        %mul3A_1036 = arith.muli %add3A_1034, %mul3A_1035 : i32
        %mul3A_1037 = arith.constant 10 : i32
        %mul3A_1038 = arith.muli %scan3A_1023, %mul3A_1037 : i32
        %add3A_1039 = arith.constant 2 : i32
        %add3A_1040 = arith.addi %mul3A_1038, %add3A_1039 : i32
        %mul3A_1041 = arith.constant 16 : i32
        %mul3A_1042 = arith.muli %add3A_1040, %mul3A_1041 : i32
        %mul3A_1043 = arith.constant 10 : i32
        %mul3A_1044 = arith.muli %scan3A_1023, %mul3A_1043 : i32
        %add3A_1045 = arith.constant 3 : i32
        %add3A_1046 = arith.addi %mul3A_1044, %add3A_1045 : i32
        %mul3A_1047 = arith.constant 16 : i32
        %mul3A_1048 = arith.muli %add3A_1046, %mul3A_1047 : i32
        %mul3A_1049 = arith.constant 10 : i32
        %mul3A_1050 = arith.muli %scan3A_1023, %mul3A_1049 : i32
        %add3A_1051 = arith.constant 4 : i32
        %add3A_1052 = arith.addi %mul3A_1050, %add3A_1051 : i32
        %mul3A_1053 = arith.constant 16 : i32
        %mul3A_1054 = arith.muli %add3A_1052, %mul3A_1053 : i32
        %mul3A_1055 = arith.constant 10 : i32
        %mul3A_1056 = arith.muli %scan3A_1023, %mul3A_1055 : i32
        %add3A_1057 = arith.constant 5 : i32
        %add3A_1058 = arith.addi %mul3A_1056, %add3A_1057 : i32
        %mul3A_1059 = arith.constant 16 : i32
        %mul3A_1060 = arith.muli %add3A_1058, %mul3A_1059 : i32
        %mul3A_1061 = arith.constant 10 : i32
        %mul3A_1062 = arith.muli %scan3A_1023, %mul3A_1061 : i32
        %add3A_1063 = arith.constant 6 : i32
        %add3A_1064 = arith.addi %mul3A_1062, %add3A_1063 : i32
        %mul3A_1065 = arith.constant 16 : i32
        %mul3A_1066 = arith.muli %add3A_1064, %mul3A_1065 : i32
        %mul3A_1067 = arith.constant 10 : i32
        %mul3A_1068 = arith.muli %scan3A_1023, %mul3A_1067 : i32
        %add3A_1069 = arith.constant 7 : i32
        %add3A_1070 = arith.addi %mul3A_1068, %add3A_1069 : i32
        %mul3A_1071 = arith.constant 16 : i32
        %mul3A_1072 = arith.muli %add3A_1070, %mul3A_1071 : i32
        %mul3A_1073 = arith.constant 10 : i32
        %mul3A_1074 = arith.muli %scan3A_1023, %mul3A_1073 : i32
        %add3A_1075 = arith.constant 8 : i32
        %add3A_1076 = arith.addi %mul3A_1074, %add3A_1075 : i32
        %mul3A_1077 = arith.constant 16 : i32
        %mul3A_1078 = arith.muli %add3A_1076, %mul3A_1077 : i32
        %mul3A_1079 = arith.constant 10 : i32
        %mul3A_1080 = arith.muli %scan3A_1023, %mul3A_1079 : i32
        %add3A_1081 = arith.constant 9 : i32
        %add3A_1082 = arith.addi %mul3A_1080, %add3A_1081 : i32
        %mul3A_1083 = arith.constant 16 : i32
        %mul3A_1084 = arith.muli %add3A_1082, %mul3A_1083 : i32
        %mul3A_1085 = arith.constant 10 : i32
        %mul3A_1086 = arith.muli %scan3A_1023, %mul3A_1085 : i32
        %add3A_1087 = arith.constant 0 : i32
        %add3A_1088 = arith.addi %mul3A_1086, %add3A_1087 : i32
        %mul3A_1089 = arith.constant 16 : i32
        %mul3A_1090 = arith.muli %add3A_1088, %mul3A_1089 : i32
        %broadcast_in_dim3A_1091 = vector.broadcast %mul3A_1090 : i32 to vector<16xi32>
        %add3A_1092 = arith.addi %broadcast_in_dim3A_1091, %iota3A : vector<16xi32>
        %mul3A_1093 = arith.constant 10 : i32
        %mul3A_1094 = arith.muli %scan3A_1023, %mul3A_1093 : i32
        %add3A_1095 = arith.constant 1 : i32
        %add3A_1096 = arith.addi %mul3A_1094, %add3A_1095 : i32
        %mul3A_1097 = arith.constant 16 : i32
        %mul3A_1098 = arith.muli %add3A_1096, %mul3A_1097 : i32
        %broadcast_in_dim3A_1099 = vector.broadcast %mul3A_1098 : i32 to vector<16xi32>
        %add3A_1100 = arith.addi %broadcast_in_dim3A_1099, %iota3A : vector<16xi32>
        %mul3A_1101 = arith.constant 10 : i32
        %mul3A_1102 = arith.muli %scan3A_1023, %mul3A_1101 : i32
        %add3A_1103 = arith.constant 2 : i32
        %add3A_1104 = arith.addi %mul3A_1102, %add3A_1103 : i32
        %mul3A_1105 = arith.constant 16 : i32
        %mul3A_1106 = arith.muli %add3A_1104, %mul3A_1105 : i32
        %broadcast_in_dim3A_1107 = vector.broadcast %mul3A_1106 : i32 to vector<16xi32>
        %add3A_1108 = arith.addi %broadcast_in_dim3A_1107, %iota3A : vector<16xi32>
        %mul3A_1109 = arith.constant 10 : i32
        %mul3A_1110 = arith.muli %scan3A_1023, %mul3A_1109 : i32
        %add3A_1111 = arith.constant 3 : i32
        %add3A_1112 = arith.addi %mul3A_1110, %add3A_1111 : i32
        %mul3A_1113 = arith.constant 16 : i32
        %mul3A_1114 = arith.muli %add3A_1112, %mul3A_1113 : i32
        %broadcast_in_dim3A_1115 = vector.broadcast %mul3A_1114 : i32 to vector<16xi32>
        %add3A_1116 = arith.addi %broadcast_in_dim3A_1115, %iota3A : vector<16xi32>
        %mul3A_1117 = arith.constant 10 : i32
        %mul3A_1118 = arith.muli %scan3A_1023, %mul3A_1117 : i32
        %add3A_1119 = arith.constant 4 : i32
        %add3A_1120 = arith.addi %mul3A_1118, %add3A_1119 : i32
        %mul3A_1121 = arith.constant 16 : i32
        %mul3A_1122 = arith.muli %add3A_1120, %mul3A_1121 : i32
        %broadcast_in_dim3A_1123 = vector.broadcast %mul3A_1122 : i32 to vector<16xi32>
        %add3A_1124 = arith.addi %broadcast_in_dim3A_1123, %iota3A : vector<16xi32>
        %mul3A_1125 = arith.constant 10 : i32
        %mul3A_1126 = arith.muli %scan3A_1023, %mul3A_1125 : i32
        %add3A_1127 = arith.constant 5 : i32
        %add3A_1128 = arith.addi %mul3A_1126, %add3A_1127 : i32
        %mul3A_1129 = arith.constant 16 : i32
        %mul3A_1130 = arith.muli %add3A_1128, %mul3A_1129 : i32
        %broadcast_in_dim3A_1131 = vector.broadcast %mul3A_1130 : i32 to vector<16xi32>
        %add3A_1132 = arith.addi %broadcast_in_dim3A_1131, %iota3A : vector<16xi32>
        %mul3A_1133 = arith.constant 10 : i32
        %mul3A_1134 = arith.muli %scan3A_1023, %mul3A_1133 : i32
        %add3A_1135 = arith.constant 6 : i32
        %add3A_1136 = arith.addi %mul3A_1134, %add3A_1135 : i32
        %mul3A_1137 = arith.constant 16 : i32
        %mul3A_1138 = arith.muli %add3A_1136, %mul3A_1137 : i32
        %broadcast_in_dim3A_1139 = vector.broadcast %mul3A_1138 : i32 to vector<16xi32>
        %add3A_1140 = arith.addi %broadcast_in_dim3A_1139, %iota3A : vector<16xi32>
        %mul3A_1141 = arith.constant 10 : i32
        %mul3A_1142 = arith.muli %scan3A_1023, %mul3A_1141 : i32
        %add3A_1143 = arith.constant 7 : i32
        %add3A_1144 = arith.addi %mul3A_1142, %add3A_1143 : i32
        %mul3A_1145 = arith.constant 16 : i32
        %mul3A_1146 = arith.muli %add3A_1144, %mul3A_1145 : i32
        %broadcast_in_dim3A_1147 = vector.broadcast %mul3A_1146 : i32 to vector<16xi32>
        %add3A_1148 = arith.addi %broadcast_in_dim3A_1147, %iota3A : vector<16xi32>
        %mul3A_1149 = arith.constant 10 : i32
        %mul3A_1150 = arith.muli %scan3A_1023, %mul3A_1149 : i32
        %add3A_1151 = arith.constant 8 : i32
        %add3A_1152 = arith.addi %mul3A_1150, %add3A_1151 : i32
        %mul3A_1153 = arith.constant 16 : i32
        %mul3A_1154 = arith.muli %add3A_1152, %mul3A_1153 : i32
        %broadcast_in_dim3A_1155 = vector.broadcast %mul3A_1154 : i32 to vector<16xi32>
        %add3A_1156 = arith.addi %broadcast_in_dim3A_1155, %iota3A : vector<16xi32>
        %mul3A_1157 = arith.constant 10 : i32
        %mul3A_1158 = arith.muli %scan3A_1023, %mul3A_1157 : i32
        %add3A_1159 = arith.constant 9 : i32
        %add3A_1160 = arith.addi %mul3A_1158, %add3A_1159 : i32
        %mul3A_1161 = arith.constant 16 : i32
        %mul3A_1162 = arith.muli %add3A_1160, %mul3A_1161 : i32
        %broadcast_in_dim3A_1163 = vector.broadcast %mul3A_1162 : i32 to vector<16xi32>
        %add3A_1164 = arith.addi %broadcast_in_dim3A_1163, %iota3A : vector<16xi32>
        %get3A = arith.index_cast %mul3A_1030 : i32 to index
        %get3A_1165 = tpu.vector_load %arg7[%get3A] {strides = array<i32>} : memref<20000xi32, #tpu.memory_space<vmem>>, vector<16xi32>,
        %get3A_1166 = arith.index_cast %mul3A_1036 : i32 to index
        %get3A_1167 = tpu.vector_load %arg7[%get3A_1166] {strides = array<i32>} : memref<20000xi32, #tpu.memory_space<vmem>>, vector<16xi32>,
        %get3A_1168 = arith.index_cast %mul3A_1042 : i32 to index
        %get3A_1169 = tpu.vector_load %arg7[%get3A_1168] {strides = array<i32>} : memref<20000xi32, #tpu.memory_space<vmem>>, vector<16xi32>,
        %get3A_1170 = arith.index_cast %mul3A_1048 : i32 to index
        %get3A_1171 = tpu.vector_load %arg7[%get3A_1170] {strides = array<i32>} : memref<20000xi32, #tpu.memory_space<vmem>>, vector<16xi32>,
        %get3A_1172 = arith.index_cast %mul3A_1054 : i32 to index
        %get3A_1173 = tpu.vector_load %arg7[%get3A_1172] {strides = array<i32>} : memref<20000xi32, #tpu.memory_space<vmem>>, vector<16xi32>,
        %get3A_1174 = arith.index_cast %mul3A_1060 : i32 to index
        %get3A_1175 = tpu.vector_load %arg7[%get3A_1174] {strides = array<i32>} : memref<20000xi32, #tpu.memory_space<vmem>>, vector<16xi32>,
        %get3A_1176 = arith.index_cast %mul3A_1066 : i32 to index
        %get3A_1177 = tpu.vector_load %arg7[%get3A_1176] {strides = array<i32>} : memref<20000xi32, #tpu.memory_space<vmem>>, vector<16xi32>,
        %get3A_1178 = arith.index_cast %mul3A_1072 : i32 to index
        %get3A_1179 = tpu.vector_load %arg7[%get3A_1178] {strides = array<i32>} : memref<20000xi32, #tpu.memory_space<vmem>>, vector<16xi32>,
        %get3A_1180 = arith.index_cast %mul3A_1078 : i32 to index
        %get3A_1181 = tpu.vector_load %arg7[%get3A_1180] {strides = array<i32>} : memref<20000xi32, #tpu.memory_space<vmem>>, vector<16xi32>,
        %get3A_1182 = arith.index_cast %mul3A_1084 : i32 to index
        %get3A_1183 = tpu.vector_load %arg7[%get3A_1182] {strides = array<i32>} : memref<20000xi32, #tpu.memory_space<vmem>>, vector<16xi32>,
        %get3A_1184 = arith.index_cast %mul3A_1030 : i32 to index
        %get3A_1185 = tpu.vector_load %arg8[%get3A_1184] {strides = array<i32>} : memref<20000xi32, #tpu.memory_space<vmem>>, vector<16xi32>,
        %get3A_1186 = arith.index_cast %mul3A_1036 : i32 to index
        %get3A_1187 = tpu.vector_load %arg8[%get3A_1186] {strides = array<i32>} : memref<20000xi32, #tpu.memory_space<vmem>>, vector<16xi32>,
        %get3A_1188 = arith.index_cast %mul3A_1042 : i32 to index
        %get3A_1189 = tpu.vector_load %arg8[%get3A_1188] {strides = array<i32>} : memref<20000xi32, #tpu.memory_space<vmem>>, vector<16xi32>,
        %get3A_1190 = arith.index_cast %mul3A_1048 : i32 to index
        %get3A_1191 = tpu.vector_load %arg8[%get3A_1190] {strides = array<i32>} : memref<20000xi32, #tpu.memory_space<vmem>>, vector<16xi32>,
        %get3A_1192 = arith.index_cast %mul3A_1054 : i32 to index
        %get3A_1193 = tpu.vector_load %arg8[%get3A_1192] {strides = array<i32>} : memref<20000xi32, #tpu.memory_space<vmem>>, vector<16xi32>,
        %get3A_1194 = arith.index_cast %mul3A_1060 : i32 to index
        %get3A_1195 = tpu.vector_load %arg8[%get3A_1194] {strides = array<i32>} : memref<20000xi32, #tpu.memory_space<vmem>>, vector<16xi32>,
        %get3A_1196 = arith.index_cast %mul3A_1066 : i32 to index
        %get3A_1197 = tpu.vector_load %arg8[%get3A_1196] {strides = array<i32>} : memref<20000xi32, #tpu.memory_space<vmem>>, vector<16xi32>,
        %get3A_1198 = arith.index_cast %mul3A_1072 : i32 to index
        %get3A_1199 = tpu.vector_load %arg8[%get3A_1198] {strides = array<i32>} : memref<20000xi32, #tpu.memory_space<vmem>>, vector<16xi32>,
        %get3A_1200 = arith.index_cast %mul3A_1078 : i32 to index
        %get3A_1201 = tpu.vector_load %arg8[%get3A_1200] {strides = array<i32>} : memref<20000xi32, #tpu.memory_space<vmem>>, vector<16xi32>,
        %get3A_1202 = arith.index_cast %mul3A_1084 : i32 to index
        %get3A_1203 = tpu.vector_load %arg8[%get3A_1202] {strides = array<i32>} : memref<20000xi32, #tpu.memory_space<vmem>>, vector<16xi32>,
        %gather3A_1204 = tpu.vector_load_idx %arg9[%get3A_1165] : memref<10240xi32, #tpu.memory_space<vmem>>[vector<16xi32>], vector<16xi32>,
        %gather3A_1205 = tpu.vector_load_idx %arg9[%get3A_1167] : memref<10240xi32, #tpu.memory_space<vmem>>[vector<16xi32>], vector<16xi32>,
        %gather3A_1206 = tpu.vector_load_idx %arg9[%get3A_1169] : memref<10240xi32, #tpu.memory_space<vmem>>[vector<16xi32>], vector<16xi32>,
        %gather3A_1207 = tpu.vector_load_idx %arg9[%get3A_1171] : memref<10240xi32, #tpu.memory_space<vmem>>[vector<16xi32>], vector<16xi32>,
        %gather3A_1208 = tpu.vector_load_idx %arg9[%get3A_1173] : memref<10240xi32, #tpu.memory_space<vmem>>[vector<16xi32>], vector<16xi32>,
        %gather3A_1209 = tpu.vector_load_idx %arg9[%get3A_1175] : memref<10240xi32, #tpu.memory_space<vmem>>[vector<16xi32>], vector<16xi32>,
        %gather3A_1210 = tpu.vector_load_idx %arg9[%get3A_1177] : memref<10240xi32, #tpu.memory_space<vmem>>[vector<16xi32>], vector<16xi32>,
        %gather3A_1211 = tpu.vector_load_idx %arg9[%get3A_1179] : memref<10240xi32, #tpu.memory_space<vmem>>[vector<16xi32>], vector<16xi32>,
        %gather3A_1212 = tpu.vector_load_idx %arg9[%get3A_1181] : memref<10240xi32, #tpu.memory_space<vmem>>[vector<16xi32>], vector<16xi32>,
        %gather3A_1213 = tpu.vector_load_idx %arg9[%get3A_1183] : memref<10240xi32, #tpu.memory_space<vmem>>[vector<16xi32>], vector<16xi32>,
        %gt3A = arith.cmpi sgt, %get3A_1185, %gather3A_1204 : vector<16xi32>
        %gt3A_1214 = arith.cmpi sgt, %get3A_1187, %gather3A_1205 : vector<16xi32>
        %gt3A_1215 = arith.cmpi sgt, %get3A_1189, %gather3A_1206 : vector<16xi32>
        %gt3A_1216 = arith.cmpi sgt, %get3A_1191, %gather3A_1207 : vector<16xi32>
        %gt3A_1217 = arith.cmpi sgt, %get3A_1193, %gather3A_1208 : vector<16xi32>
        %gt3A_1218 = arith.cmpi sgt, %get3A_1195, %gather3A_1209 : vector<16xi32>
        %gt3A_1219 = arith.cmpi sgt, %get3A_1197, %gather3A_1210 : vector<16xi32>
        %gt3A_1220 = arith.cmpi sgt, %get3A_1199, %gather3A_1211 : vector<16xi32>
        %gt3A_1221 = arith.cmpi sgt, %get3A_1201, %gather3A_1212 : vector<16xi32>
        %gt3A_1222 = arith.cmpi sgt, %get3A_1203, %gather3A_1213 : vector<16xi32>
        tpu.vector_store_idx %arg9[%get3A_1165], %get3A_1185 masked %gt3A : memref<10240xi32, #tpu.memory_space<vmem>>[vector<16xi32>], vector<16xi32>, vector<16xi1>
        tpu.vector_store_idx %arg9[%get3A_1167], %get3A_1187 masked %gt3A_1214 : memref<10240xi32, #tpu.memory_space<vmem>>[vector<16xi32>], vector<16xi32>, vector<16xi1>
        tpu.vector_store_idx %arg9[%get3A_1169], %get3A_1189 masked %gt3A_1215 : memref<10240xi32, #tpu.memory_space<vmem>>[vector<16xi32>], vector<16xi32>, vector<16xi1>
        tpu.vector_store_idx %arg9[%get3A_1171], %get3A_1191 masked %gt3A_1216 : memref<10240xi32, #tpu.memory_space<vmem>>[vector<16xi32>], vector<16xi32>, vector<16xi1>
        tpu.vector_store_idx %arg9[%get3A_1173], %get3A_1193 masked %gt3A_1217 : memref<10240xi32, #tpu.memory_space<vmem>>[vector<16xi32>], vector<16xi32>, vector<16xi1>
        tpu.vector_store_idx %arg9[%get3A_1175], %get3A_1195 masked %gt3A_1218 : memref<10240xi32, #tpu.memory_space<vmem>>[vector<16xi32>], vector<16xi32>, vector<16xi1>
        tpu.vector_store_idx %arg9[%get3A_1177], %get3A_1197 masked %gt3A_1219 : memref<10240xi32, #tpu.memory_space<vmem>>[vector<16xi32>], vector<16xi32>, vector<16xi1>
        tpu.vector_store_idx %arg9[%get3A_1179], %get3A_1199 masked %gt3A_1220 : memref<10240xi32, #tpu.memory_space<vmem>>[vector<16xi32>], vector<16xi32>, vector<16xi1>
        tpu.vector_store_idx %arg9[%get3A_1181], %get3A_1201 masked %gt3A_1221 : memref<10240xi32, #tpu.memory_space<vmem>>[vector<16xi32>], vector<16xi32>, vector<16xi1>
        tpu.vector_store_idx %arg9[%get3A_1183], %get3A_1203 masked %gt3A_1222 : memref<10240xi32, #tpu.memory_space<vmem>>[vector<16xi32>], vector<16xi32>, vector<16xi1>
        %gather3A_1223 = tpu.vector_load_idx %arg9[%get3A_1165] masked %gt3A : memref<10240xi32, #tpu.memory_space<vmem>>[vector<16xi32>], vector<16xi32>, vector<16xi1>
        %gather3A_1224 = tpu.vector_load_idx %arg9[%get3A_1167] masked %gt3A_1214 : memref<10240xi32, #tpu.memory_space<vmem>>[vector<16xi32>], vector<16xi32>, vector<16xi1>
        %gather3A_1225 = tpu.vector_load_idx %arg9[%get3A_1169] masked %gt3A_1215 : memref<10240xi32, #tpu.memory_space<vmem>>[vector<16xi32>], vector<16xi32>, vector<16xi1>
        %gather3A_1226 = tpu.vector_load_idx %arg9[%get3A_1171] masked %gt3A_1216 : memref<10240xi32, #tpu.memory_space<vmem>>[vector<16xi32>], vector<16xi32>, vector<16xi1>
        %gather3A_1227 = tpu.vector_load_idx %arg9[%get3A_1173] masked %gt3A_1217 : memref<10240xi32, #tpu.memory_space<vmem>>[vector<16xi32>], vector<16xi32>, vector<16xi1>
        %gather3A_1228 = tpu.vector_load_idx %arg9[%get3A_1175] masked %gt3A_1218 : memref<10240xi32, #tpu.memory_space<vmem>>[vector<16xi32>], vector<16xi32>, vector<16xi1>
        %gather3A_1229 = tpu.vector_load_idx %arg9[%get3A_1177] masked %gt3A_1219 : memref<10240xi32, #tpu.memory_space<vmem>>[vector<16xi32>], vector<16xi32>, vector<16xi1>
        %gather3A_1230 = tpu.vector_load_idx %arg9[%get3A_1179] masked %gt3A_1220 : memref<10240xi32, #tpu.memory_space<vmem>>[vector<16xi32>], vector<16xi32>, vector<16xi1>
        %gather3A_1231 = tpu.vector_load_idx %arg9[%get3A_1181] masked %gt3A_1221 : memref<10240xi32, #tpu.memory_space<vmem>>[vector<16xi32>], vector<16xi32>, vector<16xi1>
        %gather3A_1232 = tpu.vector_load_idx %arg9[%get3A_1183] masked %gt3A_1222 : memref<10240xi32, #tpu.memory_space<vmem>>[vector<16xi32>], vector<16xi32>, vector<16xi1>
        %ne3A_1233 = arith.cmpi ne, %gather3A_1223, %get3A_1185 : vector<16xi32>
        %and3A_1234 = arith.andi %gt3A, %ne3A_1233 : vector<16xi1>
        %swap3A_1235 = arith.index_cast %scan3A_1024 : i32 to index
        %swap3A_1236 = tpu.vector_load %arg16[%swap3A_1235] masked %and3A_1234 {strides = array<i32>} : memref<20032xi32, #tpu.memory_space<vmem>>, vector<16xi32>, vector<16xi1>
        tpu.vector_store %arg16[%swap3A_1235], %add3A_1092 masked %and3A_1234 {strides = array<i32>} : memref<20032xi32, #tpu.memory_space<vmem>>, vector<16xi32>, vector<16xi1>
        %all_reduce_population_count3A = tpu.all_reduce %and3A_1234 {dim = 0 : i64, kind = #tpu.reduction_kind<sum>} : vector<16xi1> -> vector<16xi32>
        %slice3A = vector.extract_strided_slice %all_reduce_population_count3A {offsets = [0], sizes = [1], strides = [1]} : vector<16xi32> to vector<1xi32>
        %squeeze3A = vector.extract %slice3A[0] : i32 from vector<1xi32>
        %add3A_1237 = arith.addi %scan3A_1024, %squeeze3A : i32
        %ne3A_1238 = arith.cmpi ne, %gather3A_1224, %get3A_1187 : vector<16xi32>
        %and3A_1239 = arith.andi %gt3A_1214, %ne3A_1238 : vector<16xi1>
        %swap3A_1240 = arith.index_cast %add3A_1237 : i32 to index
        %swap3A_1241 = tpu.vector_load %arg16[%swap3A_1240] masked %and3A_1239 {strides = array<i32>} : memref<20032xi32, #tpu.memory_space<vmem>>, vector<16xi32>, vector<16xi1>
        tpu.vector_store %arg16[%swap3A_1240], %add3A_1100 masked %and3A_1239 {strides = array<i32>} : memref<20032xi32, #tpu.memory_space<vmem>>, vector<16xi32>, vector<16xi1>
        %all_reduce_population_count3A_1242 = tpu.all_reduce %and3A_1239 {dim = 0 : i64, kind = #tpu.reduction_kind<sum>} : vector<16xi1> -> vector<16xi32>
        %slice3A_1243 = vector.extract_strided_slice %all_reduce_population_count3A_1242 {offsets = [0], sizes = [1], strides = [1]} : vector<16xi32> to vector<1xi32>
        %squeeze3A_1244 = vector.extract %slice3A_1243[0] : i32 from vector<1xi32>
        %add3A_1245 = arith.addi %add3A_1237, %squeeze3A_1244 : i32
        %ne3A_1246 = arith.cmpi ne, %gather3A_1225, %get3A_1189 : vector<16xi32>
        %and3A_1247 = arith.andi %gt3A_1215, %ne3A_1246 : vector<16xi1>
        %swap3A_1248 = arith.index_cast %add3A_1245 : i32 to index
        %swap3A_1249 = tpu.vector_load %arg16[%swap3A_1248] masked %and3A_1247 {strides = array<i32>} : memref<20032xi32, #tpu.memory_space<vmem>>, vector<16xi32>, vector<16xi1>
        tpu.vector_store %arg16[%swap3A_1248], %add3A_1108 masked %and3A_1247 {strides = array<i32>} : memref<20032xi32, #tpu.memory_space<vmem>>, vector<16xi32>, vector<16xi1>
        %all_reduce_population_count3A_1250 = tpu.all_reduce %and3A_1247 {dim = 0 : i64, kind = #tpu.reduction_kind<sum>} : vector<16xi1> -> vector<16xi32>
        %slice3A_1251 = vector.extract_strided_slice %all_reduce_population_count3A_1250 {offsets = [0], sizes = [1], strides = [1]} : vector<16xi32> to vector<1xi32>
        %squeeze3A_1252 = vector.extract %slice3A_1251[0] : i32 from vector<1xi32>
        %add3A_1253 = arith.addi %add3A_1245, %squeeze3A_1252 : i32
        %ne3A_1254 = arith.cmpi ne, %gather3A_1226, %get3A_1191 : vector<16xi32>
        %and3A_1255 = arith.andi %gt3A_1216, %ne3A_1254 : vector<16xi1>
        %swap3A_1256 = arith.index_cast %add3A_1253 : i32 to index
        %swap3A_1257 = tpu.vector_load %arg16[%swap3A_1256] masked %and3A_1255 {strides = array<i32>} : memref<20032xi32, #tpu.memory_space<vmem>>, vector<16xi32>, vector<16xi1>
        tpu.vector_store %arg16[%swap3A_1256], %add3A_1116 masked %and3A_1255 {strides = array<i32>} : memref<20032xi32, #tpu.memory_space<vmem>>, vector<16xi32>, vector<16xi1>
        %all_reduce_population_count3A_1258 = tpu.all_reduce %and3A_1255 {dim = 0 : i64, kind = #tpu.reduction_kind<sum>} : vector<16xi1> -> vector<16xi32>
        %slice3A_1259 = vector.extract_strided_slice %all_reduce_population_count3A_1258 {offsets = [0], sizes = [1], strides = [1]} : vector<16xi32> to vector<1xi32>
        %squeeze3A_1260 = vector.extract %slice3A_1259[0] : i32 from vector<1xi32>
        %add3A_1261 = arith.addi %add3A_1253, %squeeze3A_1260 : i32
        %ne3A_1262 = arith.cmpi ne, %gather3A_1227, %get3A_1193 : vector<16xi32>
        %and3A_1263 = arith.andi %gt3A_1217, %ne3A_1262 : vector<16xi1>
        %swap3A_1264 = arith.index_cast %add3A_1261 : i32 to index
        %swap3A_1265 = tpu.vector_load %arg16[%swap3A_1264] masked %and3A_1263 {strides = array<i32>} : memref<20032xi32, #tpu.memory_space<vmem>>, vector<16xi32>, vector<16xi1>
        tpu.vector_store %arg16[%swap3A_1264], %add3A_1124 masked %and3A_1263 {strides = array<i32>} : memref<20032xi32, #tpu.memory_space<vmem>>, vector<16xi32>, vector<16xi1>
        %all_reduce_population_count3A_1266 = tpu.all_reduce %and3A_1263 {dim = 0 : i64, kind = #tpu.reduction_kind<sum>} : vector<16xi1> -> vector<16xi32>
        %slice3A_1267 = vector.extract_strided_slice %all_reduce_population_count3A_1266 {offsets = [0], sizes = [1], strides = [1]} : vector<16xi32> to vector<1xi32>
        %squeeze3A_1268 = vector.extract %slice3A_1267[0] : i32 from vector<1xi32>
        %add3A_1269 = arith.addi %add3A_1261, %squeeze3A_1268 : i32
        %ne3A_1270 = arith.cmpi ne, %gather3A_1228, %get3A_1195 : vector<16xi32>
        %and3A_1271 = arith.andi %gt3A_1218, %ne3A_1270 : vector<16xi1>
        %swap3A_1272 = arith.index_cast %add3A_1269 : i32 to index
        %swap3A_1273 = tpu.vector_load %arg16[%swap3A_1272] masked %and3A_1271 {strides = array<i32>} : memref<20032xi32, #tpu.memory_space<vmem>>, vector<16xi32>, vector<16xi1>
        tpu.vector_store %arg16[%swap3A_1272], %add3A_1132 masked %and3A_1271 {strides = array<i32>} : memref<20032xi32, #tpu.memory_space<vmem>>, vector<16xi32>, vector<16xi1>
        %all_reduce_population_count3A_1274 = tpu.all_reduce %and3A_1271 {dim = 0 : i64, kind = #tpu.reduction_kind<sum>} : vector<16xi1> -> vector<16xi32>
        %slice3A_1275 = vector.extract_strided_slice %all_reduce_population_count3A_1274 {offsets = [0], sizes = [1], strides = [1]} : vector<16xi32> to vector<1xi32>
        %squeeze3A_1276 = vector.extract %slice3A_1275[0] : i32 from vector<1xi32>
        %add3A_1277 = arith.addi %add3A_1269, %squeeze3A_1276 : i32
        %ne3A_1278 = arith.cmpi ne, %gather3A_1229, %get3A_1197 : vector<16xi32>
        %and3A_1279 = arith.andi %gt3A_1219, %ne3A_1278 : vector<16xi1>
        %swap3A_1280 = arith.index_cast %add3A_1277 : i32 to index
        %swap3A_1281 = tpu.vector_load %arg16[%swap3A_1280] masked %and3A_1279 {strides = array<i32>} : memref<20032xi32, #tpu.memory_space<vmem>>, vector<16xi32>, vector<16xi1>
        tpu.vector_store %arg16[%swap3A_1280], %add3A_1140 masked %and3A_1279 {strides = array<i32>} : memref<20032xi32, #tpu.memory_space<vmem>>, vector<16xi32>, vector<16xi1>
        %all_reduce_population_count3A_1282 = tpu.all_reduce %and3A_1279 {dim = 0 : i64, kind = #tpu.reduction_kind<sum>} : vector<16xi1> -> vector<16xi32>
        %slice3A_1283 = vector.extract_strided_slice %all_reduce_population_count3A_1282 {offsets = [0], sizes = [1], strides = [1]} : vector<16xi32> to vector<1xi32>
        %squeeze3A_1284 = vector.extract %slice3A_1283[0] : i32 from vector<1xi32>
        %add3A_1285 = arith.addi %add3A_1277, %squeeze3A_1284 : i32
        %ne3A_1286 = arith.cmpi ne, %gather3A_1230, %get3A_1199 : vector<16xi32>
        %and3A_1287 = arith.andi %gt3A_1220, %ne3A_1286 : vector<16xi1>
        %swap3A_1288 = arith.index_cast %add3A_1285 : i32 to index
        %swap3A_1289 = tpu.vector_load %arg16[%swap3A_1288] masked %and3A_1287 {strides = array<i32>} : memref<20032xi32, #tpu.memory_space<vmem>>, vector<16xi32>, vector<16xi1>
        tpu.vector_store %arg16[%swap3A_1288], %add3A_1148 masked %and3A_1287 {strides = array<i32>} : memref<20032xi32, #tpu.memory_space<vmem>>, vector<16xi32>, vector<16xi1>
        %all_reduce_population_count3A_1290 = tpu.all_reduce %and3A_1287 {dim = 0 : i64, kind = #tpu.reduction_kind<sum>} : vector<16xi1> -> vector<16xi32>
        %slice3A_1291 = vector.extract_strided_slice %all_reduce_population_count3A_1290 {offsets = [0], sizes = [1], strides = [1]} : vector<16xi32> to vector<1xi32>
        %squeeze3A_1292 = vector.extract %slice3A_1291[0] : i32 from vector<1xi32>
        %add3A_1293 = arith.addi %add3A_1285, %squeeze3A_1292 : i32
        %ne3A_1294 = arith.cmpi ne, %gather3A_1231, %get3A_1201 : vector<16xi32>
        %and3A_1295 = arith.andi %gt3A_1221, %ne3A_1294 : vector<16xi1>
        %swap3A_1296 = arith.index_cast %add3A_1293 : i32 to index
        %swap3A_1297 = tpu.vector_load %arg16[%swap3A_1296] masked %and3A_1295 {strides = array<i32>} : memref<20032xi32, #tpu.memory_space<vmem>>, vector<16xi32>, vector<16xi1>
        tpu.vector_store %arg16[%swap3A_1296], %add3A_1156 masked %and3A_1295 {strides = array<i32>} : memref<20032xi32, #tpu.memory_space<vmem>>, vector<16xi32>, vector<16xi1>
        %all_reduce_population_count3A_1298 = tpu.all_reduce %and3A_1295 {dim = 0 : i64, kind = #tpu.reduction_kind<sum>} : vector<16xi1> -> vector<16xi32>
        %slice3A_1299 = vector.extract_strided_slice %all_reduce_population_count3A_1298 {offsets = [0], sizes = [1], strides = [1]} : vector<16xi32> to vector<1xi32>
        %squeeze3A_1300 = vector.extract %slice3A_1299[0] : i32 from vector<1xi32>
        %add3A_1301 = arith.addi %add3A_1293, %squeeze3A_1300 : i32
        %ne3A_1302 = arith.cmpi ne, %gather3A_1232, %get3A_1203 : vector<16xi32>
        %and3A_1303 = arith.andi %gt3A_1222, %ne3A_1302 : vector<16xi1>
        %swap3A_1304 = arith.index_cast %add3A_1301 : i32 to index
        %swap3A_1305 = tpu.vector_load %arg16[%swap3A_1304] masked %and3A_1303 {strides = array<i32>} : memref<20032xi32, #tpu.memory_space<vmem>>, vector<16xi32>, vector<16xi1>
        tpu.vector_store %arg16[%swap3A_1304], %add3A_1164 masked %and3A_1303 {strides = array<i32>} : memref<20032xi32, #tpu.memory_space<vmem>>, vector<16xi32>, vector<16xi1>
        %all_reduce_population_count3A_1306 = tpu.all_reduce %and3A_1303 {dim = 0 : i64, kind = #tpu.reduction_kind<sum>} : vector<16xi1> -> vector<16xi32>
        %slice3A_1307 = vector.extract_strided_slice %all_reduce_population_count3A_1306 {offsets = [0], sizes = [1], strides = [1]} : vector<16xi32> to vector<1xi32>
        %squeeze3A_1308 = vector.extract %slice3A_1307[0] : i32 from vector<1xi32>
        %add3A_1309 = arith.addi %add3A_1301, %squeeze3A_1308 : i32
        scf.yield %add3A_1309 : i32
      }
      %scan3A_24 = arith.constant 125 : i32
      %broadcast_in_dim3A_25 = arith.constant 0 : i32
      %broadcast_in_dim3A_26 = vector.broadcast %broadcast_in_dim3A_25 : i32 to vector<16xi32>
      %broadcast_in_dim3A_27 = arith.constant true
      %broadcast_in_dim3A_28 = vector.broadcast %broadcast_in_dim3A_27 : i1 to vector<16xi1>
      %swap3A = arith.index_cast %scan3A_23 : i32 to index
      %swap3A_29 = tpu.vector_load %arg16[%swap3A] masked %broadcast_in_dim3A_28 {strides = array<i32>} : memref<20032xi32, #tpu.memory_space<vmem>>, vector<16xi32>, vector<16xi1>
      tpu.vector_store %arg16[%swap3A], %broadcast_in_dim3A_26 masked %broadcast_in_dim3A_28 {strides = array<i32>} : memref<20032xi32, #tpu.memory_space<vmem>>, vector<16xi32>, vector<16xi1>
      %add3A = arith.constant 16 : i32
      %add3A_30 = arith.addi %scan3A_23, %add3A : i32
      %sub3A = arith.constant 1 : i32
      %sub3A_31 = arith.subi %add3A_30, %sub3A : i32
      %jit3A = arith.constant 16 : i32
      %div3A = arith.divsi %sub3A_31, %jit3A : i32
      %sign3A = arith.constant 0 : i32
      %sign3A_32 = arith.cmpi sgt, %sub3A_31, %sign3A : i32
      %sign3A_33 = arith.extui %sign3A_32 : i1 to i32
      %sign3A_34 = arith.constant 0 : i32
      %sign3A_35 = arith.cmpi slt, %sub3A_31, %sign3A_34 : i32
      %sign3A_36 = arith.extui %sign3A_35 : i1 to i32
      %sign3A_37 = arith.subi %sign3A_33, %sign3A_36 : i32
      %sign3A_38 = arith.constant 0 : i32
      %sign3A_39 = arith.cmpi sgt, %jit3A, %sign3A_38 : i32
      %sign3A_40 = arith.extui %sign3A_39 : i1 to i32
      %sign3A_41 = arith.constant 0 : i32
      %sign3A_42 = arith.cmpi slt, %jit3A, %sign3A_41 : i32
      %sign3A_43 = arith.extui %sign3A_42 : i1 to i32
      %sign3A_44 = arith.subi %sign3A_40, %sign3A_43 : i32
      %ne3A = arith.cmpi ne, %sign3A_37, %sign3A_44 : i32
      %rem3A = arith.remsi %sub3A_31, %jit3A : i32
      %ne3A_45 = arith.constant 0 : i32
      %ne3A_46 = arith.cmpi ne, %rem3A, %ne3A_45 : i32
      %and3A = arith.andi %ne3A, %ne3A_46 : i1
      %sub3A_47 = arith.constant 1 : i32
      %sub3A_48 = arith.subi %div3A, %sub3A_47 : i32
      %select_n3A = arith.select %and3A, %sub3A_48, %div3A : i32
      %while3A = arith.constant 0 : i32
      %while3A_49 = arith.constant 0 : i32
      %while3A_50 = arith.subi %select_n3A, %while3A : i32
      %while3A_51 = arith.addi %while3A, %while3A_50 : i32
      %while3A_52 = arith.constant 1 : i32
      %while3A_53 = arith.divsi %while3A_50, %while3A_52 : i32
      %while3A_54 = arith.muli %while3A_53, %while3A_52 : i32
      %while3A_55 = arith.addi %while3A, %while3A_54 : i32
      %while3A_56 = arith.constant 1 : i32
      %while3A_57 = scf.for %while3A_1023 = %while3A to %while3A_55 step %while3A_56 iter_args(%while3A_1024 = %while3A_49) -> (i32)  : i32 {
        %mul3A_1025 = arith.constant 16 : i32
        %mul3A_1026 = arith.muli %while3A_1023, %mul3A_1025 : i32
        %get3A = arith.index_cast %mul3A_1026 : i32 to index
        %get3A_1027 = tpu.vector_load %arg16[%get3A] {strides = array<i32>} : memref<20032xi32, #tpu.memory_space<vmem>>, vector<16xi32>,
        %gather3A_1028 = tpu.vector_load_idx %arg7[%get3A_1027] : memref<20000xi32, #tpu.memory_space<vmem>>[vector<16xi32>], vector<16xi32>,
        %gather3A_1029 = tpu.vector_load_idx %arg8[%get3A_1027] : memref<20000xi32, #tpu.memory_space<vmem>>[vector<16xi32>], vector<16xi32>,
        %scan3A_1030 = arith.constant 0 : i32
        %scan3A_1031 = arith.constant 0 : i32
        %scan3A_1032 = arith.constant 16 : i32
        %scan3A_1033 = arith.addi %scan3A_1031, %scan3A_1032 : i32
        %scan3A_1034 = arith.constant 1 : i32
        %scan3A_1035 = scf.for %scan3A_1038 = %scan3A_1031 to %scan3A_1033 step %scan3A_1034 iter_args(%scan3A_1039 = %scan3A_1030) -> (i32)  : i32 {
          %gather3A_1040 = tpu.vector_load_idx %arg9[%gather3A_1028] : memref<10240xi32, #tpu.memory_space<vmem>>[vector<16xi32>], vector<16xi32>,
          %gt3A = arith.cmpi sgt, %gather3A_1029, %gather3A_1040 : vector<16xi32>
          tpu.vector_store_idx %arg9[%gather3A_1028], %gather3A_1029 masked %gt3A : memref<10240xi32, #tpu.memory_space<vmem>>[vector<16xi32>], vector<16xi32>, vector<16xi1>
          %scan3A_1041 = arith.constant 0 : i32
          scf.yield %scan3A_1041 : i32
        }
        %scan3A_1036 = arith.constant 16 : i32
        %while3A_1037 = arith.constant 0 : i32
        scf.yield %while3A_1037 : i32
      }
      %while3A_58 = arith.constant 1 : i32
      %while3A_59 = scf.for %while3A_1023 = %while3A_55 to %while3A_51 step %while3A_58 iter_args(%while3A_1024 = %while3A_57) -> (i32)  : i32 {
        %mul3A_1025 = arith.constant 16 : i32
        %mul3A_1026 = arith.muli %while3A_1023, %mul3A_1025 : i32
        %get3A = arith.index_cast %mul3A_1026 : i32 to index
        %get3A_1027 = tpu.vector_load %arg16[%get3A] {strides = array<i32>} : memref<20032xi32, #tpu.memory_space<vmem>>, vector<16xi32>,
        %gather3A_1028 = tpu.vector_load_idx %arg7[%get3A_1027] : memref<20000xi32, #tpu.memory_space<vmem>>[vector<16xi32>], vector<16xi32>,
        %gather3A_1029 = tpu.vector_load_idx %arg8[%get3A_1027] : memref<20000xi32, #tpu.memory_space<vmem>>[vector<16xi32>], vector<16xi32>,
        %scan3A_1030 = arith.constant 0 : i32
        %scan3A_1031 = arith.constant 0 : i32
        %scan3A_1032 = arith.constant 16 : i32
        %scan3A_1033 = arith.addi %scan3A_1031, %scan3A_1032 : i32
        %scan3A_1034 = arith.constant 1 : i32
        %scan3A_1035 = scf.for %scan3A_1038 = %scan3A_1031 to %scan3A_1033 step %scan3A_1034 iter_args(%scan3A_1039 = %scan3A_1030) -> (i32)  : i32 {
          %gather3A_1040 = tpu.vector_load_idx %arg9[%gather3A_1028] : memref<10240xi32, #tpu.memory_space<vmem>>[vector<16xi32>], vector<16xi32>,
          %gt3A = arith.cmpi sgt, %gather3A_1029, %gather3A_1040 : vector<16xi32>
          tpu.vector_store_idx %arg9[%gather3A_1028], %gather3A_1029 masked %gt3A : memref<10240xi32, #tpu.memory_space<vmem>>[vector<16xi32>], vector<16xi32>, vector<16xi1>
          %scan3A_1041 = arith.constant 0 : i32
          scf.yield %scan3A_1041 : i32
        }
        %scan3A_1036 = arith.constant 16 : i32
        %while3A_1037 = arith.constant 0 : i32
        scf.yield %while3A_1037 : i32
      }
      %jit3A_60 = arith.constant 640 : i32
      %div3A_61 = arith.divsi %mul3A_3, %jit3A_60 : i32
      %sign3A_62 = arith.constant 0 : i32
      %sign3A_63 = arith.cmpi sgt, %mul3A_3, %sign3A_62 : i32
      %sign3A_64 = arith.extui %sign3A_63 : i1 to i32
      %sign3A_65 = arith.constant 0 : i32
      %sign3A_66 = arith.cmpi slt, %mul3A_3, %sign3A_65 : i32
      %sign3A_67 = arith.extui %sign3A_66 : i1 to i32
      %sign3A_68 = arith.subi %sign3A_64, %sign3A_67 : i32
      %sign3A_69 = arith.constant 0 : i32
      %sign3A_70 = arith.cmpi sgt, %jit3A_60, %sign3A_69 : i32
      %sign3A_71 = arith.extui %sign3A_70 : i1 to i32
      %sign3A_72 = arith.constant 0 : i32
      %sign3A_73 = arith.cmpi slt, %jit3A_60, %sign3A_72 : i32
      %sign3A_74 = arith.extui %sign3A_73 : i1 to i32
      %sign3A_75 = arith.subi %sign3A_71, %sign3A_74 : i32
      %ne3A_76 = arith.cmpi ne, %sign3A_68, %sign3A_75 : i32
      %rem3A_77 = arith.remsi %mul3A_3, %jit3A_60 : i32
      %ne3A_78 = arith.constant 0 : i32
      %ne3A_79 = arith.cmpi ne, %rem3A_77, %ne3A_78 : i32
      %and3A_80 = arith.andi %ne3A_76, %ne3A_79 : i1
      %sub3A_81 = arith.constant 1 : i32
      %sub3A_82 = arith.subi %div3A_61, %sub3A_81 : i32
      %select_n3A_83 = arith.select %and3A_80, %sub3A_82, %div3A_61 : i32
      "tpu.region"() ({
        %run_scoped3A_1023 = tpu.sem_alloc : memref<!tpu.dma_semaphore, #tpu.memory_space<semaphore_mem>>
        %dma_start3A_1024 = arith.constant 0 : i32
        %dma_start3A_1025 = tpu.memref_slice %arg21[%select_n3A_83, %dma_start3A_1024] : memref<16x10240xi32, #tpu.memory_space<vmem_shared>> -> memref<1x10240xi32, #tpu.memory_space<vmem_shared>>
        %dma_start3A_1026 = tpu.memref_squeeze %dma_start3A_1025 : memref<1x10240xi32, #tpu.memory_space<vmem_shared>> -> memref<10240xi32, #tpu.memory_space<vmem_shared>>
        %dma_start3A_1027 = arith.constant 0 : i32
        %dma_start3A_1028 = tpu.memref_slice %arg21[%select_n3A_83, %dma_start3A_1027] : memref<16x10240xi32, #tpu.memory_space<vmem_shared>> -> memref<1x10240xi32, #tpu.memory_space<vmem_shared>>
        %dma_start3A_1029 = tpu.memref_squeeze %dma_start3A_1028 : memref<1x10240xi32, #tpu.memory_space<vmem_shared>> -> memref<10240xi32, #tpu.memory_space<vmem_shared>>
        tpu.enqueue_dma source(%arg9 : memref<10240xi32, #tpu.memory_space<vmem>>) target(%dma_start3A_1029 : memref<10240xi32, #tpu.memory_space<vmem_shared>>) target_semaphore(%run_scoped3A_1023 : memref<!tpu.dma_semaphore, #tpu.memory_space<semaphore_mem>>)
        %dma_wait3A_1030 = arith.constant 0 : i32
        %dma_wait3A_1031 = tpu.memref_slice %arg21[%select_n3A_83, %dma_wait3A_1030] : memref<16x10240xi32, #tpu.memory_space<vmem_shared>> -> memref<1x10240xi32, #tpu.memory_space<vmem_shared>>
        %dma_wait3A_1032 = tpu.memref_squeeze %dma_wait3A_1031 : memref<1x10240xi32, #tpu.memory_space<vmem_shared>> -> memref<10240xi32, #tpu.memory_space<vmem_shared>>
        %dma_wait3A_1033 = arith.constant 0 : i32
        %dma_wait3A_1034 = tpu.memref_slice %arg21[%select_n3A_83, %dma_wait3A_1033] : memref<16x10240xi32, #tpu.memory_space<vmem_shared>> -> memref<1x10240xi32, #tpu.memory_space<vmem_shared>>
        %dma_wait3A_1035 = tpu.memref_squeeze %dma_wait3A_1034 : memref<1x10240xi32, #tpu.memory_space<vmem_shared>> -> memref<10240xi32, #tpu.memory_space<vmem_shared>>
        tpu.wait_dma2 semaphore(%run_scoped3A_1023 : memref<!tpu.dma_semaphore, #tpu.memory_space<semaphore_mem>>) src(%arg9 : memref<10240xi32, #tpu.memory_space<vmem>>) dst(%dma_wait3A_1035 : memref<10240xi32, #tpu.memory_space<vmem_shared>>)
        tpu.yield
      }) : () -> ()
      %barrier3A = arith.constant 0 : index
      tpu.barrier barrier_id(%barrier3A)
      %run_scoped3A = arith.constant 0 : i32
      "tpu.region"() ({
        %run_scoped3A_1023 = tpu.sem_alloc : memref<!tpu.dma_semaphore, #tpu.memory_space<semaphore_mem>>
        %dma_start3A_1024 = tpu.memref_slice %arg21[%run_scoped3A, %mul3A_3] : memref<16x10240xi32, #tpu.memory_space<vmem_shared>> -> memref<1x640xi32, #tpu.memory_space<vmem_shared>>
        %dma_start3A_1025 = tpu.memref_squeeze %dma_start3A_1024 : memref<1x640xi32, #tpu.memory_space<vmem_shared>> -> memref<640xi32, #tpu.memory_space<vmem_shared>>
        %dma_start3A_1026 = tpu.memref_slice %arg21[%run_scoped3A, %mul3A_3] : memref<16x10240xi32, #tpu.memory_space<vmem_shared>> -> memref<1x640xi32, #tpu.memory_space<vmem_shared>>
        %dma_start3A_1027 = tpu.memref_squeeze %dma_start3A_1026 : memref<1x640xi32, #tpu.memory_space<vmem_shared>> -> memref<640xi32, #tpu.memory_space<vmem_shared>>
        tpu.enqueue_dma source(%dma_start3A_1027 : memref<640xi32, #tpu.memory_space<vmem_shared>>) target(%arg15 : memref<640xi32, #tpu.memory_space<vmem>>) target_semaphore(%run_scoped3A_1023 : memref<!tpu.dma_semaphore, #tpu.memory_space<semaphore_mem>>)
        %dma_wait3A_1028 = tpu.memref_slice %arg21[%run_scoped3A, %mul3A_3] : memref<16x10240xi32, #tpu.memory_space<vmem_shared>> -> memref<1x640xi32, #tpu.memory_space<vmem_shared>>
        %dma_wait3A_1029 = tpu.memref_squeeze %dma_wait3A_1028 : memref<1x640xi32, #tpu.memory_space<vmem_shared>> -> memref<640xi32, #tpu.memory_space<vmem_shared>>
        %dma_wait3A_1030 = tpu.memref_slice %arg21[%run_scoped3A, %mul3A_3] : memref<16x10240xi32, #tpu.memory_space<vmem_shared>> -> memref<1x640xi32, #tpu.memory_space<vmem_shared>>
        %dma_wait3A_1031 = tpu.memref_squeeze %dma_wait3A_1030 : memref<1x640xi32, #tpu.memory_space<vmem_shared>> -> memref<640xi32, #tpu.memory_space<vmem_shared>>
        tpu.wait_dma2 semaphore(%run_scoped3A_1023 : memref<!tpu.dma_semaphore, #tpu.memory_space<semaphore_mem>>) src(%dma_wait3A_1031 : memref<640xi32, #tpu.memory_space<vmem_shared>>) dst(%arg15 : memref<640xi32, #tpu.memory_space<vmem>>)
        tpu.yield
      }) : () -> ()
      %dma_start3A_84 = arith.constant 1 : i32
      %dma_start3A_85 = tpu.memref_slice %arg21[%dma_start3A_84, %mul3A_3] : memref<16x10240xi32, #tpu.memory_space<vmem_shared>> -> memref<1x640xi32, #tpu.memory_space<vmem_shared>>
      %dma_start3A_86 = tpu.memref_squeeze %dma_start3A_85 : memref<1x640xi32, #tpu.memory_space<vmem_shared>> -> memref<640xi32, #tpu.memory_space<vmem_shared>>
      %dma_start3A_87 = tpu.memref_slice %arg21[%dma_start3A_84, %mul3A_3] : memref<16x10240xi32, #tpu.memory_space<vmem_shared>> -> memref<1x640xi32, #tpu.memory_space<vmem_shared>>
      %dma_start3A_88 = tpu.memref_squeeze %dma_start3A_87 : memref<1x640xi32, #tpu.memory_space<vmem_shared>> -> memref<640xi32, #tpu.memory_space<vmem_shared>>
      tpu.enqueue_dma source(%dma_start3A_88 : memref<640xi32, #tpu.memory_space<vmem_shared>>) target(%arg14 : memref<640xi32, #tpu.memory_space<vmem>>) target_semaphore(%arg24 : memref<!tpu.dma_semaphore, #tpu.memory_space<semaphore_mem>>)
      %dma_start3A_89 = arith.constant 2 : i32
      %dma_start3A_90 = tpu.memref_slice %arg21[%dma_start3A_89, %mul3A_3] : memref<16x10240xi32, #tpu.memory_space<vmem_shared>> -> memref<1x640xi32, #tpu.memory_space<vmem_shared>>
      %dma_start3A_91 = tpu.memref_squeeze %dma_start3A_90 : memref<1x640xi32, #tpu.memory_space<vmem_shared>> -> memref<640xi32, #tpu.memory_space<vmem_shared>>
      %dma_start3A_92 = tpu.memref_slice %arg21[%dma_start3A_89, %mul3A_3] : memref<16x10240xi32, #tpu.memory_space<vmem_shared>> -> memref<1x640xi32, #tpu.memory_space<vmem_shared>>
      %dma_start3A_93 = tpu.memref_squeeze %dma_start3A_92 : memref<1x640xi32, #tpu.memory_space<vmem_shared>> -> memref<640xi32, #tpu.memory_space<vmem_shared>>
      tpu.enqueue_dma source(%dma_start3A_93 : memref<640xi32, #tpu.memory_space<vmem_shared>>) target(%arg13 : memref<640xi32, #tpu.memory_space<vmem>>) target_semaphore(%arg23 : memref<!tpu.dma_semaphore, #tpu.memory_space<semaphore_mem>>)
      %dma_wait3A_94 = arith.constant 1 : i32
      %dma_wait3A_95 = tpu.memref_slice %arg21[%dma_wait3A_94, %mul3A_3] : memref<16x10240xi32, #tpu.memory_space<vmem_shared>> -> memref<1x640xi32, #tpu.memory_space<vmem_shared>>
      %dma_wait3A_96 = tpu.memref_squeeze %dma_wait3A_95 : memref<1x640xi32, #tpu.memory_space<vmem_shared>> -> memref<640xi32, #tpu.memory_space<vmem_shared>>
      %dma_wait3A_97 = tpu.memref_slice %arg21[%dma_wait3A_94, %mul3A_3] : memref<16x10240xi32, #tpu.memory_space<vmem_shared>> -> memref<1x640xi32, #tpu.memory_space<vmem_shared>>
      %dma_wait3A_98 = tpu.memref_squeeze %dma_wait3A_97 : memref<1x640xi32, #tpu.memory_space<vmem_shared>> -> memref<640xi32, #tpu.memory_space<vmem_shared>>
      tpu.wait_dma2 semaphore(%arg24 : memref<!tpu.dma_semaphore, #tpu.memory_space<semaphore_mem>>) src(%dma_wait3A_98 : memref<640xi32, #tpu.memory_space<vmem_shared>>) dst(%arg14 : memref<640xi32, #tpu.memory_space<vmem>>)
      %scan3A_99 = arith.constant 0 : i32
      %scan3A_100 = arith.constant 0 : i32
      %scan3A_101 = arith.constant 40 : i32
      %scan3A_102 = arith.addi %scan3A_100, %scan3A_101 : i32
      %scan3A_103 = arith.constant 1 : i32
      %scan3A_104 = scf.for %scan3A_1023 = %scan3A_100 to %scan3A_102 step %scan3A_103 iter_args(%scan3A_1024 = %scan3A_99) -> (i32)  : i32 {
        %mul3A_1025 = arith.constant 16 : i32
        %mul3A_1026 = arith.muli %scan3A_1023, %mul3A_1025 : i32
        %get3A = arith.index_cast %mul3A_1026 : i32 to index
        %get3A_1027 = tpu.vector_load %arg15[%get3A] {strides = array<i32>} : memref<640xi32, #tpu.memory_space<vmem>>, vector<16xi32>,
        %get3A_1028 = arith.index_cast %mul3A_1026 : i32 to index
        %get3A_1029 = tpu.vector_load %arg14[%get3A_1028] {strides = array<i32>} : memref<640xi32, #tpu.memory_space<vmem>>, vector<16xi32>,
        %max3A = arith.maxsi %get3A_1027, %get3A_1029 : vector<16xi32>
        %swap3A_1030 = arith.index_cast %mul3A_1026 : i32 to index
        %swap3A_1031 = tpu.vector_load %arg15[%swap3A_1030] {strides = array<i32>} : memref<640xi32, #tpu.memory_space<vmem>>, vector<16xi32>,
        tpu.vector_store %arg15[%swap3A_1030], %max3A {strides = array<i32>} : memref<640xi32, #tpu.memory_space<vmem>>, vector<16xi32>,
        %scan3A_1032 = arith.constant 0 : i32
        scf.yield %scan3A_1032 : i32
      }
      %scan3A_105 = arith.constant 40 : i32
      %dma_start3A_106 = arith.constant 3 : i32
      %dma_start3A_107 = tpu.memref_slice %arg21[%dma_start3A_106, %mul3A_3] : memref<16x10240xi32, #tpu.memory_space<vmem_shared>> -> memref<1x640xi32, #tpu.memory_space<vmem_shared>>
      %dma_start3A_108 = tpu.memref_squeeze %dma_start3A_107 : memref<1x640xi32, #tpu.memory_space<vmem_shared>> -> memref<640xi32, #tpu.memory_space<vmem_shared>>
      %dma_start3A_109 = tpu.memref_slice %arg21[%dma_start3A_106, %mul3A_3] : memref<16x10240xi32, #tpu.memory_space<vmem_shared>> -> memref<1x640xi32, #tpu.memory_space<vmem_shared>>
      %dma_start3A_110 = tpu.memref_squeeze %dma_start3A_109 : memref<1x640xi32, #tpu.memory_space<vmem_shared>> -> memref<640xi32, #tpu.memory_space<vmem_shared>>
      tpu.enqueue_dma source(%dma_start3A_110 : memref<640xi32, #tpu.memory_space<vmem_shared>>) target(%arg14 : memref<640xi32, #tpu.memory_space<vmem>>) target_semaphore(%arg24 : memref<!tpu.dma_semaphore, #tpu.memory_space<semaphore_mem>>)
      %dma_wait3A_111 = arith.constant 2 : i32
      %dma_wait3A_112 = tpu.memref_slice %arg21[%dma_wait3A_111, %mul3A_3] : memref<16x10240xi32, #tpu.memory_space<vmem_shared>> -> memref<1x640xi32, #tpu.memory_space<vmem_shared>>
      %dma_wait3A_113 = tpu.memref_squeeze %dma_wait3A_112 : memref<1x640xi32, #tpu.memory_space<vmem_shared>> -> memref<640xi32, #tpu.memory_space<vmem_shared>>
      %dma_wait3A_114 = tpu.memref_slice %arg21[%dma_wait3A_111, %mul3A_3] : memref<16x10240xi32, #tpu.memory_space<vmem_shared>> -> memref<1x640xi32, #tpu.memory_space<vmem_shared>>
      %dma_wait3A_115 = tpu.memref_squeeze %dma_wait3A_114 : memref<1x640xi32, #tpu.memory_space<vmem_shared>> -> memref<640xi32, #tpu.memory_space<vmem_shared>>
      tpu.wait_dma2 semaphore(%arg23 : memref<!tpu.dma_semaphore, #tpu.memory_space<semaphore_mem>>) src(%dma_wait3A_115 : memref<640xi32, #tpu.memory_space<vmem_shared>>) dst(%arg13 : memref<640xi32, #tpu.memory_space<vmem>>)
      %scan3A_116 = arith.constant 0 : i32
      %scan3A_117 = arith.constant 0 : i32
      %scan3A_118 = arith.constant 40 : i32
      %scan3A_119 = arith.addi %scan3A_117, %scan3A_118 : i32
      %scan3A_120 = arith.constant 1 : i32
      %scan3A_121 = scf.for %scan3A_1023 = %scan3A_117 to %scan3A_119 step %scan3A_120 iter_args(%scan3A_1024 = %scan3A_116) -> (i32)  : i32 {
        %mul3A_1025 = arith.constant 16 : i32
        %mul3A_1026 = arith.muli %scan3A_1023, %mul3A_1025 : i32
        %get3A = arith.index_cast %mul3A_1026 : i32 to index
        %get3A_1027 = tpu.vector_load %arg15[%get3A] {strides = array<i32>} : memref<640xi32, #tpu.memory_space<vmem>>, vector<16xi32>,
        %get3A_1028 = arith.index_cast %mul3A_1026 : i32 to index
        %get3A_1029 = tpu.vector_load %arg13[%get3A_1028] {strides = array<i32>} : memref<640xi32, #tpu.memory_space<vmem>>, vector<16xi32>,
        %max3A = arith.maxsi %get3A_1027, %get3A_1029 : vector<16xi32>
        %swap3A_1030 = arith.index_cast %mul3A_1026 : i32 to index
        %swap3A_1031 = tpu.vector_load %arg15[%swap3A_1030] {strides = array<i32>} : memref<640xi32, #tpu.memory_space<vmem>>, vector<16xi32>,
        tpu.vector_store %arg15[%swap3A_1030], %max3A {strides = array<i32>} : memref<640xi32, #tpu.memory_space<vmem>>, vector<16xi32>,
        %scan3A_1032 = arith.constant 0 : i32
        scf.yield %scan3A_1032 : i32
      }
      %scan3A_122 = arith.constant 40 : i32
      %dma_start3A_123 = arith.constant 4 : i32
      %dma_start3A_124 = tpu.memref_slice %arg21[%dma_start3A_123, %mul3A_3] : memref<16x10240xi32, #tpu.memory_space<vmem_shared>> -> memref<1x640xi32, #tpu.memory_space<vmem_shared>>
      %dma_start3A_125 = tpu.memref_squeeze %dma_start3A_124 : memref<1x640xi32, #tpu.memory_space<vmem_shared>> -> memref<640xi32, #tpu.memory_space<vmem_shared>>
      %dma_start3A_126 = tpu.memref_slice %arg21[%dma_start3A_123, %mul3A_3] : memref<16x10240xi32, #tpu.memory_space<vmem_shared>> -> memref<1x640xi32, #tpu.memory_space<vmem_shared>>
      %dma_start3A_127 = tpu.memref_squeeze %dma_start3A_126 : memref<1x640xi32, #tpu.memory_space<vmem_shared>> -> memref<640xi32, #tpu.memory_space<vmem_shared>>
      tpu.enqueue_dma source(%dma_start3A_127 : memref<640xi32, #tpu.memory_space<vmem_shared>>) target(%arg13 : memref<640xi32, #tpu.memory_space<vmem>>) target_semaphore(%arg23 : memref<!tpu.dma_semaphore, #tpu.memory_space<semaphore_mem>>)
      %dma_wait3A_128 = arith.constant 3 : i32
      %dma_wait3A_129 = tpu.memref_slice %arg21[%dma_wait3A_128, %mul3A_3] : memref<16x10240xi32, #tpu.memory_space<vmem_shared>> -> memref<1x640xi32, #tpu.memory_space<vmem_shared>>
      %dma_wait3A_130 = tpu.memref_squeeze %dma_wait3A_129 : memref<1x640xi32, #tpu.memory_space<vmem_shared>> -> memref<640xi32, #tpu.memory_space<vmem_shared>>
      %dma_wait3A_131 = tpu.memref_slice %arg21[%dma_wait3A_128, %mul3A_3] : memref<16x10240xi32, #tpu.memory_space<vmem_shared>> -> memref<1x640xi32, #tpu.memory_space<vmem_shared>>
      %dma_wait3A_132 = tpu.memref_squeeze %dma_wait3A_131 : memref<1x640xi32, #tpu.memory_space<vmem_shared>> -> memref<640xi32, #tpu.memory_space<vmem_shared>>
      tpu.wait_dma2 semaphore(%arg24 : memref<!tpu.dma_semaphore, #tpu.memory_space<semaphore_mem>>) src(%dma_wait3A_132 : memref<640xi32, #tpu.memory_space<vmem_shared>>) dst(%arg14 : memref<640xi32, #tpu.memory_space<vmem>>)
      %scan3A_133 = arith.constant 0 : i32
      %scan3A_134 = arith.constant 0 : i32
      %scan3A_135 = arith.constant 40 : i32
      %scan3A_136 = arith.addi %scan3A_134, %scan3A_135 : i32
      %scan3A_137 = arith.constant 1 : i32
      %scan3A_138 = scf.for %scan3A_1023 = %scan3A_134 to %scan3A_136 step %scan3A_137 iter_args(%scan3A_1024 = %scan3A_133) -> (i32)  : i32 {
        %mul3A_1025 = arith.constant 16 : i32
        %mul3A_1026 = arith.muli %scan3A_1023, %mul3A_1025 : i32
        %get3A = arith.index_cast %mul3A_1026 : i32 to index
        %get3A_1027 = tpu.vector_load %arg15[%get3A] {strides = array<i32>} : memref<640xi32, #tpu.memory_space<vmem>>, vector<16xi32>,
        %get3A_1028 = arith.index_cast %mul3A_1026 : i32 to index
        %get3A_1029 = tpu.vector_load %arg14[%get3A_1028] {strides = array<i32>} : memref<640xi32, #tpu.memory_space<vmem>>, vector<16xi32>,
        %max3A = arith.maxsi %get3A_1027, %get3A_1029 : vector<16xi32>
        %swap3A_1030 = arith.index_cast %mul3A_1026 : i32 to index
        %swap3A_1031 = tpu.vector_load %arg15[%swap3A_1030] {strides = array<i32>} : memref<640xi32, #tpu.memory_space<vmem>>, vector<16xi32>,
        tpu.vector_store %arg15[%swap3A_1030], %max3A {strides = array<i32>} : memref<640xi32, #tpu.memory_space<vmem>>, vector<16xi32>,
        %scan3A_1032 = arith.constant 0 : i32
        scf.yield %scan3A_1032 : i32
      }
      %scan3A_139 = arith.constant 40 : i32
      %dma_start3A_140 = arith.constant 5 : i32
      %dma_start3A_141 = tpu.memref_slice %arg21[%dma_start3A_140, %mul3A_3] : memref<16x10240xi32, #tpu.memory_space<vmem_shared>> -> memref<1x640xi32, #tpu.memory_space<vmem_shared>>
      %dma_start3A_142 = tpu.memref_squeeze %dma_start3A_141 : memref<1x640xi32, #tpu.memory_space<vmem_shared>> -> memref<640xi32, #tpu.memory_space<vmem_shared>>
      %dma_start3A_143 = tpu.memref_slice %arg21[%dma_start3A_140, %mul3A_3] : memref<16x10240xi32, #tpu.memory_space<vmem_shared>> -> memref<1x640xi32, #tpu.memory_space<vmem_shared>>
      %dma_start3A_144 = tpu.memref_squeeze %dma_start3A_143 : memref<1x640xi32, #tpu.memory_space<vmem_shared>> -> memref<640xi32, #tpu.memory_space<vmem_shared>>
      tpu.enqueue_dma source(%dma_start3A_144 : memref<640xi32, #tpu.memory_space<vmem_shared>>) target(%arg14 : memref<640xi32, #tpu.memory_space<vmem>>) target_semaphore(%arg24 : memref<!tpu.dma_semaphore, #tpu.memory_space<semaphore_mem>>)
      %dma_wait3A_145 = arith.constant 4 : i32
      %dma_wait3A_146 = tpu.memref_slice %arg21[%dma_wait3A_145, %mul3A_3] : memref<16x10240xi32, #tpu.memory_space<vmem_shared>> -> memref<1x640xi32, #tpu.memory_space<vmem_shared>>
      %dma_wait3A_147 = tpu.memref_squeeze %dma_wait3A_146 : memref<1x640xi32, #tpu.memory_space<vmem_shared>> -> memref<640xi32, #tpu.memory_space<vmem_shared>>
      %dma_wait3A_148 = tpu.memref_slice %arg21[%dma_wait3A_145, %mul3A_3] : memref<16x10240xi32, #tpu.memory_space<vmem_shared>> -> memref<1x640xi32, #tpu.memory_space<vmem_shared>>
      %dma_wait3A_149 = tpu.memref_squeeze %dma_wait3A_148 : memref<1x640xi32, #tpu.memory_space<vmem_shared>> -> memref<640xi32, #tpu.memory_space<vmem_shared>>
      tpu.wait_dma2 semaphore(%arg23 : memref<!tpu.dma_semaphore, #tpu.memory_space<semaphore_mem>>) src(%dma_wait3A_149 : memref<640xi32, #tpu.memory_space<vmem_shared>>) dst(%arg13 : memref<640xi32, #tpu.memory_space<vmem>>)
      %scan3A_150 = arith.constant 0 : i32
      %scan3A_151 = arith.constant 0 : i32
      %scan3A_152 = arith.constant 40 : i32
      %scan3A_153 = arith.addi %scan3A_151, %scan3A_152 : i32
      %scan3A_154 = arith.constant 1 : i32
      %scan3A_155 = scf.for %scan3A_1023 = %scan3A_151 to %scan3A_153 step %scan3A_154 iter_args(%scan3A_1024 = %scan3A_150) -> (i32)  : i32 {
        %mul3A_1025 = arith.constant 16 : i32
        %mul3A_1026 = arith.muli %scan3A_1023, %mul3A_1025 : i32
        %get3A = arith.index_cast %mul3A_1026 : i32 to index
        %get3A_1027 = tpu.vector_load %arg15[%get3A] {strides = array<i32>} : memref<640xi32, #tpu.memory_space<vmem>>, vector<16xi32>,
        %get3A_1028 = arith.index_cast %mul3A_1026 : i32 to index
        %get3A_1029 = tpu.vector_load %arg13[%get3A_1028] {strides = array<i32>} : memref<640xi32, #tpu.memory_space<vmem>>, vector<16xi32>,
        %max3A = arith.maxsi %get3A_1027, %get3A_1029 : vector<16xi32>
        %swap3A_1030 = arith.index_cast %mul3A_1026 : i32 to index
        %swap3A_1031 = tpu.vector_load %arg15[%swap3A_1030] {strides = array<i32>} : memref<640xi32, #tpu.memory_space<vmem>>, vector<16xi32>,
        tpu.vector_store %arg15[%swap3A_1030], %max3A {strides = array<i32>} : memref<640xi32, #tpu.memory_space<vmem>>, vector<16xi32>,
        %scan3A_1032 = arith.constant 0 : i32
        scf.yield %scan3A_1032 : i32
      }
      %scan3A_156 = arith.constant 40 : i32
      %dma_start3A_157 = arith.constant 6 : i32
      %dma_start3A_158 = tpu.memref_slice %arg21[%dma_start3A_157, %mul3A_3] : memref<16x10240xi32, #tpu.memory_space<vmem_shared>> -> memref<1x640xi32, #tpu.memory_space<vmem_shared>>
      %dma_start3A_159 = tpu.memref_squeeze %dma_start3A_158 : memref<1x640xi32, #tpu.memory_space<vmem_shared>> -> memref<640xi32, #tpu.memory_space<vmem_shared>>
      %dma_start3A_160 = tpu.memref_slice %arg21[%dma_start3A_157, %mul3A_3] : memref<16x10240xi32, #tpu.memory_space<vmem_shared>> -> memref<1x640xi32, #tpu.memory_space<vmem_shared>>
      %dma_start3A_161 = tpu.memref_squeeze %dma_start3A_160 : memref<1x640xi32, #tpu.memory_space<vmem_shared>> -> memref<640xi32, #tpu.memory_space<vmem_shared>>
      tpu.enqueue_dma source(%dma_start3A_161 : memref<640xi32, #tpu.memory_space<vmem_shared>>) target(%arg13 : memref<640xi32, #tpu.memory_space<vmem>>) target_semaphore(%arg23 : memref<!tpu.dma_semaphore, #tpu.memory_space<semaphore_mem>>)
      %dma_wait3A_162 = arith.constant 5 : i32
      %dma_wait3A_163 = tpu.memref_slice %arg21[%dma_wait3A_162, %mul3A_3] : memref<16x10240xi32, #tpu.memory_space<vmem_shared>> -> memref<1x640xi32, #tpu.memory_space<vmem_shared>>
      %dma_wait3A_164 = tpu.memref_squeeze %dma_wait3A_163 : memref<1x640xi32, #tpu.memory_space<vmem_shared>> -> memref<640xi32, #tpu.memory_space<vmem_shared>>
      %dma_wait3A_165 = tpu.memref_slice %arg21[%dma_wait3A_162, %mul3A_3] : memref<16x10240xi32, #tpu.memory_space<vmem_shared>> -> memref<1x640xi32, #tpu.memory_space<vmem_shared>>
      %dma_wait3A_166 = tpu.memref_squeeze %dma_wait3A_165 : memref<1x640xi32, #tpu.memory_space<vmem_shared>> -> memref<640xi32, #tpu.memory_space<vmem_shared>>
      tpu.wait_dma2 semaphore(%arg24 : memref<!tpu.dma_semaphore, #tpu.memory_space<semaphore_mem>>) src(%dma_wait3A_166 : memref<640xi32, #tpu.memory_space<vmem_shared>>) dst(%arg14 : memref<640xi32, #tpu.memory_space<vmem>>)
      %scan3A_167 = arith.constant 0 : i32
      %scan3A_168 = arith.constant 0 : i32
      %scan3A_169 = arith.constant 40 : i32
      %scan3A_170 = arith.addi %scan3A_168, %scan3A_169 : i32
      %scan3A_171 = arith.constant 1 : i32
      %scan3A_172 = scf.for %scan3A_1023 = %scan3A_168 to %scan3A_170 step %scan3A_171 iter_args(%scan3A_1024 = %scan3A_167) -> (i32)  : i32 {
        %mul3A_1025 = arith.constant 16 : i32
        %mul3A_1026 = arith.muli %scan3A_1023, %mul3A_1025 : i32
        %get3A = arith.index_cast %mul3A_1026 : i32 to index
        %get3A_1027 = tpu.vector_load %arg15[%get3A] {strides = array<i32>} : memref<640xi32, #tpu.memory_space<vmem>>, vector<16xi32>,
        %get3A_1028 = arith.index_cast %mul3A_1026 : i32 to index
        %get3A_1029 = tpu.vector_load %arg14[%get3A_1028] {strides = array<i32>} : memref<640xi32, #tpu.memory_space<vmem>>, vector<16xi32>,
        %max3A = arith.maxsi %get3A_1027, %get3A_1029 : vector<16xi32>
        %swap3A_1030 = arith.index_cast %mul3A_1026 : i32 to index
        %swap3A_1031 = tpu.vector_load %arg15[%swap3A_1030] {strides = array<i32>} : memref<640xi32, #tpu.memory_space<vmem>>, vector<16xi32>,
        tpu.vector_store %arg15[%swap3A_1030], %max3A {strides = array<i32>} : memref<640xi32, #tpu.memory_space<vmem>>, vector<16xi32>,
        %scan3A_1032 = arith.constant 0 : i32
        scf.yield %scan3A_1032 : i32
      }
      %scan3A_173 = arith.constant 40 : i32
      %dma_start3A_174 = arith.constant 7 : i32
      %dma_start3A_175 = tpu.memref_slice %arg21[%dma_start3A_174, %mul3A_3] : memref<16x10240xi32, #tpu.memory_space<vmem_shared>> -> memref<1x640xi32, #tpu.memory_space<vmem_shared>>
      %dma_start3A_176 = tpu.memref_squeeze %dma_start3A_175 : memref<1x640xi32, #tpu.memory_space<vmem_shared>> -> memref<640xi32, #tpu.memory_space<vmem_shared>>
      %dma_start3A_177 = tpu.memref_slice %arg21[%dma_start3A_174, %mul3A_3] : memref<16x10240xi32, #tpu.memory_space<vmem_shared>> -> memref<1x640xi32, #tpu.memory_space<vmem_shared>>
      %dma_start3A_178 = tpu.memref_squeeze %dma_start3A_177 : memref<1x640xi32, #tpu.memory_space<vmem_shared>> -> memref<640xi32, #tpu.memory_space<vmem_shared>>
      tpu.enqueue_dma source(%dma_start3A_178 : memref<640xi32, #tpu.memory_space<vmem_shared>>) target(%arg14 : memref<640xi32, #tpu.memory_space<vmem>>) target_semaphore(%arg24 : memref<!tpu.dma_semaphore, #tpu.memory_space<semaphore_mem>>)
      %dma_wait3A_179 = arith.constant 6 : i32
      %dma_wait3A_180 = tpu.memref_slice %arg21[%dma_wait3A_179, %mul3A_3] : memref<16x10240xi32, #tpu.memory_space<vmem_shared>> -> memref<1x640xi32, #tpu.memory_space<vmem_shared>>
      %dma_wait3A_181 = tpu.memref_squeeze %dma_wait3A_180 : memref<1x640xi32, #tpu.memory_space<vmem_shared>> -> memref<640xi32, #tpu.memory_space<vmem_shared>>
      %dma_wait3A_182 = tpu.memref_slice %arg21[%dma_wait3A_179, %mul3A_3] : memref<16x10240xi32, #tpu.memory_space<vmem_shared>> -> memref<1x640xi32, #tpu.memory_space<vmem_shared>>
      %dma_wait3A_183 = tpu.memref_squeeze %dma_wait3A_182 : memref<1x640xi32, #tpu.memory_space<vmem_shared>> -> memref<640xi32, #tpu.memory_space<vmem_shared>>
      tpu.wait_dma2 semaphore(%arg23 : memref<!tpu.dma_semaphore, #tpu.memory_space<semaphore_mem>>) src(%dma_wait3A_183 : memref<640xi32, #tpu.memory_space<vmem_shared>>) dst(%arg13 : memref<640xi32, #tpu.memory_space<vmem>>)
      %scan3A_184 = arith.constant 0 : i32
      %scan3A_185 = arith.constant 0 : i32
      %scan3A_186 = arith.constant 40 : i32
      %scan3A_187 = arith.addi %scan3A_185, %scan3A_186 : i32
      %scan3A_188 = arith.constant 1 : i32
      %scan3A_189 = scf.for %scan3A_1023 = %scan3A_185 to %scan3A_187 step %scan3A_188 iter_args(%scan3A_1024 = %scan3A_184) -> (i32)  : i32 {
        %mul3A_1025 = arith.constant 16 : i32
        %mul3A_1026 = arith.muli %scan3A_1023, %mul3A_1025 : i32
        %get3A = arith.index_cast %mul3A_1026 : i32 to index
        %get3A_1027 = tpu.vector_load %arg15[%get3A] {strides = array<i32>} : memref<640xi32, #tpu.memory_space<vmem>>, vector<16xi32>,
        %get3A_1028 = arith.index_cast %mul3A_1026 : i32 to index
        %get3A_1029 = tpu.vector_load %arg13[%get3A_1028] {strides = array<i32>} : memref<640xi32, #tpu.memory_space<vmem>>, vector<16xi32>,
        %max3A = arith.maxsi %get3A_1027, %get3A_1029 : vector<16xi32>
        %swap3A_1030 = arith.index_cast %mul3A_1026 : i32 to index
        %swap3A_1031 = tpu.vector_load %arg15[%swap3A_1030] {strides = array<i32>} : memref<640xi32, #tpu.memory_space<vmem>>, vector<16xi32>,
        tpu.vector_store %arg15[%swap3A_1030], %max3A {strides = array<i32>} : memref<640xi32, #tpu.memory_space<vmem>>, vector<16xi32>,
        %scan3A_1032 = arith.constant 0 : i32
        scf.yield %scan3A_1032 : i32
      }
      %scan3A_190 = arith.constant 40 : i32
      %dma_start3A_191 = arith.constant 8 : i32
      %dma_start3A_192 = tpu.memref_slice %arg21[%dma_start3A_191, %mul3A_3] : memref<16x10240xi32, #tpu.memory_space<vmem_shared>> -> memref<1x640xi32, #tpu.memory_space<vmem_shared>>
      %dma_start3A_193 = tpu.memref_squeeze %dma_start3A_192 : memref<1x640xi32, #tpu.memory_space<vmem_shared>> -> memref<640xi32, #tpu.memory_space<vmem_shared>>
      %dma_start3A_194 = tpu.memref_slice %arg21[%dma_start3A_191, %mul3A_3] : memref<16x10240xi32, #tpu.memory_space<vmem_shared>> -> memref<1x640xi32, #tpu.memory_space<vmem_shared>>
      %dma_start3A_195 = tpu.memref_squeeze %dma_start3A_194 : memref<1x640xi32, #tpu.memory_space<vmem_shared>> -> memref<640xi32, #tpu.memory_space<vmem_shared>>
      tpu.enqueue_dma source(%dma_start3A_195 : memref<640xi32, #tpu.memory_space<vmem_shared>>) target(%arg13 : memref<640xi32, #tpu.memory_space<vmem>>) target_semaphore(%arg23 : memref<!tpu.dma_semaphore, #tpu.memory_space<semaphore_mem>>)
      %dma_wait3A_196 = arith.constant 7 : i32
      %dma_wait3A_197 = tpu.memref_slice %arg21[%dma_wait3A_196, %mul3A_3] : memref<16x10240xi32, #tpu.memory_space<vmem_shared>> -> memref<1x640xi32, #tpu.memory_space<vmem_shared>>
      %dma_wait3A_198 = tpu.memref_squeeze %dma_wait3A_197 : memref<1x640xi32, #tpu.memory_space<vmem_shared>> -> memref<640xi32, #tpu.memory_space<vmem_shared>>
      %dma_wait3A_199 = tpu.memref_slice %arg21[%dma_wait3A_196, %mul3A_3] : memref<16x10240xi32, #tpu.memory_space<vmem_shared>> -> memref<1x640xi32, #tpu.memory_space<vmem_shared>>
      %dma_wait3A_200 = tpu.memref_squeeze %dma_wait3A_199 : memref<1x640xi32, #tpu.memory_space<vmem_shared>> -> memref<640xi32, #tpu.memory_space<vmem_shared>>
      tpu.wait_dma2 semaphore(%arg24 : memref<!tpu.dma_semaphore, #tpu.memory_space<semaphore_mem>>) src(%dma_wait3A_200 : memref<640xi32, #tpu.memory_space<vmem_shared>>) dst(%arg14 : memref<640xi32, #tpu.memory_space<vmem>>)
      %scan3A_201 = arith.constant 0 : i32
      %scan3A_202 = arith.constant 0 : i32
      %scan3A_203 = arith.constant 40 : i32
      %scan3A_204 = arith.addi %scan3A_202, %scan3A_203 : i32
      %scan3A_205 = arith.constant 1 : i32
      %scan3A_206 = scf.for %scan3A_1023 = %scan3A_202 to %scan3A_204 step %scan3A_205 iter_args(%scan3A_1024 = %scan3A_201) -> (i32)  : i32 {
        %mul3A_1025 = arith.constant 16 : i32
        %mul3A_1026 = arith.muli %scan3A_1023, %mul3A_1025 : i32
        %get3A = arith.index_cast %mul3A_1026 : i32 to index
        %get3A_1027 = tpu.vector_load %arg15[%get3A] {strides = array<i32>} : memref<640xi32, #tpu.memory_space<vmem>>, vector<16xi32>,
        %get3A_1028 = arith.index_cast %mul3A_1026 : i32 to index
        %get3A_1029 = tpu.vector_load %arg14[%get3A_1028] {strides = array<i32>} : memref<640xi32, #tpu.memory_space<vmem>>, vector<16xi32>,
        %max3A = arith.maxsi %get3A_1027, %get3A_1029 : vector<16xi32>
        %swap3A_1030 = arith.index_cast %mul3A_1026 : i32 to index
        %swap3A_1031 = tpu.vector_load %arg15[%swap3A_1030] {strides = array<i32>} : memref<640xi32, #tpu.memory_space<vmem>>, vector<16xi32>,
        tpu.vector_store %arg15[%swap3A_1030], %max3A {strides = array<i32>} : memref<640xi32, #tpu.memory_space<vmem>>, vector<16xi32>,
        %scan3A_1032 = arith.constant 0 : i32
        scf.yield %scan3A_1032 : i32
      }
      %scan3A_207 = arith.constant 40 : i32
      %dma_start3A_208 = arith.constant 9 : i32
      %dma_start3A_209 = tpu.memref_slice %arg21[%dma_start3A_208, %mul3A_3] : memref<16x10240xi32, #tpu.memory_space<vmem_shared>> -> memref<1x640xi32, #tpu.memory_space<vmem_shared>>
      %dma_start3A_210 = tpu.memref_squeeze %dma_start3A_209 : memref<1x640xi32, #tpu.memory_space<vmem_shared>> -> memref<640xi32, #tpu.memory_space<vmem_shared>>
      %dma_start3A_211 = tpu.memref_slice %arg21[%dma_start3A_208, %mul3A_3] : memref<16x10240xi32, #tpu.memory_space<vmem_shared>> -> memref<1x640xi32, #tpu.memory_space<vmem_shared>>
      %dma_start3A_212 = tpu.memref_squeeze %dma_start3A_211 : memref<1x640xi32, #tpu.memory_space<vmem_shared>> -> memref<640xi32, #tpu.memory_space<vmem_shared>>
      tpu.enqueue_dma source(%dma_start3A_212 : memref<640xi32, #tpu.memory_space<vmem_shared>>) target(%arg14 : memref<640xi32, #tpu.memory_space<vmem>>) target_semaphore(%arg24 : memref<!tpu.dma_semaphore, #tpu.memory_space<semaphore_mem>>)
      %dma_wait3A_213 = arith.constant 8 : i32
      %dma_wait3A_214 = tpu.memref_slice %arg21[%dma_wait3A_213, %mul3A_3] : memref<16x10240xi32, #tpu.memory_space<vmem_shared>> -> memref<1x640xi32, #tpu.memory_space<vmem_shared>>
      %dma_wait3A_215 = tpu.memref_squeeze %dma_wait3A_214 : memref<1x640xi32, #tpu.memory_space<vmem_shared>> -> memref<640xi32, #tpu.memory_space<vmem_shared>>
      %dma_wait3A_216 = tpu.memref_slice %arg21[%dma_wait3A_213, %mul3A_3] : memref<16x10240xi32, #tpu.memory_space<vmem_shared>> -> memref<1x640xi32, #tpu.memory_space<vmem_shared>>
      %dma_wait3A_217 = tpu.memref_squeeze %dma_wait3A_216 : memref<1x640xi32, #tpu.memory_space<vmem_shared>> -> memref<640xi32, #tpu.memory_space<vmem_shared>>
      tpu.wait_dma2 semaphore(%arg23 : memref<!tpu.dma_semaphore, #tpu.memory_space<semaphore_mem>>) src(%dma_wait3A_217 : memref<640xi32, #tpu.memory_space<vmem_shared>>) dst(%arg13 : memref<640xi32, #tpu.memory_space<vmem>>)
      %scan3A_218 = arith.constant 0 : i32
      %scan3A_219 = arith.constant 0 : i32
      %scan3A_220 = arith.constant 40 : i32
      %scan3A_221 = arith.addi %scan3A_219, %scan3A_220 : i32
      %scan3A_222 = arith.constant 1 : i32
      %scan3A_223 = scf.for %scan3A_1023 = %scan3A_219 to %scan3A_221 step %scan3A_222 iter_args(%scan3A_1024 = %scan3A_218) -> (i32)  : i32 {
        %mul3A_1025 = arith.constant 16 : i32
        %mul3A_1026 = arith.muli %scan3A_1023, %mul3A_1025 : i32
        %get3A = arith.index_cast %mul3A_1026 : i32 to index
        %get3A_1027 = tpu.vector_load %arg15[%get3A] {strides = array<i32>} : memref<640xi32, #tpu.memory_space<vmem>>, vector<16xi32>,
        %get3A_1028 = arith.index_cast %mul3A_1026 : i32 to index
        %get3A_1029 = tpu.vector_load %arg13[%get3A_1028] {strides = array<i32>} : memref<640xi32, #tpu.memory_space<vmem>>, vector<16xi32>,
        %max3A = arith.maxsi %get3A_1027, %get3A_1029 : vector<16xi32>
        %swap3A_1030 = arith.index_cast %mul3A_1026 : i32 to index
        %swap3A_1031 = tpu.vector_load %arg15[%swap3A_1030] {strides = array<i32>} : memref<640xi32, #tpu.memory_space<vmem>>, vector<16xi32>,
        tpu.vector_store %arg15[%swap3A_1030], %max3A {strides = array<i32>} : memref<640xi32, #tpu.memory_space<vmem>>, vector<16xi32>,
        %scan3A_1032 = arith.constant 0 : i32
        scf.yield %scan3A_1032 : i32
      }
      %scan3A_224 = arith.constant 40 : i32
      %dma_start3A_225 = arith.constant 10 : i32
      %dma_start3A_226 = tpu.memref_slice %arg21[%dma_start3A_225, %mul3A_3] : memref<16x10240xi32, #tpu.memory_space<vmem_shared>> -> memref<1x640xi32, #tpu.memory_space<vmem_shared>>
      %dma_start3A_227 = tpu.memref_squeeze %dma_start3A_226 : memref<1x640xi32, #tpu.memory_space<vmem_shared>> -> memref<640xi32, #tpu.memory_space<vmem_shared>>
      %dma_start3A_228 = tpu.memref_slice %arg21[%dma_start3A_225, %mul3A_3] : memref<16x10240xi32, #tpu.memory_space<vmem_shared>> -> memref<1x640xi32, #tpu.memory_space<vmem_shared>>
      %dma_start3A_229 = tpu.memref_squeeze %dma_start3A_228 : memref<1x640xi32, #tpu.memory_space<vmem_shared>> -> memref<640xi32, #tpu.memory_space<vmem_shared>>
      tpu.enqueue_dma source(%dma_start3A_229 : memref<640xi32, #tpu.memory_space<vmem_shared>>) target(%arg13 : memref<640xi32, #tpu.memory_space<vmem>>) target_semaphore(%arg23 : memref<!tpu.dma_semaphore, #tpu.memory_space<semaphore_mem>>)
      %dma_wait3A_230 = arith.constant 9 : i32
      %dma_wait3A_231 = tpu.memref_slice %arg21[%dma_wait3A_230, %mul3A_3] : memref<16x10240xi32, #tpu.memory_space<vmem_shared>> -> memref<1x640xi32, #tpu.memory_space<vmem_shared>>
      %dma_wait3A_232 = tpu.memref_squeeze %dma_wait3A_231 : memref<1x640xi32, #tpu.memory_space<vmem_shared>> -> memref<640xi32, #tpu.memory_space<vmem_shared>>
      %dma_wait3A_233 = tpu.memref_slice %arg21[%dma_wait3A_230, %mul3A_3] : memref<16x10240xi32, #tpu.memory_space<vmem_shared>> -> memref<1x640xi32, #tpu.memory_space<vmem_shared>>
      %dma_wait3A_234 = tpu.memref_squeeze %dma_wait3A_233 : memref<1x640xi32, #tpu.memory_space<vmem_shared>> -> memref<640xi32, #tpu.memory_space<vmem_shared>>
      tpu.wait_dma2 semaphore(%arg24 : memref<!tpu.dma_semaphore, #tpu.memory_space<semaphore_mem>>) src(%dma_wait3A_234 : memref<640xi32, #tpu.memory_space<vmem_shared>>) dst(%arg14 : memref<640xi32, #tpu.memory_space<vmem>>)
      %scan3A_235 = arith.constant 0 : i32
      %scan3A_236 = arith.constant 0 : i32
      %scan3A_237 = arith.constant 40 : i32
      %scan3A_238 = arith.addi %scan3A_236, %scan3A_237 : i32
      %scan3A_239 = arith.constant 1 : i32
      %scan3A_240 = scf.for %scan3A_1023 = %scan3A_236 to %scan3A_238 step %scan3A_239 iter_args(%scan3A_1024 = %scan3A_235) -> (i32)  : i32 {
        %mul3A_1025 = arith.constant 16 : i32
        %mul3A_1026 = arith.muli %scan3A_1023, %mul3A_1025 : i32
        %get3A = arith.index_cast %mul3A_1026 : i32 to index
        %get3A_1027 = tpu.vector_load %arg15[%get3A] {strides = array<i32>} : memref<640xi32, #tpu.memory_space<vmem>>, vector<16xi32>,
        %get3A_1028 = arith.index_cast %mul3A_1026 : i32 to index
        %get3A_1029 = tpu.vector_load %arg14[%get3A_1028] {strides = array<i32>} : memref<640xi32, #tpu.memory_space<vmem>>, vector<16xi32>,
        %max3A = arith.maxsi %get3A_1027, %get3A_1029 : vector<16xi32>
        %swap3A_1030 = arith.index_cast %mul3A_1026 : i32 to index
        %swap3A_1031 = tpu.vector_load %arg15[%swap3A_1030] {strides = array<i32>} : memref<640xi32, #tpu.memory_space<vmem>>, vector<16xi32>,
        tpu.vector_store %arg15[%swap3A_1030], %max3A {strides = array<i32>} : memref<640xi32, #tpu.memory_space<vmem>>, vector<16xi32>,
        %scan3A_1032 = arith.constant 0 : i32
        scf.yield %scan3A_1032 : i32
      }
      %scan3A_241 = arith.constant 40 : i32
      %dma_start3A_242 = arith.constant 11 : i32
      %dma_start3A_243 = tpu.memref_slice %arg21[%dma_start3A_242, %mul3A_3] : memref<16x10240xi32, #tpu.memory_space<vmem_shared>> -> memref<1x640xi32, #tpu.memory_space<vmem_shared>>
      %dma_start3A_244 = tpu.memref_squeeze %dma_start3A_243 : memref<1x640xi32, #tpu.memory_space<vmem_shared>> -> memref<640xi32, #tpu.memory_space<vmem_shared>>
      %dma_start3A_245 = tpu.memref_slice %arg21[%dma_start3A_242, %mul3A_3] : memref<16x10240xi32, #tpu.memory_space<vmem_shared>> -> memref<1x640xi32, #tpu.memory_space<vmem_shared>>
      %dma_start3A_246 = tpu.memref_squeeze %dma_start3A_245 : memref<1x640xi32, #tpu.memory_space<vmem_shared>> -> memref<640xi32, #tpu.memory_space<vmem_shared>>
      tpu.enqueue_dma source(%dma_start3A_246 : memref<640xi32, #tpu.memory_space<vmem_shared>>) target(%arg14 : memref<640xi32, #tpu.memory_space<vmem>>) target_semaphore(%arg24 : memref<!tpu.dma_semaphore, #tpu.memory_space<semaphore_mem>>)
      %dma_wait3A_247 = arith.constant 10 : i32
      %dma_wait3A_248 = tpu.memref_slice %arg21[%dma_wait3A_247, %mul3A_3] : memref<16x10240xi32, #tpu.memory_space<vmem_shared>> -> memref<1x640xi32, #tpu.memory_space<vmem_shared>>
      %dma_wait3A_249 = tpu.memref_squeeze %dma_wait3A_248 : memref<1x640xi32, #tpu.memory_space<vmem_shared>> -> memref<640xi32, #tpu.memory_space<vmem_shared>>
      %dma_wait3A_250 = tpu.memref_slice %arg21[%dma_wait3A_247, %mul3A_3] : memref<16x10240xi32, #tpu.memory_space<vmem_shared>> -> memref<1x640xi32, #tpu.memory_space<vmem_shared>>
      %dma_wait3A_251 = tpu.memref_squeeze %dma_wait3A_250 : memref<1x640xi32, #tpu.memory_space<vmem_shared>> -> memref<640xi32, #tpu.memory_space<vmem_shared>>
      tpu.wait_dma2 semaphore(%arg23 : memref<!tpu.dma_semaphore, #tpu.memory_space<semaphore_mem>>) src(%dma_wait3A_251 : memref<640xi32, #tpu.memory_space<vmem_shared>>) dst(%arg13 : memref<640xi32, #tpu.memory_space<vmem>>)
      %scan3A_252 = arith.constant 0 : i32
      %scan3A_253 = arith.constant 0 : i32
      %scan3A_254 = arith.constant 40 : i32
      %scan3A_255 = arith.addi %scan3A_253, %scan3A_254 : i32
      %scan3A_256 = arith.constant 1 : i32
      %scan3A_257 = scf.for %scan3A_1023 = %scan3A_253 to %scan3A_255 step %scan3A_256 iter_args(%scan3A_1024 = %scan3A_252) -> (i32)  : i32 {
        %mul3A_1025 = arith.constant 16 : i32
        %mul3A_1026 = arith.muli %scan3A_1023, %mul3A_1025 : i32
        %get3A = arith.index_cast %mul3A_1026 : i32 to index
        %get3A_1027 = tpu.vector_load %arg15[%get3A] {strides = array<i32>} : memref<640xi32, #tpu.memory_space<vmem>>, vector<16xi32>,
        %get3A_1028 = arith.index_cast %mul3A_1026 : i32 to index
        %get3A_1029 = tpu.vector_load %arg13[%get3A_1028] {strides = array<i32>} : memref<640xi32, #tpu.memory_space<vmem>>, vector<16xi32>,
        %max3A = arith.maxsi %get3A_1027, %get3A_1029 : vector<16xi32>
        %swap3A_1030 = arith.index_cast %mul3A_1026 : i32 to index
        %swap3A_1031 = tpu.vector_load %arg15[%swap3A_1030] {strides = array<i32>} : memref<640xi32, #tpu.memory_space<vmem>>, vector<16xi32>,
        tpu.vector_store %arg15[%swap3A_1030], %max3A {strides = array<i32>} : memref<640xi32, #tpu.memory_space<vmem>>, vector<16xi32>,
        %scan3A_1032 = arith.constant 0 : i32
        scf.yield %scan3A_1032 : i32
      }
      %scan3A_258 = arith.constant 40 : i32
      %dma_start3A_259 = arith.constant 12 : i32
      %dma_start3A_260 = tpu.memref_slice %arg21[%dma_start3A_259, %mul3A_3] : memref<16x10240xi32, #tpu.memory_space<vmem_shared>> -> memref<1x640xi32, #tpu.memory_space<vmem_shared>>
      %dma_start3A_261 = tpu.memref_squeeze %dma_start3A_260 : memref<1x640xi32, #tpu.memory_space<vmem_shared>> -> memref<640xi32, #tpu.memory_space<vmem_shared>>
      %dma_start3A_262 = tpu.memref_slice %arg21[%dma_start3A_259, %mul3A_3] : memref<16x10240xi32, #tpu.memory_space<vmem_shared>> -> memref<1x640xi32, #tpu.memory_space<vmem_shared>>
      %dma_start3A_263 = tpu.memref_squeeze %dma_start3A_262 : memref<1x640xi32, #tpu.memory_space<vmem_shared>> -> memref<640xi32, #tpu.memory_space<vmem_shared>>
      tpu.enqueue_dma source(%dma_start3A_263 : memref<640xi32, #tpu.memory_space<vmem_shared>>) target(%arg13 : memref<640xi32, #tpu.memory_space<vmem>>) target_semaphore(%arg23 : memref<!tpu.dma_semaphore, #tpu.memory_space<semaphore_mem>>)
      %dma_wait3A_264 = arith.constant 11 : i32
      %dma_wait3A_265 = tpu.memref_slice %arg21[%dma_wait3A_264, %mul3A_3] : memref<16x10240xi32, #tpu.memory_space<vmem_shared>> -> memref<1x640xi32, #tpu.memory_space<vmem_shared>>
      %dma_wait3A_266 = tpu.memref_squeeze %dma_wait3A_265 : memref<1x640xi32, #tpu.memory_space<vmem_shared>> -> memref<640xi32, #tpu.memory_space<vmem_shared>>
      %dma_wait3A_267 = tpu.memref_slice %arg21[%dma_wait3A_264, %mul3A_3] : memref<16x10240xi32, #tpu.memory_space<vmem_shared>> -> memref<1x640xi32, #tpu.memory_space<vmem_shared>>
      %dma_wait3A_268 = tpu.memref_squeeze %dma_wait3A_267 : memref<1x640xi32, #tpu.memory_space<vmem_shared>> -> memref<640xi32, #tpu.memory_space<vmem_shared>>
      tpu.wait_dma2 semaphore(%arg24 : memref<!tpu.dma_semaphore, #tpu.memory_space<semaphore_mem>>) src(%dma_wait3A_268 : memref<640xi32, #tpu.memory_space<vmem_shared>>) dst(%arg14 : memref<640xi32, #tpu.memory_space<vmem>>)
      %scan3A_269 = arith.constant 0 : i32
      %scan3A_270 = arith.constant 0 : i32
      %scan3A_271 = arith.constant 40 : i32
      %scan3A_272 = arith.addi %scan3A_270, %scan3A_271 : i32
      %scan3A_273 = arith.constant 1 : i32
      %scan3A_274 = scf.for %scan3A_1023 = %scan3A_270 to %scan3A_272 step %scan3A_273 iter_args(%scan3A_1024 = %scan3A_269) -> (i32)  : i32 {
        %mul3A_1025 = arith.constant 16 : i32
        %mul3A_1026 = arith.muli %scan3A_1023, %mul3A_1025 : i32
        %get3A = arith.index_cast %mul3A_1026 : i32 to index
        %get3A_1027 = tpu.vector_load %arg15[%get3A] {strides = array<i32>} : memref<640xi32, #tpu.memory_space<vmem>>, vector<16xi32>,
        %get3A_1028 = arith.index_cast %mul3A_1026 : i32 to index
        %get3A_1029 = tpu.vector_load %arg14[%get3A_1028] {strides = array<i32>} : memref<640xi32, #tpu.memory_space<vmem>>, vector<16xi32>,
        %max3A = arith.maxsi %get3A_1027, %get3A_1029 : vector<16xi32>
        %swap3A_1030 = arith.index_cast %mul3A_1026 : i32 to index
        %swap3A_1031 = tpu.vector_load %arg15[%swap3A_1030] {strides = array<i32>} : memref<640xi32, #tpu.memory_space<vmem>>, vector<16xi32>,
        tpu.vector_store %arg15[%swap3A_1030], %max3A {strides = array<i32>} : memref<640xi32, #tpu.memory_space<vmem>>, vector<16xi32>,
        %scan3A_1032 = arith.constant 0 : i32
        scf.yield %scan3A_1032 : i32
      }
      %scan3A_275 = arith.constant 40 : i32
      %dma_start3A_276 = arith.constant 13 : i32
      %dma_start3A_277 = tpu.memref_slice %arg21[%dma_start3A_276, %mul3A_3] : memref<16x10240xi32, #tpu.memory_space<vmem_shared>> -> memref<1x640xi32, #tpu.memory_space<vmem_shared>>
      %dma_start3A_278 = tpu.memref_squeeze %dma_start3A_277 : memref<1x640xi32, #tpu.memory_space<vmem_shared>> -> memref<640xi32, #tpu.memory_space<vmem_shared>>
      %dma_start3A_279 = tpu.memref_slice %arg21[%dma_start3A_276, %mul3A_3] : memref<16x10240xi32, #tpu.memory_space<vmem_shared>> -> memref<1x640xi32, #tpu.memory_space<vmem_shared>>
      %dma_start3A_280 = tpu.memref_squeeze %dma_start3A_279 : memref<1x640xi32, #tpu.memory_space<vmem_shared>> -> memref<640xi32, #tpu.memory_space<vmem_shared>>
      tpu.enqueue_dma source(%dma_start3A_280 : memref<640xi32, #tpu.memory_space<vmem_shared>>) target(%arg14 : memref<640xi32, #tpu.memory_space<vmem>>) target_semaphore(%arg24 : memref<!tpu.dma_semaphore, #tpu.memory_space<semaphore_mem>>)
      %dma_wait3A_281 = arith.constant 12 : i32
      %dma_wait3A_282 = tpu.memref_slice %arg21[%dma_wait3A_281, %mul3A_3] : memref<16x10240xi32, #tpu.memory_space<vmem_shared>> -> memref<1x640xi32, #tpu.memory_space<vmem_shared>>
      %dma_wait3A_283 = tpu.memref_squeeze %dma_wait3A_282 : memref<1x640xi32, #tpu.memory_space<vmem_shared>> -> memref<640xi32, #tpu.memory_space<vmem_shared>>
      %dma_wait3A_284 = tpu.memref_slice %arg21[%dma_wait3A_281, %mul3A_3] : memref<16x10240xi32, #tpu.memory_space<vmem_shared>> -> memref<1x640xi32, #tpu.memory_space<vmem_shared>>
      %dma_wait3A_285 = tpu.memref_squeeze %dma_wait3A_284 : memref<1x640xi32, #tpu.memory_space<vmem_shared>> -> memref<640xi32, #tpu.memory_space<vmem_shared>>
      tpu.wait_dma2 semaphore(%arg23 : memref<!tpu.dma_semaphore, #tpu.memory_space<semaphore_mem>>) src(%dma_wait3A_285 : memref<640xi32, #tpu.memory_space<vmem_shared>>) dst(%arg13 : memref<640xi32, #tpu.memory_space<vmem>>)
      %scan3A_286 = arith.constant 0 : i32
      %scan3A_287 = arith.constant 0 : i32
      %scan3A_288 = arith.constant 40 : i32
      %scan3A_289 = arith.addi %scan3A_287, %scan3A_288 : i32
      %scan3A_290 = arith.constant 1 : i32
      %scan3A_291 = scf.for %scan3A_1023 = %scan3A_287 to %scan3A_289 step %scan3A_290 iter_args(%scan3A_1024 = %scan3A_286) -> (i32)  : i32 {
        %mul3A_1025 = arith.constant 16 : i32
        %mul3A_1026 = arith.muli %scan3A_1023, %mul3A_1025 : i32
        %get3A = arith.index_cast %mul3A_1026 : i32 to index
        %get3A_1027 = tpu.vector_load %arg15[%get3A] {strides = array<i32>} : memref<640xi32, #tpu.memory_space<vmem>>, vector<16xi32>,
        %get3A_1028 = arith.index_cast %mul3A_1026 : i32 to index
        %get3A_1029 = tpu.vector_load %arg13[%get3A_1028] {strides = array<i32>} : memref<640xi32, #tpu.memory_space<vmem>>, vector<16xi32>,
        %max3A = arith.maxsi %get3A_1027, %get3A_1029 : vector<16xi32>
        %swap3A_1030 = arith.index_cast %mul3A_1026 : i32 to index
        %swap3A_1031 = tpu.vector_load %arg15[%swap3A_1030] {strides = array<i32>} : memref<640xi32, #tpu.memory_space<vmem>>, vector<16xi32>,
        tpu.vector_store %arg15[%swap3A_1030], %max3A {strides = array<i32>} : memref<640xi32, #tpu.memory_space<vmem>>, vector<16xi32>,
        %scan3A_1032 = arith.constant 0 : i32
        scf.yield %scan3A_1032 : i32
      }
      %scan3A_292 = arith.constant 40 : i32
      %dma_start3A_293 = arith.constant 14 : i32
      %dma_start3A_294 = tpu.memref_slice %arg21[%dma_start3A_293, %mul3A_3] : memref<16x10240xi32, #tpu.memory_space<vmem_shared>> -> memref<1x640xi32, #tpu.memory_space<vmem_shared>>
      %dma_start3A_295 = tpu.memref_squeeze %dma_start3A_294 : memref<1x640xi32, #tpu.memory_space<vmem_shared>> -> memref<640xi32, #tpu.memory_space<vmem_shared>>
      %dma_start3A_296 = tpu.memref_slice %arg21[%dma_start3A_293, %mul3A_3] : memref<16x10240xi32, #tpu.memory_space<vmem_shared>> -> memref<1x640xi32, #tpu.memory_space<vmem_shared>>
      %dma_start3A_297 = tpu.memref_squeeze %dma_start3A_296 : memref<1x640xi32, #tpu.memory_space<vmem_shared>> -> memref<640xi32, #tpu.memory_space<vmem_shared>>
      tpu.enqueue_dma source(%dma_start3A_297 : memref<640xi32, #tpu.memory_space<vmem_shared>>) target(%arg13 : memref<640xi32, #tpu.memory_space<vmem>>) target_semaphore(%arg23 : memref<!tpu.dma_semaphore, #tpu.memory_space<semaphore_mem>>)
      %dma_wait3A_298 = arith.constant 13 : i32
      %dma_wait3A_299 = tpu.memref_slice %arg21[%dma_wait3A_298, %mul3A_3] : memref<16x10240xi32, #tpu.memory_space<vmem_shared>> -> memref<1x640xi32, #tpu.memory_space<vmem_shared>>
      %dma_wait3A_300 = tpu.memref_squeeze %dma_wait3A_299 : memref<1x640xi32, #tpu.memory_space<vmem_shared>> -> memref<640xi32, #tpu.memory_space<vmem_shared>>
      %dma_wait3A_301 = tpu.memref_slice %arg21[%dma_wait3A_298, %mul3A_3] : memref<16x10240xi32, #tpu.memory_space<vmem_shared>> -> memref<1x640xi32, #tpu.memory_space<vmem_shared>>
      %dma_wait3A_302 = tpu.memref_squeeze %dma_wait3A_301 : memref<1x640xi32, #tpu.memory_space<vmem_shared>> -> memref<640xi32, #tpu.memory_space<vmem_shared>>
      tpu.wait_dma2 semaphore(%arg24 : memref<!tpu.dma_semaphore, #tpu.memory_space<semaphore_mem>>) src(%dma_wait3A_302 : memref<640xi32, #tpu.memory_space<vmem_shared>>) dst(%arg14 : memref<640xi32, #tpu.memory_space<vmem>>)
      %scan3A_303 = arith.constant 0 : i32
      %scan3A_304 = arith.constant 0 : i32
      %scan3A_305 = arith.constant 40 : i32
      %scan3A_306 = arith.addi %scan3A_304, %scan3A_305 : i32
      %scan3A_307 = arith.constant 1 : i32
      %scan3A_308 = scf.for %scan3A_1023 = %scan3A_304 to %scan3A_306 step %scan3A_307 iter_args(%scan3A_1024 = %scan3A_303) -> (i32)  : i32 {
        %mul3A_1025 = arith.constant 16 : i32
        %mul3A_1026 = arith.muli %scan3A_1023, %mul3A_1025 : i32
        %get3A = arith.index_cast %mul3A_1026 : i32 to index
        %get3A_1027 = tpu.vector_load %arg15[%get3A] {strides = array<i32>} : memref<640xi32, #tpu.memory_space<vmem>>, vector<16xi32>,
        %get3A_1028 = arith.index_cast %mul3A_1026 : i32 to index
        %get3A_1029 = tpu.vector_load %arg14[%get3A_1028] {strides = array<i32>} : memref<640xi32, #tpu.memory_space<vmem>>, vector<16xi32>,
        %max3A = arith.maxsi %get3A_1027, %get3A_1029 : vector<16xi32>
        %swap3A_1030 = arith.index_cast %mul3A_1026 : i32 to index
        %swap3A_1031 = tpu.vector_load %arg15[%swap3A_1030] {strides = array<i32>} : memref<640xi32, #tpu.memory_space<vmem>>, vector<16xi32>,
        tpu.vector_store %arg15[%swap3A_1030], %max3A {strides = array<i32>} : memref<640xi32, #tpu.memory_space<vmem>>, vector<16xi32>,
        %scan3A_1032 = arith.constant 0 : i32
        scf.yield %scan3A_1032 : i32
      }
      %scan3A_309 = arith.constant 40 : i32
      %dma_start3A_310 = arith.constant 15 : i32
      %dma_start3A_311 = tpu.memref_slice %arg21[%dma_start3A_310, %mul3A_3] : memref<16x10240xi32, #tpu.memory_space<vmem_shared>> -> memref<1x640xi32, #tpu.memory_space<vmem_shared>>
      %dma_start3A_312 = tpu.memref_squeeze %dma_start3A_311 : memref<1x640xi32, #tpu.memory_space<vmem_shared>> -> memref<640xi32, #tpu.memory_space<vmem_shared>>
      %dma_start3A_313 = tpu.memref_slice %arg21[%dma_start3A_310, %mul3A_3] : memref<16x10240xi32, #tpu.memory_space<vmem_shared>> -> memref<1x640xi32, #tpu.memory_space<vmem_shared>>
      %dma_start3A_314 = tpu.memref_squeeze %dma_start3A_313 : memref<1x640xi32, #tpu.memory_space<vmem_shared>> -> memref<640xi32, #tpu.memory_space<vmem_shared>>
      tpu.enqueue_dma source(%dma_start3A_314 : memref<640xi32, #tpu.memory_space<vmem_shared>>) target(%arg14 : memref<640xi32, #tpu.memory_space<vmem>>) target_semaphore(%arg24 : memref<!tpu.dma_semaphore, #tpu.memory_space<semaphore_mem>>)
      %dma_wait3A_315 = arith.constant 14 : i32
      %dma_wait3A_316 = tpu.memref_slice %arg21[%dma_wait3A_315, %mul3A_3] : memref<16x10240xi32, #tpu.memory_space<vmem_shared>> -> memref<1x640xi32, #tpu.memory_space<vmem_shared>>
      %dma_wait3A_317 = tpu.memref_squeeze %dma_wait3A_316 : memref<1x640xi32, #tpu.memory_space<vmem_shared>> -> memref<640xi32, #tpu.memory_space<vmem_shared>>
      %dma_wait3A_318 = tpu.memref_slice %arg21[%dma_wait3A_315, %mul3A_3] : memref<16x10240xi32, #tpu.memory_space<vmem_shared>> -> memref<1x640xi32, #tpu.memory_space<vmem_shared>>
      %dma_wait3A_319 = tpu.memref_squeeze %dma_wait3A_318 : memref<1x640xi32, #tpu.memory_space<vmem_shared>> -> memref<640xi32, #tpu.memory_space<vmem_shared>>
      tpu.wait_dma2 semaphore(%arg23 : memref<!tpu.dma_semaphore, #tpu.memory_space<semaphore_mem>>) src(%dma_wait3A_319 : memref<640xi32, #tpu.memory_space<vmem_shared>>) dst(%arg13 : memref<640xi32, #tpu.memory_space<vmem>>)
      %scan3A_320 = arith.constant 0 : i32
      %scan3A_321 = arith.constant 0 : i32
      %scan3A_322 = arith.constant 40 : i32
      %scan3A_323 = arith.addi %scan3A_321, %scan3A_322 : i32
      %scan3A_324 = arith.constant 1 : i32
      %scan3A_325 = scf.for %scan3A_1023 = %scan3A_321 to %scan3A_323 step %scan3A_324 iter_args(%scan3A_1024 = %scan3A_320) -> (i32)  : i32 {
        %mul3A_1025 = arith.constant 16 : i32
        %mul3A_1026 = arith.muli %scan3A_1023, %mul3A_1025 : i32
        %get3A = arith.index_cast %mul3A_1026 : i32 to index
        %get3A_1027 = tpu.vector_load %arg15[%get3A] {strides = array<i32>} : memref<640xi32, #tpu.memory_space<vmem>>, vector<16xi32>,
        %get3A_1028 = arith.index_cast %mul3A_1026 : i32 to index
        %get3A_1029 = tpu.vector_load %arg13[%get3A_1028] {strides = array<i32>} : memref<640xi32, #tpu.memory_space<vmem>>, vector<16xi32>,
        %max3A = arith.maxsi %get3A_1027, %get3A_1029 : vector<16xi32>
        %swap3A_1030 = arith.index_cast %mul3A_1026 : i32 to index
        %swap3A_1031 = tpu.vector_load %arg15[%swap3A_1030] {strides = array<i32>} : memref<640xi32, #tpu.memory_space<vmem>>, vector<16xi32>,
        tpu.vector_store %arg15[%swap3A_1030], %max3A {strides = array<i32>} : memref<640xi32, #tpu.memory_space<vmem>>, vector<16xi32>,
        %scan3A_1032 = arith.constant 0 : i32
        scf.yield %scan3A_1032 : i32
      }
      %scan3A_326 = arith.constant 40 : i32
      %dma_wait3A_327 = arith.constant 15 : i32
      %dma_wait3A_328 = tpu.memref_slice %arg21[%dma_wait3A_327, %mul3A_3] : memref<16x10240xi32, #tpu.memory_space<vmem_shared>> -> memref<1x640xi32, #tpu.memory_space<vmem_shared>>
      %dma_wait3A_329 = tpu.memref_squeeze %dma_wait3A_328 : memref<1x640xi32, #tpu.memory_space<vmem_shared>> -> memref<640xi32, #tpu.memory_space<vmem_shared>>
      %dma_wait3A_330 = tpu.memref_slice %arg21[%dma_wait3A_327, %mul3A_3] : memref<16x10240xi32, #tpu.memory_space<vmem_shared>> -> memref<1x640xi32, #tpu.memory_space<vmem_shared>>
      %dma_wait3A_331 = tpu.memref_squeeze %dma_wait3A_330 : memref<1x640xi32, #tpu.memory_space<vmem_shared>> -> memref<640xi32, #tpu.memory_space<vmem_shared>>
      tpu.wait_dma2 semaphore(%arg24 : memref<!tpu.dma_semaphore, #tpu.memory_space<semaphore_mem>>) src(%dma_wait3A_331 : memref<640xi32, #tpu.memory_space<vmem_shared>>) dst(%arg14 : memref<640xi32, #tpu.memory_space<vmem>>)
      %scan3A_332 = arith.constant 0 : i32
      %scan3A_333 = arith.constant 0 : i32
      %scan3A_334 = arith.constant 40 : i32
      %scan3A_335 = arith.addi %scan3A_333, %scan3A_334 : i32
      %scan3A_336 = arith.constant 1 : i32
      %scan3A_337 = scf.for %scan3A_1023 = %scan3A_333 to %scan3A_335 step %scan3A_336 iter_args(%scan3A_1024 = %scan3A_332) -> (i32)  : i32 {
        %mul3A_1025 = arith.constant 16 : i32
        %mul3A_1026 = arith.muli %scan3A_1023, %mul3A_1025 : i32
        %get3A = arith.index_cast %mul3A_1026 : i32 to index
        %get3A_1027 = tpu.vector_load %arg15[%get3A] {strides = array<i32>} : memref<640xi32, #tpu.memory_space<vmem>>, vector<16xi32>,
        %get3A_1028 = arith.index_cast %mul3A_1026 : i32 to index
        %get3A_1029 = tpu.vector_load %arg14[%get3A_1028] {strides = array<i32>} : memref<640xi32, #tpu.memory_space<vmem>>, vector<16xi32>,
        %max3A = arith.maxsi %get3A_1027, %get3A_1029 : vector<16xi32>
        %swap3A_1030 = arith.index_cast %mul3A_1026 : i32 to index
        %swap3A_1031 = tpu.vector_load %arg15[%swap3A_1030] {strides = array<i32>} : memref<640xi32, #tpu.memory_space<vmem>>, vector<16xi32>,
        tpu.vector_store %arg15[%swap3A_1030], %max3A {strides = array<i32>} : memref<640xi32, #tpu.memory_space<vmem>>, vector<16xi32>,
        %scan3A_1032 = arith.constant 0 : i32
        scf.yield %scan3A_1032 : i32
      }
      %scan3A_338 = arith.constant 40 : i32
      "tpu.region"() ({
        %run_scoped3A_1023 = tpu.sem_alloc : memref<!tpu.dma_semaphore, #tpu.memory_space<semaphore_mem>>
        %dma_start3A_1024 = tpu.memref_slice %arg22[%mul3A_3] : memref<10240xi32, #tpu.memory_space<vmem_shared>> -> memref<640xi32, #tpu.memory_space<vmem_shared>>
        %dma_start3A_1025 = tpu.memref_slice %arg22[%mul3A_3] : memref<10240xi32, #tpu.memory_space<vmem_shared>> -> memref<640xi32, #tpu.memory_space<vmem_shared>>
        tpu.enqueue_dma source(%arg15 : memref<640xi32, #tpu.memory_space<vmem>>) target(%dma_start3A_1025 : memref<640xi32, #tpu.memory_space<vmem_shared>>) target_semaphore(%run_scoped3A_1023 : memref<!tpu.dma_semaphore, #tpu.memory_space<semaphore_mem>>)
        %dma_wait3A_1026 = tpu.memref_slice %arg22[%mul3A_3] : memref<10240xi32, #tpu.memory_space<vmem_shared>> -> memref<640xi32, #tpu.memory_space<vmem_shared>>
        %dma_wait3A_1027 = tpu.memref_slice %arg22[%mul3A_3] : memref<10240xi32, #tpu.memory_space<vmem_shared>> -> memref<640xi32, #tpu.memory_space<vmem_shared>>
        tpu.wait_dma2 semaphore(%run_scoped3A_1023 : memref<!tpu.dma_semaphore, #tpu.memory_space<semaphore_mem>>) src(%arg15 : memref<640xi32, #tpu.memory_space<vmem>>) dst(%dma_wait3A_1027 : memref<640xi32, #tpu.memory_space<vmem_shared>>)
        tpu.yield
      }) : () -> ()
      %barrier3A_339 = arith.constant 0 : index
      tpu.barrier barrier_id(%barrier3A_339)
      "tpu.region"() ({
        %run_scoped3A_1023 = tpu.sem_alloc : memref<!tpu.dma_semaphore, #tpu.memory_space<semaphore_mem>>
        tpu.enqueue_dma source(%arg22 : memref<10240xi32, #tpu.memory_space<vmem_shared>>) target(%arg9 : memref<10240xi32, #tpu.memory_space<vmem>>) target_semaphore(%run_scoped3A_1023 : memref<!tpu.dma_semaphore, #tpu.memory_space<semaphore_mem>>)
        tpu.wait_dma2 semaphore(%run_scoped3A_1023 : memref<!tpu.dma_semaphore, #tpu.memory_space<semaphore_mem>>) src(%arg22 : memref<10240xi32, #tpu.memory_space<vmem_shared>>) dst(%arg9 : memref<10240xi32, #tpu.memory_space<vmem>>)
        tpu.yield
      }) : () -> ()
      %scan3A_340 = arith.constant 0 : i32
      %scan3A_341 = arith.constant 0 : i32
      %scan3A_342 = arith.constant 125 : i32
      %scan3A_343 = arith.addi %scan3A_341, %scan3A_342 : i32
      %scan3A_344 = arith.constant 1 : i32
      %scan3A_345 = scf.for %scan3A_1023 = %scan3A_341 to %scan3A_343 step %scan3A_344 iter_args(%scan3A_1024 = %scan3A_340) -> (i32)  : i32 {
        %mul3A_1025 = arith.constant 10 : i32
        %mul3A_1026 = arith.muli %scan3A_1023, %mul3A_1025 : i32
        %add3A_1027 = arith.constant 0 : i32
        %add3A_1028 = arith.addi %mul3A_1026, %add3A_1027 : i32
        %mul3A_1029 = arith.constant 16 : i32
        %mul3A_1030 = arith.muli %add3A_1028, %mul3A_1029 : i32
        %mul3A_1031 = arith.constant 10 : i32
        %mul3A_1032 = arith.muli %scan3A_1023, %mul3A_1031 : i32
        %add3A_1033 = arith.constant 1 : i32
        %add3A_1034 = arith.addi %mul3A_1032, %add3A_1033 : i32
        %mul3A_1035 = arith.constant 16 : i32
        %mul3A_1036 = arith.muli %add3A_1034, %mul3A_1035 : i32
        %mul3A_1037 = arith.constant 10 : i32
        %mul3A_1038 = arith.muli %scan3A_1023, %mul3A_1037 : i32
        %add3A_1039 = arith.constant 2 : i32
        %add3A_1040 = arith.addi %mul3A_1038, %add3A_1039 : i32
        %mul3A_1041 = arith.constant 16 : i32
        %mul3A_1042 = arith.muli %add3A_1040, %mul3A_1041 : i32
        %mul3A_1043 = arith.constant 10 : i32
        %mul3A_1044 = arith.muli %scan3A_1023, %mul3A_1043 : i32
        %add3A_1045 = arith.constant 3 : i32
        %add3A_1046 = arith.addi %mul3A_1044, %add3A_1045 : i32
        %mul3A_1047 = arith.constant 16 : i32
        %mul3A_1048 = arith.muli %add3A_1046, %mul3A_1047 : i32
        %mul3A_1049 = arith.constant 10 : i32
        %mul3A_1050 = arith.muli %scan3A_1023, %mul3A_1049 : i32
        %add3A_1051 = arith.constant 4 : i32
        %add3A_1052 = arith.addi %mul3A_1050, %add3A_1051 : i32
        %mul3A_1053 = arith.constant 16 : i32
        %mul3A_1054 = arith.muli %add3A_1052, %mul3A_1053 : i32
        %mul3A_1055 = arith.constant 10 : i32
        %mul3A_1056 = arith.muli %scan3A_1023, %mul3A_1055 : i32
        %add3A_1057 = arith.constant 5 : i32
        %add3A_1058 = arith.addi %mul3A_1056, %add3A_1057 : i32
        %mul3A_1059 = arith.constant 16 : i32
        %mul3A_1060 = arith.muli %add3A_1058, %mul3A_1059 : i32
        %mul3A_1061 = arith.constant 10 : i32
        %mul3A_1062 = arith.muli %scan3A_1023, %mul3A_1061 : i32
        %add3A_1063 = arith.constant 6 : i32
        %add3A_1064 = arith.addi %mul3A_1062, %add3A_1063 : i32
        %mul3A_1065 = arith.constant 16 : i32
        %mul3A_1066 = arith.muli %add3A_1064, %mul3A_1065 : i32
        %mul3A_1067 = arith.constant 10 : i32
        %mul3A_1068 = arith.muli %scan3A_1023, %mul3A_1067 : i32
        %add3A_1069 = arith.constant 7 : i32
        %add3A_1070 = arith.addi %mul3A_1068, %add3A_1069 : i32
        %mul3A_1071 = arith.constant 16 : i32
        %mul3A_1072 = arith.muli %add3A_1070, %mul3A_1071 : i32
        %mul3A_1073 = arith.constant 10 : i32
        %mul3A_1074 = arith.muli %scan3A_1023, %mul3A_1073 : i32
        %add3A_1075 = arith.constant 8 : i32
        %add3A_1076 = arith.addi %mul3A_1074, %add3A_1075 : i32
        %mul3A_1077 = arith.constant 16 : i32
        %mul3A_1078 = arith.muli %add3A_1076, %mul3A_1077 : i32
        %mul3A_1079 = arith.constant 10 : i32
        %mul3A_1080 = arith.muli %scan3A_1023, %mul3A_1079 : i32
        %add3A_1081 = arith.constant 9 : i32
        %add3A_1082 = arith.addi %mul3A_1080, %add3A_1081 : i32
        %mul3A_1083 = arith.constant 16 : i32
        %mul3A_1084 = arith.muli %add3A_1082, %mul3A_1083 : i32
        %mul3A_1085 = arith.constant 10 : i32
        %mul3A_1086 = arith.muli %scan3A_1023, %mul3A_1085 : i32
        %add3A_1087 = arith.constant 0 : i32
        %add3A_1088 = arith.addi %mul3A_1086, %add3A_1087 : i32
        %mul3A_1089 = arith.constant 16 : i32
        %mul3A_1090 = arith.muli %add3A_1088, %mul3A_1089 : i32
        %broadcast_in_dim3A_1091 = vector.broadcast %mul3A_1090 : i32 to vector<16xi32>
        %add3A_1092 = arith.addi %broadcast_in_dim3A_1091, %iota3A : vector<16xi32>
        %mul3A_1093 = arith.constant 10 : i32
        %mul3A_1094 = arith.muli %scan3A_1023, %mul3A_1093 : i32
        %add3A_1095 = arith.constant 1 : i32
        %add3A_1096 = arith.addi %mul3A_1094, %add3A_1095 : i32
        %mul3A_1097 = arith.constant 16 : i32
        %mul3A_1098 = arith.muli %add3A_1096, %mul3A_1097 : i32
        %broadcast_in_dim3A_1099 = vector.broadcast %mul3A_1098 : i32 to vector<16xi32>
        %add3A_1100 = arith.addi %broadcast_in_dim3A_1099, %iota3A : vector<16xi32>
        %mul3A_1101 = arith.constant 10 : i32
        %mul3A_1102 = arith.muli %scan3A_1023, %mul3A_1101 : i32
        %add3A_1103 = arith.constant 2 : i32
        %add3A_1104 = arith.addi %mul3A_1102, %add3A_1103 : i32
        %mul3A_1105 = arith.constant 16 : i32
        %mul3A_1106 = arith.muli %add3A_1104, %mul3A_1105 : i32
        %broadcast_in_dim3A_1107 = vector.broadcast %mul3A_1106 : i32 to vector<16xi32>
        %add3A_1108 = arith.addi %broadcast_in_dim3A_1107, %iota3A : vector<16xi32>
        %mul3A_1109 = arith.constant 10 : i32
        %mul3A_1110 = arith.muli %scan3A_1023, %mul3A_1109 : i32
        %add3A_1111 = arith.constant 3 : i32
        %add3A_1112 = arith.addi %mul3A_1110, %add3A_1111 : i32
        %mul3A_1113 = arith.constant 16 : i32
        %mul3A_1114 = arith.muli %add3A_1112, %mul3A_1113 : i32
        %broadcast_in_dim3A_1115 = vector.broadcast %mul3A_1114 : i32 to vector<16xi32>
        %add3A_1116 = arith.addi %broadcast_in_dim3A_1115, %iota3A : vector<16xi32>
        %mul3A_1117 = arith.constant 10 : i32
        %mul3A_1118 = arith.muli %scan3A_1023, %mul3A_1117 : i32
        %add3A_1119 = arith.constant 4 : i32
        %add3A_1120 = arith.addi %mul3A_1118, %add3A_1119 : i32
        %mul3A_1121 = arith.constant 16 : i32
        %mul3A_1122 = arith.muli %add3A_1120, %mul3A_1121 : i32
        %broadcast_in_dim3A_1123 = vector.broadcast %mul3A_1122 : i32 to vector<16xi32>
        %add3A_1124 = arith.addi %broadcast_in_dim3A_1123, %iota3A : vector<16xi32>
        %mul3A_1125 = arith.constant 10 : i32
        %mul3A_1126 = arith.muli %scan3A_1023, %mul3A_1125 : i32
        %add3A_1127 = arith.constant 5 : i32
        %add3A_1128 = arith.addi %mul3A_1126, %add3A_1127 : i32
        %mul3A_1129 = arith.constant 16 : i32
        %mul3A_1130 = arith.muli %add3A_1128, %mul3A_1129 : i32
        %broadcast_in_dim3A_1131 = vector.broadcast %mul3A_1130 : i32 to vector<16xi32>
        %add3A_1132 = arith.addi %broadcast_in_dim3A_1131, %iota3A : vector<16xi32>
        %mul3A_1133 = arith.constant 10 : i32
        %mul3A_1134 = arith.muli %scan3A_1023, %mul3A_1133 : i32
        %add3A_1135 = arith.constant 6 : i32
        %add3A_1136 = arith.addi %mul3A_1134, %add3A_1135 : i32
        %mul3A_1137 = arith.constant 16 : i32
        %mul3A_1138 = arith.muli %add3A_1136, %mul3A_1137 : i32
        %broadcast_in_dim3A_1139 = vector.broadcast %mul3A_1138 : i32 to vector<16xi32>
        %add3A_1140 = arith.addi %broadcast_in_dim3A_1139, %iota3A : vector<16xi32>
        %mul3A_1141 = arith.constant 10 : i32
        %mul3A_1142 = arith.muli %scan3A_1023, %mul3A_1141 : i32
        %add3A_1143 = arith.constant 7 : i32
        %add3A_1144 = arith.addi %mul3A_1142, %add3A_1143 : i32
        %mul3A_1145 = arith.constant 16 : i32
        %mul3A_1146 = arith.muli %add3A_1144, %mul3A_1145 : i32
        %broadcast_in_dim3A_1147 = vector.broadcast %mul3A_1146 : i32 to vector<16xi32>
        %add3A_1148 = arith.addi %broadcast_in_dim3A_1147, %iota3A : vector<16xi32>
        %mul3A_1149 = arith.constant 10 : i32
        %mul3A_1150 = arith.muli %scan3A_1023, %mul3A_1149 : i32
        %add3A_1151 = arith.constant 8 : i32
        %add3A_1152 = arith.addi %mul3A_1150, %add3A_1151 : i32
        %mul3A_1153 = arith.constant 16 : i32
        %mul3A_1154 = arith.muli %add3A_1152, %mul3A_1153 : i32
        %broadcast_in_dim3A_1155 = vector.broadcast %mul3A_1154 : i32 to vector<16xi32>
        %add3A_1156 = arith.addi %broadcast_in_dim3A_1155, %iota3A : vector<16xi32>
        %mul3A_1157 = arith.constant 10 : i32
        %mul3A_1158 = arith.muli %scan3A_1023, %mul3A_1157 : i32
        %add3A_1159 = arith.constant 9 : i32
        %add3A_1160 = arith.addi %mul3A_1158, %add3A_1159 : i32
        %mul3A_1161 = arith.constant 16 : i32
        %mul3A_1162 = arith.muli %add3A_1160, %mul3A_1161 : i32
        %broadcast_in_dim3A_1163 = vector.broadcast %mul3A_1162 : i32 to vector<16xi32>
        %add3A_1164 = arith.addi %broadcast_in_dim3A_1163, %iota3A : vector<16xi32>
        %get3A = arith.index_cast %mul3A_1030 : i32 to index
        %get3A_1165 = tpu.vector_load %arg7[%get3A] {strides = array<i32>} : memref<20000xi32, #tpu.memory_space<vmem>>, vector<16xi32>,
        %get3A_1166 = arith.index_cast %mul3A_1036 : i32 to index
        %get3A_1167 = tpu.vector_load %arg7[%get3A_1166] {strides = array<i32>} : memref<20000xi32, #tpu.memory_space<vmem>>, vector<16xi32>,
        %get3A_1168 = arith.index_cast %mul3A_1042 : i32 to index
        %get3A_1169 = tpu.vector_load %arg7[%get3A_1168] {strides = array<i32>} : memref<20000xi32, #tpu.memory_space<vmem>>, vector<16xi32>,
        %get3A_1170 = arith.index_cast %mul3A_1048 : i32 to index
        %get3A_1171 = tpu.vector_load %arg7[%get3A_1170] {strides = array<i32>} : memref<20000xi32, #tpu.memory_space<vmem>>, vector<16xi32>,
        %get3A_1172 = arith.index_cast %mul3A_1054 : i32 to index
        %get3A_1173 = tpu.vector_load %arg7[%get3A_1172] {strides = array<i32>} : memref<20000xi32, #tpu.memory_space<vmem>>, vector<16xi32>,
        %get3A_1174 = arith.index_cast %mul3A_1060 : i32 to index
        %get3A_1175 = tpu.vector_load %arg7[%get3A_1174] {strides = array<i32>} : memref<20000xi32, #tpu.memory_space<vmem>>, vector<16xi32>,
        %get3A_1176 = arith.index_cast %mul3A_1066 : i32 to index
        %get3A_1177 = tpu.vector_load %arg7[%get3A_1176] {strides = array<i32>} : memref<20000xi32, #tpu.memory_space<vmem>>, vector<16xi32>,
        %get3A_1178 = arith.index_cast %mul3A_1072 : i32 to index
        %get3A_1179 = tpu.vector_load %arg7[%get3A_1178] {strides = array<i32>} : memref<20000xi32, #tpu.memory_space<vmem>>, vector<16xi32>,
        %get3A_1180 = arith.index_cast %mul3A_1078 : i32 to index
        %get3A_1181 = tpu.vector_load %arg7[%get3A_1180] {strides = array<i32>} : memref<20000xi32, #tpu.memory_space<vmem>>, vector<16xi32>,
        %get3A_1182 = arith.index_cast %mul3A_1084 : i32 to index
        %get3A_1183 = tpu.vector_load %arg7[%get3A_1182] {strides = array<i32>} : memref<20000xi32, #tpu.memory_space<vmem>>, vector<16xi32>,
        %get3A_1184 = arith.index_cast %mul3A_1030 : i32 to index
        %get3A_1185 = tpu.vector_load %arg8[%get3A_1184] {strides = array<i32>} : memref<20000xi32, #tpu.memory_space<vmem>>, vector<16xi32>,
        %gather3A_1186 = tpu.vector_load_idx %arg9[%get3A_1165] : memref<10240xi32, #tpu.memory_space<vmem>>[vector<16xi32>], vector<16xi32>,
        %mul3A_1187 = arith.constant 20000 : i32
        %mul3A_1188 = arith.muli %arg1, %mul3A_1187 : i32
        %mul3A_1189 = arith.constant 10 : i32
        %mul3A_1190 = arith.muli %scan3A_1023, %mul3A_1189 : i32
        %add3A_1191 = arith.constant 0 : i32
        %add3A_1192 = arith.addi %mul3A_1190, %add3A_1191 : i32
        %mul3A_1193 = arith.constant 16 : i32
        %mul3A_1194 = arith.muli %add3A_1192, %mul3A_1193 : i32
        %add3A_1195 = arith.addi %mul3A_1188, %mul3A_1194 : i32
        %broadcast_in_dim3A_1196 = vector.broadcast %add3A_1195 : i32 to vector<16xi32>
        %add3A_1197 = arith.addi %broadcast_in_dim3A_1196, %iota3A : vector<16xi32>
        %eq3A_1198 = arith.cmpi eq, %get3A_1185, %gather3A_1186 : vector<16xi32>
        %select_n3A_1199 = arith.select %eq3A_1198, %add3A_1197, %broadcast_in_dim3A_2 : vector<16xi1>, vector<16xi32>
        %get3A_1200 = arith.index_cast %mul3A_1036 : i32 to index
        %get3A_1201 = tpu.vector_load %arg8[%get3A_1200] {strides = array<i32>} : memref<20000xi32, #tpu.memory_space<vmem>>, vector<16xi32>,
        %gather3A_1202 = tpu.vector_load_idx %arg9[%get3A_1167] : memref<10240xi32, #tpu.memory_space<vmem>>[vector<16xi32>], vector<16xi32>,
        %mul3A_1203 = arith.constant 20000 : i32
        %mul3A_1204 = arith.muli %arg1, %mul3A_1203 : i32
        %mul3A_1205 = arith.constant 10 : i32
        %mul3A_1206 = arith.muli %scan3A_1023, %mul3A_1205 : i32
        %add3A_1207 = arith.constant 1 : i32
        %add3A_1208 = arith.addi %mul3A_1206, %add3A_1207 : i32
        %mul3A_1209 = arith.constant 16 : i32
        %mul3A_1210 = arith.muli %add3A_1208, %mul3A_1209 : i32
        %add3A_1211 = arith.addi %mul3A_1204, %mul3A_1210 : i32
        %broadcast_in_dim3A_1212 = vector.broadcast %add3A_1211 : i32 to vector<16xi32>
        %add3A_1213 = arith.addi %broadcast_in_dim3A_1212, %iota3A : vector<16xi32>
        %eq3A_1214 = arith.cmpi eq, %get3A_1201, %gather3A_1202 : vector<16xi32>
        %select_n3A_1215 = arith.select %eq3A_1214, %add3A_1213, %broadcast_in_dim3A_2 : vector<16xi1>, vector<16xi32>
        %get3A_1216 = arith.index_cast %mul3A_1042 : i32 to index
        %get3A_1217 = tpu.vector_load %arg8[%get3A_1216] {strides = array<i32>} : memref<20000xi32, #tpu.memory_space<vmem>>, vector<16xi32>,
        %gather3A_1218 = tpu.vector_load_idx %arg9[%get3A_1169] : memref<10240xi32, #tpu.memory_space<vmem>>[vector<16xi32>], vector<16xi32>,
        %mul3A_1219 = arith.constant 20000 : i32
        %mul3A_1220 = arith.muli %arg1, %mul3A_1219 : i32
        %mul3A_1221 = arith.constant 10 : i32
        %mul3A_1222 = arith.muli %scan3A_1023, %mul3A_1221 : i32
        %add3A_1223 = arith.constant 2 : i32
        %add3A_1224 = arith.addi %mul3A_1222, %add3A_1223 : i32
        %mul3A_1225 = arith.constant 16 : i32
        %mul3A_1226 = arith.muli %add3A_1224, %mul3A_1225 : i32
        %add3A_1227 = arith.addi %mul3A_1220, %mul3A_1226 : i32
        %broadcast_in_dim3A_1228 = vector.broadcast %add3A_1227 : i32 to vector<16xi32>
        %add3A_1229 = arith.addi %broadcast_in_dim3A_1228, %iota3A : vector<16xi32>
        %eq3A_1230 = arith.cmpi eq, %get3A_1217, %gather3A_1218 : vector<16xi32>
        %select_n3A_1231 = arith.select %eq3A_1230, %add3A_1229, %broadcast_in_dim3A_2 : vector<16xi1>, vector<16xi32>
        %get3A_1232 = arith.index_cast %mul3A_1048 : i32 to index
        %get3A_1233 = tpu.vector_load %arg8[%get3A_1232] {strides = array<i32>} : memref<20000xi32, #tpu.memory_space<vmem>>, vector<16xi32>,
        %gather3A_1234 = tpu.vector_load_idx %arg9[%get3A_1171] : memref<10240xi32, #tpu.memory_space<vmem>>[vector<16xi32>], vector<16xi32>,
        %mul3A_1235 = arith.constant 20000 : i32
        %mul3A_1236 = arith.muli %arg1, %mul3A_1235 : i32
        %mul3A_1237 = arith.constant 10 : i32
        %mul3A_1238 = arith.muli %scan3A_1023, %mul3A_1237 : i32
        %add3A_1239 = arith.constant 3 : i32
        %add3A_1240 = arith.addi %mul3A_1238, %add3A_1239 : i32
        %mul3A_1241 = arith.constant 16 : i32
        %mul3A_1242 = arith.muli %add3A_1240, %mul3A_1241 : i32
        %add3A_1243 = arith.addi %mul3A_1236, %mul3A_1242 : i32
        %broadcast_in_dim3A_1244 = vector.broadcast %add3A_1243 : i32 to vector<16xi32>
        %add3A_1245 = arith.addi %broadcast_in_dim3A_1244, %iota3A : vector<16xi32>
        %eq3A_1246 = arith.cmpi eq, %get3A_1233, %gather3A_1234 : vector<16xi32>
        %select_n3A_1247 = arith.select %eq3A_1246, %add3A_1245, %broadcast_in_dim3A_2 : vector<16xi1>, vector<16xi32>
        %get3A_1248 = arith.index_cast %mul3A_1054 : i32 to index
        %get3A_1249 = tpu.vector_load %arg8[%get3A_1248] {strides = array<i32>} : memref<20000xi32, #tpu.memory_space<vmem>>, vector<16xi32>,
        %gather3A_1250 = tpu.vector_load_idx %arg9[%get3A_1173] : memref<10240xi32, #tpu.memory_space<vmem>>[vector<16xi32>], vector<16xi32>,
        %mul3A_1251 = arith.constant 20000 : i32
        %mul3A_1252 = arith.muli %arg1, %mul3A_1251 : i32
        %mul3A_1253 = arith.constant 10 : i32
        %mul3A_1254 = arith.muli %scan3A_1023, %mul3A_1253 : i32
        %add3A_1255 = arith.constant 4 : i32
        %add3A_1256 = arith.addi %mul3A_1254, %add3A_1255 : i32
        %mul3A_1257 = arith.constant 16 : i32
        %mul3A_1258 = arith.muli %add3A_1256, %mul3A_1257 : i32
        %add3A_1259 = arith.addi %mul3A_1252, %mul3A_1258 : i32
        %broadcast_in_dim3A_1260 = vector.broadcast %add3A_1259 : i32 to vector<16xi32>
        %add3A_1261 = arith.addi %broadcast_in_dim3A_1260, %iota3A : vector<16xi32>
        %eq3A_1262 = arith.cmpi eq, %get3A_1249, %gather3A_1250 : vector<16xi32>
        %select_n3A_1263 = arith.select %eq3A_1262, %add3A_1261, %broadcast_in_dim3A_2 : vector<16xi1>, vector<16xi32>
        %get3A_1264 = arith.index_cast %mul3A_1060 : i32 to index
        %get3A_1265 = tpu.vector_load %arg8[%get3A_1264] {strides = array<i32>} : memref<20000xi32, #tpu.memory_space<vmem>>, vector<16xi32>,
        %gather3A_1266 = tpu.vector_load_idx %arg9[%get3A_1175] : memref<10240xi32, #tpu.memory_space<vmem>>[vector<16xi32>], vector<16xi32>,
        %mul3A_1267 = arith.constant 20000 : i32
        %mul3A_1268 = arith.muli %arg1, %mul3A_1267 : i32
        %mul3A_1269 = arith.constant 10 : i32
        %mul3A_1270 = arith.muli %scan3A_1023, %mul3A_1269 : i32
        %add3A_1271 = arith.constant 5 : i32
        %add3A_1272 = arith.addi %mul3A_1270, %add3A_1271 : i32
        %mul3A_1273 = arith.constant 16 : i32
        %mul3A_1274 = arith.muli %add3A_1272, %mul3A_1273 : i32
        %add3A_1275 = arith.addi %mul3A_1268, %mul3A_1274 : i32
        %broadcast_in_dim3A_1276 = vector.broadcast %add3A_1275 : i32 to vector<16xi32>
        %add3A_1277 = arith.addi %broadcast_in_dim3A_1276, %iota3A : vector<16xi32>
        %eq3A_1278 = arith.cmpi eq, %get3A_1265, %gather3A_1266 : vector<16xi32>
        %select_n3A_1279 = arith.select %eq3A_1278, %add3A_1277, %broadcast_in_dim3A_2 : vector<16xi1>, vector<16xi32>
        %get3A_1280 = arith.index_cast %mul3A_1066 : i32 to index
        %get3A_1281 = tpu.vector_load %arg8[%get3A_1280] {strides = array<i32>} : memref<20000xi32, #tpu.memory_space<vmem>>, vector<16xi32>,
        %gather3A_1282 = tpu.vector_load_idx %arg9[%get3A_1177] : memref<10240xi32, #tpu.memory_space<vmem>>[vector<16xi32>], vector<16xi32>,
        %mul3A_1283 = arith.constant 20000 : i32
        %mul3A_1284 = arith.muli %arg1, %mul3A_1283 : i32
        %mul3A_1285 = arith.constant 10 : i32
        %mul3A_1286 = arith.muli %scan3A_1023, %mul3A_1285 : i32
        %add3A_1287 = arith.constant 6 : i32
        %add3A_1288 = arith.addi %mul3A_1286, %add3A_1287 : i32
        %mul3A_1289 = arith.constant 16 : i32
        %mul3A_1290 = arith.muli %add3A_1288, %mul3A_1289 : i32
        %add3A_1291 = arith.addi %mul3A_1284, %mul3A_1290 : i32
        %broadcast_in_dim3A_1292 = vector.broadcast %add3A_1291 : i32 to vector<16xi32>
        %add3A_1293 = arith.addi %broadcast_in_dim3A_1292, %iota3A : vector<16xi32>
        %eq3A_1294 = arith.cmpi eq, %get3A_1281, %gather3A_1282 : vector<16xi32>
        %select_n3A_1295 = arith.select %eq3A_1294, %add3A_1293, %broadcast_in_dim3A_2 : vector<16xi1>, vector<16xi32>
        %get3A_1296 = arith.index_cast %mul3A_1072 : i32 to index
        %get3A_1297 = tpu.vector_load %arg8[%get3A_1296] {strides = array<i32>} : memref<20000xi32, #tpu.memory_space<vmem>>, vector<16xi32>,
        %gather3A_1298 = tpu.vector_load_idx %arg9[%get3A_1179] : memref<10240xi32, #tpu.memory_space<vmem>>[vector<16xi32>], vector<16xi32>,
        %mul3A_1299 = arith.constant 20000 : i32
        %mul3A_1300 = arith.muli %arg1, %mul3A_1299 : i32
        %mul3A_1301 = arith.constant 10 : i32
        %mul3A_1302 = arith.muli %scan3A_1023, %mul3A_1301 : i32
        %add3A_1303 = arith.constant 7 : i32
        %add3A_1304 = arith.addi %mul3A_1302, %add3A_1303 : i32
        %mul3A_1305 = arith.constant 16 : i32
        %mul3A_1306 = arith.muli %add3A_1304, %mul3A_1305 : i32
        %add3A_1307 = arith.addi %mul3A_1300, %mul3A_1306 : i32
        %broadcast_in_dim3A_1308 = vector.broadcast %add3A_1307 : i32 to vector<16xi32>
        %add3A_1309 = arith.addi %broadcast_in_dim3A_1308, %iota3A : vector<16xi32>
        %eq3A_1310 = arith.cmpi eq, %get3A_1297, %gather3A_1298 : vector<16xi32>
        %select_n3A_1311 = arith.select %eq3A_1310, %add3A_1309, %broadcast_in_dim3A_2 : vector<16xi1>, vector<16xi32>
        %get3A_1312 = arith.index_cast %mul3A_1078 : i32 to index
        %get3A_1313 = tpu.vector_load %arg8[%get3A_1312] {strides = array<i32>} : memref<20000xi32, #tpu.memory_space<vmem>>, vector<16xi32>,
        %gather3A_1314 = tpu.vector_load_idx %arg9[%get3A_1181] : memref<10240xi32, #tpu.memory_space<vmem>>[vector<16xi32>], vector<16xi32>,
        %mul3A_1315 = arith.constant 20000 : i32
        %mul3A_1316 = arith.muli %arg1, %mul3A_1315 : i32
        %mul3A_1317 = arith.constant 10 : i32
        %mul3A_1318 = arith.muli %scan3A_1023, %mul3A_1317 : i32
        %add3A_1319 = arith.constant 8 : i32
        %add3A_1320 = arith.addi %mul3A_1318, %add3A_1319 : i32
        %mul3A_1321 = arith.constant 16 : i32
        %mul3A_1322 = arith.muli %add3A_1320, %mul3A_1321 : i32
        %add3A_1323 = arith.addi %mul3A_1316, %mul3A_1322 : i32
        %broadcast_in_dim3A_1324 = vector.broadcast %add3A_1323 : i32 to vector<16xi32>
        %add3A_1325 = arith.addi %broadcast_in_dim3A_1324, %iota3A : vector<16xi32>
        %eq3A_1326 = arith.cmpi eq, %get3A_1313, %gather3A_1314 : vector<16xi32>
        %select_n3A_1327 = arith.select %eq3A_1326, %add3A_1325, %broadcast_in_dim3A_2 : vector<16xi1>, vector<16xi32>
        %get3A_1328 = arith.index_cast %mul3A_1084 : i32 to index
        %get3A_1329 = tpu.vector_load %arg8[%get3A_1328] {strides = array<i32>} : memref<20000xi32, #tpu.memory_space<vmem>>, vector<16xi32>,
        %gather3A_1330 = tpu.vector_load_idx %arg9[%get3A_1183] : memref<10240xi32, #tpu.memory_space<vmem>>[vector<16xi32>], vector<16xi32>,
        %mul3A_1331 = arith.constant 20000 : i32
        %mul3A_1332 = arith.muli %arg1, %mul3A_1331 : i32
        %mul3A_1333 = arith.constant 10 : i32
        %mul3A_1334 = arith.muli %scan3A_1023, %mul3A_1333 : i32
        %add3A_1335 = arith.constant 9 : i32
        %add3A_1336 = arith.addi %mul3A_1334, %add3A_1335 : i32
        %mul3A_1337 = arith.constant 16 : i32
        %mul3A_1338 = arith.muli %add3A_1336, %mul3A_1337 : i32
        %add3A_1339 = arith.addi %mul3A_1332, %mul3A_1338 : i32
        %broadcast_in_dim3A_1340 = vector.broadcast %add3A_1339 : i32 to vector<16xi32>
        %add3A_1341 = arith.addi %broadcast_in_dim3A_1340, %iota3A : vector<16xi32>
        %eq3A_1342 = arith.cmpi eq, %get3A_1329, %gather3A_1330 : vector<16xi32>
        %select_n3A_1343 = arith.select %eq3A_1342, %add3A_1341, %broadcast_in_dim3A_2 : vector<16xi1>, vector<16xi32>
        %gather3A_1344 = tpu.vector_load_idx %arg10[%get3A_1165] : memref<10240xi32, #tpu.memory_space<vmem>>[vector<16xi32>], vector<16xi32>,
        %gather3A_1345 = tpu.vector_load_idx %arg10[%get3A_1167] : memref<10240xi32, #tpu.memory_space<vmem>>[vector<16xi32>], vector<16xi32>,
        %gather3A_1346 = tpu.vector_load_idx %arg10[%get3A_1169] : memref<10240xi32, #tpu.memory_space<vmem>>[vector<16xi32>], vector<16xi32>,
        %gather3A_1347 = tpu.vector_load_idx %arg10[%get3A_1171] : memref<10240xi32, #tpu.memory_space<vmem>>[vector<16xi32>], vector<16xi32>,
        %gather3A_1348 = tpu.vector_load_idx %arg10[%get3A_1173] : memref<10240xi32, #tpu.memory_space<vmem>>[vector<16xi32>], vector<16xi32>,
        %gather3A_1349 = tpu.vector_load_idx %arg10[%get3A_1175] : memref<10240xi32, #tpu.memory_space<vmem>>[vector<16xi32>], vector<16xi32>,
        %gather3A_1350 = tpu.vector_load_idx %arg10[%get3A_1177] : memref<10240xi32, #tpu.memory_space<vmem>>[vector<16xi32>], vector<16xi32>,
        %gather3A_1351 = tpu.vector_load_idx %arg10[%get3A_1179] : memref<10240xi32, #tpu.memory_space<vmem>>[vector<16xi32>], vector<16xi32>,
        %gather3A_1352 = tpu.vector_load_idx %arg10[%get3A_1181] : memref<10240xi32, #tpu.memory_space<vmem>>[vector<16xi32>], vector<16xi32>,
        %gather3A_1353 = tpu.vector_load_idx %arg10[%get3A_1183] : memref<10240xi32, #tpu.memory_space<vmem>>[vector<16xi32>], vector<16xi32>,
        %gt3A = arith.cmpi sgt, %select_n3A_1199, %gather3A_1344 : vector<16xi32>
        %gt3A_1354 = arith.cmpi sgt, %select_n3A_1215, %gather3A_1345 : vector<16xi32>
        %gt3A_1355 = arith.cmpi sgt, %select_n3A_1231, %gather3A_1346 : vector<16xi32>
        %gt3A_1356 = arith.cmpi sgt, %select_n3A_1247, %gather3A_1347 : vector<16xi32>
        %gt3A_1357 = arith.cmpi sgt, %select_n3A_1263, %gather3A_1348 : vector<16xi32>
        %gt3A_1358 = arith.cmpi sgt, %select_n3A_1279, %gather3A_1349 : vector<16xi32>
        %gt3A_1359 = arith.cmpi sgt, %select_n3A_1295, %gather3A_1350 : vector<16xi32>
        %gt3A_1360 = arith.cmpi sgt, %select_n3A_1311, %gather3A_1351 : vector<16xi32>
        %gt3A_1361 = arith.cmpi sgt, %select_n3A_1327, %gather3A_1352 : vector<16xi32>
        %gt3A_1362 = arith.cmpi sgt, %select_n3A_1343, %gather3A_1353 : vector<16xi32>
        tpu.vector_store_idx %arg10[%get3A_1165], %select_n3A_1199 masked %gt3A : memref<10240xi32, #tpu.memory_space<vmem>>[vector<16xi32>], vector<16xi32>, vector<16xi1>
        tpu.vector_store_idx %arg10[%get3A_1167], %select_n3A_1215 masked %gt3A_1354 : memref<10240xi32, #tpu.memory_space<vmem>>[vector<16xi32>], vector<16xi32>, vector<16xi1>
        tpu.vector_store_idx %arg10[%get3A_1169], %select_n3A_1231 masked %gt3A_1355 : memref<10240xi32, #tpu.memory_space<vmem>>[vector<16xi32>], vector<16xi32>, vector<16xi1>
        tpu.vector_store_idx %arg10[%get3A_1171], %select_n3A_1247 masked %gt3A_1356 : memref<10240xi32, #tpu.memory_space<vmem>>[vector<16xi32>], vector<16xi32>, vector<16xi1>
        tpu.vector_store_idx %arg10[%get3A_1173], %select_n3A_1263 masked %gt3A_1357 : memref<10240xi32, #tpu.memory_space<vmem>>[vector<16xi32>], vector<16xi32>, vector<16xi1>
        tpu.vector_store_idx %arg10[%get3A_1175], %select_n3A_1279 masked %gt3A_1358 : memref<10240xi32, #tpu.memory_space<vmem>>[vector<16xi32>], vector<16xi32>, vector<16xi1>
        tpu.vector_store_idx %arg10[%get3A_1177], %select_n3A_1295 masked %gt3A_1359 : memref<10240xi32, #tpu.memory_space<vmem>>[vector<16xi32>], vector<16xi32>, vector<16xi1>
        tpu.vector_store_idx %arg10[%get3A_1179], %select_n3A_1311 masked %gt3A_1360 : memref<10240xi32, #tpu.memory_space<vmem>>[vector<16xi32>], vector<16xi32>, vector<16xi1>
        tpu.vector_store_idx %arg10[%get3A_1181], %select_n3A_1327 masked %gt3A_1361 : memref<10240xi32, #tpu.memory_space<vmem>>[vector<16xi32>], vector<16xi32>, vector<16xi1>
        tpu.vector_store_idx %arg10[%get3A_1183], %select_n3A_1343 masked %gt3A_1362 : memref<10240xi32, #tpu.memory_space<vmem>>[vector<16xi32>], vector<16xi32>, vector<16xi1>
        %gather3A_1363 = tpu.vector_load_idx %arg10[%get3A_1165] masked %gt3A : memref<10240xi32, #tpu.memory_space<vmem>>[vector<16xi32>], vector<16xi32>, vector<16xi1>
        %gather3A_1364 = tpu.vector_load_idx %arg10[%get3A_1167] masked %gt3A_1354 : memref<10240xi32, #tpu.memory_space<vmem>>[vector<16xi32>], vector<16xi32>, vector<16xi1>
        %gather3A_1365 = tpu.vector_load_idx %arg10[%get3A_1169] masked %gt3A_1355 : memref<10240xi32, #tpu.memory_space<vmem>>[vector<16xi32>], vector<16xi32>, vector<16xi1>
        %gather3A_1366 = tpu.vector_load_idx %arg10[%get3A_1171] masked %gt3A_1356 : memref<10240xi32, #tpu.memory_space<vmem>>[vector<16xi32>], vector<16xi32>, vector<16xi1>
        %gather3A_1367 = tpu.vector_load_idx %arg10[%get3A_1173] masked %gt3A_1357 : memref<10240xi32, #tpu.memory_space<vmem>>[vector<16xi32>], vector<16xi32>, vector<16xi1>
        %gather3A_1368 = tpu.vector_load_idx %arg10[%get3A_1175] masked %gt3A_1358 : memref<10240xi32, #tpu.memory_space<vmem>>[vector<16xi32>], vector<16xi32>, vector<16xi1>
        %gather3A_1369 = tpu.vector_load_idx %arg10[%get3A_1177] masked %gt3A_1359 : memref<10240xi32, #tpu.memory_space<vmem>>[vector<16xi32>], vector<16xi32>, vector<16xi1>
        %gather3A_1370 = tpu.vector_load_idx %arg10[%get3A_1179] masked %gt3A_1360 : memref<10240xi32, #tpu.memory_space<vmem>>[vector<16xi32>], vector<16xi32>, vector<16xi1>
        %gather3A_1371 = tpu.vector_load_idx %arg10[%get3A_1181] masked %gt3A_1361 : memref<10240xi32, #tpu.memory_space<vmem>>[vector<16xi32>], vector<16xi32>, vector<16xi1>
        %gather3A_1372 = tpu.vector_load_idx %arg10[%get3A_1183] masked %gt3A_1362 : memref<10240xi32, #tpu.memory_space<vmem>>[vector<16xi32>], vector<16xi32>, vector<16xi1>
        %ne3A_1373 = arith.cmpi ne, %gather3A_1363, %select_n3A_1199 : vector<16xi32>
        %and3A_1374 = arith.andi %gt3A, %ne3A_1373 : vector<16xi1>
        %swap3A_1375 = arith.index_cast %scan3A_1024 : i32 to index
        %swap3A_1376 = tpu.vector_load %arg16[%swap3A_1375] masked %and3A_1374 {strides = array<i32>} : memref<20032xi32, #tpu.memory_space<vmem>>, vector<16xi32>, vector<16xi1>
        tpu.vector_store %arg16[%swap3A_1375], %add3A_1092 masked %and3A_1374 {strides = array<i32>} : memref<20032xi32, #tpu.memory_space<vmem>>, vector<16xi32>, vector<16xi1>
        %all_reduce_population_count3A = tpu.all_reduce %and3A_1374 {dim = 0 : i64, kind = #tpu.reduction_kind<sum>} : vector<16xi1> -> vector<16xi32>
        %slice3A = vector.extract_strided_slice %all_reduce_population_count3A {offsets = [0], sizes = [1], strides = [1]} : vector<16xi32> to vector<1xi32>
        %squeeze3A = vector.extract %slice3A[0] : i32 from vector<1xi32>
        %add3A_1377 = arith.addi %scan3A_1024, %squeeze3A : i32
        %ne3A_1378 = arith.cmpi ne, %gather3A_1364, %select_n3A_1215 : vector<16xi32>
        %and3A_1379 = arith.andi %gt3A_1354, %ne3A_1378 : vector<16xi1>
        %swap3A_1380 = arith.index_cast %add3A_1377 : i32 to index
        %swap3A_1381 = tpu.vector_load %arg16[%swap3A_1380] masked %and3A_1379 {strides = array<i32>} : memref<20032xi32, #tpu.memory_space<vmem>>, vector<16xi32>, vector<16xi1>
        tpu.vector_store %arg16[%swap3A_1380], %add3A_1100 masked %and3A_1379 {strides = array<i32>} : memref<20032xi32, #tpu.memory_space<vmem>>, vector<16xi32>, vector<16xi1>
        %all_reduce_population_count3A_1382 = tpu.all_reduce %and3A_1379 {dim = 0 : i64, kind = #tpu.reduction_kind<sum>} : vector<16xi1> -> vector<16xi32>
        %slice3A_1383 = vector.extract_strided_slice %all_reduce_population_count3A_1382 {offsets = [0], sizes = [1], strides = [1]} : vector<16xi32> to vector<1xi32>
        %squeeze3A_1384 = vector.extract %slice3A_1383[0] : i32 from vector<1xi32>
        %add3A_1385 = arith.addi %add3A_1377, %squeeze3A_1384 : i32
        %ne3A_1386 = arith.cmpi ne, %gather3A_1365, %select_n3A_1231 : vector<16xi32>
        %and3A_1387 = arith.andi %gt3A_1355, %ne3A_1386 : vector<16xi1>
        %swap3A_1388 = arith.index_cast %add3A_1385 : i32 to index
        %swap3A_1389 = tpu.vector_load %arg16[%swap3A_1388] masked %and3A_1387 {strides = array<i32>} : memref<20032xi32, #tpu.memory_space<vmem>>, vector<16xi32>, vector<16xi1>
        tpu.vector_store %arg16[%swap3A_1388], %add3A_1108 masked %and3A_1387 {strides = array<i32>} : memref<20032xi32, #tpu.memory_space<vmem>>, vector<16xi32>, vector<16xi1>
        %all_reduce_population_count3A_1390 = tpu.all_reduce %and3A_1387 {dim = 0 : i64, kind = #tpu.reduction_kind<sum>} : vector<16xi1> -> vector<16xi32>
        %slice3A_1391 = vector.extract_strided_slice %all_reduce_population_count3A_1390 {offsets = [0], sizes = [1], strides = [1]} : vector<16xi32> to vector<1xi32>
        %squeeze3A_1392 = vector.extract %slice3A_1391[0] : i32 from vector<1xi32>
        %add3A_1393 = arith.addi %add3A_1385, %squeeze3A_1392 : i32
        %ne3A_1394 = arith.cmpi ne, %gather3A_1366, %select_n3A_1247 : vector<16xi32>
        %and3A_1395 = arith.andi %gt3A_1356, %ne3A_1394 : vector<16xi1>
        %swap3A_1396 = arith.index_cast %add3A_1393 : i32 to index
        %swap3A_1397 = tpu.vector_load %arg16[%swap3A_1396] masked %and3A_1395 {strides = array<i32>} : memref<20032xi32, #tpu.memory_space<vmem>>, vector<16xi32>, vector<16xi1>
        tpu.vector_store %arg16[%swap3A_1396], %add3A_1116 masked %and3A_1395 {strides = array<i32>} : memref<20032xi32, #tpu.memory_space<vmem>>, vector<16xi32>, vector<16xi1>
        %all_reduce_population_count3A_1398 = tpu.all_reduce %and3A_1395 {dim = 0 : i64, kind = #tpu.reduction_kind<sum>} : vector<16xi1> -> vector<16xi32>
        %slice3A_1399 = vector.extract_strided_slice %all_reduce_population_count3A_1398 {offsets = [0], sizes = [1], strides = [1]} : vector<16xi32> to vector<1xi32>
        %squeeze3A_1400 = vector.extract %slice3A_1399[0] : i32 from vector<1xi32>
        %add3A_1401 = arith.addi %add3A_1393, %squeeze3A_1400 : i32
        %ne3A_1402 = arith.cmpi ne, %gather3A_1367, %select_n3A_1263 : vector<16xi32>
        %and3A_1403 = arith.andi %gt3A_1357, %ne3A_1402 : vector<16xi1>
        %swap3A_1404 = arith.index_cast %add3A_1401 : i32 to index
        %swap3A_1405 = tpu.vector_load %arg16[%swap3A_1404] masked %and3A_1403 {strides = array<i32>} : memref<20032xi32, #tpu.memory_space<vmem>>, vector<16xi32>, vector<16xi1>
        tpu.vector_store %arg16[%swap3A_1404], %add3A_1124 masked %and3A_1403 {strides = array<i32>} : memref<20032xi32, #tpu.memory_space<vmem>>, vector<16xi32>, vector<16xi1>
        %all_reduce_population_count3A_1406 = tpu.all_reduce %and3A_1403 {dim = 0 : i64, kind = #tpu.reduction_kind<sum>} : vector<16xi1> -> vector<16xi32>
        %slice3A_1407 = vector.extract_strided_slice %all_reduce_population_count3A_1406 {offsets = [0], sizes = [1], strides = [1]} : vector<16xi32> to vector<1xi32>
        %squeeze3A_1408 = vector.extract %slice3A_1407[0] : i32 from vector<1xi32>
        %add3A_1409 = arith.addi %add3A_1401, %squeeze3A_1408 : i32
        %ne3A_1410 = arith.cmpi ne, %gather3A_1368, %select_n3A_1279 : vector<16xi32>
        %and3A_1411 = arith.andi %gt3A_1358, %ne3A_1410 : vector<16xi1>
        %swap3A_1412 = arith.index_cast %add3A_1409 : i32 to index
        %swap3A_1413 = tpu.vector_load %arg16[%swap3A_1412] masked %and3A_1411 {strides = array<i32>} : memref<20032xi32, #tpu.memory_space<vmem>>, vector<16xi32>, vector<16xi1>
        tpu.vector_store %arg16[%swap3A_1412], %add3A_1132 masked %and3A_1411 {strides = array<i32>} : memref<20032xi32, #tpu.memory_space<vmem>>, vector<16xi32>, vector<16xi1>
        %all_reduce_population_count3A_1414 = tpu.all_reduce %and3A_1411 {dim = 0 : i64, kind = #tpu.reduction_kind<sum>} : vector<16xi1> -> vector<16xi32>
        %slice3A_1415 = vector.extract_strided_slice %all_reduce_population_count3A_1414 {offsets = [0], sizes = [1], strides = [1]} : vector<16xi32> to vector<1xi32>
        %squeeze3A_1416 = vector.extract %slice3A_1415[0] : i32 from vector<1xi32>
        %add3A_1417 = arith.addi %add3A_1409, %squeeze3A_1416 : i32
        %ne3A_1418 = arith.cmpi ne, %gather3A_1369, %select_n3A_1295 : vector<16xi32>
        %and3A_1419 = arith.andi %gt3A_1359, %ne3A_1418 : vector<16xi1>
        %swap3A_1420 = arith.index_cast %add3A_1417 : i32 to index
        %swap3A_1421 = tpu.vector_load %arg16[%swap3A_1420] masked %and3A_1419 {strides = array<i32>} : memref<20032xi32, #tpu.memory_space<vmem>>, vector<16xi32>, vector<16xi1>
        tpu.vector_store %arg16[%swap3A_1420], %add3A_1140 masked %and3A_1419 {strides = array<i32>} : memref<20032xi32, #tpu.memory_space<vmem>>, vector<16xi32>, vector<16xi1>
        %all_reduce_population_count3A_1422 = tpu.all_reduce %and3A_1419 {dim = 0 : i64, kind = #tpu.reduction_kind<sum>} : vector<16xi1> -> vector<16xi32>
        %slice3A_1423 = vector.extract_strided_slice %all_reduce_population_count3A_1422 {offsets = [0], sizes = [1], strides = [1]} : vector<16xi32> to vector<1xi32>
        %squeeze3A_1424 = vector.extract %slice3A_1423[0] : i32 from vector<1xi32>
        %add3A_1425 = arith.addi %add3A_1417, %squeeze3A_1424 : i32
        %ne3A_1426 = arith.cmpi ne, %gather3A_1370, %select_n3A_1311 : vector<16xi32>
        %and3A_1427 = arith.andi %gt3A_1360, %ne3A_1426 : vector<16xi1>
        %swap3A_1428 = arith.index_cast %add3A_1425 : i32 to index
        %swap3A_1429 = tpu.vector_load %arg16[%swap3A_1428] masked %and3A_1427 {strides = array<i32>} : memref<20032xi32, #tpu.memory_space<vmem>>, vector<16xi32>, vector<16xi1>
        tpu.vector_store %arg16[%swap3A_1428], %add3A_1148 masked %and3A_1427 {strides = array<i32>} : memref<20032xi32, #tpu.memory_space<vmem>>, vector<16xi32>, vector<16xi1>
        %all_reduce_population_count3A_1430 = tpu.all_reduce %and3A_1427 {dim = 0 : i64, kind = #tpu.reduction_kind<sum>} : vector<16xi1> -> vector<16xi32>
        %slice3A_1431 = vector.extract_strided_slice %all_reduce_population_count3A_1430 {offsets = [0], sizes = [1], strides = [1]} : vector<16xi32> to vector<1xi32>
        %squeeze3A_1432 = vector.extract %slice3A_1431[0] : i32 from vector<1xi32>
        %add3A_1433 = arith.addi %add3A_1425, %squeeze3A_1432 : i32
        %ne3A_1434 = arith.cmpi ne, %gather3A_1371, %select_n3A_1327 : vector<16xi32>
        %and3A_1435 = arith.andi %gt3A_1361, %ne3A_1434 : vector<16xi1>
        %swap3A_1436 = arith.index_cast %add3A_1433 : i32 to index
        %swap3A_1437 = tpu.vector_load %arg16[%swap3A_1436] masked %and3A_1435 {strides = array<i32>} : memref<20032xi32, #tpu.memory_space<vmem>>, vector<16xi32>, vector<16xi1>
        tpu.vector_store %arg16[%swap3A_1436], %add3A_1156 masked %and3A_1435 {strides = array<i32>} : memref<20032xi32, #tpu.memory_space<vmem>>, vector<16xi32>, vector<16xi1>
        %all_reduce_population_count3A_1438 = tpu.all_reduce %and3A_1435 {dim = 0 : i64, kind = #tpu.reduction_kind<sum>} : vector<16xi1> -> vector<16xi32>
        %slice3A_1439 = vector.extract_strided_slice %all_reduce_population_count3A_1438 {offsets = [0], sizes = [1], strides = [1]} : vector<16xi32> to vector<1xi32>
        %squeeze3A_1440 = vector.extract %slice3A_1439[0] : i32 from vector<1xi32>
        %add3A_1441 = arith.addi %add3A_1433, %squeeze3A_1440 : i32
        %ne3A_1442 = arith.cmpi ne, %gather3A_1372, %select_n3A_1343 : vector<16xi32>
        %and3A_1443 = arith.andi %gt3A_1362, %ne3A_1442 : vector<16xi1>
        %swap3A_1444 = arith.index_cast %add3A_1441 : i32 to index
        %swap3A_1445 = tpu.vector_load %arg16[%swap3A_1444] masked %and3A_1443 {strides = array<i32>} : memref<20032xi32, #tpu.memory_space<vmem>>, vector<16xi32>, vector<16xi1>
        tpu.vector_store %arg16[%swap3A_1444], %add3A_1164 masked %and3A_1443 {strides = array<i32>} : memref<20032xi32, #tpu.memory_space<vmem>>, vector<16xi32>, vector<16xi1>
        %all_reduce_population_count3A_1446 = tpu.all_reduce %and3A_1443 {dim = 0 : i64, kind = #tpu.reduction_kind<sum>} : vector<16xi1> -> vector<16xi32>
        %slice3A_1447 = vector.extract_strided_slice %all_reduce_population_count3A_1446 {offsets = [0], sizes = [1], strides = [1]} : vector<16xi32> to vector<1xi32>
        %squeeze3A_1448 = vector.extract %slice3A_1447[0] : i32 from vector<1xi32>
        %add3A_1449 = arith.addi %add3A_1441, %squeeze3A_1448 : i32
        scf.yield %add3A_1449 : i32
      }
      %scan3A_346 = arith.constant 125 : i32
      %broadcast_in_dim3A_347 = arith.constant 0 : i32
      %broadcast_in_dim3A_348 = vector.broadcast %broadcast_in_dim3A_347 : i32 to vector<16xi32>
      %broadcast_in_dim3A_349 = arith.constant true
      %broadcast_in_dim3A_350 = vector.broadcast %broadcast_in_dim3A_349 : i1 to vector<16xi1>
      %swap3A_351 = arith.index_cast %scan3A_345 : i32 to index
      %swap3A_352 = tpu.vector_load %arg16[%swap3A_351] masked %broadcast_in_dim3A_350 {strides = array<i32>} : memref<20032xi32, #tpu.memory_space<vmem>>, vector<16xi32>, vector<16xi1>
      tpu.vector_store %arg16[%swap3A_351], %broadcast_in_dim3A_348 masked %broadcast_in_dim3A_350 {strides = array<i32>} : memref<20032xi32, #tpu.memory_space<vmem>>, vector<16xi32>, vector<16xi1>
      %add3A_353 = arith.constant 16 : i32
      %add3A_354 = arith.addi %scan3A_345, %add3A_353 : i32
      %sub3A_355 = arith.constant 1 : i32
      %sub3A_356 = arith.subi %add3A_354, %sub3A_355 : i32
      %jit3A_357 = arith.constant 16 : i32
      %div3A_358 = arith.divsi %sub3A_356, %jit3A_357 : i32
      %sign3A_359 = arith.constant 0 : i32
      %sign3A_360 = arith.cmpi sgt, %sub3A_356, %sign3A_359 : i32
      %sign3A_361 = arith.extui %sign3A_360 : i1 to i32
      %sign3A_362 = arith.constant 0 : i32
      %sign3A_363 = arith.cmpi slt, %sub3A_356, %sign3A_362 : i32
      %sign3A_364 = arith.extui %sign3A_363 : i1 to i32
      %sign3A_365 = arith.subi %sign3A_361, %sign3A_364 : i32
      %sign3A_366 = arith.constant 0 : i32
      %sign3A_367 = arith.cmpi sgt, %jit3A_357, %sign3A_366 : i32
      %sign3A_368 = arith.extui %sign3A_367 : i1 to i32
      %sign3A_369 = arith.constant 0 : i32
      %sign3A_370 = arith.cmpi slt, %jit3A_357, %sign3A_369 : i32
      %sign3A_371 = arith.extui %sign3A_370 : i1 to i32
      %sign3A_372 = arith.subi %sign3A_368, %sign3A_371 : i32
      %ne3A_373 = arith.cmpi ne, %sign3A_365, %sign3A_372 : i32
      %rem3A_374 = arith.remsi %sub3A_356, %jit3A_357 : i32
      %ne3A_375 = arith.constant 0 : i32
      %ne3A_376 = arith.cmpi ne, %rem3A_374, %ne3A_375 : i32
      %and3A_377 = arith.andi %ne3A_373, %ne3A_376 : i1
      %sub3A_378 = arith.constant 1 : i32
      %sub3A_379 = arith.subi %div3A_358, %sub3A_378 : i32
      %select_n3A_380 = arith.select %and3A_377, %sub3A_379, %div3A_358 : i32
      %while3A_381 = arith.constant 0 : i32
      %while3A_382 = arith.constant 0 : i32
      %while3A_383 = arith.subi %select_n3A_380, %while3A_381 : i32
      %while3A_384 = arith.addi %while3A_381, %while3A_383 : i32
      %while3A_385 = arith.constant 1 : i32
      %while3A_386 = arith.divsi %while3A_383, %while3A_385 : i32
      %while3A_387 = arith.muli %while3A_386, %while3A_385 : i32
      %while3A_388 = arith.addi %while3A_381, %while3A_387 : i32
      %while3A_389 = arith.constant 1 : i32
      %while3A_390 = scf.for %while3A_1023 = %while3A_381 to %while3A_388 step %while3A_389 iter_args(%while3A_1024 = %while3A_382) -> (i32)  : i32 {
        %mul3A_1025 = arith.constant 16 : i32
        %mul3A_1026 = arith.muli %while3A_1023, %mul3A_1025 : i32
        %get3A = arith.index_cast %mul3A_1026 : i32 to index
        %get3A_1027 = tpu.vector_load %arg16[%get3A] {strides = array<i32>} : memref<20032xi32, #tpu.memory_space<vmem>>, vector<16xi32>,
        %gather3A_1028 = tpu.vector_load_idx %arg7[%get3A_1027] : memref<20000xi32, #tpu.memory_space<vmem>>[vector<16xi32>], vector<16xi32>,
        %gather3A_1029 = tpu.vector_load_idx %arg7[%get3A_1027] : memref<20000xi32, #tpu.memory_space<vmem>>[vector<16xi32>], vector<16xi32>,
        %gather3A_1030 = tpu.vector_load_idx %arg8[%get3A_1027] : memref<20000xi32, #tpu.memory_space<vmem>>[vector<16xi32>], vector<16xi32>,
        %gather3A_1031 = tpu.vector_load_idx %arg9[%gather3A_1029] : memref<10240xi32, #tpu.memory_space<vmem>>[vector<16xi32>], vector<16xi32>,
        %mul3A_1032 = arith.constant 20000 : i32
        %mul3A_1033 = arith.muli %arg1, %mul3A_1032 : i32
        %broadcast_in_dim3A_1034 = vector.broadcast %mul3A_1033 : i32 to vector<16xi32>
        %add3A_1035 = arith.addi %broadcast_in_dim3A_1034, %get3A_1027 : vector<16xi32>
        %eq3A_1036 = arith.cmpi eq, %gather3A_1030, %gather3A_1031 : vector<16xi32>
        %select_n3A_1037 = arith.select %eq3A_1036, %add3A_1035, %broadcast_in_dim3A_2 : vector<16xi1>, vector<16xi32>
        %scan3A_1038 = arith.constant 0 : i32
        %scan3A_1039 = arith.constant 0 : i32
        %scan3A_1040 = arith.constant 16 : i32
        %scan3A_1041 = arith.addi %scan3A_1039, %scan3A_1040 : i32
        %scan3A_1042 = arith.constant 1 : i32
        %scan3A_1043 = scf.for %scan3A_1046 = %scan3A_1039 to %scan3A_1041 step %scan3A_1042 iter_args(%scan3A_1047 = %scan3A_1038) -> (i32)  : i32 {
          %gather3A_1048 = tpu.vector_load_idx %arg10[%gather3A_1028] : memref<10240xi32, #tpu.memory_space<vmem>>[vector<16xi32>], vector<16xi32>,
          %gt3A = arith.cmpi sgt, %select_n3A_1037, %gather3A_1048 : vector<16xi32>
          tpu.vector_store_idx %arg10[%gather3A_1028], %select_n3A_1037 masked %gt3A : memref<10240xi32, #tpu.memory_space<vmem>>[vector<16xi32>], vector<16xi32>, vector<16xi1>
          %scan3A_1049 = arith.constant 0 : i32
          scf.yield %scan3A_1049 : i32
        }
        %scan3A_1044 = arith.constant 16 : i32
        %while3A_1045 = arith.constant 0 : i32
        scf.yield %while3A_1045 : i32
      }
      %while3A_391 = arith.constant 1 : i32
      %while3A_392 = scf.for %while3A_1023 = %while3A_388 to %while3A_384 step %while3A_391 iter_args(%while3A_1024 = %while3A_390) -> (i32)  : i32 {
        %mul3A_1025 = arith.constant 16 : i32
        %mul3A_1026 = arith.muli %while3A_1023, %mul3A_1025 : i32
        %get3A = arith.index_cast %mul3A_1026 : i32 to index
        %get3A_1027 = tpu.vector_load %arg16[%get3A] {strides = array<i32>} : memref<20032xi32, #tpu.memory_space<vmem>>, vector<16xi32>,
        %gather3A_1028 = tpu.vector_load_idx %arg7[%get3A_1027] : memref<20000xi32, #tpu.memory_space<vmem>>[vector<16xi32>], vector<16xi32>,
        %gather3A_1029 = tpu.vector_load_idx %arg7[%get3A_1027] : memref<20000xi32, #tpu.memory_space<vmem>>[vector<16xi32>], vector<16xi32>,
        %gather3A_1030 = tpu.vector_load_idx %arg8[%get3A_1027] : memref<20000xi32, #tpu.memory_space<vmem>>[vector<16xi32>], vector<16xi32>,
        %gather3A_1031 = tpu.vector_load_idx %arg9[%gather3A_1029] : memref<10240xi32, #tpu.memory_space<vmem>>[vector<16xi32>], vector<16xi32>,
        %mul3A_1032 = arith.constant 20000 : i32
        %mul3A_1033 = arith.muli %arg1, %mul3A_1032 : i32
        %broadcast_in_dim3A_1034 = vector.broadcast %mul3A_1033 : i32 to vector<16xi32>
        %add3A_1035 = arith.addi %broadcast_in_dim3A_1034, %get3A_1027 : vector<16xi32>
        %eq3A_1036 = arith.cmpi eq, %gather3A_1030, %gather3A_1031 : vector<16xi32>
        %select_n3A_1037 = arith.select %eq3A_1036, %add3A_1035, %broadcast_in_dim3A_2 : vector<16xi1>, vector<16xi32>
        %scan3A_1038 = arith.constant 0 : i32
        %scan3A_1039 = arith.constant 0 : i32
        %scan3A_1040 = arith.constant 16 : i32
        %scan3A_1041 = arith.addi %scan3A_1039, %scan3A_1040 : i32
        %scan3A_1042 = arith.constant 1 : i32
        %scan3A_1043 = scf.for %scan3A_1046 = %scan3A_1039 to %scan3A_1041 step %scan3A_1042 iter_args(%scan3A_1047 = %scan3A_1038) -> (i32)  : i32 {
          %gather3A_1048 = tpu.vector_load_idx %arg10[%gather3A_1028] : memref<10240xi32, #tpu.memory_space<vmem>>[vector<16xi32>], vector<16xi32>,
          %gt3A = arith.cmpi sgt, %select_n3A_1037, %gather3A_1048 : vector<16xi32>
          tpu.vector_store_idx %arg10[%gather3A_1028], %select_n3A_1037 masked %gt3A : memref<10240xi32, #tpu.memory_space<vmem>>[vector<16xi32>], vector<16xi32>, vector<16xi1>
          %scan3A_1049 = arith.constant 0 : i32
          scf.yield %scan3A_1049 : i32
        }
        %scan3A_1044 = arith.constant 16 : i32
        %while3A_1045 = arith.constant 0 : i32
        scf.yield %while3A_1045 : i32
      }
      %jit3A_393 = arith.constant 640 : i32
      %div3A_394 = arith.divsi %mul3A_3, %jit3A_393 : i32
      %sign3A_395 = arith.constant 0 : i32
      %sign3A_396 = arith.cmpi sgt, %mul3A_3, %sign3A_395 : i32
      %sign3A_397 = arith.extui %sign3A_396 : i1 to i32
      %sign3A_398 = arith.constant 0 : i32
      %sign3A_399 = arith.cmpi slt, %mul3A_3, %sign3A_398 : i32
      %sign3A_400 = arith.extui %sign3A_399 : i1 to i32
      %sign3A_401 = arith.subi %sign3A_397, %sign3A_400 : i32
      %sign3A_402 = arith.constant 0 : i32
      %sign3A_403 = arith.cmpi sgt, %jit3A_393, %sign3A_402 : i32
      %sign3A_404 = arith.extui %sign3A_403 : i1 to i32
      %sign3A_405 = arith.constant 0 : i32
      %sign3A_406 = arith.cmpi slt, %jit3A_393, %sign3A_405 : i32
      %sign3A_407 = arith.extui %sign3A_406 : i1 to i32
      %sign3A_408 = arith.subi %sign3A_404, %sign3A_407 : i32
      %ne3A_409 = arith.cmpi ne, %sign3A_401, %sign3A_408 : i32
      %rem3A_410 = arith.remsi %mul3A_3, %jit3A_393 : i32
      %ne3A_411 = arith.constant 0 : i32
      %ne3A_412 = arith.cmpi ne, %rem3A_410, %ne3A_411 : i32
      %and3A_413 = arith.andi %ne3A_409, %ne3A_412 : i1
      %sub3A_414 = arith.constant 1 : i32
      %sub3A_415 = arith.subi %div3A_394, %sub3A_414 : i32
      %select_n3A_416 = arith.select %and3A_413, %sub3A_415, %div3A_394 : i32
      "tpu.region"() ({
        %run_scoped3A_1023 = tpu.sem_alloc : memref<!tpu.dma_semaphore, #tpu.memory_space<semaphore_mem>>
        %dma_start3A_1024 = arith.constant 0 : i32
        %dma_start3A_1025 = tpu.memref_slice %arg21[%select_n3A_416, %dma_start3A_1024] : memref<16x10240xi32, #tpu.memory_space<vmem_shared>> -> memref<1x10240xi32, #tpu.memory_space<vmem_shared>>
        %dma_start3A_1026 = tpu.memref_squeeze %dma_start3A_1025 : memref<1x10240xi32, #tpu.memory_space<vmem_shared>> -> memref<10240xi32, #tpu.memory_space<vmem_shared>>
        %dma_start3A_1027 = arith.constant 0 : i32
        %dma_start3A_1028 = tpu.memref_slice %arg21[%select_n3A_416, %dma_start3A_1027] : memref<16x10240xi32, #tpu.memory_space<vmem_shared>> -> memref<1x10240xi32, #tpu.memory_space<vmem_shared>>
        %dma_start3A_1029 = tpu.memref_squeeze %dma_start3A_1028 : memref<1x10240xi32, #tpu.memory_space<vmem_shared>> -> memref<10240xi32, #tpu.memory_space<vmem_shared>>
        tpu.enqueue_dma source(%arg10 : memref<10240xi32, #tpu.memory_space<vmem>>) target(%dma_start3A_1029 : memref<10240xi32, #tpu.memory_space<vmem_shared>>) target_semaphore(%run_scoped3A_1023 : memref<!tpu.dma_semaphore, #tpu.memory_space<semaphore_mem>>)
        %dma_wait3A_1030 = arith.constant 0 : i32
        %dma_wait3A_1031 = tpu.memref_slice %arg21[%select_n3A_416, %dma_wait3A_1030] : memref<16x10240xi32, #tpu.memory_space<vmem_shared>> -> memref<1x10240xi32, #tpu.memory_space<vmem_shared>>
        %dma_wait3A_1032 = tpu.memref_squeeze %dma_wait3A_1031 : memref<1x10240xi32, #tpu.memory_space<vmem_shared>> -> memref<10240xi32, #tpu.memory_space<vmem_shared>>
        %dma_wait3A_1033 = arith.constant 0 : i32
        %dma_wait3A_1034 = tpu.memref_slice %arg21[%select_n3A_416, %dma_wait3A_1033] : memref<16x10240xi32, #tpu.memory_space<vmem_shared>> -> memref<1x10240xi32, #tpu.memory_space<vmem_shared>>
        %dma_wait3A_1035 = tpu.memref_squeeze %dma_wait3A_1034 : memref<1x10240xi32, #tpu.memory_space<vmem_shared>> -> memref<10240xi32, #tpu.memory_space<vmem_shared>>
        tpu.wait_dma2 semaphore(%run_scoped3A_1023 : memref<!tpu.dma_semaphore, #tpu.memory_space<semaphore_mem>>) src(%arg10 : memref<10240xi32, #tpu.memory_space<vmem>>) dst(%dma_wait3A_1035 : memref<10240xi32, #tpu.memory_space<vmem_shared>>)
        tpu.yield
      }) : () -> ()
      %barrier3A_417 = arith.constant 0 : index
      tpu.barrier barrier_id(%barrier3A_417)
      %run_scoped3A_418 = arith.constant 0 : i32
      "tpu.region"() ({
        %run_scoped3A_1023 = tpu.sem_alloc : memref<!tpu.dma_semaphore, #tpu.memory_space<semaphore_mem>>
        %dma_start3A_1024 = tpu.memref_slice %arg21[%run_scoped3A_418, %mul3A_3] : memref<16x10240xi32, #tpu.memory_space<vmem_shared>> -> memref<1x640xi32, #tpu.memory_space<vmem_shared>>
        %dma_start3A_1025 = tpu.memref_squeeze %dma_start3A_1024 : memref<1x640xi32, #tpu.memory_space<vmem_shared>> -> memref<640xi32, #tpu.memory_space<vmem_shared>>
        %dma_start3A_1026 = tpu.memref_slice %arg21[%run_scoped3A_418, %mul3A_3] : memref<16x10240xi32, #tpu.memory_space<vmem_shared>> -> memref<1x640xi32, #tpu.memory_space<vmem_shared>>
        %dma_start3A_1027 = tpu.memref_squeeze %dma_start3A_1026 : memref<1x640xi32, #tpu.memory_space<vmem_shared>> -> memref<640xi32, #tpu.memory_space<vmem_shared>>
        tpu.enqueue_dma source(%dma_start3A_1027 : memref<640xi32, #tpu.memory_space<vmem_shared>>) target(%arg15 : memref<640xi32, #tpu.memory_space<vmem>>) target_semaphore(%run_scoped3A_1023 : memref<!tpu.dma_semaphore, #tpu.memory_space<semaphore_mem>>)
        %dma_wait3A_1028 = tpu.memref_slice %arg21[%run_scoped3A_418, %mul3A_3] : memref<16x10240xi32, #tpu.memory_space<vmem_shared>> -> memref<1x640xi32, #tpu.memory_space<vmem_shared>>
        %dma_wait3A_1029 = tpu.memref_squeeze %dma_wait3A_1028 : memref<1x640xi32, #tpu.memory_space<vmem_shared>> -> memref<640xi32, #tpu.memory_space<vmem_shared>>
        %dma_wait3A_1030 = tpu.memref_slice %arg21[%run_scoped3A_418, %mul3A_3] : memref<16x10240xi32, #tpu.memory_space<vmem_shared>> -> memref<1x640xi32, #tpu.memory_space<vmem_shared>>
        %dma_wait3A_1031 = tpu.memref_squeeze %dma_wait3A_1030 : memref<1x640xi32, #tpu.memory_space<vmem_shared>> -> memref<640xi32, #tpu.memory_space<vmem_shared>>
        tpu.wait_dma2 semaphore(%run_scoped3A_1023 : memref<!tpu.dma_semaphore, #tpu.memory_space<semaphore_mem>>) src(%dma_wait3A_1031 : memref<640xi32, #tpu.memory_space<vmem_shared>>) dst(%arg15 : memref<640xi32, #tpu.memory_space<vmem>>)
        tpu.yield
      }) : () -> ()
      %dma_start3A_419 = arith.constant 1 : i32
      %dma_start3A_420 = tpu.memref_slice %arg21[%dma_start3A_419, %mul3A_3] : memref<16x10240xi32, #tpu.memory_space<vmem_shared>> -> memref<1x640xi32, #tpu.memory_space<vmem_shared>>
      %dma_start3A_421 = tpu.memref_squeeze %dma_start3A_420 : memref<1x640xi32, #tpu.memory_space<vmem_shared>> -> memref<640xi32, #tpu.memory_space<vmem_shared>>
      %dma_start3A_422 = tpu.memref_slice %arg21[%dma_start3A_419, %mul3A_3] : memref<16x10240xi32, #tpu.memory_space<vmem_shared>> -> memref<1x640xi32, #tpu.memory_space<vmem_shared>>
      %dma_start3A_423 = tpu.memref_squeeze %dma_start3A_422 : memref<1x640xi32, #tpu.memory_space<vmem_shared>> -> memref<640xi32, #tpu.memory_space<vmem_shared>>
      tpu.enqueue_dma source(%dma_start3A_423 : memref<640xi32, #tpu.memory_space<vmem_shared>>) target(%arg14 : memref<640xi32, #tpu.memory_space<vmem>>) target_semaphore(%arg24 : memref<!tpu.dma_semaphore, #tpu.memory_space<semaphore_mem>>)
      %dma_start3A_424 = arith.constant 2 : i32
      %dma_start3A_425 = tpu.memref_slice %arg21[%dma_start3A_424, %mul3A_3] : memref<16x10240xi32, #tpu.memory_space<vmem_shared>> -> memref<1x640xi32, #tpu.memory_space<vmem_shared>>
      %dma_start3A_426 = tpu.memref_squeeze %dma_start3A_425 : memref<1x640xi32, #tpu.memory_space<vmem_shared>> -> memref<640xi32, #tpu.memory_space<vmem_shared>>
      %dma_start3A_427 = tpu.memref_slice %arg21[%dma_start3A_424, %mul3A_3] : memref<16x10240xi32, #tpu.memory_space<vmem_shared>> -> memref<1x640xi32, #tpu.memory_space<vmem_shared>>
      %dma_start3A_428 = tpu.memref_squeeze %dma_start3A_427 : memref<1x640xi32, #tpu.memory_space<vmem_shared>> -> memref<640xi32, #tpu.memory_space<vmem_shared>>
      tpu.enqueue_dma source(%dma_start3A_428 : memref<640xi32, #tpu.memory_space<vmem_shared>>) target(%arg13 : memref<640xi32, #tpu.memory_space<vmem>>) target_semaphore(%arg23 : memref<!tpu.dma_semaphore, #tpu.memory_space<semaphore_mem>>)
      %dma_wait3A_429 = arith.constant 1 : i32
      %dma_wait3A_430 = tpu.memref_slice %arg21[%dma_wait3A_429, %mul3A_3] : memref<16x10240xi32, #tpu.memory_space<vmem_shared>> -> memref<1x640xi32, #tpu.memory_space<vmem_shared>>
      %dma_wait3A_431 = tpu.memref_squeeze %dma_wait3A_430 : memref<1x640xi32, #tpu.memory_space<vmem_shared>> -> memref<640xi32, #tpu.memory_space<vmem_shared>>
      %dma_wait3A_432 = tpu.memref_slice %arg21[%dma_wait3A_429, %mul3A_3] : memref<16x10240xi32, #tpu.memory_space<vmem_shared>> -> memref<1x640xi32, #tpu.memory_space<vmem_shared>>
      %dma_wait3A_433 = tpu.memref_squeeze %dma_wait3A_432 : memref<1x640xi32, #tpu.memory_space<vmem_shared>> -> memref<640xi32, #tpu.memory_space<vmem_shared>>
      tpu.wait_dma2 semaphore(%arg24 : memref<!tpu.dma_semaphore, #tpu.memory_space<semaphore_mem>>) src(%dma_wait3A_433 : memref<640xi32, #tpu.memory_space<vmem_shared>>) dst(%arg14 : memref<640xi32, #tpu.memory_space<vmem>>)
      %scan3A_434 = arith.constant 0 : i32
      %scan3A_435 = arith.constant 0 : i32
      %scan3A_436 = arith.constant 40 : i32
      %scan3A_437 = arith.addi %scan3A_435, %scan3A_436 : i32
      %scan3A_438 = arith.constant 1 : i32
      %scan3A_439 = scf.for %scan3A_1023 = %scan3A_435 to %scan3A_437 step %scan3A_438 iter_args(%scan3A_1024 = %scan3A_434) -> (i32)  : i32 {
        %mul3A_1025 = arith.constant 16 : i32
        %mul3A_1026 = arith.muli %scan3A_1023, %mul3A_1025 : i32
        %get3A = arith.index_cast %mul3A_1026 : i32 to index
        %get3A_1027 = tpu.vector_load %arg15[%get3A] {strides = array<i32>} : memref<640xi32, #tpu.memory_space<vmem>>, vector<16xi32>,
        %get3A_1028 = arith.index_cast %mul3A_1026 : i32 to index
        %get3A_1029 = tpu.vector_load %arg14[%get3A_1028] {strides = array<i32>} : memref<640xi32, #tpu.memory_space<vmem>>, vector<16xi32>,
        %max3A = arith.maxsi %get3A_1027, %get3A_1029 : vector<16xi32>
        %swap3A_1030 = arith.index_cast %mul3A_1026 : i32 to index
        %swap3A_1031 = tpu.vector_load %arg15[%swap3A_1030] {strides = array<i32>} : memref<640xi32, #tpu.memory_space<vmem>>, vector<16xi32>,
        tpu.vector_store %arg15[%swap3A_1030], %max3A {strides = array<i32>} : memref<640xi32, #tpu.memory_space<vmem>>, vector<16xi32>,
        %scan3A_1032 = arith.constant 0 : i32
        scf.yield %scan3A_1032 : i32
      }
      %scan3A_440 = arith.constant 40 : i32
      %dma_start3A_441 = arith.constant 3 : i32
      %dma_start3A_442 = tpu.memref_slice %arg21[%dma_start3A_441, %mul3A_3] : memref<16x10240xi32, #tpu.memory_space<vmem_shared>> -> memref<1x640xi32, #tpu.memory_space<vmem_shared>>
      %dma_start3A_443 = tpu.memref_squeeze %dma_start3A_442 : memref<1x640xi32, #tpu.memory_space<vmem_shared>> -> memref<640xi32, #tpu.memory_space<vmem_shared>>
      %dma_start3A_444 = tpu.memref_slice %arg21[%dma_start3A_441, %mul3A_3] : memref<16x10240xi32, #tpu.memory_space<vmem_shared>> -> memref<1x640xi32, #tpu.memory_space<vmem_shared>>
      %dma_start3A_445 = tpu.memref_squeeze %dma_start3A_444 : memref<1x640xi32, #tpu.memory_space<vmem_shared>> -> memref<640xi32, #tpu.memory_space<vmem_shared>>
      tpu.enqueue_dma source(%dma_start3A_445 : memref<640xi32, #tpu.memory_space<vmem_shared>>) target(%arg14 : memref<640xi32, #tpu.memory_space<vmem>>) target_semaphore(%arg24 : memref<!tpu.dma_semaphore, #tpu.memory_space<semaphore_mem>>)
      %dma_wait3A_446 = arith.constant 2 : i32
      %dma_wait3A_447 = tpu.memref_slice %arg21[%dma_wait3A_446, %mul3A_3] : memref<16x10240xi32, #tpu.memory_space<vmem_shared>> -> memref<1x640xi32, #tpu.memory_space<vmem_shared>>
      %dma_wait3A_448 = tpu.memref_squeeze %dma_wait3A_447 : memref<1x640xi32, #tpu.memory_space<vmem_shared>> -> memref<640xi32, #tpu.memory_space<vmem_shared>>
      %dma_wait3A_449 = tpu.memref_slice %arg21[%dma_wait3A_446, %mul3A_3] : memref<16x10240xi32, #tpu.memory_space<vmem_shared>> -> memref<1x640xi32, #tpu.memory_space<vmem_shared>>
      %dma_wait3A_450 = tpu.memref_squeeze %dma_wait3A_449 : memref<1x640xi32, #tpu.memory_space<vmem_shared>> -> memref<640xi32, #tpu.memory_space<vmem_shared>>
      tpu.wait_dma2 semaphore(%arg23 : memref<!tpu.dma_semaphore, #tpu.memory_space<semaphore_mem>>) src(%dma_wait3A_450 : memref<640xi32, #tpu.memory_space<vmem_shared>>) dst(%arg13 : memref<640xi32, #tpu.memory_space<vmem>>)
      %scan3A_451 = arith.constant 0 : i32
      %scan3A_452 = arith.constant 0 : i32
      %scan3A_453 = arith.constant 40 : i32
      %scan3A_454 = arith.addi %scan3A_452, %scan3A_453 : i32
      %scan3A_455 = arith.constant 1 : i32
      %scan3A_456 = scf.for %scan3A_1023 = %scan3A_452 to %scan3A_454 step %scan3A_455 iter_args(%scan3A_1024 = %scan3A_451) -> (i32)  : i32 {
        %mul3A_1025 = arith.constant 16 : i32
        %mul3A_1026 = arith.muli %scan3A_1023, %mul3A_1025 : i32
        %get3A = arith.index_cast %mul3A_1026 : i32 to index
        %get3A_1027 = tpu.vector_load %arg15[%get3A] {strides = array<i32>} : memref<640xi32, #tpu.memory_space<vmem>>, vector<16xi32>,
        %get3A_1028 = arith.index_cast %mul3A_1026 : i32 to index
        %get3A_1029 = tpu.vector_load %arg13[%get3A_1028] {strides = array<i32>} : memref<640xi32, #tpu.memory_space<vmem>>, vector<16xi32>,
        %max3A = arith.maxsi %get3A_1027, %get3A_1029 : vector<16xi32>
        %swap3A_1030 = arith.index_cast %mul3A_1026 : i32 to index
        %swap3A_1031 = tpu.vector_load %arg15[%swap3A_1030] {strides = array<i32>} : memref<640xi32, #tpu.memory_space<vmem>>, vector<16xi32>,
        tpu.vector_store %arg15[%swap3A_1030], %max3A {strides = array<i32>} : memref<640xi32, #tpu.memory_space<vmem>>, vector<16xi32>,
        %scan3A_1032 = arith.constant 0 : i32
        scf.yield %scan3A_1032 : i32
      }
      %scan3A_457 = arith.constant 40 : i32
      %dma_start3A_458 = arith.constant 4 : i32
      %dma_start3A_459 = tpu.memref_slice %arg21[%dma_start3A_458, %mul3A_3] : memref<16x10240xi32, #tpu.memory_space<vmem_shared>> -> memref<1x640xi32, #tpu.memory_space<vmem_shared>>
      %dma_start3A_460 = tpu.memref_squeeze %dma_start3A_459 : memref<1x640xi32, #tpu.memory_space<vmem_shared>> -> memref<640xi32, #tpu.memory_space<vmem_shared>>
      %dma_start3A_461 = tpu.memref_slice %arg21[%dma_start3A_458, %mul3A_3] : memref<16x10240xi32, #tpu.memory_space<vmem_shared>> -> memref<1x640xi32, #tpu.memory_space<vmem_shared>>
      %dma_start3A_462 = tpu.memref_squeeze %dma_start3A_461 : memref<1x640xi32, #tpu.memory_space<vmem_shared>> -> memref<640xi32, #tpu.memory_space<vmem_shared>>
      tpu.enqueue_dma source(%dma_start3A_462 : memref<640xi32, #tpu.memory_space<vmem_shared>>) target(%arg13 : memref<640xi32, #tpu.memory_space<vmem>>) target_semaphore(%arg23 : memref<!tpu.dma_semaphore, #tpu.memory_space<semaphore_mem>>)
      %dma_wait3A_463 = arith.constant 3 : i32
      %dma_wait3A_464 = tpu.memref_slice %arg21[%dma_wait3A_463, %mul3A_3] : memref<16x10240xi32, #tpu.memory_space<vmem_shared>> -> memref<1x640xi32, #tpu.memory_space<vmem_shared>>
      %dma_wait3A_465 = tpu.memref_squeeze %dma_wait3A_464 : memref<1x640xi32, #tpu.memory_space<vmem_shared>> -> memref<640xi32, #tpu.memory_space<vmem_shared>>
      %dma_wait3A_466 = tpu.memref_slice %arg21[%dma_wait3A_463, %mul3A_3] : memref<16x10240xi32, #tpu.memory_space<vmem_shared>> -> memref<1x640xi32, #tpu.memory_space<vmem_shared>>
      %dma_wait3A_467 = tpu.memref_squeeze %dma_wait3A_466 : memref<1x640xi32, #tpu.memory_space<vmem_shared>> -> memref<640xi32, #tpu.memory_space<vmem_shared>>
      tpu.wait_dma2 semaphore(%arg24 : memref<!tpu.dma_semaphore, #tpu.memory_space<semaphore_mem>>) src(%dma_wait3A_467 : memref<640xi32, #tpu.memory_space<vmem_shared>>) dst(%arg14 : memref<640xi32, #tpu.memory_space<vmem>>)
      %scan3A_468 = arith.constant 0 : i32
      %scan3A_469 = arith.constant 0 : i32
      %scan3A_470 = arith.constant 40 : i32
      %scan3A_471 = arith.addi %scan3A_469, %scan3A_470 : i32
      %scan3A_472 = arith.constant 1 : i32
      %scan3A_473 = scf.for %scan3A_1023 = %scan3A_469 to %scan3A_471 step %scan3A_472 iter_args(%scan3A_1024 = %scan3A_468) -> (i32)  : i32 {
        %mul3A_1025 = arith.constant 16 : i32
        %mul3A_1026 = arith.muli %scan3A_1023, %mul3A_1025 : i32
        %get3A = arith.index_cast %mul3A_1026 : i32 to index
        %get3A_1027 = tpu.vector_load %arg15[%get3A] {strides = array<i32>} : memref<640xi32, #tpu.memory_space<vmem>>, vector<16xi32>,
        %get3A_1028 = arith.index_cast %mul3A_1026 : i32 to index
        %get3A_1029 = tpu.vector_load %arg14[%get3A_1028] {strides = array<i32>} : memref<640xi32, #tpu.memory_space<vmem>>, vector<16xi32>,
        %max3A = arith.maxsi %get3A_1027, %get3A_1029 : vector<16xi32>
        %swap3A_1030 = arith.index_cast %mul3A_1026 : i32 to index
        %swap3A_1031 = tpu.vector_load %arg15[%swap3A_1030] {strides = array<i32>} : memref<640xi32, #tpu.memory_space<vmem>>, vector<16xi32>,
        tpu.vector_store %arg15[%swap3A_1030], %max3A {strides = array<i32>} : memref<640xi32, #tpu.memory_space<vmem>>, vector<16xi32>,
        %scan3A_1032 = arith.constant 0 : i32
        scf.yield %scan3A_1032 : i32
      }
      %scan3A_474 = arith.constant 40 : i32
      %dma_start3A_475 = arith.constant 5 : i32
      %dma_start3A_476 = tpu.memref_slice %arg21[%dma_start3A_475, %mul3A_3] : memref<16x10240xi32, #tpu.memory_space<vmem_shared>> -> memref<1x640xi32, #tpu.memory_space<vmem_shared>>
      %dma_start3A_477 = tpu.memref_squeeze %dma_start3A_476 : memref<1x640xi32, #tpu.memory_space<vmem_shared>> -> memref<640xi32, #tpu.memory_space<vmem_shared>>
      %dma_start3A_478 = tpu.memref_slice %arg21[%dma_start3A_475, %mul3A_3] : memref<16x10240xi32, #tpu.memory_space<vmem_shared>> -> memref<1x640xi32, #tpu.memory_space<vmem_shared>>
      %dma_start3A_479 = tpu.memref_squeeze %dma_start3A_478 : memref<1x640xi32, #tpu.memory_space<vmem_shared>> -> memref<640xi32, #tpu.memory_space<vmem_shared>>
      tpu.enqueue_dma source(%dma_start3A_479 : memref<640xi32, #tpu.memory_space<vmem_shared>>) target(%arg14 : memref<640xi32, #tpu.memory_space<vmem>>) target_semaphore(%arg24 : memref<!tpu.dma_semaphore, #tpu.memory_space<semaphore_mem>>)
      %dma_wait3A_480 = arith.constant 4 : i32
      %dma_wait3A_481 = tpu.memref_slice %arg21[%dma_wait3A_480, %mul3A_3] : memref<16x10240xi32, #tpu.memory_space<vmem_shared>> -> memref<1x640xi32, #tpu.memory_space<vmem_shared>>
      %dma_wait3A_482 = tpu.memref_squeeze %dma_wait3A_481 : memref<1x640xi32, #tpu.memory_space<vmem_shared>> -> memref<640xi32, #tpu.memory_space<vmem_shared>>
      %dma_wait3A_483 = tpu.memref_slice %arg21[%dma_wait3A_480, %mul3A_3] : memref<16x10240xi32, #tpu.memory_space<vmem_shared>> -> memref<1x640xi32, #tpu.memory_space<vmem_shared>>
      %dma_wait3A_484 = tpu.memref_squeeze %dma_wait3A_483 : memref<1x640xi32, #tpu.memory_space<vmem_shared>> -> memref<640xi32, #tpu.memory_space<vmem_shared>>
      tpu.wait_dma2 semaphore(%arg23 : memref<!tpu.dma_semaphore, #tpu.memory_space<semaphore_mem>>) src(%dma_wait3A_484 : memref<640xi32, #tpu.memory_space<vmem_shared>>) dst(%arg13 : memref<640xi32, #tpu.memory_space<vmem>>)
      %scan3A_485 = arith.constant 0 : i32
      %scan3A_486 = arith.constant 0 : i32
      %scan3A_487 = arith.constant 40 : i32
      %scan3A_488 = arith.addi %scan3A_486, %scan3A_487 : i32
      %scan3A_489 = arith.constant 1 : i32
      %scan3A_490 = scf.for %scan3A_1023 = %scan3A_486 to %scan3A_488 step %scan3A_489 iter_args(%scan3A_1024 = %scan3A_485) -> (i32)  : i32 {
        %mul3A_1025 = arith.constant 16 : i32
        %mul3A_1026 = arith.muli %scan3A_1023, %mul3A_1025 : i32
        %get3A = arith.index_cast %mul3A_1026 : i32 to index
        %get3A_1027 = tpu.vector_load %arg15[%get3A] {strides = array<i32>} : memref<640xi32, #tpu.memory_space<vmem>>, vector<16xi32>,
        %get3A_1028 = arith.index_cast %mul3A_1026 : i32 to index
        %get3A_1029 = tpu.vector_load %arg13[%get3A_1028] {strides = array<i32>} : memref<640xi32, #tpu.memory_space<vmem>>, vector<16xi32>,
        %max3A = arith.maxsi %get3A_1027, %get3A_1029 : vector<16xi32>
        %swap3A_1030 = arith.index_cast %mul3A_1026 : i32 to index
        %swap3A_1031 = tpu.vector_load %arg15[%swap3A_1030] {strides = array<i32>} : memref<640xi32, #tpu.memory_space<vmem>>, vector<16xi32>,
        tpu.vector_store %arg15[%swap3A_1030], %max3A {strides = array<i32>} : memref<640xi32, #tpu.memory_space<vmem>>, vector<16xi32>,
        %scan3A_1032 = arith.constant 0 : i32
        scf.yield %scan3A_1032 : i32
      }
      %scan3A_491 = arith.constant 40 : i32
      %dma_start3A_492 = arith.constant 6 : i32
      %dma_start3A_493 = tpu.memref_slice %arg21[%dma_start3A_492, %mul3A_3] : memref<16x10240xi32, #tpu.memory_space<vmem_shared>> -> memref<1x640xi32, #tpu.memory_space<vmem_shared>>
      %dma_start3A_494 = tpu.memref_squeeze %dma_start3A_493 : memref<1x640xi32, #tpu.memory_space<vmem_shared>> -> memref<640xi32, #tpu.memory_space<vmem_shared>>
      %dma_start3A_495 = tpu.memref_slice %arg21[%dma_start3A_492, %mul3A_3] : memref<16x10240xi32, #tpu.memory_space<vmem_shared>> -> memref<1x640xi32, #tpu.memory_space<vmem_shared>>
      %dma_start3A_496 = tpu.memref_squeeze %dma_start3A_495 : memref<1x640xi32, #tpu.memory_space<vmem_shared>> -> memref<640xi32, #tpu.memory_space<vmem_shared>>
      tpu.enqueue_dma source(%dma_start3A_496 : memref<640xi32, #tpu.memory_space<vmem_shared>>) target(%arg13 : memref<640xi32, #tpu.memory_space<vmem>>) target_semaphore(%arg23 : memref<!tpu.dma_semaphore, #tpu.memory_space<semaphore_mem>>)
      %dma_wait3A_497 = arith.constant 5 : i32
      %dma_wait3A_498 = tpu.memref_slice %arg21[%dma_wait3A_497, %mul3A_3] : memref<16x10240xi32, #tpu.memory_space<vmem_shared>> -> memref<1x640xi32, #tpu.memory_space<vmem_shared>>
      %dma_wait3A_499 = tpu.memref_squeeze %dma_wait3A_498 : memref<1x640xi32, #tpu.memory_space<vmem_shared>> -> memref<640xi32, #tpu.memory_space<vmem_shared>>
      %dma_wait3A_500 = tpu.memref_slice %arg21[%dma_wait3A_497, %mul3A_3] : memref<16x10240xi32, #tpu.memory_space<vmem_shared>> -> memref<1x640xi32, #tpu.memory_space<vmem_shared>>
      %dma_wait3A_501 = tpu.memref_squeeze %dma_wait3A_500 : memref<1x640xi32, #tpu.memory_space<vmem_shared>> -> memref<640xi32, #tpu.memory_space<vmem_shared>>
      tpu.wait_dma2 semaphore(%arg24 : memref<!tpu.dma_semaphore, #tpu.memory_space<semaphore_mem>>) src(%dma_wait3A_501 : memref<640xi32, #tpu.memory_space<vmem_shared>>) dst(%arg14 : memref<640xi32, #tpu.memory_space<vmem>>)
      %scan3A_502 = arith.constant 0 : i32
      %scan3A_503 = arith.constant 0 : i32
      %scan3A_504 = arith.constant 40 : i32
      %scan3A_505 = arith.addi %scan3A_503, %scan3A_504 : i32
      %scan3A_506 = arith.constant 1 : i32
      %scan3A_507 = scf.for %scan3A_1023 = %scan3A_503 to %scan3A_505 step %scan3A_506 iter_args(%scan3A_1024 = %scan3A_502) -> (i32)  : i32 {
        %mul3A_1025 = arith.constant 16 : i32
        %mul3A_1026 = arith.muli %scan3A_1023, %mul3A_1025 : i32
        %get3A = arith.index_cast %mul3A_1026 : i32 to index
        %get3A_1027 = tpu.vector_load %arg15[%get3A] {strides = array<i32>} : memref<640xi32, #tpu.memory_space<vmem>>, vector<16xi32>,
        %get3A_1028 = arith.index_cast %mul3A_1026 : i32 to index
        %get3A_1029 = tpu.vector_load %arg14[%get3A_1028] {strides = array<i32>} : memref<640xi32, #tpu.memory_space<vmem>>, vector<16xi32>,
        %max3A = arith.maxsi %get3A_1027, %get3A_1029 : vector<16xi32>
        %swap3A_1030 = arith.index_cast %mul3A_1026 : i32 to index
        %swap3A_1031 = tpu.vector_load %arg15[%swap3A_1030] {strides = array<i32>} : memref<640xi32, #tpu.memory_space<vmem>>, vector<16xi32>,
        tpu.vector_store %arg15[%swap3A_1030], %max3A {strides = array<i32>} : memref<640xi32, #tpu.memory_space<vmem>>, vector<16xi32>,
        %scan3A_1032 = arith.constant 0 : i32
        scf.yield %scan3A_1032 : i32
      }
      %scan3A_508 = arith.constant 40 : i32
      %dma_start3A_509 = arith.constant 7 : i32
      %dma_start3A_510 = tpu.memref_slice %arg21[%dma_start3A_509, %mul3A_3] : memref<16x10240xi32, #tpu.memory_space<vmem_shared>> -> memref<1x640xi32, #tpu.memory_space<vmem_shared>>
      %dma_start3A_511 = tpu.memref_squeeze %dma_start3A_510 : memref<1x640xi32, #tpu.memory_space<vmem_shared>> -> memref<640xi32, #tpu.memory_space<vmem_shared>>
      %dma_start3A_512 = tpu.memref_slice %arg21[%dma_start3A_509, %mul3A_3] : memref<16x10240xi32, #tpu.memory_space<vmem_shared>> -> memref<1x640xi32, #tpu.memory_space<vmem_shared>>
      %dma_start3A_513 = tpu.memref_squeeze %dma_start3A_512 : memref<1x640xi32, #tpu.memory_space<vmem_shared>> -> memref<640xi32, #tpu.memory_space<vmem_shared>>
      tpu.enqueue_dma source(%dma_start3A_513 : memref<640xi32, #tpu.memory_space<vmem_shared>>) target(%arg14 : memref<640xi32, #tpu.memory_space<vmem>>) target_semaphore(%arg24 : memref<!tpu.dma_semaphore, #tpu.memory_space<semaphore_mem>>)
      %dma_wait3A_514 = arith.constant 6 : i32
      %dma_wait3A_515 = tpu.memref_slice %arg21[%dma_wait3A_514, %mul3A_3] : memref<16x10240xi32, #tpu.memory_space<vmem_shared>> -> memref<1x640xi32, #tpu.memory_space<vmem_shared>>
      %dma_wait3A_516 = tpu.memref_squeeze %dma_wait3A_515 : memref<1x640xi32, #tpu.memory_space<vmem_shared>> -> memref<640xi32, #tpu.memory_space<vmem_shared>>
      %dma_wait3A_517 = tpu.memref_slice %arg21[%dma_wait3A_514, %mul3A_3] : memref<16x10240xi32, #tpu.memory_space<vmem_shared>> -> memref<1x640xi32, #tpu.memory_space<vmem_shared>>
      %dma_wait3A_518 = tpu.memref_squeeze %dma_wait3A_517 : memref<1x640xi32, #tpu.memory_space<vmem_shared>> -> memref<640xi32, #tpu.memory_space<vmem_shared>>
      tpu.wait_dma2 semaphore(%arg23 : memref<!tpu.dma_semaphore, #tpu.memory_space<semaphore_mem>>) src(%dma_wait3A_518 : memref<640xi32, #tpu.memory_space<vmem_shared>>) dst(%arg13 : memref<640xi32, #tpu.memory_space<vmem>>)
      %scan3A_519 = arith.constant 0 : i32
      %scan3A_520 = arith.constant 0 : i32
      %scan3A_521 = arith.constant 40 : i32
      %scan3A_522 = arith.addi %scan3A_520, %scan3A_521 : i32
      %scan3A_523 = arith.constant 1 : i32
      %scan3A_524 = scf.for %scan3A_1023 = %scan3A_520 to %scan3A_522 step %scan3A_523 iter_args(%scan3A_1024 = %scan3A_519) -> (i32)  : i32 {
        %mul3A_1025 = arith.constant 16 : i32
        %mul3A_1026 = arith.muli %scan3A_1023, %mul3A_1025 : i32
        %get3A = arith.index_cast %mul3A_1026 : i32 to index
        %get3A_1027 = tpu.vector_load %arg15[%get3A] {strides = array<i32>} : memref<640xi32, #tpu.memory_space<vmem>>, vector<16xi32>,
        %get3A_1028 = arith.index_cast %mul3A_1026 : i32 to index
        %get3A_1029 = tpu.vector_load %arg13[%get3A_1028] {strides = array<i32>} : memref<640xi32, #tpu.memory_space<vmem>>, vector<16xi32>,
        %max3A = arith.maxsi %get3A_1027, %get3A_1029 : vector<16xi32>
        %swap3A_1030 = arith.index_cast %mul3A_1026 : i32 to index
        %swap3A_1031 = tpu.vector_load %arg15[%swap3A_1030] {strides = array<i32>} : memref<640xi32, #tpu.memory_space<vmem>>, vector<16xi32>,
        tpu.vector_store %arg15[%swap3A_1030], %max3A {strides = array<i32>} : memref<640xi32, #tpu.memory_space<vmem>>, vector<16xi32>,
        %scan3A_1032 = arith.constant 0 : i32
        scf.yield %scan3A_1032 : i32
      }
      %scan3A_525 = arith.constant 40 : i32
      %dma_start3A_526 = arith.constant 8 : i32
      %dma_start3A_527 = tpu.memref_slice %arg21[%dma_start3A_526, %mul3A_3] : memref<16x10240xi32, #tpu.memory_space<vmem_shared>> -> memref<1x640xi32, #tpu.memory_space<vmem_shared>>
      %dma_start3A_528 = tpu.memref_squeeze %dma_start3A_527 : memref<1x640xi32, #tpu.memory_space<vmem_shared>> -> memref<640xi32, #tpu.memory_space<vmem_shared>>
      %dma_start3A_529 = tpu.memref_slice %arg21[%dma_start3A_526, %mul3A_3] : memref<16x10240xi32, #tpu.memory_space<vmem_shared>> -> memref<1x640xi32, #tpu.memory_space<vmem_shared>>
      %dma_start3A_530 = tpu.memref_squeeze %dma_start3A_529 : memref<1x640xi32, #tpu.memory_space<vmem_shared>> -> memref<640xi32, #tpu.memory_space<vmem_shared>>
      tpu.enqueue_dma source(%dma_start3A_530 : memref<640xi32, #tpu.memory_space<vmem_shared>>) target(%arg13 : memref<640xi32, #tpu.memory_space<vmem>>) target_semaphore(%arg23 : memref<!tpu.dma_semaphore, #tpu.memory_space<semaphore_mem>>)
      %dma_wait3A_531 = arith.constant 7 : i32
      %dma_wait3A_532 = tpu.memref_slice %arg21[%dma_wait3A_531, %mul3A_3] : memref<16x10240xi32, #tpu.memory_space<vmem_shared>> -> memref<1x640xi32, #tpu.memory_space<vmem_shared>>
      %dma_wait3A_533 = tpu.memref_squeeze %dma_wait3A_532 : memref<1x640xi32, #tpu.memory_space<vmem_shared>> -> memref<640xi32, #tpu.memory_space<vmem_shared>>
      %dma_wait3A_534 = tpu.memref_slice %arg21[%dma_wait3A_531, %mul3A_3] : memref<16x10240xi32, #tpu.memory_space<vmem_shared>> -> memref<1x640xi32, #tpu.memory_space<vmem_shared>>
      %dma_wait3A_535 = tpu.memref_squeeze %dma_wait3A_534 : memref<1x640xi32, #tpu.memory_space<vmem_shared>> -> memref<640xi32, #tpu.memory_space<vmem_shared>>
      tpu.wait_dma2 semaphore(%arg24 : memref<!tpu.dma_semaphore, #tpu.memory_space<semaphore_mem>>) src(%dma_wait3A_535 : memref<640xi32, #tpu.memory_space<vmem_shared>>) dst(%arg14 : memref<640xi32, #tpu.memory_space<vmem>>)
      %scan3A_536 = arith.constant 0 : i32
      %scan3A_537 = arith.constant 0 : i32
      %scan3A_538 = arith.constant 40 : i32
      %scan3A_539 = arith.addi %scan3A_537, %scan3A_538 : i32
      %scan3A_540 = arith.constant 1 : i32
      %scan3A_541 = scf.for %scan3A_1023 = %scan3A_537 to %scan3A_539 step %scan3A_540 iter_args(%scan3A_1024 = %scan3A_536) -> (i32)  : i32 {
        %mul3A_1025 = arith.constant 16 : i32
        %mul3A_1026 = arith.muli %scan3A_1023, %mul3A_1025 : i32
        %get3A = arith.index_cast %mul3A_1026 : i32 to index
        %get3A_1027 = tpu.vector_load %arg15[%get3A] {strides = array<i32>} : memref<640xi32, #tpu.memory_space<vmem>>, vector<16xi32>,
        %get3A_1028 = arith.index_cast %mul3A_1026 : i32 to index
        %get3A_1029 = tpu.vector_load %arg14[%get3A_1028] {strides = array<i32>} : memref<640xi32, #tpu.memory_space<vmem>>, vector<16xi32>,
        %max3A = arith.maxsi %get3A_1027, %get3A_1029 : vector<16xi32>
        %swap3A_1030 = arith.index_cast %mul3A_1026 : i32 to index
        %swap3A_1031 = tpu.vector_load %arg15[%swap3A_1030] {strides = array<i32>} : memref<640xi32, #tpu.memory_space<vmem>>, vector<16xi32>,
        tpu.vector_store %arg15[%swap3A_1030], %max3A {strides = array<i32>} : memref<640xi32, #tpu.memory_space<vmem>>, vector<16xi32>,
        %scan3A_1032 = arith.constant 0 : i32
        scf.yield %scan3A_1032 : i32
      }
      %scan3A_542 = arith.constant 40 : i32
      %dma_start3A_543 = arith.constant 9 : i32
      %dma_start3A_544 = tpu.memref_slice %arg21[%dma_start3A_543, %mul3A_3] : memref<16x10240xi32, #tpu.memory_space<vmem_shared>> -> memref<1x640xi32, #tpu.memory_space<vmem_shared>>
      %dma_start3A_545 = tpu.memref_squeeze %dma_start3A_544 : memref<1x640xi32, #tpu.memory_space<vmem_shared>> -> memref<640xi32, #tpu.memory_space<vmem_shared>>
      %dma_start3A_546 = tpu.memref_slice %arg21[%dma_start3A_543, %mul3A_3] : memref<16x10240xi32, #tpu.memory_space<vmem_shared>> -> memref<1x640xi32, #tpu.memory_space<vmem_shared>>
      %dma_start3A_547 = tpu.memref_squeeze %dma_start3A_546 : memref<1x640xi32, #tpu.memory_space<vmem_shared>> -> memref<640xi32, #tpu.memory_space<vmem_shared>>
      tpu.enqueue_dma source(%dma_start3A_547 : memref<640xi32, #tpu.memory_space<vmem_shared>>) target(%arg14 : memref<640xi32, #tpu.memory_space<vmem>>) target_semaphore(%arg24 : memref<!tpu.dma_semaphore, #tpu.memory_space<semaphore_mem>>)
      %dma_wait3A_548 = arith.constant 8 : i32
      %dma_wait3A_549 = tpu.memref_slice %arg21[%dma_wait3A_548, %mul3A_3] : memref<16x10240xi32, #tpu.memory_space<vmem_shared>> -> memref<1x640xi32, #tpu.memory_space<vmem_shared>>
      %dma_wait3A_550 = tpu.memref_squeeze %dma_wait3A_549 : memref<1x640xi32, #tpu.memory_space<vmem_shared>> -> memref<640xi32, #tpu.memory_space<vmem_shared>>
      %dma_wait3A_551 = tpu.memref_slice %arg21[%dma_wait3A_548, %mul3A_3] : memref<16x10240xi32, #tpu.memory_space<vmem_shared>> -> memref<1x640xi32, #tpu.memory_space<vmem_shared>>
      %dma_wait3A_552 = tpu.memref_squeeze %dma_wait3A_551 : memref<1x640xi32, #tpu.memory_space<vmem_shared>> -> memref<640xi32, #tpu.memory_space<vmem_shared>>
      tpu.wait_dma2 semaphore(%arg23 : memref<!tpu.dma_semaphore, #tpu.memory_space<semaphore_mem>>) src(%dma_wait3A_552 : memref<640xi32, #tpu.memory_space<vmem_shared>>) dst(%arg13 : memref<640xi32, #tpu.memory_space<vmem>>)
      %scan3A_553 = arith.constant 0 : i32
      %scan3A_554 = arith.constant 0 : i32
      %scan3A_555 = arith.constant 40 : i32
      %scan3A_556 = arith.addi %scan3A_554, %scan3A_555 : i32
      %scan3A_557 = arith.constant 1 : i32
      %scan3A_558 = scf.for %scan3A_1023 = %scan3A_554 to %scan3A_556 step %scan3A_557 iter_args(%scan3A_1024 = %scan3A_553) -> (i32)  : i32 {
        %mul3A_1025 = arith.constant 16 : i32
        %mul3A_1026 = arith.muli %scan3A_1023, %mul3A_1025 : i32
        %get3A = arith.index_cast %mul3A_1026 : i32 to index
        %get3A_1027 = tpu.vector_load %arg15[%get3A] {strides = array<i32>} : memref<640xi32, #tpu.memory_space<vmem>>, vector<16xi32>,
        %get3A_1028 = arith.index_cast %mul3A_1026 : i32 to index
        %get3A_1029 = tpu.vector_load %arg13[%get3A_1028] {strides = array<i32>} : memref<640xi32, #tpu.memory_space<vmem>>, vector<16xi32>,
        %max3A = arith.maxsi %get3A_1027, %get3A_1029 : vector<16xi32>
        %swap3A_1030 = arith.index_cast %mul3A_1026 : i32 to index
        %swap3A_1031 = tpu.vector_load %arg15[%swap3A_1030] {strides = array<i32>} : memref<640xi32, #tpu.memory_space<vmem>>, vector<16xi32>,
        tpu.vector_store %arg15[%swap3A_1030], %max3A {strides = array<i32>} : memref<640xi32, #tpu.memory_space<vmem>>, vector<16xi32>,
        %scan3A_1032 = arith.constant 0 : i32
        scf.yield %scan3A_1032 : i32
      }
      %scan3A_559 = arith.constant 40 : i32
      %dma_start3A_560 = arith.constant 10 : i32
      %dma_start3A_561 = tpu.memref_slice %arg21[%dma_start3A_560, %mul3A_3] : memref<16x10240xi32, #tpu.memory_space<vmem_shared>> -> memref<1x640xi32, #tpu.memory_space<vmem_shared>>
      %dma_start3A_562 = tpu.memref_squeeze %dma_start3A_561 : memref<1x640xi32, #tpu.memory_space<vmem_shared>> -> memref<640xi32, #tpu.memory_space<vmem_shared>>
      %dma_start3A_563 = tpu.memref_slice %arg21[%dma_start3A_560, %mul3A_3] : memref<16x10240xi32, #tpu.memory_space<vmem_shared>> -> memref<1x640xi32, #tpu.memory_space<vmem_shared>>
      %dma_start3A_564 = tpu.memref_squeeze %dma_start3A_563 : memref<1x640xi32, #tpu.memory_space<vmem_shared>> -> memref<640xi32, #tpu.memory_space<vmem_shared>>
      tpu.enqueue_dma source(%dma_start3A_564 : memref<640xi32, #tpu.memory_space<vmem_shared>>) target(%arg13 : memref<640xi32, #tpu.memory_space<vmem>>) target_semaphore(%arg23 : memref<!tpu.dma_semaphore, #tpu.memory_space<semaphore_mem>>)
      %dma_wait3A_565 = arith.constant 9 : i32
      %dma_wait3A_566 = tpu.memref_slice %arg21[%dma_wait3A_565, %mul3A_3] : memref<16x10240xi32, #tpu.memory_space<vmem_shared>> -> memref<1x640xi32, #tpu.memory_space<vmem_shared>>
      %dma_wait3A_567 = tpu.memref_squeeze %dma_wait3A_566 : memref<1x640xi32, #tpu.memory_space<vmem_shared>> -> memref<640xi32, #tpu.memory_space<vmem_shared>>
      %dma_wait3A_568 = tpu.memref_slice %arg21[%dma_wait3A_565, %mul3A_3] : memref<16x10240xi32, #tpu.memory_space<vmem_shared>> -> memref<1x640xi32, #tpu.memory_space<vmem_shared>>
      %dma_wait3A_569 = tpu.memref_squeeze %dma_wait3A_568 : memref<1x640xi32, #tpu.memory_space<vmem_shared>> -> memref<640xi32, #tpu.memory_space<vmem_shared>>
      tpu.wait_dma2 semaphore(%arg24 : memref<!tpu.dma_semaphore, #tpu.memory_space<semaphore_mem>>) src(%dma_wait3A_569 : memref<640xi32, #tpu.memory_space<vmem_shared>>) dst(%arg14 : memref<640xi32, #tpu.memory_space<vmem>>)
      %scan3A_570 = arith.constant 0 : i32
      %scan3A_571 = arith.constant 0 : i32
      %scan3A_572 = arith.constant 40 : i32
      %scan3A_573 = arith.addi %scan3A_571, %scan3A_572 : i32
      %scan3A_574 = arith.constant 1 : i32
      %scan3A_575 = scf.for %scan3A_1023 = %scan3A_571 to %scan3A_573 step %scan3A_574 iter_args(%scan3A_1024 = %scan3A_570) -> (i32)  : i32 {
        %mul3A_1025 = arith.constant 16 : i32
        %mul3A_1026 = arith.muli %scan3A_1023, %mul3A_1025 : i32
        %get3A = arith.index_cast %mul3A_1026 : i32 to index
        %get3A_1027 = tpu.vector_load %arg15[%get3A] {strides = array<i32>} : memref<640xi32, #tpu.memory_space<vmem>>, vector<16xi32>,
        %get3A_1028 = arith.index_cast %mul3A_1026 : i32 to index
        %get3A_1029 = tpu.vector_load %arg14[%get3A_1028] {strides = array<i32>} : memref<640xi32, #tpu.memory_space<vmem>>, vector<16xi32>,
        %max3A = arith.maxsi %get3A_1027, %get3A_1029 : vector<16xi32>
        %swap3A_1030 = arith.index_cast %mul3A_1026 : i32 to index
        %swap3A_1031 = tpu.vector_load %arg15[%swap3A_1030] {strides = array<i32>} : memref<640xi32, #tpu.memory_space<vmem>>, vector<16xi32>,
        tpu.vector_store %arg15[%swap3A_1030], %max3A {strides = array<i32>} : memref<640xi32, #tpu.memory_space<vmem>>, vector<16xi32>,
        %scan3A_1032 = arith.constant 0 : i32
        scf.yield %scan3A_1032 : i32
      }
      %scan3A_576 = arith.constant 40 : i32
      %dma_start3A_577 = arith.constant 11 : i32
      %dma_start3A_578 = tpu.memref_slice %arg21[%dma_start3A_577, %mul3A_3] : memref<16x10240xi32, #tpu.memory_space<vmem_shared>> -> memref<1x640xi32, #tpu.memory_space<vmem_shared>>
      %dma_start3A_579 = tpu.memref_squeeze %dma_start3A_578 : memref<1x640xi32, #tpu.memory_space<vmem_shared>> -> memref<640xi32, #tpu.memory_space<vmem_shared>>
      %dma_start3A_580 = tpu.memref_slice %arg21[%dma_start3A_577, %mul3A_3] : memref<16x10240xi32, #tpu.memory_space<vmem_shared>> -> memref<1x640xi32, #tpu.memory_space<vmem_shared>>
      %dma_start3A_581 = tpu.memref_squeeze %dma_start3A_580 : memref<1x640xi32, #tpu.memory_space<vmem_shared>> -> memref<640xi32, #tpu.memory_space<vmem_shared>>
      tpu.enqueue_dma source(%dma_start3A_581 : memref<640xi32, #tpu.memory_space<vmem_shared>>) target(%arg14 : memref<640xi32, #tpu.memory_space<vmem>>) target_semaphore(%arg24 : memref<!tpu.dma_semaphore, #tpu.memory_space<semaphore_mem>>)
      %dma_wait3A_582 = arith.constant 10 : i32
      %dma_wait3A_583 = tpu.memref_slice %arg21[%dma_wait3A_582, %mul3A_3] : memref<16x10240xi32, #tpu.memory_space<vmem_shared>> -> memref<1x640xi32, #tpu.memory_space<vmem_shared>>
      %dma_wait3A_584 = tpu.memref_squeeze %dma_wait3A_583 : memref<1x640xi32, #tpu.memory_space<vmem_shared>> -> memref<640xi32, #tpu.memory_space<vmem_shared>>
      %dma_wait3A_585 = tpu.memref_slice %arg21[%dma_wait3A_582, %mul3A_3] : memref<16x10240xi32, #tpu.memory_space<vmem_shared>> -> memref<1x640xi32, #tpu.memory_space<vmem_shared>>
      %dma_wait3A_586 = tpu.memref_squeeze %dma_wait3A_585 : memref<1x640xi32, #tpu.memory_space<vmem_shared>> -> memref<640xi32, #tpu.memory_space<vmem_shared>>
      tpu.wait_dma2 semaphore(%arg23 : memref<!tpu.dma_semaphore, #tpu.memory_space<semaphore_mem>>) src(%dma_wait3A_586 : memref<640xi32, #tpu.memory_space<vmem_shared>>) dst(%arg13 : memref<640xi32, #tpu.memory_space<vmem>>)
      %scan3A_587 = arith.constant 0 : i32
      %scan3A_588 = arith.constant 0 : i32
      %scan3A_589 = arith.constant 40 : i32
      %scan3A_590 = arith.addi %scan3A_588, %scan3A_589 : i32
      %scan3A_591 = arith.constant 1 : i32
      %scan3A_592 = scf.for %scan3A_1023 = %scan3A_588 to %scan3A_590 step %scan3A_591 iter_args(%scan3A_1024 = %scan3A_587) -> (i32)  : i32 {
        %mul3A_1025 = arith.constant 16 : i32
        %mul3A_1026 = arith.muli %scan3A_1023, %mul3A_1025 : i32
        %get3A = arith.index_cast %mul3A_1026 : i32 to index
        %get3A_1027 = tpu.vector_load %arg15[%get3A] {strides = array<i32>} : memref<640xi32, #tpu.memory_space<vmem>>, vector<16xi32>,
        %get3A_1028 = arith.index_cast %mul3A_1026 : i32 to index
        %get3A_1029 = tpu.vector_load %arg13[%get3A_1028] {strides = array<i32>} : memref<640xi32, #tpu.memory_space<vmem>>, vector<16xi32>,
        %max3A = arith.maxsi %get3A_1027, %get3A_1029 : vector<16xi32>
        %swap3A_1030 = arith.index_cast %mul3A_1026 : i32 to index
        %swap3A_1031 = tpu.vector_load %arg15[%swap3A_1030] {strides = array<i32>} : memref<640xi32, #tpu.memory_space<vmem>>, vector<16xi32>,
        tpu.vector_store %arg15[%swap3A_1030], %max3A {strides = array<i32>} : memref<640xi32, #tpu.memory_space<vmem>>, vector<16xi32>,
        %scan3A_1032 = arith.constant 0 : i32
        scf.yield %scan3A_1032 : i32
      }
      %scan3A_593 = arith.constant 40 : i32
      %dma_start3A_594 = arith.constant 12 : i32
      %dma_start3A_595 = tpu.memref_slice %arg21[%dma_start3A_594, %mul3A_3] : memref<16x10240xi32, #tpu.memory_space<vmem_shared>> -> memref<1x640xi32, #tpu.memory_space<vmem_shared>>
      %dma_start3A_596 = tpu.memref_squeeze %dma_start3A_595 : memref<1x640xi32, #tpu.memory_space<vmem_shared>> -> memref<640xi32, #tpu.memory_space<vmem_shared>>
      %dma_start3A_597 = tpu.memref_slice %arg21[%dma_start3A_594, %mul3A_3] : memref<16x10240xi32, #tpu.memory_space<vmem_shared>> -> memref<1x640xi32, #tpu.memory_space<vmem_shared>>
      %dma_start3A_598 = tpu.memref_squeeze %dma_start3A_597 : memref<1x640xi32, #tpu.memory_space<vmem_shared>> -> memref<640xi32, #tpu.memory_space<vmem_shared>>
      tpu.enqueue_dma source(%dma_start3A_598 : memref<640xi32, #tpu.memory_space<vmem_shared>>) target(%arg13 : memref<640xi32, #tpu.memory_space<vmem>>) target_semaphore(%arg23 : memref<!tpu.dma_semaphore, #tpu.memory_space<semaphore_mem>>)
      %dma_wait3A_599 = arith.constant 11 : i32
      %dma_wait3A_600 = tpu.memref_slice %arg21[%dma_wait3A_599, %mul3A_3] : memref<16x10240xi32, #tpu.memory_space<vmem_shared>> -> memref<1x640xi32, #tpu.memory_space<vmem_shared>>
      %dma_wait3A_601 = tpu.memref_squeeze %dma_wait3A_600 : memref<1x640xi32, #tpu.memory_space<vmem_shared>> -> memref<640xi32, #tpu.memory_space<vmem_shared>>
      %dma_wait3A_602 = tpu.memref_slice %arg21[%dma_wait3A_599, %mul3A_3] : memref<16x10240xi32, #tpu.memory_space<vmem_shared>> -> memref<1x640xi32, #tpu.memory_space<vmem_shared>>
      %dma_wait3A_603 = tpu.memref_squeeze %dma_wait3A_602 : memref<1x640xi32, #tpu.memory_space<vmem_shared>> -> memref<640xi32, #tpu.memory_space<vmem_shared>>
      tpu.wait_dma2 semaphore(%arg24 : memref<!tpu.dma_semaphore, #tpu.memory_space<semaphore_mem>>) src(%dma_wait3A_603 : memref<640xi32, #tpu.memory_space<vmem_shared>>) dst(%arg14 : memref<640xi32, #tpu.memory_space<vmem>>)
      %scan3A_604 = arith.constant 0 : i32
      %scan3A_605 = arith.constant 0 : i32
      %scan3A_606 = arith.constant 40 : i32
      %scan3A_607 = arith.addi %scan3A_605, %scan3A_606 : i32
      %scan3A_608 = arith.constant 1 : i32
      %scan3A_609 = scf.for %scan3A_1023 = %scan3A_605 to %scan3A_607 step %scan3A_608 iter_args(%scan3A_1024 = %scan3A_604) -> (i32)  : i32 {
        %mul3A_1025 = arith.constant 16 : i32
        %mul3A_1026 = arith.muli %scan3A_1023, %mul3A_1025 : i32
        %get3A = arith.index_cast %mul3A_1026 : i32 to index
        %get3A_1027 = tpu.vector_load %arg15[%get3A] {strides = array<i32>} : memref<640xi32, #tpu.memory_space<vmem>>, vector<16xi32>,
        %get3A_1028 = arith.index_cast %mul3A_1026 : i32 to index
        %get3A_1029 = tpu.vector_load %arg14[%get3A_1028] {strides = array<i32>} : memref<640xi32, #tpu.memory_space<vmem>>, vector<16xi32>,
        %max3A = arith.maxsi %get3A_1027, %get3A_1029 : vector<16xi32>
        %swap3A_1030 = arith.index_cast %mul3A_1026 : i32 to index
        %swap3A_1031 = tpu.vector_load %arg15[%swap3A_1030] {strides = array<i32>} : memref<640xi32, #tpu.memory_space<vmem>>, vector<16xi32>,
        tpu.vector_store %arg15[%swap3A_1030], %max3A {strides = array<i32>} : memref<640xi32, #tpu.memory_space<vmem>>, vector<16xi32>,
        %scan3A_1032 = arith.constant 0 : i32
        scf.yield %scan3A_1032 : i32
      }
      %scan3A_610 = arith.constant 40 : i32
      %dma_start3A_611 = arith.constant 13 : i32
      %dma_start3A_612 = tpu.memref_slice %arg21[%dma_start3A_611, %mul3A_3] : memref<16x10240xi32, #tpu.memory_space<vmem_shared>> -> memref<1x640xi32, #tpu.memory_space<vmem_shared>>
      %dma_start3A_613 = tpu.memref_squeeze %dma_start3A_612 : memref<1x640xi32, #tpu.memory_space<vmem_shared>> -> memref<640xi32, #tpu.memory_space<vmem_shared>>
      %dma_start3A_614 = tpu.memref_slice %arg21[%dma_start3A_611, %mul3A_3] : memref<16x10240xi32, #tpu.memory_space<vmem_shared>> -> memref<1x640xi32, #tpu.memory_space<vmem_shared>>
      %dma_start3A_615 = tpu.memref_squeeze %dma_start3A_614 : memref<1x640xi32, #tpu.memory_space<vmem_shared>> -> memref<640xi32, #tpu.memory_space<vmem_shared>>
      tpu.enqueue_dma source(%dma_start3A_615 : memref<640xi32, #tpu.memory_space<vmem_shared>>) target(%arg14 : memref<640xi32, #tpu.memory_space<vmem>>) target_semaphore(%arg24 : memref<!tpu.dma_semaphore, #tpu.memory_space<semaphore_mem>>)
      %dma_wait3A_616 = arith.constant 12 : i32
      %dma_wait3A_617 = tpu.memref_slice %arg21[%dma_wait3A_616, %mul3A_3] : memref<16x10240xi32, #tpu.memory_space<vmem_shared>> -> memref<1x640xi32, #tpu.memory_space<vmem_shared>>
      %dma_wait3A_618 = tpu.memref_squeeze %dma_wait3A_617 : memref<1x640xi32, #tpu.memory_space<vmem_shared>> -> memref<640xi32, #tpu.memory_space<vmem_shared>>
      %dma_wait3A_619 = tpu.memref_slice %arg21[%dma_wait3A_616, %mul3A_3] : memref<16x10240xi32, #tpu.memory_space<vmem_shared>> -> memref<1x640xi32, #tpu.memory_space<vmem_shared>>
      %dma_wait3A_620 = tpu.memref_squeeze %dma_wait3A_619 : memref<1x640xi32, #tpu.memory_space<vmem_shared>> -> memref<640xi32, #tpu.memory_space<vmem_shared>>
      tpu.wait_dma2 semaphore(%arg23 : memref<!tpu.dma_semaphore, #tpu.memory_space<semaphore_mem>>) src(%dma_wait3A_620 : memref<640xi32, #tpu.memory_space<vmem_shared>>) dst(%arg13 : memref<640xi32, #tpu.memory_space<vmem>>)
      %scan3A_621 = arith.constant 0 : i32
      %scan3A_622 = arith.constant 0 : i32
      %scan3A_623 = arith.constant 40 : i32
      %scan3A_624 = arith.addi %scan3A_622, %scan3A_623 : i32
      %scan3A_625 = arith.constant 1 : i32
      %scan3A_626 = scf.for %scan3A_1023 = %scan3A_622 to %scan3A_624 step %scan3A_625 iter_args(%scan3A_1024 = %scan3A_621) -> (i32)  : i32 {
        %mul3A_1025 = arith.constant 16 : i32
        %mul3A_1026 = arith.muli %scan3A_1023, %mul3A_1025 : i32
        %get3A = arith.index_cast %mul3A_1026 : i32 to index
        %get3A_1027 = tpu.vector_load %arg15[%get3A] {strides = array<i32>} : memref<640xi32, #tpu.memory_space<vmem>>, vector<16xi32>,
        %get3A_1028 = arith.index_cast %mul3A_1026 : i32 to index
        %get3A_1029 = tpu.vector_load %arg13[%get3A_1028] {strides = array<i32>} : memref<640xi32, #tpu.memory_space<vmem>>, vector<16xi32>,
        %max3A = arith.maxsi %get3A_1027, %get3A_1029 : vector<16xi32>
        %swap3A_1030 = arith.index_cast %mul3A_1026 : i32 to index
        %swap3A_1031 = tpu.vector_load %arg15[%swap3A_1030] {strides = array<i32>} : memref<640xi32, #tpu.memory_space<vmem>>, vector<16xi32>,
        tpu.vector_store %arg15[%swap3A_1030], %max3A {strides = array<i32>} : memref<640xi32, #tpu.memory_space<vmem>>, vector<16xi32>,
        %scan3A_1032 = arith.constant 0 : i32
        scf.yield %scan3A_1032 : i32
      }
      %scan3A_627 = arith.constant 40 : i32
      %dma_start3A_628 = arith.constant 14 : i32
      %dma_start3A_629 = tpu.memref_slice %arg21[%dma_start3A_628, %mul3A_3] : memref<16x10240xi32, #tpu.memory_space<vmem_shared>> -> memref<1x640xi32, #tpu.memory_space<vmem_shared>>
      %dma_start3A_630 = tpu.memref_squeeze %dma_start3A_629 : memref<1x640xi32, #tpu.memory_space<vmem_shared>> -> memref<640xi32, #tpu.memory_space<vmem_shared>>
      %dma_start3A_631 = tpu.memref_slice %arg21[%dma_start3A_628, %mul3A_3] : memref<16x10240xi32, #tpu.memory_space<vmem_shared>> -> memref<1x640xi32, #tpu.memory_space<vmem_shared>>
      %dma_start3A_632 = tpu.memref_squeeze %dma_start3A_631 : memref<1x640xi32, #tpu.memory_space<vmem_shared>> -> memref<640xi32, #tpu.memory_space<vmem_shared>>
      tpu.enqueue_dma source(%dma_start3A_632 : memref<640xi32, #tpu.memory_space<vmem_shared>>) target(%arg13 : memref<640xi32, #tpu.memory_space<vmem>>) target_semaphore(%arg23 : memref<!tpu.dma_semaphore, #tpu.memory_space<semaphore_mem>>)
      %dma_wait3A_633 = arith.constant 13 : i32
      %dma_wait3A_634 = tpu.memref_slice %arg21[%dma_wait3A_633, %mul3A_3] : memref<16x10240xi32, #tpu.memory_space<vmem_shared>> -> memref<1x640xi32, #tpu.memory_space<vmem_shared>>
      %dma_wait3A_635 = tpu.memref_squeeze %dma_wait3A_634 : memref<1x640xi32, #tpu.memory_space<vmem_shared>> -> memref<640xi32, #tpu.memory_space<vmem_shared>>
      %dma_wait3A_636 = tpu.memref_slice %arg21[%dma_wait3A_633, %mul3A_3] : memref<16x10240xi32, #tpu.memory_space<vmem_shared>> -> memref<1x640xi32, #tpu.memory_space<vmem_shared>>
      %dma_wait3A_637 = tpu.memref_squeeze %dma_wait3A_636 : memref<1x640xi32, #tpu.memory_space<vmem_shared>> -> memref<640xi32, #tpu.memory_space<vmem_shared>>
      tpu.wait_dma2 semaphore(%arg24 : memref<!tpu.dma_semaphore, #tpu.memory_space<semaphore_mem>>) src(%dma_wait3A_637 : memref<640xi32, #tpu.memory_space<vmem_shared>>) dst(%arg14 : memref<640xi32, #tpu.memory_space<vmem>>)
      %scan3A_638 = arith.constant 0 : i32
      %scan3A_639 = arith.constant 0 : i32
      %scan3A_640 = arith.constant 40 : i32
      %scan3A_641 = arith.addi %scan3A_639, %scan3A_640 : i32
      %scan3A_642 = arith.constant 1 : i32
      %scan3A_643 = scf.for %scan3A_1023 = %scan3A_639 to %scan3A_641 step %scan3A_642 iter_args(%scan3A_1024 = %scan3A_638) -> (i32)  : i32 {
        %mul3A_1025 = arith.constant 16 : i32
        %mul3A_1026 = arith.muli %scan3A_1023, %mul3A_1025 : i32
        %get3A = arith.index_cast %mul3A_1026 : i32 to index
        %get3A_1027 = tpu.vector_load %arg15[%get3A] {strides = array<i32>} : memref<640xi32, #tpu.memory_space<vmem>>, vector<16xi32>,
        %get3A_1028 = arith.index_cast %mul3A_1026 : i32 to index
        %get3A_1029 = tpu.vector_load %arg14[%get3A_1028] {strides = array<i32>} : memref<640xi32, #tpu.memory_space<vmem>>, vector<16xi32>,
        %max3A = arith.maxsi %get3A_1027, %get3A_1029 : vector<16xi32>
        %swap3A_1030 = arith.index_cast %mul3A_1026 : i32 to index
        %swap3A_1031 = tpu.vector_load %arg15[%swap3A_1030] {strides = array<i32>} : memref<640xi32, #tpu.memory_space<vmem>>, vector<16xi32>,
        tpu.vector_store %arg15[%swap3A_1030], %max3A {strides = array<i32>} : memref<640xi32, #tpu.memory_space<vmem>>, vector<16xi32>,
        %scan3A_1032 = arith.constant 0 : i32
        scf.yield %scan3A_1032 : i32
      }
      %scan3A_644 = arith.constant 40 : i32
      %dma_start3A_645 = arith.constant 15 : i32
      %dma_start3A_646 = tpu.memref_slice %arg21[%dma_start3A_645, %mul3A_3] : memref<16x10240xi32, #tpu.memory_space<vmem_shared>> -> memref<1x640xi32, #tpu.memory_space<vmem_shared>>
      %dma_start3A_647 = tpu.memref_squeeze %dma_start3A_646 : memref<1x640xi32, #tpu.memory_space<vmem_shared>> -> memref<640xi32, #tpu.memory_space<vmem_shared>>
      %dma_start3A_648 = tpu.memref_slice %arg21[%dma_start3A_645, %mul3A_3] : memref<16x10240xi32, #tpu.memory_space<vmem_shared>> -> memref<1x640xi32, #tpu.memory_space<vmem_shared>>
      %dma_start3A_649 = tpu.memref_squeeze %dma_start3A_648 : memref<1x640xi32, #tpu.memory_space<vmem_shared>> -> memref<640xi32, #tpu.memory_space<vmem_shared>>
      tpu.enqueue_dma source(%dma_start3A_649 : memref<640xi32, #tpu.memory_space<vmem_shared>>) target(%arg14 : memref<640xi32, #tpu.memory_space<vmem>>) target_semaphore(%arg24 : memref<!tpu.dma_semaphore, #tpu.memory_space<semaphore_mem>>)
      %dma_wait3A_650 = arith.constant 14 : i32
      %dma_wait3A_651 = tpu.memref_slice %arg21[%dma_wait3A_650, %mul3A_3] : memref<16x10240xi32, #tpu.memory_space<vmem_shared>> -> memref<1x640xi32, #tpu.memory_space<vmem_shared>>
      %dma_wait3A_652 = tpu.memref_squeeze %dma_wait3A_651 : memref<1x640xi32, #tpu.memory_space<vmem_shared>> -> memref<640xi32, #tpu.memory_space<vmem_shared>>
      %dma_wait3A_653 = tpu.memref_slice %arg21[%dma_wait3A_650, %mul3A_3] : memref<16x10240xi32, #tpu.memory_space<vmem_shared>> -> memref<1x640xi32, #tpu.memory_space<vmem_shared>>
      %dma_wait3A_654 = tpu.memref_squeeze %dma_wait3A_653 : memref<1x640xi32, #tpu.memory_space<vmem_shared>> -> memref<640xi32, #tpu.memory_space<vmem_shared>>
      tpu.wait_dma2 semaphore(%arg23 : memref<!tpu.dma_semaphore, #tpu.memory_space<semaphore_mem>>) src(%dma_wait3A_654 : memref<640xi32, #tpu.memory_space<vmem_shared>>) dst(%arg13 : memref<640xi32, #tpu.memory_space<vmem>>)
      %scan3A_655 = arith.constant 0 : i32
      %scan3A_656 = arith.constant 0 : i32
      %scan3A_657 = arith.constant 40 : i32
      %scan3A_658 = arith.addi %scan3A_656, %scan3A_657 : i32
      %scan3A_659 = arith.constant 1 : i32
      %scan3A_660 = scf.for %scan3A_1023 = %scan3A_656 to %scan3A_658 step %scan3A_659 iter_args(%scan3A_1024 = %scan3A_655) -> (i32)  : i32 {
        %mul3A_1025 = arith.constant 16 : i32
        %mul3A_1026 = arith.muli %scan3A_1023, %mul3A_1025 : i32
        %get3A = arith.index_cast %mul3A_1026 : i32 to index
        %get3A_1027 = tpu.vector_load %arg15[%get3A] {strides = array<i32>} : memref<640xi32, #tpu.memory_space<vmem>>, vector<16xi32>,
        %get3A_1028 = arith.index_cast %mul3A_1026 : i32 to index
        %get3A_1029 = tpu.vector_load %arg13[%get3A_1028] {strides = array<i32>} : memref<640xi32, #tpu.memory_space<vmem>>, vector<16xi32>,
        %max3A = arith.maxsi %get3A_1027, %get3A_1029 : vector<16xi32>
        %swap3A_1030 = arith.index_cast %mul3A_1026 : i32 to index
        %swap3A_1031 = tpu.vector_load %arg15[%swap3A_1030] {strides = array<i32>} : memref<640xi32, #tpu.memory_space<vmem>>, vector<16xi32>,
        tpu.vector_store %arg15[%swap3A_1030], %max3A {strides = array<i32>} : memref<640xi32, #tpu.memory_space<vmem>>, vector<16xi32>,
        %scan3A_1032 = arith.constant 0 : i32
        scf.yield %scan3A_1032 : i32
      }
      %scan3A_661 = arith.constant 40 : i32
      %dma_wait3A_662 = arith.constant 15 : i32
      %dma_wait3A_663 = tpu.memref_slice %arg21[%dma_wait3A_662, %mul3A_3] : memref<16x10240xi32, #tpu.memory_space<vmem_shared>> -> memref<1x640xi32, #tpu.memory_space<vmem_shared>>
      %dma_wait3A_664 = tpu.memref_squeeze %dma_wait3A_663 : memref<1x640xi32, #tpu.memory_space<vmem_shared>> -> memref<640xi32, #tpu.memory_space<vmem_shared>>
      %dma_wait3A_665 = tpu.memref_slice %arg21[%dma_wait3A_662, %mul3A_3] : memref<16x10240xi32, #tpu.memory_space<vmem_shared>> -> memref<1x640xi32, #tpu.memory_space<vmem_shared>>
      %dma_wait3A_666 = tpu.memref_squeeze %dma_wait3A_665 : memref<1x640xi32, #tpu.memory_space<vmem_shared>> -> memref<640xi32, #tpu.memory_space<vmem_shared>>
      tpu.wait_dma2 semaphore(%arg24 : memref<!tpu.dma_semaphore, #tpu.memory_space<semaphore_mem>>) src(%dma_wait3A_666 : memref<640xi32, #tpu.memory_space<vmem_shared>>) dst(%arg14 : memref<640xi32, #tpu.memory_space<vmem>>)
      %scan3A_667 = arith.constant 0 : i32
      %scan3A_668 = arith.constant 0 : i32
      %scan3A_669 = arith.constant 40 : i32
      %scan3A_670 = arith.addi %scan3A_668, %scan3A_669 : i32
      %scan3A_671 = arith.constant 1 : i32
      %scan3A_672 = scf.for %scan3A_1023 = %scan3A_668 to %scan3A_670 step %scan3A_671 iter_args(%scan3A_1024 = %scan3A_667) -> (i32)  : i32 {
        %mul3A_1025 = arith.constant 16 : i32
        %mul3A_1026 = arith.muli %scan3A_1023, %mul3A_1025 : i32
        %get3A = arith.index_cast %mul3A_1026 : i32 to index
        %get3A_1027 = tpu.vector_load %arg15[%get3A] {strides = array<i32>} : memref<640xi32, #tpu.memory_space<vmem>>, vector<16xi32>,
        %get3A_1028 = arith.index_cast %mul3A_1026 : i32 to index
        %get3A_1029 = tpu.vector_load %arg14[%get3A_1028] {strides = array<i32>} : memref<640xi32, #tpu.memory_space<vmem>>, vector<16xi32>,
        %max3A = arith.maxsi %get3A_1027, %get3A_1029 : vector<16xi32>
        %swap3A_1030 = arith.index_cast %mul3A_1026 : i32 to index
        %swap3A_1031 = tpu.vector_load %arg15[%swap3A_1030] {strides = array<i32>} : memref<640xi32, #tpu.memory_space<vmem>>, vector<16xi32>,
        tpu.vector_store %arg15[%swap3A_1030], %max3A {strides = array<i32>} : memref<640xi32, #tpu.memory_space<vmem>>, vector<16xi32>,
        %scan3A_1032 = arith.constant 0 : i32
        scf.yield %scan3A_1032 : i32
      }
      %scan3A_673 = arith.constant 40 : i32
      %scan3A_674 = arith.constant 0 : i32
      %scan3A_675 = arith.constant 0 : i32
      %scan3A_676 = arith.constant 40 : i32
      %scan3A_677 = arith.addi %scan3A_675, %scan3A_676 : i32
      %scan3A_678 = arith.constant 1 : i32
      %scan3A_679 = scf.for %scan3A_1023 = %scan3A_675 to %scan3A_677 step %scan3A_678 iter_args(%scan3A_1024 = %scan3A_674) -> (i32)  : i32 {
        %mul3A_1025 = arith.constant 16 : i32
        %mul3A_1026 = arith.muli %scan3A_1023, %mul3A_1025 : i32
        %add3A_1027 = arith.addi %mul3A_3, %mul3A_1026 : i32
        %get3A = arith.index_cast %add3A_1027 : i32 to index
        %get3A_1028 = tpu.vector_load %arg9[%get3A] {strides = array<i32>} : memref<10240xi32, #tpu.memory_space<vmem>>, vector<16xi32>,
        %ge3A = arith.constant 0 : i32
        %ge3A_1029 = vector.broadcast %ge3A : i32 to vector<16xi32>
        %ge3A_1030 = arith.cmpi sge, %get3A_1028, %ge3A_1029 : vector<16xi32>
        %mul3A_1031 = arith.constant 16 : i32
        %mul3A_1032 = arith.muli %scan3A_1023, %mul3A_1031 : i32
        %add3A_1033 = arith.addi %mul3A_3, %mul3A_1032 : i32
        %broadcast_in_dim3A_1034 = vector.broadcast %add3A_1033 : i32 to vector<16xi32>
        %add3A_1035 = arith.addi %broadcast_in_dim3A_1034, %iota3A : vector<16xi32>
        %add3A_1036 = arith.addi %mul3A_3, %scan3A_1024 : i32
        %swap3A_1037 = arith.index_cast %add3A_1036 : i32 to index
        %swap3A_1038 = tpu.vector_load %arg11[%swap3A_1037] masked %ge3A_1030 {strides = array<i32>} : memref<10240xi32, #tpu.memory_space<vmem>>, vector<16xi32>, vector<16xi1>
        tpu.vector_store %arg11[%swap3A_1037], %add3A_1035 masked %ge3A_1030 {strides = array<i32>} : memref<10240xi32, #tpu.memory_space<vmem>>, vector<16xi32>, vector<16xi1>
        %add3A_1039 = arith.addi %mul3A_3, %scan3A_1024 : i32
        %mul3A_1040 = arith.constant 16 : i32
        %mul3A_1041 = arith.muli %scan3A_1023, %mul3A_1040 : i32
        %get3A_1042 = arith.index_cast %mul3A_1041 : i32 to index
        %get3A_1043 = tpu.vector_load %arg15[%get3A_1042] {strides = array<i32>} : memref<640xi32, #tpu.memory_space<vmem>>, vector<16xi32>,
        %swap3A_1044 = arith.index_cast %add3A_1039 : i32 to index
        %swap3A_1045 = tpu.vector_load %arg12[%swap3A_1044] masked %ge3A_1030 {strides = array<i32>} : memref<10240xi32, #tpu.memory_space<vmem>>, vector<16xi32>, vector<16xi1>
        tpu.vector_store %arg12[%swap3A_1044], %get3A_1043 masked %ge3A_1030 {strides = array<i32>} : memref<10240xi32, #tpu.memory_space<vmem>>, vector<16xi32>, vector<16xi1>
        %all_reduce_population_count3A = tpu.all_reduce %ge3A_1030 {dim = 0 : i64, kind = #tpu.reduction_kind<sum>} : vector<16xi1> -> vector<16xi32>
        %slice3A = vector.extract_strided_slice %all_reduce_population_count3A {offsets = [0], sizes = [1], strides = [1]} : vector<16xi32> to vector<1xi32>
        %squeeze3A = vector.extract %slice3A[0] : i32 from vector<1xi32>
        %add3A_1046 = arith.addi %scan3A_1024, %squeeze3A : i32
        scf.yield %add3A_1046 : i32
      }
      %scan3A_680 = arith.constant 40 : i32
      %run_scoped3A_681 = arith.constant 0 : i32
      "tpu.region"() ({
        %run_scoped3A_1023 = tpu.sem_alloc : memref<!tpu.dma_semaphore, #tpu.memory_space<semaphore_mem>>
        %dma_start3A_1024 = tpu.memref_slice %arg11[%mul3A_3] : memref<10240xi32, #tpu.memory_space<vmem>> -> memref<640xi32, #tpu.memory_space<vmem>>
        %dma_start3A_1025 = tpu.memref_slice %arg21[%run_scoped3A_681, %mul3A_3] : memref<16x10240xi32, #tpu.memory_space<vmem_shared>> -> memref<1x640xi32, #tpu.memory_space<vmem_shared>>
        %dma_start3A_1026 = tpu.memref_squeeze %dma_start3A_1025 : memref<1x640xi32, #tpu.memory_space<vmem_shared>> -> memref<640xi32, #tpu.memory_space<vmem_shared>>
        %dma_start3A_1027 = tpu.memref_slice %arg21[%run_scoped3A_681, %mul3A_3] : memref<16x10240xi32, #tpu.memory_space<vmem_shared>> -> memref<1x640xi32, #tpu.memory_space<vmem_shared>>
        %dma_start3A_1028 = tpu.memref_squeeze %dma_start3A_1027 : memref<1x640xi32, #tpu.memory_space<vmem_shared>> -> memref<640xi32, #tpu.memory_space<vmem_shared>>
        %dma_start3A_1029 = tpu.memref_slice %arg11[%mul3A_3] : memref<10240xi32, #tpu.memory_space<vmem>> -> memref<640xi32, #tpu.memory_space<vmem>>
        tpu.enqueue_dma source(%dma_start3A_1029 : memref<640xi32, #tpu.memory_space<vmem>>) target(%dma_start3A_1028 : memref<640xi32, #tpu.memory_space<vmem_shared>>) target_semaphore(%run_scoped3A_1023 : memref<!tpu.dma_semaphore, #tpu.memory_space<semaphore_mem>>)
        %dma_wait3A_1030 = tpu.memref_slice %arg11[%mul3A_3] : memref<10240xi32, #tpu.memory_space<vmem>> -> memref<640xi32, #tpu.memory_space<vmem>>
        %dma_wait3A_1031 = tpu.memref_slice %arg21[%run_scoped3A_681, %mul3A_3] : memref<16x10240xi32, #tpu.memory_space<vmem_shared>> -> memref<1x640xi32, #tpu.memory_space<vmem_shared>>
        %dma_wait3A_1032 = tpu.memref_squeeze %dma_wait3A_1031 : memref<1x640xi32, #tpu.memory_space<vmem_shared>> -> memref<640xi32, #tpu.memory_space<vmem_shared>>
        %dma_wait3A_1033 = tpu.memref_slice %arg21[%run_scoped3A_681, %mul3A_3] : memref<16x10240xi32, #tpu.memory_space<vmem_shared>> -> memref<1x640xi32, #tpu.memory_space<vmem_shared>>
        %dma_wait3A_1034 = tpu.memref_squeeze %dma_wait3A_1033 : memref<1x640xi32, #tpu.memory_space<vmem_shared>> -> memref<640xi32, #tpu.memory_space<vmem_shared>>
        %dma_wait3A_1035 = tpu.memref_slice %arg11[%mul3A_3] : memref<10240xi32, #tpu.memory_space<vmem>> -> memref<640xi32, #tpu.memory_space<vmem>>
        tpu.wait_dma2 semaphore(%run_scoped3A_1023 : memref<!tpu.dma_semaphore, #tpu.memory_space<semaphore_mem>>) src(%dma_wait3A_1035 : memref<640xi32, #tpu.memory_space<vmem>>) dst(%dma_wait3A_1034 : memref<640xi32, #tpu.memory_space<vmem_shared>>)
        tpu.yield
      }) : () -> ()
      %run_scoped3A_682 = arith.constant 1 : i32
      "tpu.region"() ({
        %run_scoped3A_1023 = tpu.sem_alloc : memref<!tpu.dma_semaphore, #tpu.memory_space<semaphore_mem>>
        %dma_start3A_1024 = tpu.memref_slice %arg12[%mul3A_3] : memref<10240xi32, #tpu.memory_space<vmem>> -> memref<640xi32, #tpu.memory_space<vmem>>
        %dma_start3A_1025 = tpu.memref_slice %arg21[%run_scoped3A_682, %mul3A_3] : memref<16x10240xi32, #tpu.memory_space<vmem_shared>> -> memref<1x640xi32, #tpu.memory_space<vmem_shared>>
        %dma_start3A_1026 = tpu.memref_squeeze %dma_start3A_1025 : memref<1x640xi32, #tpu.memory_space<vmem_shared>> -> memref<640xi32, #tpu.memory_space<vmem_shared>>
        %dma_start3A_1027 = tpu.memref_slice %arg21[%run_scoped3A_682, %mul3A_3] : memref<16x10240xi32, #tpu.memory_space<vmem_shared>> -> memref<1x640xi32, #tpu.memory_space<vmem_shared>>
        %dma_start3A_1028 = tpu.memref_squeeze %dma_start3A_1027 : memref<1x640xi32, #tpu.memory_space<vmem_shared>> -> memref<640xi32, #tpu.memory_space<vmem_shared>>
        %dma_start3A_1029 = tpu.memref_slice %arg12[%mul3A_3] : memref<10240xi32, #tpu.memory_space<vmem>> -> memref<640xi32, #tpu.memory_space<vmem>>
        tpu.enqueue_dma source(%dma_start3A_1029 : memref<640xi32, #tpu.memory_space<vmem>>) target(%dma_start3A_1028 : memref<640xi32, #tpu.memory_space<vmem_shared>>) target_semaphore(%run_scoped3A_1023 : memref<!tpu.dma_semaphore, #tpu.memory_space<semaphore_mem>>)
        %dma_wait3A_1030 = tpu.memref_slice %arg12[%mul3A_3] : memref<10240xi32, #tpu.memory_space<vmem>> -> memref<640xi32, #tpu.memory_space<vmem>>
        %dma_wait3A_1031 = tpu.memref_slice %arg21[%run_scoped3A_682, %mul3A_3] : memref<16x10240xi32, #tpu.memory_space<vmem_shared>> -> memref<1x640xi32, #tpu.memory_space<vmem_shared>>
        %dma_wait3A_1032 = tpu.memref_squeeze %dma_wait3A_1031 : memref<1x640xi32, #tpu.memory_space<vmem_shared>> -> memref<640xi32, #tpu.memory_space<vmem_shared>>
        %dma_wait3A_1033 = tpu.memref_slice %arg21[%run_scoped3A_682, %mul3A_3] : memref<16x10240xi32, #tpu.memory_space<vmem_shared>> -> memref<1x640xi32, #tpu.memory_space<vmem_shared>>
        %dma_wait3A_1034 = tpu.memref_squeeze %dma_wait3A_1033 : memref<1x640xi32, #tpu.memory_space<vmem_shared>> -> memref<640xi32, #tpu.memory_space<vmem_shared>>
        %dma_wait3A_1035 = tpu.memref_slice %arg12[%mul3A_3] : memref<10240xi32, #tpu.memory_space<vmem>> -> memref<640xi32, #tpu.memory_space<vmem>>
        tpu.wait_dma2 semaphore(%run_scoped3A_1023 : memref<!tpu.dma_semaphore, #tpu.memory_space<semaphore_mem>>) src(%dma_wait3A_1035 : memref<640xi32, #tpu.memory_space<vmem>>) dst(%dma_wait3A_1034 : memref<640xi32, #tpu.memory_space<vmem_shared>>)
        tpu.yield
      }) : () -> ()
      %broadcast_in_dim3A_683 = vector.broadcast %scan3A_679 : i32 to vector<16xi32>
      %swap3A_684 = arith.constant 0 : index
      %swap3A_685 = tpu.vector_load %arg15[%swap3A_684] {strides = array<i32>} : memref<640xi32, #tpu.memory_space<vmem>>, vector<16xi32>,
      tpu.vector_store %arg15[%swap3A_684], %broadcast_in_dim3A_683 {strides = array<i32>} : memref<640xi32, #tpu.memory_space<vmem>>, vector<16xi32>,
      %mul3A_686 = arith.constant 16 : i32
      %mul3A_687 = arith.muli %arg1, %mul3A_686 : i32
      "tpu.region"() ({
        %run_scoped3A_1023 = tpu.sem_alloc : memref<!tpu.dma_semaphore, #tpu.memory_space<semaphore_mem>>
        %dma_start3A_1024 = arith.constant 0 : i32
        %dma_start3A_1025 = tpu.memref_slice %arg15[%dma_start3A_1024] : memref<640xi32, #tpu.memory_space<vmem>> -> memref<16xi32, #tpu.memory_space<vmem>>
        %dma_start3A_1026 = tpu.memref_slice %arg22[%mul3A_687] : memref<10240xi32, #tpu.memory_space<vmem_shared>> -> memref<16xi32, #tpu.memory_space<vmem_shared>>
        %dma_start3A_1027 = tpu.memref_slice %arg22[%mul3A_687] : memref<10240xi32, #tpu.memory_space<vmem_shared>> -> memref<16xi32, #tpu.memory_space<vmem_shared>>
        %dma_start3A_1028 = arith.constant 0 : i32
        %dma_start3A_1029 = tpu.memref_slice %arg15[%dma_start3A_1028] : memref<640xi32, #tpu.memory_space<vmem>> -> memref<16xi32, #tpu.memory_space<vmem>>
        tpu.enqueue_dma source(%dma_start3A_1029 : memref<16xi32, #tpu.memory_space<vmem>>) target(%dma_start3A_1027 : memref<16xi32, #tpu.memory_space<vmem_shared>>) target_semaphore(%run_scoped3A_1023 : memref<!tpu.dma_semaphore, #tpu.memory_space<semaphore_mem>>)
        %dma_wait3A_1030 = arith.constant 0 : i32
        %dma_wait3A_1031 = tpu.memref_slice %arg15[%dma_wait3A_1030] : memref<640xi32, #tpu.memory_space<vmem>> -> memref<16xi32, #tpu.memory_space<vmem>>
        %dma_wait3A_1032 = tpu.memref_slice %arg22[%mul3A_687] : memref<10240xi32, #tpu.memory_space<vmem_shared>> -> memref<16xi32, #tpu.memory_space<vmem_shared>>
        %dma_wait3A_1033 = tpu.memref_slice %arg22[%mul3A_687] : memref<10240xi32, #tpu.memory_space<vmem_shared>> -> memref<16xi32, #tpu.memory_space<vmem_shared>>
        %dma_wait3A_1034 = arith.constant 0 : i32
        %dma_wait3A_1035 = tpu.memref_slice %arg15[%dma_wait3A_1034] : memref<640xi32, #tpu.memory_space<vmem>> -> memref<16xi32, #tpu.memory_space<vmem>>
        tpu.wait_dma2 semaphore(%run_scoped3A_1023 : memref<!tpu.dma_semaphore, #tpu.memory_space<semaphore_mem>>) src(%dma_wait3A_1035 : memref<16xi32, #tpu.memory_space<vmem>>) dst(%dma_wait3A_1033 : memref<16xi32, #tpu.memory_space<vmem_shared>>)
        tpu.yield
      }) : () -> ()
      %barrier3A_688 = arith.constant 0 : index
      tpu.barrier barrier_id(%barrier3A_688)
      %run_scoped3A_689 = arith.constant 0 : i32
      "tpu.region"() ({
        %run_scoped3A_1023 = tpu.sem_alloc : memref<!tpu.dma_semaphore, #tpu.memory_space<semaphore_mem>>
        %dma_start3A_1024 = arith.constant 0 : i32
        %dma_start3A_1025 = tpu.memref_slice %arg21[%run_scoped3A_689, %dma_start3A_1024] : memref<16x10240xi32, #tpu.memory_space<vmem_shared>> -> memref<1x10240xi32, #tpu.memory_space<vmem_shared>>
        %dma_start3A_1026 = tpu.memref_squeeze %dma_start3A_1025 : memref<1x10240xi32, #tpu.memory_space<vmem_shared>> -> memref<10240xi32, #tpu.memory_space<vmem_shared>>
        %dma_start3A_1027 = arith.constant 0 : i32
        %dma_start3A_1028 = tpu.memref_slice %arg21[%run_scoped3A_689, %dma_start3A_1027] : memref<16x10240xi32, #tpu.memory_space<vmem_shared>> -> memref<1x10240xi32, #tpu.memory_space<vmem_shared>>
        %dma_start3A_1029 = tpu.memref_squeeze %dma_start3A_1028 : memref<1x10240xi32, #tpu.memory_space<vmem_shared>> -> memref<10240xi32, #tpu.memory_space<vmem_shared>>
        tpu.enqueue_dma source(%dma_start3A_1029 : memref<10240xi32, #tpu.memory_space<vmem_shared>>) target(%arg11 : memref<10240xi32, #tpu.memory_space<vmem>>) target_semaphore(%run_scoped3A_1023 : memref<!tpu.dma_semaphore, #tpu.memory_space<semaphore_mem>>)
        %dma_wait3A_1030 = arith.constant 0 : i32
        %dma_wait3A_1031 = tpu.memref_slice %arg21[%run_scoped3A_689, %dma_wait3A_1030] : memref<16x10240xi32, #tpu.memory_space<vmem_shared>> -> memref<1x10240xi32, #tpu.memory_space<vmem_shared>>
        %dma_wait3A_1032 = tpu.memref_squeeze %dma_wait3A_1031 : memref<1x10240xi32, #tpu.memory_space<vmem_shared>> -> memref<10240xi32, #tpu.memory_space<vmem_shared>>
        %dma_wait3A_1033 = arith.constant 0 : i32
        %dma_wait3A_1034 = tpu.memref_slice %arg21[%run_scoped3A_689, %dma_wait3A_1033] : memref<16x10240xi32, #tpu.memory_space<vmem_shared>> -> memref<1x10240xi32, #tpu.memory_space<vmem_shared>>
        %dma_wait3A_1035 = tpu.memref_squeeze %dma_wait3A_1034 : memref<1x10240xi32, #tpu.memory_space<vmem_shared>> -> memref<10240xi32, #tpu.memory_space<vmem_shared>>
        tpu.wait_dma2 semaphore(%run_scoped3A_1023 : memref<!tpu.dma_semaphore, #tpu.memory_space<semaphore_mem>>) src(%dma_wait3A_1035 : memref<10240xi32, #tpu.memory_space<vmem_shared>>) dst(%arg11 : memref<10240xi32, #tpu.memory_space<vmem>>)
        tpu.yield
      }) : () -> ()
      %run_scoped3A_690 = arith.constant 1 : i32
      "tpu.region"() ({
        %run_scoped3A_1023 = tpu.sem_alloc : memref<!tpu.dma_semaphore, #tpu.memory_space<semaphore_mem>>
        %dma_start3A_1024 = arith.constant 0 : i32
        %dma_start3A_1025 = tpu.memref_slice %arg21[%run_scoped3A_690, %dma_start3A_1024] : memref<16x10240xi32, #tpu.memory_space<vmem_shared>> -> memref<1x10240xi32, #tpu.memory_space<vmem_shared>>
        %dma_start3A_1026 = tpu.memref_squeeze %dma_start3A_1025 : memref<1x10240xi32, #tpu.memory_space<vmem_shared>> -> memref<10240xi32, #tpu.memory_space<vmem_shared>>
        %dma_start3A_1027 = arith.constant 0 : i32
        %dma_start3A_1028 = tpu.memref_slice %arg21[%run_scoped3A_690, %dma_start3A_1027] : memref<16x10240xi32, #tpu.memory_space<vmem_shared>> -> memref<1x10240xi32, #tpu.memory_space<vmem_shared>>
        %dma_start3A_1029 = tpu.memref_squeeze %dma_start3A_1028 : memref<1x10240xi32, #tpu.memory_space<vmem_shared>> -> memref<10240xi32, #tpu.memory_space<vmem_shared>>
        tpu.enqueue_dma source(%dma_start3A_1029 : memref<10240xi32, #tpu.memory_space<vmem_shared>>) target(%arg12 : memref<10240xi32, #tpu.memory_space<vmem>>) target_semaphore(%run_scoped3A_1023 : memref<!tpu.dma_semaphore, #tpu.memory_space<semaphore_mem>>)
        %dma_wait3A_1030 = arith.constant 0 : i32
        %dma_wait3A_1031 = tpu.memref_slice %arg21[%run_scoped3A_690, %dma_wait3A_1030] : memref<16x10240xi32, #tpu.memory_space<vmem_shared>> -> memref<1x10240xi32, #tpu.memory_space<vmem_shared>>
        %dma_wait3A_1032 = tpu.memref_squeeze %dma_wait3A_1031 : memref<1x10240xi32, #tpu.memory_space<vmem_shared>> -> memref<10240xi32, #tpu.memory_space<vmem_shared>>
        %dma_wait3A_1033 = arith.constant 0 : i32
        %dma_wait3A_1034 = tpu.memref_slice %arg21[%run_scoped3A_690, %dma_wait3A_1033] : memref<16x10240xi32, #tpu.memory_space<vmem_shared>> -> memref<1x10240xi32, #tpu.memory_space<vmem_shared>>
        %dma_wait3A_1035 = tpu.memref_squeeze %dma_wait3A_1034 : memref<1x10240xi32, #tpu.memory_space<vmem_shared>> -> memref<10240xi32, #tpu.memory_space<vmem_shared>>
        tpu.wait_dma2 semaphore(%run_scoped3A_1023 : memref<!tpu.dma_semaphore, #tpu.memory_space<semaphore_mem>>) src(%dma_wait3A_1035 : memref<10240xi32, #tpu.memory_space<vmem_shared>>) dst(%arg12 : memref<10240xi32, #tpu.memory_space<vmem>>)
        tpu.yield
      }) : () -> ()
      "tpu.region"() ({
        %run_scoped3A_1023 = tpu.sem_alloc : memref<!tpu.dma_semaphore, #tpu.memory_space<semaphore_mem>>
        %dma_start3A_1024 = arith.constant 0 : i32
        %dma_start3A_1025 = tpu.memref_slice %arg22[%dma_start3A_1024] : memref<10240xi32, #tpu.memory_space<vmem_shared>> -> memref<256xi32, #tpu.memory_space<vmem_shared>>
        %dma_start3A_1026 = arith.constant 0 : i32
        %dma_start3A_1027 = tpu.memref_slice %arg22[%dma_start3A_1026] : memref<10240xi32, #tpu.memory_space<vmem_shared>> -> memref<256xi32, #tpu.memory_space<vmem_shared>>
        tpu.enqueue_dma source(%dma_start3A_1027 : memref<256xi32, #tpu.memory_space<vmem_shared>>) target(%arg19 : memref<256xi32, #tpu.memory_space<vmem>>) target_semaphore(%run_scoped3A_1023 : memref<!tpu.dma_semaphore, #tpu.memory_space<semaphore_mem>>)
        %dma_wait3A_1028 = arith.constant 0 : i32
        %dma_wait3A_1029 = tpu.memref_slice %arg22[%dma_wait3A_1028] : memref<10240xi32, #tpu.memory_space<vmem_shared>> -> memref<256xi32, #tpu.memory_space<vmem_shared>>
        %dma_wait3A_1030 = arith.constant 0 : i32
        %dma_wait3A_1031 = tpu.memref_slice %arg22[%dma_wait3A_1030] : memref<10240xi32, #tpu.memory_space<vmem_shared>> -> memref<256xi32, #tpu.memory_space<vmem_shared>>
        tpu.wait_dma2 semaphore(%run_scoped3A_1023 : memref<!tpu.dma_semaphore, #tpu.memory_space<semaphore_mem>>) src(%dma_wait3A_1031 : memref<256xi32, #tpu.memory_space<vmem_shared>>) dst(%arg19 : memref<256xi32, #tpu.memory_space<vmem>>)
        tpu.yield
      }) : () -> ()
      %mul3A_691 = arith.constant 16 : i32
      %mul3A_692 = vector.broadcast %mul3A_691 : i32 to vector<16xi32>
      %mul3A_693 = arith.muli %iota3A, %mul3A_692 : vector<16xi32>
      %gather3A = tpu.vector_load_idx %arg19[%mul3A_693] : memref<256xi32, #tpu.memory_space<vmem>>[vector<16xi32>], vector<16xi32>,
      %broadcast_in_dim3A_694 = arith.constant true
      %broadcast_in_dim3A_695 = vector.broadcast %broadcast_in_dim3A_694 : i1 to vector<16xi1>
      %masked_cumsum3A = tpu.scan <sum>, %gather3A masked %broadcast_in_dim3A_695 : vector<16xi32>, vector<16xi1> -> vector<16xi32>
      %sub3A_696 = arith.subi %masked_cumsum3A, %gather3A : vector<16xi32>
      %reduce_max3A = arith.constant true
      %reduce_max3A_697 = vector.broadcast %reduce_max3A : i1 to vector<16xi1>
      %reduce_max3A_698 = arith.constant -2147483648 : i32
      %reduce_max3A_699 = vector.broadcast %reduce_max3A_698 : i32 to vector<16xi32>
      %reduce_max3A_700 = arith.xori %masked_cumsum3A, %reduce_max3A_699 : vector<16xi32>
      %reduce_max3A_701 = tpu.scan <max>, %reduce_max3A_700 masked %reduce_max3A_697 : vector<16xi32>, vector<16xi1> -> vector<16xi32>
      %reduce_max3A_702 = arith.xori %reduce_max3A_701, %reduce_max3A_699 : vector<16xi32>
      %reduce_max3A_703 = vector.extract %reduce_max3A_702[15] : i32 from vector<16xi32>
      %scan3A_704 = arith.constant 0 : i32
      %scan3A_705 = arith.constant 0 : i32
      %scan3A_706 = arith.constant 39 : i32
      %scan3A_707 = arith.addi %scan3A_705, %scan3A_706 : i32
      %scan3A_708 = arith.constant 1 : i32
      %scan3A_709 = scf.for %scan3A_1023 = %scan3A_705 to %scan3A_707 step %scan3A_708 iter_args(%scan3A_1024 = %scan3A_704) -> (i32)  : i32 {
        %mul3A_1025 = arith.constant 624 : i32
        %mul3A_1026 = arith.muli %arg1, %mul3A_1025 : i32
        %mul3A_1027 = arith.constant 16 : i32
        %mul3A_1028 = arith.muli %scan3A_1023, %mul3A_1027 : i32
        %add3A_1029 = arith.addi %mul3A_1026, %mul3A_1028 : i32
        %broadcast_in_dim3A_1030 = vector.broadcast %add3A_1029 : i32 to vector<16xi32>
        %add3A_1031 = arith.addi %broadcast_in_dim3A_1030, %iota3A : vector<16xi32>
        %lt3A = vector.broadcast %reduce_max3A_703 : i32 to vector<16xi32>
        %lt3A_1032 = arith.cmpi slt, %add3A_1031, %lt3A : vector<16xi32>
        %jit3A_1033 = arith.constant 0 : i32
        %broadcast_in_dim3A_1034 = vector.broadcast %jit3A_1033 : i32 to vector<16xi32>
        %select_n3A_1035 = arith.select %lt3A_1032, %add3A_1031, %broadcast_in_dim3A_1034 : vector<16xi1>, vector<16xi32>
        %broadcast_in_dim3A_1036 = arith.constant 0 : i32
        %broadcast_in_dim3A_1037 = vector.broadcast %broadcast_in_dim3A_1036 : i32 to vector<16xi32>
        %broadcast_in_dim3A_1038 = arith.constant 1 : i32
        %broadcast_in_dim3A_1039 = vector.broadcast %broadcast_in_dim3A_1038 : i32 to vector<16xi32>
        %lt3A_1040 = arith.constant 0 : i32
        %lt3A_1041 = vector.broadcast %lt3A_1040 : i32 to vector<16xi32>
        %lt3A_1042 = arith.cmpi slt, %broadcast_in_dim3A_1039, %lt3A_1041 : vector<16xi32>
        %add3A_1043 = arith.constant 16 : i32
        %add3A_1044 = vector.broadcast %add3A_1043 : i32 to vector<16xi32>
        %add3A_1045 = arith.addi %broadcast_in_dim3A_1039, %add3A_1044 : vector<16xi32>
        %select_n3A_1046 = arith.select %lt3A_1042, %add3A_1045, %broadcast_in_dim3A_1039 : vector<16xi1>, vector<16xi32>
        %broadcast_in_dim3A_1047 = vector.shape_cast %select_n3A_1046 : vector<16xi32> to vector<16x1xi32>
        %gather3A_1048 = vector.shape_cast %broadcast_in_dim3A_1047 : vector<16x1xi32> to vector<16xi32>
        %gather3A_1049 = tpu.dynamic_gather %sub3A_696[%gather3A_1048] in [0] : vector<16xi32>, vector<16xi32> -> vector<16xi32>
        %le3A = arith.cmpi sle, %gather3A_1049, %select_n3A_1035 : vector<16xi32>
        %convert_element_type3A_1050 = arith.extui %le3A : vector<16xi1> to vector<16xi32>
        %add3A_1051 = arith.addi %broadcast_in_dim3A_1037, %convert_element_type3A_1050 : vector<16xi32>
        %broadcast_in_dim3A_1052 = arith.constant 2 : i32
        %broadcast_in_dim3A_1053 = vector.broadcast %broadcast_in_dim3A_1052 : i32 to vector<16xi32>
        %lt3A_1054 = arith.constant 0 : i32
        %lt3A_1055 = vector.broadcast %lt3A_1054 : i32 to vector<16xi32>
        %lt3A_1056 = arith.cmpi slt, %broadcast_in_dim3A_1053, %lt3A_1055 : vector<16xi32>
        %add3A_1057 = arith.constant 16 : i32
        %add3A_1058 = vector.broadcast %add3A_1057 : i32 to vector<16xi32>
        %add3A_1059 = arith.addi %broadcast_in_dim3A_1053, %add3A_1058 : vector<16xi32>
        %select_n3A_1060 = arith.select %lt3A_1056, %add3A_1059, %broadcast_in_dim3A_1053 : vector<16xi1>, vector<16xi32>
        %broadcast_in_dim3A_1061 = vector.shape_cast %select_n3A_1060 : vector<16xi32> to vector<16x1xi32>
        %gather3A_1062 = vector.shape_cast %broadcast_in_dim3A_1061 : vector<16x1xi32> to vector<16xi32>
        %gather3A_1063 = tpu.dynamic_gather %sub3A_696[%gather3A_1062] in [0] : vector<16xi32>, vector<16xi32> -> vector<16xi32>
        %le3A_1064 = arith.cmpi sle, %gather3A_1063, %select_n3A_1035 : vector<16xi32>
        %convert_element_type3A_1065 = arith.extui %le3A_1064 : vector<16xi1> to vector<16xi32>
        %add3A_1066 = arith.addi %add3A_1051, %convert_element_type3A_1065 : vector<16xi32>
        %broadcast_in_dim3A_1067 = arith.constant 3 : i32
        %broadcast_in_dim3A_1068 = vector.broadcast %broadcast_in_dim3A_1067 : i32 to vector<16xi32>
        %lt3A_1069 = arith.constant 0 : i32
        %lt3A_1070 = vector.broadcast %lt3A_1069 : i32 to vector<16xi32>
        %lt3A_1071 = arith.cmpi slt, %broadcast_in_dim3A_1068, %lt3A_1070 : vector<16xi32>
        %add3A_1072 = arith.constant 16 : i32
        %add3A_1073 = vector.broadcast %add3A_1072 : i32 to vector<16xi32>
        %add3A_1074 = arith.addi %broadcast_in_dim3A_1068, %add3A_1073 : vector<16xi32>
        %select_n3A_1075 = arith.select %lt3A_1071, %add3A_1074, %broadcast_in_dim3A_1068 : vector<16xi1>, vector<16xi32>
        %broadcast_in_dim3A_1076 = vector.shape_cast %select_n3A_1075 : vector<16xi32> to vector<16x1xi32>
        %gather3A_1077 = vector.shape_cast %broadcast_in_dim3A_1076 : vector<16x1xi32> to vector<16xi32>
        %gather3A_1078 = tpu.dynamic_gather %sub3A_696[%gather3A_1077] in [0] : vector<16xi32>, vector<16xi32> -> vector<16xi32>
        %le3A_1079 = arith.cmpi sle, %gather3A_1078, %select_n3A_1035 : vector<16xi32>
        %convert_element_type3A_1080 = arith.extui %le3A_1079 : vector<16xi1> to vector<16xi32>
        %add3A_1081 = arith.addi %add3A_1066, %convert_element_type3A_1080 : vector<16xi32>
        %broadcast_in_dim3A_1082 = arith.constant 4 : i32
        %broadcast_in_dim3A_1083 = vector.broadcast %broadcast_in_dim3A_1082 : i32 to vector<16xi32>
        %lt3A_1084 = arith.constant 0 : i32
        %lt3A_1085 = vector.broadcast %lt3A_1084 : i32 to vector<16xi32>
        %lt3A_1086 = arith.cmpi slt, %broadcast_in_dim3A_1083, %lt3A_1085 : vector<16xi32>
        %add3A_1087 = arith.constant 16 : i32
        %add3A_1088 = vector.broadcast %add3A_1087 : i32 to vector<16xi32>
        %add3A_1089 = arith.addi %broadcast_in_dim3A_1083, %add3A_1088 : vector<16xi32>
        %select_n3A_1090 = arith.select %lt3A_1086, %add3A_1089, %broadcast_in_dim3A_1083 : vector<16xi1>, vector<16xi32>
        %broadcast_in_dim3A_1091 = vector.shape_cast %select_n3A_1090 : vector<16xi32> to vector<16x1xi32>
        %gather3A_1092 = vector.shape_cast %broadcast_in_dim3A_1091 : vector<16x1xi32> to vector<16xi32>
        %gather3A_1093 = tpu.dynamic_gather %sub3A_696[%gather3A_1092] in [0] : vector<16xi32>, vector<16xi32> -> vector<16xi32>
        %le3A_1094 = arith.cmpi sle, %gather3A_1093, %select_n3A_1035 : vector<16xi32>
        %convert_element_type3A_1095 = arith.extui %le3A_1094 : vector<16xi1> to vector<16xi32>
        %add3A_1096 = arith.addi %add3A_1081, %convert_element_type3A_1095 : vector<16xi32>
        %broadcast_in_dim3A_1097 = arith.constant 5 : i32
        %broadcast_in_dim3A_1098 = vector.broadcast %broadcast_in_dim3A_1097 : i32 to vector<16xi32>
        %lt3A_1099 = arith.constant 0 : i32
        %lt3A_1100 = vector.broadcast %lt3A_1099 : i32 to vector<16xi32>
        %lt3A_1101 = arith.cmpi slt, %broadcast_in_dim3A_1098, %lt3A_1100 : vector<16xi32>
        %add3A_1102 = arith.constant 16 : i32
        %add3A_1103 = vector.broadcast %add3A_1102 : i32 to vector<16xi32>
        %add3A_1104 = arith.addi %broadcast_in_dim3A_1098, %add3A_1103 : vector<16xi32>
        %select_n3A_1105 = arith.select %lt3A_1101, %add3A_1104, %broadcast_in_dim3A_1098 : vector<16xi1>, vector<16xi32>
        %broadcast_in_dim3A_1106 = vector.shape_cast %select_n3A_1105 : vector<16xi32> to vector<16x1xi32>
        %gather3A_1107 = vector.shape_cast %broadcast_in_dim3A_1106 : vector<16x1xi32> to vector<16xi32>
        %gather3A_1108 = tpu.dynamic_gather %sub3A_696[%gather3A_1107] in [0] : vector<16xi32>, vector<16xi32> -> vector<16xi32>
        %le3A_1109 = arith.cmpi sle, %gather3A_1108, %select_n3A_1035 : vector<16xi32>
        %convert_element_type3A_1110 = arith.extui %le3A_1109 : vector<16xi1> to vector<16xi32>
        %add3A_1111 = arith.addi %add3A_1096, %convert_element_type3A_1110 : vector<16xi32>
        %broadcast_in_dim3A_1112 = arith.constant 6 : i32
        %broadcast_in_dim3A_1113 = vector.broadcast %broadcast_in_dim3A_1112 : i32 to vector<16xi32>
        %lt3A_1114 = arith.constant 0 : i32
        %lt3A_1115 = vector.broadcast %lt3A_1114 : i32 to vector<16xi32>
        %lt3A_1116 = arith.cmpi slt, %broadcast_in_dim3A_1113, %lt3A_1115 : vector<16xi32>
        %add3A_1117 = arith.constant 16 : i32
        %add3A_1118 = vector.broadcast %add3A_1117 : i32 to vector<16xi32>
        %add3A_1119 = arith.addi %broadcast_in_dim3A_1113, %add3A_1118 : vector<16xi32>
        %select_n3A_1120 = arith.select %lt3A_1116, %add3A_1119, %broadcast_in_dim3A_1113 : vector<16xi1>, vector<16xi32>
        %broadcast_in_dim3A_1121 = vector.shape_cast %select_n3A_1120 : vector<16xi32> to vector<16x1xi32>
        %gather3A_1122 = vector.shape_cast %broadcast_in_dim3A_1121 : vector<16x1xi32> to vector<16xi32>
        %gather3A_1123 = tpu.dynamic_gather %sub3A_696[%gather3A_1122] in [0] : vector<16xi32>, vector<16xi32> -> vector<16xi32>
        %le3A_1124 = arith.cmpi sle, %gather3A_1123, %select_n3A_1035 : vector<16xi32>
        %convert_element_type3A_1125 = arith.extui %le3A_1124 : vector<16xi1> to vector<16xi32>
        %add3A_1126 = arith.addi %add3A_1111, %convert_element_type3A_1125 : vector<16xi32>
        %broadcast_in_dim3A_1127 = arith.constant 7 : i32
        %broadcast_in_dim3A_1128 = vector.broadcast %broadcast_in_dim3A_1127 : i32 to vector<16xi32>
        %lt3A_1129 = arith.constant 0 : i32
        %lt3A_1130 = vector.broadcast %lt3A_1129 : i32 to vector<16xi32>
        %lt3A_1131 = arith.cmpi slt, %broadcast_in_dim3A_1128, %lt3A_1130 : vector<16xi32>
        %add3A_1132 = arith.constant 16 : i32
        %add3A_1133 = vector.broadcast %add3A_1132 : i32 to vector<16xi32>
        %add3A_1134 = arith.addi %broadcast_in_dim3A_1128, %add3A_1133 : vector<16xi32>
        %select_n3A_1135 = arith.select %lt3A_1131, %add3A_1134, %broadcast_in_dim3A_1128 : vector<16xi1>, vector<16xi32>
        %broadcast_in_dim3A_1136 = vector.shape_cast %select_n3A_1135 : vector<16xi32> to vector<16x1xi32>
        %gather3A_1137 = vector.shape_cast %broadcast_in_dim3A_1136 : vector<16x1xi32> to vector<16xi32>
        %gather3A_1138 = tpu.dynamic_gather %sub3A_696[%gather3A_1137] in [0] : vector<16xi32>, vector<16xi32> -> vector<16xi32>
        %le3A_1139 = arith.cmpi sle, %gather3A_1138, %select_n3A_1035 : vector<16xi32>
        %convert_element_type3A_1140 = arith.extui %le3A_1139 : vector<16xi1> to vector<16xi32>
        %add3A_1141 = arith.addi %add3A_1126, %convert_element_type3A_1140 : vector<16xi32>
        %broadcast_in_dim3A_1142 = arith.constant 8 : i32
        %broadcast_in_dim3A_1143 = vector.broadcast %broadcast_in_dim3A_1142 : i32 to vector<16xi32>
        %lt3A_1144 = arith.constant 0 : i32
        %lt3A_1145 = vector.broadcast %lt3A_1144 : i32 to vector<16xi32>
        %lt3A_1146 = arith.cmpi slt, %broadcast_in_dim3A_1143, %lt3A_1145 : vector<16xi32>
        %add3A_1147 = arith.constant 16 : i32
        %add3A_1148 = vector.broadcast %add3A_1147 : i32 to vector<16xi32>
        %add3A_1149 = arith.addi %broadcast_in_dim3A_1143, %add3A_1148 : vector<16xi32>
        %select_n3A_1150 = arith.select %lt3A_1146, %add3A_1149, %broadcast_in_dim3A_1143 : vector<16xi1>, vector<16xi32>
        %broadcast_in_dim3A_1151 = vector.shape_cast %select_n3A_1150 : vector<16xi32> to vector<16x1xi32>
        %gather3A_1152 = vector.shape_cast %broadcast_in_dim3A_1151 : vector<16x1xi32> to vector<16xi32>
        %gather3A_1153 = tpu.dynamic_gather %sub3A_696[%gather3A_1152] in [0] : vector<16xi32>, vector<16xi32> -> vector<16xi32>
        %le3A_1154 = arith.cmpi sle, %gather3A_1153, %select_n3A_1035 : vector<16xi32>
        %convert_element_type3A_1155 = arith.extui %le3A_1154 : vector<16xi1> to vector<16xi32>
        %add3A_1156 = arith.addi %add3A_1141, %convert_element_type3A_1155 : vector<16xi32>
        %broadcast_in_dim3A_1157 = arith.constant 9 : i32
        %broadcast_in_dim3A_1158 = vector.broadcast %broadcast_in_dim3A_1157 : i32 to vector<16xi32>
        %lt3A_1159 = arith.constant 0 : i32
        %lt3A_1160 = vector.broadcast %lt3A_1159 : i32 to vector<16xi32>
        %lt3A_1161 = arith.cmpi slt, %broadcast_in_dim3A_1158, %lt3A_1160 : vector<16xi32>
        %add3A_1162 = arith.constant 16 : i32
        %add3A_1163 = vector.broadcast %add3A_1162 : i32 to vector<16xi32>
        %add3A_1164 = arith.addi %broadcast_in_dim3A_1158, %add3A_1163 : vector<16xi32>
        %select_n3A_1165 = arith.select %lt3A_1161, %add3A_1164, %broadcast_in_dim3A_1158 : vector<16xi1>, vector<16xi32>
        %broadcast_in_dim3A_1166 = vector.shape_cast %select_n3A_1165 : vector<16xi32> to vector<16x1xi32>
        %gather3A_1167 = vector.shape_cast %broadcast_in_dim3A_1166 : vector<16x1xi32> to vector<16xi32>
        %gather3A_1168 = tpu.dynamic_gather %sub3A_696[%gather3A_1167] in [0] : vector<16xi32>, vector<16xi32> -> vector<16xi32>
        %le3A_1169 = arith.cmpi sle, %gather3A_1168, %select_n3A_1035 : vector<16xi32>
        %convert_element_type3A_1170 = arith.extui %le3A_1169 : vector<16xi1> to vector<16xi32>
        %add3A_1171 = arith.addi %add3A_1156, %convert_element_type3A_1170 : vector<16xi32>
        %broadcast_in_dim3A_1172 = arith.constant 10 : i32
        %broadcast_in_dim3A_1173 = vector.broadcast %broadcast_in_dim3A_1172 : i32 to vector<16xi32>
        %lt3A_1174 = arith.constant 0 : i32
        %lt3A_1175 = vector.broadcast %lt3A_1174 : i32 to vector<16xi32>
        %lt3A_1176 = arith.cmpi slt, %broadcast_in_dim3A_1173, %lt3A_1175 : vector<16xi32>
        %add3A_1177 = arith.constant 16 : i32
        %add3A_1178 = vector.broadcast %add3A_1177 : i32 to vector<16xi32>
        %add3A_1179 = arith.addi %broadcast_in_dim3A_1173, %add3A_1178 : vector<16xi32>
        %select_n3A_1180 = arith.select %lt3A_1176, %add3A_1179, %broadcast_in_dim3A_1173 : vector<16xi1>, vector<16xi32>
        %broadcast_in_dim3A_1181 = vector.shape_cast %select_n3A_1180 : vector<16xi32> to vector<16x1xi32>
        %gather3A_1182 = vector.shape_cast %broadcast_in_dim3A_1181 : vector<16x1xi32> to vector<16xi32>
        %gather3A_1183 = tpu.dynamic_gather %sub3A_696[%gather3A_1182] in [0] : vector<16xi32>, vector<16xi32> -> vector<16xi32>
        %le3A_1184 = arith.cmpi sle, %gather3A_1183, %select_n3A_1035 : vector<16xi32>
        %convert_element_type3A_1185 = arith.extui %le3A_1184 : vector<16xi1> to vector<16xi32>
        %add3A_1186 = arith.addi %add3A_1171, %convert_element_type3A_1185 : vector<16xi32>
        %broadcast_in_dim3A_1187 = arith.constant 11 : i32
        %broadcast_in_dim3A_1188 = vector.broadcast %broadcast_in_dim3A_1187 : i32 to vector<16xi32>
        %lt3A_1189 = arith.constant 0 : i32
        %lt3A_1190 = vector.broadcast %lt3A_1189 : i32 to vector<16xi32>
        %lt3A_1191 = arith.cmpi slt, %broadcast_in_dim3A_1188, %lt3A_1190 : vector<16xi32>
        %add3A_1192 = arith.constant 16 : i32
        %add3A_1193 = vector.broadcast %add3A_1192 : i32 to vector<16xi32>
        %add3A_1194 = arith.addi %broadcast_in_dim3A_1188, %add3A_1193 : vector<16xi32>
        %select_n3A_1195 = arith.select %lt3A_1191, %add3A_1194, %broadcast_in_dim3A_1188 : vector<16xi1>, vector<16xi32>
        %broadcast_in_dim3A_1196 = vector.shape_cast %select_n3A_1195 : vector<16xi32> to vector<16x1xi32>
        %gather3A_1197 = vector.shape_cast %broadcast_in_dim3A_1196 : vector<16x1xi32> to vector<16xi32>
        %gather3A_1198 = tpu.dynamic_gather %sub3A_696[%gather3A_1197] in [0] : vector<16xi32>, vector<16xi32> -> vector<16xi32>
        %le3A_1199 = arith.cmpi sle, %gather3A_1198, %select_n3A_1035 : vector<16xi32>
        %convert_element_type3A_1200 = arith.extui %le3A_1199 : vector<16xi1> to vector<16xi32>
        %add3A_1201 = arith.addi %add3A_1186, %convert_element_type3A_1200 : vector<16xi32>
        %broadcast_in_dim3A_1202 = arith.constant 12 : i32
        %broadcast_in_dim3A_1203 = vector.broadcast %broadcast_in_dim3A_1202 : i32 to vector<16xi32>
        %lt3A_1204 = arith.constant 0 : i32
        %lt3A_1205 = vector.broadcast %lt3A_1204 : i32 to vector<16xi32>
        %lt3A_1206 = arith.cmpi slt, %broadcast_in_dim3A_1203, %lt3A_1205 : vector<16xi32>
        %add3A_1207 = arith.constant 16 : i32
        %add3A_1208 = vector.broadcast %add3A_1207 : i32 to vector<16xi32>
        %add3A_1209 = arith.addi %broadcast_in_dim3A_1203, %add3A_1208 : vector<16xi32>
        %select_n3A_1210 = arith.select %lt3A_1206, %add3A_1209, %broadcast_in_dim3A_1203 : vector<16xi1>, vector<16xi32>
        %broadcast_in_dim3A_1211 = vector.shape_cast %select_n3A_1210 : vector<16xi32> to vector<16x1xi32>
        %gather3A_1212 = vector.shape_cast %broadcast_in_dim3A_1211 : vector<16x1xi32> to vector<16xi32>
        %gather3A_1213 = tpu.dynamic_gather %sub3A_696[%gather3A_1212] in [0] : vector<16xi32>, vector<16xi32> -> vector<16xi32>
        %le3A_1214 = arith.cmpi sle, %gather3A_1213, %select_n3A_1035 : vector<16xi32>
        %convert_element_type3A_1215 = arith.extui %le3A_1214 : vector<16xi1> to vector<16xi32>
        %add3A_1216 = arith.addi %add3A_1201, %convert_element_type3A_1215 : vector<16xi32>
        %broadcast_in_dim3A_1217 = arith.constant 13 : i32
        %broadcast_in_dim3A_1218 = vector.broadcast %broadcast_in_dim3A_1217 : i32 to vector<16xi32>
        %lt3A_1219 = arith.constant 0 : i32
        %lt3A_1220 = vector.broadcast %lt3A_1219 : i32 to vector<16xi32>
        %lt3A_1221 = arith.cmpi slt, %broadcast_in_dim3A_1218, %lt3A_1220 : vector<16xi32>
        %add3A_1222 = arith.constant 16 : i32
        %add3A_1223 = vector.broadcast %add3A_1222 : i32 to vector<16xi32>
        %add3A_1224 = arith.addi %broadcast_in_dim3A_1218, %add3A_1223 : vector<16xi32>
        %select_n3A_1225 = arith.select %lt3A_1221, %add3A_1224, %broadcast_in_dim3A_1218 : vector<16xi1>, vector<16xi32>
        %broadcast_in_dim3A_1226 = vector.shape_cast %select_n3A_1225 : vector<16xi32> to vector<16x1xi32>
        %gather3A_1227 = vector.shape_cast %broadcast_in_dim3A_1226 : vector<16x1xi32> to vector<16xi32>
        %gather3A_1228 = tpu.dynamic_gather %sub3A_696[%gather3A_1227] in [0] : vector<16xi32>, vector<16xi32> -> vector<16xi32>
        %le3A_1229 = arith.cmpi sle, %gather3A_1228, %select_n3A_1035 : vector<16xi32>
        %convert_element_type3A_1230 = arith.extui %le3A_1229 : vector<16xi1> to vector<16xi32>
        %add3A_1231 = arith.addi %add3A_1216, %convert_element_type3A_1230 : vector<16xi32>
        %broadcast_in_dim3A_1232 = arith.constant 14 : i32
        %broadcast_in_dim3A_1233 = vector.broadcast %broadcast_in_dim3A_1232 : i32 to vector<16xi32>
        %lt3A_1234 = arith.constant 0 : i32
        %lt3A_1235 = vector.broadcast %lt3A_1234 : i32 to vector<16xi32>
        %lt3A_1236 = arith.cmpi slt, %broadcast_in_dim3A_1233, %lt3A_1235 : vector<16xi32>
        %add3A_1237 = arith.constant 16 : i32
        %add3A_1238 = vector.broadcast %add3A_1237 : i32 to vector<16xi32>
        %add3A_1239 = arith.addi %broadcast_in_dim3A_1233, %add3A_1238 : vector<16xi32>
        %select_n3A_1240 = arith.select %lt3A_1236, %add3A_1239, %broadcast_in_dim3A_1233 : vector<16xi1>, vector<16xi32>
        %broadcast_in_dim3A_1241 = vector.shape_cast %select_n3A_1240 : vector<16xi32> to vector<16x1xi32>
        %gather3A_1242 = vector.shape_cast %broadcast_in_dim3A_1241 : vector<16x1xi32> to vector<16xi32>
        %gather3A_1243 = tpu.dynamic_gather %sub3A_696[%gather3A_1242] in [0] : vector<16xi32>, vector<16xi32> -> vector<16xi32>
        %le3A_1244 = arith.cmpi sle, %gather3A_1243, %select_n3A_1035 : vector<16xi32>
        %convert_element_type3A_1245 = arith.extui %le3A_1244 : vector<16xi1> to vector<16xi32>
        %add3A_1246 = arith.addi %add3A_1231, %convert_element_type3A_1245 : vector<16xi32>
        %broadcast_in_dim3A_1247 = arith.constant 15 : i32
        %broadcast_in_dim3A_1248 = vector.broadcast %broadcast_in_dim3A_1247 : i32 to vector<16xi32>
        %lt3A_1249 = arith.constant 0 : i32
        %lt3A_1250 = vector.broadcast %lt3A_1249 : i32 to vector<16xi32>
        %lt3A_1251 = arith.cmpi slt, %broadcast_in_dim3A_1248, %lt3A_1250 : vector<16xi32>
        %add3A_1252 = arith.constant 16 : i32
        %add3A_1253 = vector.broadcast %add3A_1252 : i32 to vector<16xi32>
        %add3A_1254 = arith.addi %broadcast_in_dim3A_1248, %add3A_1253 : vector<16xi32>
        %select_n3A_1255 = arith.select %lt3A_1251, %add3A_1254, %broadcast_in_dim3A_1248 : vector<16xi1>, vector<16xi32>
        %broadcast_in_dim3A_1256 = vector.shape_cast %select_n3A_1255 : vector<16xi32> to vector<16x1xi32>
        %gather3A_1257 = vector.shape_cast %broadcast_in_dim3A_1256 : vector<16x1xi32> to vector<16xi32>
        %gather3A_1258 = tpu.dynamic_gather %sub3A_696[%gather3A_1257] in [0] : vector<16xi32>, vector<16xi32> -> vector<16xi32>
        %le3A_1259 = arith.cmpi sle, %gather3A_1258, %select_n3A_1035 : vector<16xi32>
        %convert_element_type3A_1260 = arith.extui %le3A_1259 : vector<16xi1> to vector<16xi32>
        %add3A_1261 = arith.addi %add3A_1246, %convert_element_type3A_1260 : vector<16xi32>
        %lt3A_1262 = arith.constant 0 : i32
        %lt3A_1263 = vector.broadcast %lt3A_1262 : i32 to vector<16xi32>
        %lt3A_1264 = arith.cmpi slt, %add3A_1261, %lt3A_1263 : vector<16xi32>
        %add3A_1265 = arith.constant 16 : i32
        %add3A_1266 = vector.broadcast %add3A_1265 : i32 to vector<16xi32>
        %add3A_1267 = arith.addi %add3A_1261, %add3A_1266 : vector<16xi32>
        %select_n3A_1268 = arith.select %lt3A_1264, %add3A_1267, %add3A_1261 : vector<16xi1>, vector<16xi32>
        %broadcast_in_dim3A_1269 = vector.shape_cast %select_n3A_1268 : vector<16xi32> to vector<16x1xi32>
        %gather3A_1270 = vector.shape_cast %broadcast_in_dim3A_1269 : vector<16x1xi32> to vector<16xi32>
        %gather3A_1271 = tpu.dynamic_gather %sub3A_696[%gather3A_1270] in [0] : vector<16xi32>, vector<16xi32> -> vector<16xi32>
        %mul3A_1272 = arith.constant 640 : i32
        %mul3A_1273 = vector.broadcast %mul3A_1272 : i32 to vector<16xi32>
        %mul3A_1274 = arith.muli %add3A_1261, %mul3A_1273 : vector<16xi32>
        %sub3A_1275 = arith.subi %select_n3A_1035, %gather3A_1271 : vector<16xi32>
        %add3A_1276 = arith.addi %mul3A_1274, %sub3A_1275 : vector<16xi32>
        %mul3A_1277 = arith.constant 16 : i32
        %mul3A_1278 = arith.muli %scan3A_1023, %mul3A_1277 : i32
        %gather3A_1279 = tpu.vector_load_idx %arg11[%add3A_1276] : memref<10240xi32, #tpu.memory_space<vmem>>[vector<16xi32>], vector<16xi32>,
        %swap3A_1280 = arith.index_cast %mul3A_1278 : i32 to index
        %swap3A_1281 = tpu.vector_load %arg18[%swap3A_1280] {strides = array<i32>} : memref<640xi32, #tpu.memory_space<vmem>>, vector<16xi32>,
        tpu.vector_store %arg18[%swap3A_1280], %gather3A_1279 {strides = array<i32>} : memref<640xi32, #tpu.memory_space<vmem>>, vector<16xi32>,
        %gather3A_1282 = tpu.vector_load_idx %arg12[%add3A_1276] : memref<10240xi32, #tpu.memory_space<vmem>>[vector<16xi32>], vector<16xi32>,
        %swap3A_1283 = arith.index_cast %mul3A_1278 : i32 to index
        %swap3A_1284 = tpu.vector_load %arg17[%swap3A_1283] {strides = array<i32>} : memref<640xi32, #tpu.memory_space<vmem>>, vector<16xi32>,
        tpu.vector_store %arg17[%swap3A_1283], %gather3A_1282 {strides = array<i32>} : memref<640xi32, #tpu.memory_space<vmem>>, vector<16xi32>,
        %scan3A_1285 = arith.constant 0 : i32
        scf.yield %scan3A_1285 : i32
      }
      %scan3A_710 = arith.constant 39 : i32
      %mul3A_711 = arith.constant 624 : i32
      %mul3A_712 = arith.muli %arg1, %mul3A_711 : i32
      %multiple_of3A_713 = tpu.assume_multiple %mul3A_712, 8 : i32
      "tpu.region"() ({
        %run_scoped3A_1023 = tpu.sem_alloc : memref<!tpu.dma_semaphore, #tpu.memory_space<semaphore_mem>>
        %dma_start3A_1024 = arith.constant 0 : i32
        %dma_start3A_1025 = tpu.memref_slice %arg18[%dma_start3A_1024] : memref<640xi32, #tpu.memory_space<vmem>> -> memref<624xi32, #tpu.memory_space<vmem>>
        %dma_start3A_1026 = tpu.memref_slice %arg5[%multiple_of3A_713] : memref<10000xi32, #tpu.memory_space<hbm>> -> memref<624xi32, #tpu.memory_space<hbm>>
        %dma_start3A_1027 = tpu.memref_slice %arg5[%multiple_of3A_713] : memref<10000xi32, #tpu.memory_space<hbm>> -> memref<624xi32, #tpu.memory_space<hbm>>
        %dma_start3A_1028 = arith.constant 0 : i32
        %dma_start3A_1029 = tpu.memref_slice %arg18[%dma_start3A_1028] : memref<640xi32, #tpu.memory_space<vmem>> -> memref<624xi32, #tpu.memory_space<vmem>>
        tpu.enqueue_dma source(%dma_start3A_1029 : memref<624xi32, #tpu.memory_space<vmem>>) target(%dma_start3A_1027 : memref<624xi32, #tpu.memory_space<hbm>>) target_semaphore(%run_scoped3A_1023 : memref<!tpu.dma_semaphore, #tpu.memory_space<semaphore_mem>>)
        %dma_wait3A_1030 = arith.constant 0 : i32
        %dma_wait3A_1031 = tpu.memref_slice %arg18[%dma_wait3A_1030] : memref<640xi32, #tpu.memory_space<vmem>> -> memref<624xi32, #tpu.memory_space<vmem>>
        %dma_wait3A_1032 = tpu.memref_slice %arg5[%multiple_of3A_713] : memref<10000xi32, #tpu.memory_space<hbm>> -> memref<624xi32, #tpu.memory_space<hbm>>
        %dma_wait3A_1033 = tpu.memref_slice %arg5[%multiple_of3A_713] : memref<10000xi32, #tpu.memory_space<hbm>> -> memref<624xi32, #tpu.memory_space<hbm>>
        %dma_wait3A_1034 = arith.constant 0 : i32
        %dma_wait3A_1035 = tpu.memref_slice %arg18[%dma_wait3A_1034] : memref<640xi32, #tpu.memory_space<vmem>> -> memref<624xi32, #tpu.memory_space<vmem>>
        tpu.wait_dma2 semaphore(%run_scoped3A_1023 : memref<!tpu.dma_semaphore, #tpu.memory_space<semaphore_mem>>) src(%dma_wait3A_1035 : memref<624xi32, #tpu.memory_space<vmem>>) dst(%dma_wait3A_1033 : memref<624xi32, #tpu.memory_space<hbm>>)
        tpu.yield
      }) : () -> ()
      %eq3A_714 = arith.constant 15 : i32
      %eq3A_715 = arith.cmpi eq, %arg1, %eq3A_714 : i32
      %convert_element_type3A_716 = arith.extui %eq3A_715 : i1 to i32
      %cond3A_717 = arith.constant 0 : i32
      %cond3A_718 = arith.cmpi ne, %convert_element_type3A_716, %cond3A_717 : i32
      scf.if %cond3A_718 {
        %broadcast_in_dim3A_1023 = arith.constant 9984 : i32
        %broadcast_in_dim3A_1024 = vector.broadcast %broadcast_in_dim3A_1023 : i32 to vector<16xi32>
        %add3A_1025 = arith.addi %broadcast_in_dim3A_1024, %iota3A : vector<16xi32>
        %lt3A = vector.broadcast %reduce_max3A_703 : i32 to vector<16xi32>
        %lt3A_1026 = arith.cmpi slt, %add3A_1025, %lt3A : vector<16xi32>
        %jit3A_1027 = arith.constant 0 : i32
        %broadcast_in_dim3A_1028 = vector.broadcast %jit3A_1027 : i32 to vector<16xi32>
        %select_n3A_1029 = arith.select %lt3A_1026, %add3A_1025, %broadcast_in_dim3A_1028 : vector<16xi1>, vector<16xi32>
        %broadcast_in_dim3A_1030 = arith.constant 0 : i32
        %broadcast_in_dim3A_1031 = vector.broadcast %broadcast_in_dim3A_1030 : i32 to vector<16xi32>
        %broadcast_in_dim3A_1032 = arith.constant 1 : i32
        %broadcast_in_dim3A_1033 = vector.broadcast %broadcast_in_dim3A_1032 : i32 to vector<16xi32>
        %lt3A_1034 = arith.constant 0 : i32
        %lt3A_1035 = vector.broadcast %lt3A_1034 : i32 to vector<16xi32>
        %lt3A_1036 = arith.cmpi slt, %broadcast_in_dim3A_1033, %lt3A_1035 : vector<16xi32>
        %add3A_1037 = arith.constant 16 : i32
        %add3A_1038 = vector.broadcast %add3A_1037 : i32 to vector<16xi32>
        %add3A_1039 = arith.addi %broadcast_in_dim3A_1033, %add3A_1038 : vector<16xi32>
        %select_n3A_1040 = arith.select %lt3A_1036, %add3A_1039, %broadcast_in_dim3A_1033 : vector<16xi1>, vector<16xi32>
        %broadcast_in_dim3A_1041 = vector.shape_cast %select_n3A_1040 : vector<16xi32> to vector<16x1xi32>
        %gather3A_1042 = vector.shape_cast %broadcast_in_dim3A_1041 : vector<16x1xi32> to vector<16xi32>
        %gather3A_1043 = tpu.dynamic_gather %sub3A_696[%gather3A_1042] in [0] : vector<16xi32>, vector<16xi32> -> vector<16xi32>
        %le3A = arith.cmpi sle, %gather3A_1043, %select_n3A_1029 : vector<16xi32>
        %convert_element_type3A_1044 = arith.extui %le3A : vector<16xi1> to vector<16xi32>
        %add3A_1045 = arith.addi %broadcast_in_dim3A_1031, %convert_element_type3A_1044 : vector<16xi32>
        %broadcast_in_dim3A_1046 = arith.constant 2 : i32
        %broadcast_in_dim3A_1047 = vector.broadcast %broadcast_in_dim3A_1046 : i32 to vector<16xi32>
        %lt3A_1048 = arith.constant 0 : i32
        %lt3A_1049 = vector.broadcast %lt3A_1048 : i32 to vector<16xi32>
        %lt3A_1050 = arith.cmpi slt, %broadcast_in_dim3A_1047, %lt3A_1049 : vector<16xi32>
        %add3A_1051 = arith.constant 16 : i32
        %add3A_1052 = vector.broadcast %add3A_1051 : i32 to vector<16xi32>
        %add3A_1053 = arith.addi %broadcast_in_dim3A_1047, %add3A_1052 : vector<16xi32>
        %select_n3A_1054 = arith.select %lt3A_1050, %add3A_1053, %broadcast_in_dim3A_1047 : vector<16xi1>, vector<16xi32>
        %broadcast_in_dim3A_1055 = vector.shape_cast %select_n3A_1054 : vector<16xi32> to vector<16x1xi32>
        %gather3A_1056 = vector.shape_cast %broadcast_in_dim3A_1055 : vector<16x1xi32> to vector<16xi32>
        %gather3A_1057 = tpu.dynamic_gather %sub3A_696[%gather3A_1056] in [0] : vector<16xi32>, vector<16xi32> -> vector<16xi32>
        %le3A_1058 = arith.cmpi sle, %gather3A_1057, %select_n3A_1029 : vector<16xi32>
        %convert_element_type3A_1059 = arith.extui %le3A_1058 : vector<16xi1> to vector<16xi32>
        %add3A_1060 = arith.addi %add3A_1045, %convert_element_type3A_1059 : vector<16xi32>
        %broadcast_in_dim3A_1061 = arith.constant 3 : i32
        %broadcast_in_dim3A_1062 = vector.broadcast %broadcast_in_dim3A_1061 : i32 to vector<16xi32>
        %lt3A_1063 = arith.constant 0 : i32
        %lt3A_1064 = vector.broadcast %lt3A_1063 : i32 to vector<16xi32>
        %lt3A_1065 = arith.cmpi slt, %broadcast_in_dim3A_1062, %lt3A_1064 : vector<16xi32>
        %add3A_1066 = arith.constant 16 : i32
        %add3A_1067 = vector.broadcast %add3A_1066 : i32 to vector<16xi32>
        %add3A_1068 = arith.addi %broadcast_in_dim3A_1062, %add3A_1067 : vector<16xi32>
        %select_n3A_1069 = arith.select %lt3A_1065, %add3A_1068, %broadcast_in_dim3A_1062 : vector<16xi1>, vector<16xi32>
        %broadcast_in_dim3A_1070 = vector.shape_cast %select_n3A_1069 : vector<16xi32> to vector<16x1xi32>
        %gather3A_1071 = vector.shape_cast %broadcast_in_dim3A_1070 : vector<16x1xi32> to vector<16xi32>
        %gather3A_1072 = tpu.dynamic_gather %sub3A_696[%gather3A_1071] in [0] : vector<16xi32>, vector<16xi32> -> vector<16xi32>
        %le3A_1073 = arith.cmpi sle, %gather3A_1072, %select_n3A_1029 : vector<16xi32>
        %convert_element_type3A_1074 = arith.extui %le3A_1073 : vector<16xi1> to vector<16xi32>
        %add3A_1075 = arith.addi %add3A_1060, %convert_element_type3A_1074 : vector<16xi32>
        %broadcast_in_dim3A_1076 = arith.constant 4 : i32
        %broadcast_in_dim3A_1077 = vector.broadcast %broadcast_in_dim3A_1076 : i32 to vector<16xi32>
        %lt3A_1078 = arith.constant 0 : i32
        %lt3A_1079 = vector.broadcast %lt3A_1078 : i32 to vector<16xi32>
        %lt3A_1080 = arith.cmpi slt, %broadcast_in_dim3A_1077, %lt3A_1079 : vector<16xi32>
        %add3A_1081 = arith.constant 16 : i32
        %add3A_1082 = vector.broadcast %add3A_1081 : i32 to vector<16xi32>
        %add3A_1083 = arith.addi %broadcast_in_dim3A_1077, %add3A_1082 : vector<16xi32>
        %select_n3A_1084 = arith.select %lt3A_1080, %add3A_1083, %broadcast_in_dim3A_1077 : vector<16xi1>, vector<16xi32>
        %broadcast_in_dim3A_1085 = vector.shape_cast %select_n3A_1084 : vector<16xi32> to vector<16x1xi32>
        %gather3A_1086 = vector.shape_cast %broadcast_in_dim3A_1085 : vector<16x1xi32> to vector<16xi32>
        %gather3A_1087 = tpu.dynamic_gather %sub3A_696[%gather3A_1086] in [0] : vector<16xi32>, vector<16xi32> -> vector<16xi32>
        %le3A_1088 = arith.cmpi sle, %gather3A_1087, %select_n3A_1029 : vector<16xi32>
        %convert_element_type3A_1089 = arith.extui %le3A_1088 : vector<16xi1> to vector<16xi32>
        %add3A_1090 = arith.addi %add3A_1075, %convert_element_type3A_1089 : vector<16xi32>
        %broadcast_in_dim3A_1091 = arith.constant 5 : i32
        %broadcast_in_dim3A_1092 = vector.broadcast %broadcast_in_dim3A_1091 : i32 to vector<16xi32>
        %lt3A_1093 = arith.constant 0 : i32
        %lt3A_1094 = vector.broadcast %lt3A_1093 : i32 to vector<16xi32>
        %lt3A_1095 = arith.cmpi slt, %broadcast_in_dim3A_1092, %lt3A_1094 : vector<16xi32>
        %add3A_1096 = arith.constant 16 : i32
        %add3A_1097 = vector.broadcast %add3A_1096 : i32 to vector<16xi32>
        %add3A_1098 = arith.addi %broadcast_in_dim3A_1092, %add3A_1097 : vector<16xi32>
        %select_n3A_1099 = arith.select %lt3A_1095, %add3A_1098, %broadcast_in_dim3A_1092 : vector<16xi1>, vector<16xi32>
        %broadcast_in_dim3A_1100 = vector.shape_cast %select_n3A_1099 : vector<16xi32> to vector<16x1xi32>
        %gather3A_1101 = vector.shape_cast %broadcast_in_dim3A_1100 : vector<16x1xi32> to vector<16xi32>
        %gather3A_1102 = tpu.dynamic_gather %sub3A_696[%gather3A_1101] in [0] : vector<16xi32>, vector<16xi32> -> vector<16xi32>
        %le3A_1103 = arith.cmpi sle, %gather3A_1102, %select_n3A_1029 : vector<16xi32>
        %convert_element_type3A_1104 = arith.extui %le3A_1103 : vector<16xi1> to vector<16xi32>
        %add3A_1105 = arith.addi %add3A_1090, %convert_element_type3A_1104 : vector<16xi32>
        %broadcast_in_dim3A_1106 = arith.constant 6 : i32
        %broadcast_in_dim3A_1107 = vector.broadcast %broadcast_in_dim3A_1106 : i32 to vector<16xi32>
        %lt3A_1108 = arith.constant 0 : i32
        %lt3A_1109 = vector.broadcast %lt3A_1108 : i32 to vector<16xi32>
        %lt3A_1110 = arith.cmpi slt, %broadcast_in_dim3A_1107, %lt3A_1109 : vector<16xi32>
        %add3A_1111 = arith.constant 16 : i32
        %add3A_1112 = vector.broadcast %add3A_1111 : i32 to vector<16xi32>
        %add3A_1113 = arith.addi %broadcast_in_dim3A_1107, %add3A_1112 : vector<16xi32>
        %select_n3A_1114 = arith.select %lt3A_1110, %add3A_1113, %broadcast_in_dim3A_1107 : vector<16xi1>, vector<16xi32>
        %broadcast_in_dim3A_1115 = vector.shape_cast %select_n3A_1114 : vector<16xi32> to vector<16x1xi32>
        %gather3A_1116 = vector.shape_cast %broadcast_in_dim3A_1115 : vector<16x1xi32> to vector<16xi32>
        %gather3A_1117 = tpu.dynamic_gather %sub3A_696[%gather3A_1116] in [0] : vector<16xi32>, vector<16xi32> -> vector<16xi32>
        %le3A_1118 = arith.cmpi sle, %gather3A_1117, %select_n3A_1029 : vector<16xi32>
        %convert_element_type3A_1119 = arith.extui %le3A_1118 : vector<16xi1> to vector<16xi32>
        %add3A_1120 = arith.addi %add3A_1105, %convert_element_type3A_1119 : vector<16xi32>
        %broadcast_in_dim3A_1121 = arith.constant 7 : i32
        %broadcast_in_dim3A_1122 = vector.broadcast %broadcast_in_dim3A_1121 : i32 to vector<16xi32>
        %lt3A_1123 = arith.constant 0 : i32
        %lt3A_1124 = vector.broadcast %lt3A_1123 : i32 to vector<16xi32>
        %lt3A_1125 = arith.cmpi slt, %broadcast_in_dim3A_1122, %lt3A_1124 : vector<16xi32>
        %add3A_1126 = arith.constant 16 : i32
        %add3A_1127 = vector.broadcast %add3A_1126 : i32 to vector<16xi32>
        %add3A_1128 = arith.addi %broadcast_in_dim3A_1122, %add3A_1127 : vector<16xi32>
        %select_n3A_1129 = arith.select %lt3A_1125, %add3A_1128, %broadcast_in_dim3A_1122 : vector<16xi1>, vector<16xi32>
        %broadcast_in_dim3A_1130 = vector.shape_cast %select_n3A_1129 : vector<16xi32> to vector<16x1xi32>
        %gather3A_1131 = vector.shape_cast %broadcast_in_dim3A_1130 : vector<16x1xi32> to vector<16xi32>
        %gather3A_1132 = tpu.dynamic_gather %sub3A_696[%gather3A_1131] in [0] : vector<16xi32>, vector<16xi32> -> vector<16xi32>
        %le3A_1133 = arith.cmpi sle, %gather3A_1132, %select_n3A_1029 : vector<16xi32>
        %convert_element_type3A_1134 = arith.extui %le3A_1133 : vector<16xi1> to vector<16xi32>
        %add3A_1135 = arith.addi %add3A_1120, %convert_element_type3A_1134 : vector<16xi32>
        %broadcast_in_dim3A_1136 = arith.constant 8 : i32
        %broadcast_in_dim3A_1137 = vector.broadcast %broadcast_in_dim3A_1136 : i32 to vector<16xi32>
        %lt3A_1138 = arith.constant 0 : i32
        %lt3A_1139 = vector.broadcast %lt3A_1138 : i32 to vector<16xi32>
        %lt3A_1140 = arith.cmpi slt, %broadcast_in_dim3A_1137, %lt3A_1139 : vector<16xi32>
        %add3A_1141 = arith.constant 16 : i32
        %add3A_1142 = vector.broadcast %add3A_1141 : i32 to vector<16xi32>
        %add3A_1143 = arith.addi %broadcast_in_dim3A_1137, %add3A_1142 : vector<16xi32>
        %select_n3A_1144 = arith.select %lt3A_1140, %add3A_1143, %broadcast_in_dim3A_1137 : vector<16xi1>, vector<16xi32>
        %broadcast_in_dim3A_1145 = vector.shape_cast %select_n3A_1144 : vector<16xi32> to vector<16x1xi32>
        %gather3A_1146 = vector.shape_cast %broadcast_in_dim3A_1145 : vector<16x1xi32> to vector<16xi32>
        %gather3A_1147 = tpu.dynamic_gather %sub3A_696[%gather3A_1146] in [0] : vector<16xi32>, vector<16xi32> -> vector<16xi32>
        %le3A_1148 = arith.cmpi sle, %gather3A_1147, %select_n3A_1029 : vector<16xi32>
        %convert_element_type3A_1149 = arith.extui %le3A_1148 : vector<16xi1> to vector<16xi32>
        %add3A_1150 = arith.addi %add3A_1135, %convert_element_type3A_1149 : vector<16xi32>
        %broadcast_in_dim3A_1151 = arith.constant 9 : i32
        %broadcast_in_dim3A_1152 = vector.broadcast %broadcast_in_dim3A_1151 : i32 to vector<16xi32>
        %lt3A_1153 = arith.constant 0 : i32
        %lt3A_1154 = vector.broadcast %lt3A_1153 : i32 to vector<16xi32>
        %lt3A_1155 = arith.cmpi slt, %broadcast_in_dim3A_1152, %lt3A_1154 : vector<16xi32>
        %add3A_1156 = arith.constant 16 : i32
        %add3A_1157 = vector.broadcast %add3A_1156 : i32 to vector<16xi32>
        %add3A_1158 = arith.addi %broadcast_in_dim3A_1152, %add3A_1157 : vector<16xi32>
        %select_n3A_1159 = arith.select %lt3A_1155, %add3A_1158, %broadcast_in_dim3A_1152 : vector<16xi1>, vector<16xi32>
        %broadcast_in_dim3A_1160 = vector.shape_cast %select_n3A_1159 : vector<16xi32> to vector<16x1xi32>
        %gather3A_1161 = vector.shape_cast %broadcast_in_dim3A_1160 : vector<16x1xi32> to vector<16xi32>
        %gather3A_1162 = tpu.dynamic_gather %sub3A_696[%gather3A_1161] in [0] : vector<16xi32>, vector<16xi32> -> vector<16xi32>
        %le3A_1163 = arith.cmpi sle, %gather3A_1162, %select_n3A_1029 : vector<16xi32>
        %convert_element_type3A_1164 = arith.extui %le3A_1163 : vector<16xi1> to vector<16xi32>
        %add3A_1165 = arith.addi %add3A_1150, %convert_element_type3A_1164 : vector<16xi32>
        %broadcast_in_dim3A_1166 = arith.constant 10 : i32
        %broadcast_in_dim3A_1167 = vector.broadcast %broadcast_in_dim3A_1166 : i32 to vector<16xi32>
        %lt3A_1168 = arith.constant 0 : i32
        %lt3A_1169 = vector.broadcast %lt3A_1168 : i32 to vector<16xi32>
        %lt3A_1170 = arith.cmpi slt, %broadcast_in_dim3A_1167, %lt3A_1169 : vector<16xi32>
        %add3A_1171 = arith.constant 16 : i32
        %add3A_1172 = vector.broadcast %add3A_1171 : i32 to vector<16xi32>
        %add3A_1173 = arith.addi %broadcast_in_dim3A_1167, %add3A_1172 : vector<16xi32>
        %select_n3A_1174 = arith.select %lt3A_1170, %add3A_1173, %broadcast_in_dim3A_1167 : vector<16xi1>, vector<16xi32>
        %broadcast_in_dim3A_1175 = vector.shape_cast %select_n3A_1174 : vector<16xi32> to vector<16x1xi32>
        %gather3A_1176 = vector.shape_cast %broadcast_in_dim3A_1175 : vector<16x1xi32> to vector<16xi32>
        %gather3A_1177 = tpu.dynamic_gather %sub3A_696[%gather3A_1176] in [0] : vector<16xi32>, vector<16xi32> -> vector<16xi32>
        %le3A_1178 = arith.cmpi sle, %gather3A_1177, %select_n3A_1029 : vector<16xi32>
        %convert_element_type3A_1179 = arith.extui %le3A_1178 : vector<16xi1> to vector<16xi32>
        %add3A_1180 = arith.addi %add3A_1165, %convert_element_type3A_1179 : vector<16xi32>
        %broadcast_in_dim3A_1181 = arith.constant 11 : i32
        %broadcast_in_dim3A_1182 = vector.broadcast %broadcast_in_dim3A_1181 : i32 to vector<16xi32>
        %lt3A_1183 = arith.constant 0 : i32
        %lt3A_1184 = vector.broadcast %lt3A_1183 : i32 to vector<16xi32>
        %lt3A_1185 = arith.cmpi slt, %broadcast_in_dim3A_1182, %lt3A_1184 : vector<16xi32>
        %add3A_1186 = arith.constant 16 : i32
        %add3A_1187 = vector.broadcast %add3A_1186 : i32 to vector<16xi32>
        %add3A_1188 = arith.addi %broadcast_in_dim3A_1182, %add3A_1187 : vector<16xi32>
        %select_n3A_1189 = arith.select %lt3A_1185, %add3A_1188, %broadcast_in_dim3A_1182 : vector<16xi1>, vector<16xi32>
        %broadcast_in_dim3A_1190 = vector.shape_cast %select_n3A_1189 : vector<16xi32> to vector<16x1xi32>
        %gather3A_1191 = vector.shape_cast %broadcast_in_dim3A_1190 : vector<16x1xi32> to vector<16xi32>
        %gather3A_1192 = tpu.dynamic_gather %sub3A_696[%gather3A_1191] in [0] : vector<16xi32>, vector<16xi32> -> vector<16xi32>
        %le3A_1193 = arith.cmpi sle, %gather3A_1192, %select_n3A_1029 : vector<16xi32>
        %convert_element_type3A_1194 = arith.extui %le3A_1193 : vector<16xi1> to vector<16xi32>
        %add3A_1195 = arith.addi %add3A_1180, %convert_element_type3A_1194 : vector<16xi32>
        %broadcast_in_dim3A_1196 = arith.constant 12 : i32
        %broadcast_in_dim3A_1197 = vector.broadcast %broadcast_in_dim3A_1196 : i32 to vector<16xi32>
        %lt3A_1198 = arith.constant 0 : i32
        %lt3A_1199 = vector.broadcast %lt3A_1198 : i32 to vector<16xi32>
        %lt3A_1200 = arith.cmpi slt, %broadcast_in_dim3A_1197, %lt3A_1199 : vector<16xi32>
        %add3A_1201 = arith.constant 16 : i32
        %add3A_1202 = vector.broadcast %add3A_1201 : i32 to vector<16xi32>
        %add3A_1203 = arith.addi %broadcast_in_dim3A_1197, %add3A_1202 : vector<16xi32>
        %select_n3A_1204 = arith.select %lt3A_1200, %add3A_1203, %broadcast_in_dim3A_1197 : vector<16xi1>, vector<16xi32>
        %broadcast_in_dim3A_1205 = vector.shape_cast %select_n3A_1204 : vector<16xi32> to vector<16x1xi32>
        %gather3A_1206 = vector.shape_cast %broadcast_in_dim3A_1205 : vector<16x1xi32> to vector<16xi32>
        %gather3A_1207 = tpu.dynamic_gather %sub3A_696[%gather3A_1206] in [0] : vector<16xi32>, vector<16xi32> -> vector<16xi32>
        %le3A_1208 = arith.cmpi sle, %gather3A_1207, %select_n3A_1029 : vector<16xi32>
        %convert_element_type3A_1209 = arith.extui %le3A_1208 : vector<16xi1> to vector<16xi32>
        %add3A_1210 = arith.addi %add3A_1195, %convert_element_type3A_1209 : vector<16xi32>
        %broadcast_in_dim3A_1211 = arith.constant 13 : i32
        %broadcast_in_dim3A_1212 = vector.broadcast %broadcast_in_dim3A_1211 : i32 to vector<16xi32>
        %lt3A_1213 = arith.constant 0 : i32
        %lt3A_1214 = vector.broadcast %lt3A_1213 : i32 to vector<16xi32>
        %lt3A_1215 = arith.cmpi slt, %broadcast_in_dim3A_1212, %lt3A_1214 : vector<16xi32>
        %add3A_1216 = arith.constant 16 : i32
        %add3A_1217 = vector.broadcast %add3A_1216 : i32 to vector<16xi32>
        %add3A_1218 = arith.addi %broadcast_in_dim3A_1212, %add3A_1217 : vector<16xi32>
        %select_n3A_1219 = arith.select %lt3A_1215, %add3A_1218, %broadcast_in_dim3A_1212 : vector<16xi1>, vector<16xi32>
        %broadcast_in_dim3A_1220 = vector.shape_cast %select_n3A_1219 : vector<16xi32> to vector<16x1xi32>
        %gather3A_1221 = vector.shape_cast %broadcast_in_dim3A_1220 : vector<16x1xi32> to vector<16xi32>
        %gather3A_1222 = tpu.dynamic_gather %sub3A_696[%gather3A_1221] in [0] : vector<16xi32>, vector<16xi32> -> vector<16xi32>
        %le3A_1223 = arith.cmpi sle, %gather3A_1222, %select_n3A_1029 : vector<16xi32>
        %convert_element_type3A_1224 = arith.extui %le3A_1223 : vector<16xi1> to vector<16xi32>
        %add3A_1225 = arith.addi %add3A_1210, %convert_element_type3A_1224 : vector<16xi32>
        %broadcast_in_dim3A_1226 = arith.constant 14 : i32
        %broadcast_in_dim3A_1227 = vector.broadcast %broadcast_in_dim3A_1226 : i32 to vector<16xi32>
        %lt3A_1228 = arith.constant 0 : i32
        %lt3A_1229 = vector.broadcast %lt3A_1228 : i32 to vector<16xi32>
        %lt3A_1230 = arith.cmpi slt, %broadcast_in_dim3A_1227, %lt3A_1229 : vector<16xi32>
        %add3A_1231 = arith.constant 16 : i32
        %add3A_1232 = vector.broadcast %add3A_1231 : i32 to vector<16xi32>
        %add3A_1233 = arith.addi %broadcast_in_dim3A_1227, %add3A_1232 : vector<16xi32>
        %select_n3A_1234 = arith.select %lt3A_1230, %add3A_1233, %broadcast_in_dim3A_1227 : vector<16xi1>, vector<16xi32>
        %broadcast_in_dim3A_1235 = vector.shape_cast %select_n3A_1234 : vector<16xi32> to vector<16x1xi32>
        %gather3A_1236 = vector.shape_cast %broadcast_in_dim3A_1235 : vector<16x1xi32> to vector<16xi32>
        %gather3A_1237 = tpu.dynamic_gather %sub3A_696[%gather3A_1236] in [0] : vector<16xi32>, vector<16xi32> -> vector<16xi32>
        %le3A_1238 = arith.cmpi sle, %gather3A_1237, %select_n3A_1029 : vector<16xi32>
        %convert_element_type3A_1239 = arith.extui %le3A_1238 : vector<16xi1> to vector<16xi32>
        %add3A_1240 = arith.addi %add3A_1225, %convert_element_type3A_1239 : vector<16xi32>
        %broadcast_in_dim3A_1241 = arith.constant 15 : i32
        %broadcast_in_dim3A_1242 = vector.broadcast %broadcast_in_dim3A_1241 : i32 to vector<16xi32>
        %lt3A_1243 = arith.constant 0 : i32
        %lt3A_1244 = vector.broadcast %lt3A_1243 : i32 to vector<16xi32>
        %lt3A_1245 = arith.cmpi slt, %broadcast_in_dim3A_1242, %lt3A_1244 : vector<16xi32>
        %add3A_1246 = arith.constant 16 : i32
        %add3A_1247 = vector.broadcast %add3A_1246 : i32 to vector<16xi32>
        %add3A_1248 = arith.addi %broadcast_in_dim3A_1242, %add3A_1247 : vector<16xi32>
        %select_n3A_1249 = arith.select %lt3A_1245, %add3A_1248, %broadcast_in_dim3A_1242 : vector<16xi1>, vector<16xi32>
        %broadcast_in_dim3A_1250 = vector.shape_cast %select_n3A_1249 : vector<16xi32> to vector<16x1xi32>
        %gather3A_1251 = vector.shape_cast %broadcast_in_dim3A_1250 : vector<16x1xi32> to vector<16xi32>
        %gather3A_1252 = tpu.dynamic_gather %sub3A_696[%gather3A_1251] in [0] : vector<16xi32>, vector<16xi32> -> vector<16xi32>
        %le3A_1253 = arith.cmpi sle, %gather3A_1252, %select_n3A_1029 : vector<16xi32>
        %convert_element_type3A_1254 = arith.extui %le3A_1253 : vector<16xi1> to vector<16xi32>
        %add3A_1255 = arith.addi %add3A_1240, %convert_element_type3A_1254 : vector<16xi32>
        %lt3A_1256 = arith.constant 0 : i32
        %lt3A_1257 = vector.broadcast %lt3A_1256 : i32 to vector<16xi32>
        %lt3A_1258 = arith.cmpi slt, %add3A_1255, %lt3A_1257 : vector<16xi32>
        %add3A_1259 = arith.constant 16 : i32
        %add3A_1260 = vector.broadcast %add3A_1259 : i32 to vector<16xi32>
        %add3A_1261 = arith.addi %add3A_1255, %add3A_1260 : vector<16xi32>
        %select_n3A_1262 = arith.select %lt3A_1258, %add3A_1261, %add3A_1255 : vector<16xi1>, vector<16xi32>
        %broadcast_in_dim3A_1263 = vector.shape_cast %select_n3A_1262 : vector<16xi32> to vector<16x1xi32>
        %gather3A_1264 = vector.shape_cast %broadcast_in_dim3A_1263 : vector<16x1xi32> to vector<16xi32>
        %gather3A_1265 = tpu.dynamic_gather %sub3A_696[%gather3A_1264] in [0] : vector<16xi32>, vector<16xi32> -> vector<16xi32>
        %mul3A_1266 = arith.constant 640 : i32
        %mul3A_1267 = vector.broadcast %mul3A_1266 : i32 to vector<16xi32>
        %mul3A_1268 = arith.muli %add3A_1255, %mul3A_1267 : vector<16xi32>
        %sub3A_1269 = arith.subi %select_n3A_1029, %gather3A_1265 : vector<16xi32>
        %add3A_1270 = arith.addi %mul3A_1268, %sub3A_1269 : vector<16xi32>
        %gather3A_1271 = tpu.vector_load_idx %arg11[%add3A_1270] : memref<10240xi32, #tpu.memory_space<vmem>>[vector<16xi32>], vector<16xi32>,
        %swap3A_1272 = arith.constant 624 : index
        %swap3A_1273 = tpu.vector_load %arg18[%swap3A_1272] {strides = array<i32>} : memref<640xi32, #tpu.memory_space<vmem>>, vector<16xi32>,
        tpu.vector_store %arg18[%swap3A_1272], %gather3A_1271 {strides = array<i32>} : memref<640xi32, #tpu.memory_space<vmem>>, vector<16xi32>,
        %gather3A_1274 = tpu.vector_load_idx %arg12[%add3A_1270] : memref<10240xi32, #tpu.memory_space<vmem>>[vector<16xi32>], vector<16xi32>,
        %swap3A_1275 = arith.constant 624 : index
        %swap3A_1276 = tpu.vector_load %arg17[%swap3A_1275] {strides = array<i32>} : memref<640xi32, #tpu.memory_space<vmem>>, vector<16xi32>,
        tpu.vector_store %arg17[%swap3A_1275], %gather3A_1274 {strides = array<i32>} : memref<640xi32, #tpu.memory_space<vmem>>, vector<16xi32>,
        %multiple_of3A_1277 = arith.constant 9984 : i32
        %multiple_of3A_1278 = tpu.assume_multiple %multiple_of3A_1277, 8 : i32
        "tpu.region"() ({
          %run_scoped3A_1279 = tpu.sem_alloc : memref<!tpu.dma_semaphore, #tpu.memory_space<semaphore_mem>>
          %dma_start3A_1280 = arith.constant 624 : i32
          %dma_start3A_1281 = tpu.memref_slice %arg18[%dma_start3A_1280] : memref<640xi32, #tpu.memory_space<vmem>> -> memref<16xi32, #tpu.memory_space<vmem>>
          %dma_start3A_1282 = tpu.memref_slice %arg5[%multiple_of3A_1278] : memref<10000xi32, #tpu.memory_space<hbm>> -> memref<16xi32, #tpu.memory_space<hbm>>
          %dma_start3A_1283 = tpu.memref_slice %arg5[%multiple_of3A_1278] : memref<10000xi32, #tpu.memory_space<hbm>> -> memref<16xi32, #tpu.memory_space<hbm>>
          %dma_start3A_1284 = arith.constant 624 : i32
          %dma_start3A_1285 = tpu.memref_slice %arg18[%dma_start3A_1284] : memref<640xi32, #tpu.memory_space<vmem>> -> memref<16xi32, #tpu.memory_space<vmem>>
          tpu.enqueue_dma source(%dma_start3A_1285 : memref<16xi32, #tpu.memory_space<vmem>>) target(%dma_start3A_1283 : memref<16xi32, #tpu.memory_space<hbm>>) target_semaphore(%run_scoped3A_1279 : memref<!tpu.dma_semaphore, #tpu.memory_space<semaphore_mem>>)
          %dma_wait3A_1286 = arith.constant 624 : i32
          %dma_wait3A_1287 = tpu.memref_slice %arg18[%dma_wait3A_1286] : memref<640xi32, #tpu.memory_space<vmem>> -> memref<16xi32, #tpu.memory_space<vmem>>
          %dma_wait3A_1288 = tpu.memref_slice %arg5[%multiple_of3A_1278] : memref<10000xi32, #tpu.memory_space<hbm>> -> memref<16xi32, #tpu.memory_space<hbm>>
          %dma_wait3A_1289 = tpu.memref_slice %arg5[%multiple_of3A_1278] : memref<10000xi32, #tpu.memory_space<hbm>> -> memref<16xi32, #tpu.memory_space<hbm>>
          %dma_wait3A_1290 = arith.constant 624 : i32
          %dma_wait3A_1291 = tpu.memref_slice %arg18[%dma_wait3A_1290] : memref<640xi32, #tpu.memory_space<vmem>> -> memref<16xi32, #tpu.memory_space<vmem>>
          tpu.wait_dma2 semaphore(%run_scoped3A_1279 : memref<!tpu.dma_semaphore, #tpu.memory_space<semaphore_mem>>) src(%dma_wait3A_1291 : memref<16xi32, #tpu.memory_space<vmem>>) dst(%dma_wait3A_1289 : memref<16xi32, #tpu.memory_space<hbm>>)
          tpu.yield
        }) : () -> ()
      } else {
      }
      %dma_start3A_719 = arith.constant 0 : i32
      %dma_start3A_720 = arith.constant 0 : i32
      %dma_start3A_721 = arith.constant 0 : i32
      %dma_start3A_722 = tpu.memref_slice %arg20[%dma_start3A_719, %dma_start3A_720, %dma_start3A_721] : memref<2x48x128xf32, #tpu.memory_space<vmem>> -> memref<1x48x128xf32, #tpu.memory_space<vmem>>
      %dma_start3A_723 = tpu.memref_squeeze %dma_start3A_722 : memref<1x48x128xf32, #tpu.memory_space<vmem>> -> memref<48x128xf32, #tpu.memory_space<vmem>>
      %dma_start3A_724 = arith.constant 0 : i32
      %dma_start3A_725 = tpu.memref_slice %arg17[%dma_start3A_724] : memref<640xi32, #tpu.memory_space<vmem>> -> memref<48xi32, #tpu.memory_space<vmem>>
      %dma_start3A_726 = arith.constant 0 : i32
      %dma_start3A_727 = arith.constant 0 : i32
      %dma_start3A_728 = tpu.memref_slice %arg2[%dma_start3A_726, %dma_start3A_727] : memref<320000x128xf32, #tpu.memory_space<hbm>> -> memref<320000x128xf32, #tpu.memory_space<hbm>>
      tpu.enqueue_indirect_dma source(%dma_start3A_728 : memref<320000x128xf32, #tpu.memory_space<hbm>>) target(%dma_start3A_723 : memref<48x128xf32, #tpu.memory_space<vmem>>) offsets(%dma_start3A_725 : memref<48xi32, #tpu.memory_space<vmem>>) semaphore(%arg23 : memref<!tpu.dma_semaphore, #tpu.memory_space<semaphore_mem>>)
      %dma_start3A_729 = arith.constant 1 : i32
      %dma_start3A_730 = arith.constant 0 : i32
      %dma_start3A_731 = arith.constant 0 : i32
      %dma_start3A_732 = tpu.memref_slice %arg20[%dma_start3A_729, %dma_start3A_730, %dma_start3A_731] : memref<2x48x128xf32, #tpu.memory_space<vmem>> -> memref<1x48x128xf32, #tpu.memory_space<vmem>>
      %dma_start3A_733 = tpu.memref_squeeze %dma_start3A_732 : memref<1x48x128xf32, #tpu.memory_space<vmem>> -> memref<48x128xf32, #tpu.memory_space<vmem>>
      %dma_start3A_734 = arith.constant 48 : i32
      %dma_start3A_735 = tpu.memref_slice %arg17[%dma_start3A_734] : memref<640xi32, #tpu.memory_space<vmem>> -> memref<48xi32, #tpu.memory_space<vmem>>
      %dma_start3A_736 = arith.constant 0 : i32
      %dma_start3A_737 = arith.constant 0 : i32
      %dma_start3A_738 = tpu.memref_slice %arg2[%dma_start3A_736, %dma_start3A_737] : memref<320000x128xf32, #tpu.memory_space<hbm>> -> memref<320000x128xf32, #tpu.memory_space<hbm>>
      tpu.enqueue_indirect_dma source(%dma_start3A_738 : memref<320000x128xf32, #tpu.memory_space<hbm>>) target(%dma_start3A_733 : memref<48x128xf32, #tpu.memory_space<vmem>>) offsets(%dma_start3A_735 : memref<48xi32, #tpu.memory_space<vmem>>) semaphore(%arg24 : memref<!tpu.dma_semaphore, #tpu.memory_space<semaphore_mem>>)
      %dma_wait3A_739 = arith.constant 0 : i32
      %dma_wait3A_740 = arith.constant 0 : i32
      %dma_wait3A_741 = arith.constant 0 : i32
      %dma_wait3A_742 = tpu.memref_slice %arg20[%dma_wait3A_739, %dma_wait3A_740, %dma_wait3A_741] : memref<2x48x128xf32, #tpu.memory_space<vmem>> -> memref<1x48x128xf32, #tpu.memory_space<vmem>>
      %dma_wait3A_743 = tpu.memref_squeeze %dma_wait3A_742 : memref<1x48x128xf32, #tpu.memory_space<vmem>> -> memref<48x128xf32, #tpu.memory_space<vmem>>
      %dma_wait3A_744 = arith.constant 0 : i32
      %dma_wait3A_745 = tpu.memref_slice %arg17[%dma_wait3A_744] : memref<640xi32, #tpu.memory_space<vmem>> -> memref<48xi32, #tpu.memory_space<vmem>>
      %dma_wait3A_746 = arith.constant 0 : i32
      %dma_wait3A_747 = arith.constant 0 : i32
      %dma_wait3A_748 = tpu.memref_slice %arg2[%dma_wait3A_746, %dma_wait3A_747] : memref<320000x128xf32, #tpu.memory_space<hbm>> -> memref<320000x128xf32, #tpu.memory_space<hbm>>
      tpu.wait_indirect_dma semaphore(%arg23 : memref<!tpu.dma_semaphore, #tpu.memory_space<semaphore_mem>>) src(%dma_wait3A_748 : memref<320000x128xf32, #tpu.memory_space<hbm>>) dst(%dma_wait3A_743 : memref<48x128xf32, #tpu.memory_space<vmem>>)
      %add3A_749 = arith.constant 0 : i32
      %add3A_750 = arith.addi %multiple_of3A_713, %add3A_749 : i32
      %run_scoped3A_751 = arith.constant 0 : i32
      "tpu.region"() ({
        %run_scoped3A_1023 = tpu.sem_alloc : memref<!tpu.dma_semaphore, #tpu.memory_space<semaphore_mem>>
        %dma_start3A_1024 = arith.constant 0 : i32
        %dma_start3A_1025 = arith.constant 0 : i32
        %dma_start3A_1026 = tpu.memref_slice %arg20[%run_scoped3A_751, %dma_start3A_1024, %dma_start3A_1025] : memref<2x48x128xf32, #tpu.memory_space<vmem>> -> memref<1x48x128xf32, #tpu.memory_space<vmem>>
        %dma_start3A_1027 = tpu.memref_squeeze %dma_start3A_1026 : memref<1x48x128xf32, #tpu.memory_space<vmem>> -> memref<48x128xf32, #tpu.memory_space<vmem>>
        %dma_start3A_1028 = arith.constant 0 : i32
        %dma_start3A_1029 = tpu.memref_slice %arg6[%add3A_750, %dma_start3A_1028] : memref<10000x128xf32, #tpu.memory_space<hbm>> -> memref<48x128xf32, #tpu.memory_space<hbm>>
        %dma_start3A_1030 = arith.constant 0 : i32
        %dma_start3A_1031 = tpu.memref_slice %arg6[%add3A_750, %dma_start3A_1030] : memref<10000x128xf32, #tpu.memory_space<hbm>> -> memref<48x128xf32, #tpu.memory_space<hbm>>
        %dma_start3A_1032 = arith.constant 0 : i32
        %dma_start3A_1033 = arith.constant 0 : i32
        %dma_start3A_1034 = tpu.memref_slice %arg20[%run_scoped3A_751, %dma_start3A_1032, %dma_start3A_1033] : memref<2x48x128xf32, #tpu.memory_space<vmem>> -> memref<1x48x128xf32, #tpu.memory_space<vmem>>
        %dma_start3A_1035 = tpu.memref_squeeze %dma_start3A_1034 : memref<1x48x128xf32, #tpu.memory_space<vmem>> -> memref<48x128xf32, #tpu.memory_space<vmem>>
        tpu.enqueue_dma source(%dma_start3A_1035 : memref<48x128xf32, #tpu.memory_space<vmem>>) target(%dma_start3A_1031 : memref<48x128xf32, #tpu.memory_space<hbm>>) target_semaphore(%run_scoped3A_1023 : memref<!tpu.dma_semaphore, #tpu.memory_space<semaphore_mem>>)
        %dma_wait3A_1036 = arith.constant 0 : i32
        %dma_wait3A_1037 = arith.constant 0 : i32
        %dma_wait3A_1038 = tpu.memref_slice %arg20[%run_scoped3A_751, %dma_wait3A_1036, %dma_wait3A_1037] : memref<2x48x128xf32, #tpu.memory_space<vmem>> -> memref<1x48x128xf32, #tpu.memory_space<vmem>>
        %dma_wait3A_1039 = tpu.memref_squeeze %dma_wait3A_1038 : memref<1x48x128xf32, #tpu.memory_space<vmem>> -> memref<48x128xf32, #tpu.memory_space<vmem>>
        %dma_wait3A_1040 = arith.constant 0 : i32
        %dma_wait3A_1041 = tpu.memref_slice %arg6[%add3A_750, %dma_wait3A_1040] : memref<10000x128xf32, #tpu.memory_space<hbm>> -> memref<48x128xf32, #tpu.memory_space<hbm>>
        %dma_wait3A_1042 = arith.constant 0 : i32
        %dma_wait3A_1043 = tpu.memref_slice %arg6[%add3A_750, %dma_wait3A_1042] : memref<10000x128xf32, #tpu.memory_space<hbm>> -> memref<48x128xf32, #tpu.memory_space<hbm>>
        %dma_wait3A_1044 = arith.constant 0 : i32
        %dma_wait3A_1045 = arith.constant 0 : i32
        %dma_wait3A_1046 = tpu.memref_slice %arg20[%run_scoped3A_751, %dma_wait3A_1044, %dma_wait3A_1045] : memref<2x48x128xf32, #tpu.memory_space<vmem>> -> memref<1x48x128xf32, #tpu.memory_space<vmem>>
        %dma_wait3A_1047 = tpu.memref_squeeze %dma_wait3A_1046 : memref<1x48x128xf32, #tpu.memory_space<vmem>> -> memref<48x128xf32, #tpu.memory_space<vmem>>
        tpu.wait_dma2 semaphore(%run_scoped3A_1023 : memref<!tpu.dma_semaphore, #tpu.memory_space<semaphore_mem>>) src(%dma_wait3A_1047 : memref<48x128xf32, #tpu.memory_space<vmem>>) dst(%dma_wait3A_1043 : memref<48x128xf32, #tpu.memory_space<hbm>>)
        tpu.yield
      }) : () -> ()
      %dma_start3A_752 = arith.constant 0 : i32
      %dma_start3A_753 = arith.constant 0 : i32
      %dma_start3A_754 = arith.constant 0 : i32
      %dma_start3A_755 = tpu.memref_slice %arg20[%dma_start3A_752, %dma_start3A_753, %dma_start3A_754] : memref<2x48x128xf32, #tpu.memory_space<vmem>> -> memref<1x48x128xf32, #tpu.memory_space<vmem>>
      %dma_start3A_756 = tpu.memref_squeeze %dma_start3A_755 : memref<1x48x128xf32, #tpu.memory_space<vmem>> -> memref<48x128xf32, #tpu.memory_space<vmem>>
      %dma_start3A_757 = arith.constant 96 : i32
      %dma_start3A_758 = tpu.memref_slice %arg17[%dma_start3A_757] : memref<640xi32, #tpu.memory_space<vmem>> -> memref<48xi32, #tpu.memory_space<vmem>>
      %dma_start3A_759 = arith.constant 0 : i32
      %dma_start3A_760 = arith.constant 0 : i32
      %dma_start3A_761 = tpu.memref_slice %arg2[%dma_start3A_759, %dma_start3A_760] : memref<320000x128xf32, #tpu.memory_space<hbm>> -> memref<320000x128xf32, #tpu.memory_space<hbm>>
      tpu.enqueue_indirect_dma source(%dma_start3A_761 : memref<320000x128xf32, #tpu.memory_space<hbm>>) target(%dma_start3A_756 : memref<48x128xf32, #tpu.memory_space<vmem>>) offsets(%dma_start3A_758 : memref<48xi32, #tpu.memory_space<vmem>>) semaphore(%arg23 : memref<!tpu.dma_semaphore, #tpu.memory_space<semaphore_mem>>)
      %dma_wait3A_762 = arith.constant 1 : i32
      %dma_wait3A_763 = arith.constant 0 : i32
      %dma_wait3A_764 = arith.constant 0 : i32
      %dma_wait3A_765 = tpu.memref_slice %arg20[%dma_wait3A_762, %dma_wait3A_763, %dma_wait3A_764] : memref<2x48x128xf32, #tpu.memory_space<vmem>> -> memref<1x48x128xf32, #tpu.memory_space<vmem>>
      %dma_wait3A_766 = tpu.memref_squeeze %dma_wait3A_765 : memref<1x48x128xf32, #tpu.memory_space<vmem>> -> memref<48x128xf32, #tpu.memory_space<vmem>>
      %dma_wait3A_767 = arith.constant 48 : i32
      %dma_wait3A_768 = tpu.memref_slice %arg17[%dma_wait3A_767] : memref<640xi32, #tpu.memory_space<vmem>> -> memref<48xi32, #tpu.memory_space<vmem>>
      %dma_wait3A_769 = arith.constant 0 : i32
      %dma_wait3A_770 = arith.constant 0 : i32
      %dma_wait3A_771 = tpu.memref_slice %arg2[%dma_wait3A_769, %dma_wait3A_770] : memref<320000x128xf32, #tpu.memory_space<hbm>> -> memref<320000x128xf32, #tpu.memory_space<hbm>>
      tpu.wait_indirect_dma semaphore(%arg24 : memref<!tpu.dma_semaphore, #tpu.memory_space<semaphore_mem>>) src(%dma_wait3A_771 : memref<320000x128xf32, #tpu.memory_space<hbm>>) dst(%dma_wait3A_766 : memref<48x128xf32, #tpu.memory_space<vmem>>)
      %add3A_772 = arith.constant 48 : i32
      %add3A_773 = arith.addi %multiple_of3A_713, %add3A_772 : i32
      %run_scoped3A_774 = arith.constant 1 : i32
      "tpu.region"() ({
        %run_scoped3A_1023 = tpu.sem_alloc : memref<!tpu.dma_semaphore, #tpu.memory_space<semaphore_mem>>
        %dma_start3A_1024 = arith.constant 0 : i32
        %dma_start3A_1025 = arith.constant 0 : i32
        %dma_start3A_1026 = tpu.memref_slice %arg20[%run_scoped3A_774, %dma_start3A_1024, %dma_start3A_1025] : memref<2x48x128xf32, #tpu.memory_space<vmem>> -> memref<1x48x128xf32, #tpu.memory_space<vmem>>
        %dma_start3A_1027 = tpu.memref_squeeze %dma_start3A_1026 : memref<1x48x128xf32, #tpu.memory_space<vmem>> -> memref<48x128xf32, #tpu.memory_space<vmem>>
        %dma_start3A_1028 = arith.constant 0 : i32
        %dma_start3A_1029 = tpu.memref_slice %arg6[%add3A_773, %dma_start3A_1028] : memref<10000x128xf32, #tpu.memory_space<hbm>> -> memref<48x128xf32, #tpu.memory_space<hbm>>
        %dma_start3A_1030 = arith.constant 0 : i32
        %dma_start3A_1031 = tpu.memref_slice %arg6[%add3A_773, %dma_start3A_1030] : memref<10000x128xf32, #tpu.memory_space<hbm>> -> memref<48x128xf32, #tpu.memory_space<hbm>>
        %dma_start3A_1032 = arith.constant 0 : i32
        %dma_start3A_1033 = arith.constant 0 : i32
        %dma_start3A_1034 = tpu.memref_slice %arg20[%run_scoped3A_774, %dma_start3A_1032, %dma_start3A_1033] : memref<2x48x128xf32, #tpu.memory_space<vmem>> -> memref<1x48x128xf32, #tpu.memory_space<vmem>>
        %dma_start3A_1035 = tpu.memref_squeeze %dma_start3A_1034 : memref<1x48x128xf32, #tpu.memory_space<vmem>> -> memref<48x128xf32, #tpu.memory_space<vmem>>
        tpu.enqueue_dma source(%dma_start3A_1035 : memref<48x128xf32, #tpu.memory_space<vmem>>) target(%dma_start3A_1031 : memref<48x128xf32, #tpu.memory_space<hbm>>) target_semaphore(%run_scoped3A_1023 : memref<!tpu.dma_semaphore, #tpu.memory_space<semaphore_mem>>)
        %dma_wait3A_1036 = arith.constant 0 : i32
        %dma_wait3A_1037 = arith.constant 0 : i32
        %dma_wait3A_1038 = tpu.memref_slice %arg20[%run_scoped3A_774, %dma_wait3A_1036, %dma_wait3A_1037] : memref<2x48x128xf32, #tpu.memory_space<vmem>> -> memref<1x48x128xf32, #tpu.memory_space<vmem>>
        %dma_wait3A_1039 = tpu.memref_squeeze %dma_wait3A_1038 : memref<1x48x128xf32, #tpu.memory_space<vmem>> -> memref<48x128xf32, #tpu.memory_space<vmem>>
        %dma_wait3A_1040 = arith.constant 0 : i32
        %dma_wait3A_1041 = tpu.memref_slice %arg6[%add3A_773, %dma_wait3A_1040] : memref<10000x128xf32, #tpu.memory_space<hbm>> -> memref<48x128xf32, #tpu.memory_space<hbm>>
        %dma_wait3A_1042 = arith.constant 0 : i32
        %dma_wait3A_1043 = tpu.memref_slice %arg6[%add3A_773, %dma_wait3A_1042] : memref<10000x128xf32, #tpu.memory_space<hbm>> -> memref<48x128xf32, #tpu.memory_space<hbm>>
        %dma_wait3A_1044 = arith.constant 0 : i32
        %dma_wait3A_1045 = arith.constant 0 : i32
        %dma_wait3A_1046 = tpu.memref_slice %arg20[%run_scoped3A_774, %dma_wait3A_1044, %dma_wait3A_1045] : memref<2x48x128xf32, #tpu.memory_space<vmem>> -> memref<1x48x128xf32, #tpu.memory_space<vmem>>
        %dma_wait3A_1047 = tpu.memref_squeeze %dma_wait3A_1046 : memref<1x48x128xf32, #tpu.memory_space<vmem>> -> memref<48x128xf32, #tpu.memory_space<vmem>>
        tpu.wait_dma2 semaphore(%run_scoped3A_1023 : memref<!tpu.dma_semaphore, #tpu.memory_space<semaphore_mem>>) src(%dma_wait3A_1047 : memref<48x128xf32, #tpu.memory_space<vmem>>) dst(%dma_wait3A_1043 : memref<48x128xf32, #tpu.memory_space<hbm>>)
        tpu.yield
      }) : () -> ()
      %dma_start3A_775 = arith.constant 1 : i32
      %dma_start3A_776 = arith.constant 0 : i32
      %dma_start3A_777 = arith.constant 0 : i32
      %dma_start3A_778 = tpu.memref_slice %arg20[%dma_start3A_775, %dma_start3A_776, %dma_start3A_777] : memref<2x48x128xf32, #tpu.memory_space<vmem>> -> memref<1x48x128xf32, #tpu.memory_space<vmem>>
      %dma_start3A_779 = tpu.memref_squeeze %dma_start3A_778 : memref<1x48x128xf32, #tpu.memory_space<vmem>> -> memref<48x128xf32, #tpu.memory_space<vmem>>
      %dma_start3A_780 = arith.constant 144 : i32
      %dma_start3A_781 = tpu.memref_slice %arg17[%dma_start3A_780] : memref<640xi32, #tpu.memory_space<vmem>> -> memref<48xi32, #tpu.memory_space<vmem>>
      %dma_start3A_782 = arith.constant 0 : i32
      %dma_start3A_783 = arith.constant 0 : i32
      %dma_start3A_784 = tpu.memref_slice %arg2[%dma_start3A_782, %dma_start3A_783] : memref<320000x128xf32, #tpu.memory_space<hbm>> -> memref<320000x128xf32, #tpu.memory_space<hbm>>
      tpu.enqueue_indirect_dma source(%dma_start3A_784 : memref<320000x128xf32, #tpu.memory_space<hbm>>) target(%dma_start3A_779 : memref<48x128xf32, #tpu.memory_space<vmem>>) offsets(%dma_start3A_781 : memref<48xi32, #tpu.memory_space<vmem>>) semaphore(%arg24 : memref<!tpu.dma_semaphore, #tpu.memory_space<semaphore_mem>>)
      %dma_wait3A_785 = arith.constant 0 : i32
      %dma_wait3A_786 = arith.constant 0 : i32
      %dma_wait3A_787 = arith.constant 0 : i32
      %dma_wait3A_788 = tpu.memref_slice %arg20[%dma_wait3A_785, %dma_wait3A_786, %dma_wait3A_787] : memref<2x48x128xf32, #tpu.memory_space<vmem>> -> memref<1x48x128xf32, #tpu.memory_space<vmem>>
      %dma_wait3A_789 = tpu.memref_squeeze %dma_wait3A_788 : memref<1x48x128xf32, #tpu.memory_space<vmem>> -> memref<48x128xf32, #tpu.memory_space<vmem>>
      %dma_wait3A_790 = arith.constant 96 : i32
      %dma_wait3A_791 = tpu.memref_slice %arg17[%dma_wait3A_790] : memref<640xi32, #tpu.memory_space<vmem>> -> memref<48xi32, #tpu.memory_space<vmem>>
      %dma_wait3A_792 = arith.constant 0 : i32
      %dma_wait3A_793 = arith.constant 0 : i32
      %dma_wait3A_794 = tpu.memref_slice %arg2[%dma_wait3A_792, %dma_wait3A_793] : memref<320000x128xf32, #tpu.memory_space<hbm>> -> memref<320000x128xf32, #tpu.memory_space<hbm>>
      tpu.wait_indirect_dma semaphore(%arg23 : memref<!tpu.dma_semaphore, #tpu.memory_space<semaphore_mem>>) src(%dma_wait3A_794 : memref<320000x128xf32, #tpu.memory_space<hbm>>) dst(%dma_wait3A_789 : memref<48x128xf32, #tpu.memory_space<vmem>>)
      %add3A_795 = arith.constant 96 : i32
      %add3A_796 = arith.addi %multiple_of3A_713, %add3A_795 : i32
      %run_scoped3A_797 = arith.constant 0 : i32
      "tpu.region"() ({
        %run_scoped3A_1023 = tpu.sem_alloc : memref<!tpu.dma_semaphore, #tpu.memory_space<semaphore_mem>>
        %dma_start3A_1024 = arith.constant 0 : i32
        %dma_start3A_1025 = arith.constant 0 : i32
        %dma_start3A_1026 = tpu.memref_slice %arg20[%run_scoped3A_797, %dma_start3A_1024, %dma_start3A_1025] : memref<2x48x128xf32, #tpu.memory_space<vmem>> -> memref<1x48x128xf32, #tpu.memory_space<vmem>>
        %dma_start3A_1027 = tpu.memref_squeeze %dma_start3A_1026 : memref<1x48x128xf32, #tpu.memory_space<vmem>> -> memref<48x128xf32, #tpu.memory_space<vmem>>
        %dma_start3A_1028 = arith.constant 0 : i32
        %dma_start3A_1029 = tpu.memref_slice %arg6[%add3A_796, %dma_start3A_1028] : memref<10000x128xf32, #tpu.memory_space<hbm>> -> memref<48x128xf32, #tpu.memory_space<hbm>>
        %dma_start3A_1030 = arith.constant 0 : i32
        %dma_start3A_1031 = tpu.memref_slice %arg6[%add3A_796, %dma_start3A_1030] : memref<10000x128xf32, #tpu.memory_space<hbm>> -> memref<48x128xf32, #tpu.memory_space<hbm>>
        %dma_start3A_1032 = arith.constant 0 : i32
        %dma_start3A_1033 = arith.constant 0 : i32
        %dma_start3A_1034 = tpu.memref_slice %arg20[%run_scoped3A_797, %dma_start3A_1032, %dma_start3A_1033] : memref<2x48x128xf32, #tpu.memory_space<vmem>> -> memref<1x48x128xf32, #tpu.memory_space<vmem>>
        %dma_start3A_1035 = tpu.memref_squeeze %dma_start3A_1034 : memref<1x48x128xf32, #tpu.memory_space<vmem>> -> memref<48x128xf32, #tpu.memory_space<vmem>>
        tpu.enqueue_dma source(%dma_start3A_1035 : memref<48x128xf32, #tpu.memory_space<vmem>>) target(%dma_start3A_1031 : memref<48x128xf32, #tpu.memory_space<hbm>>) target_semaphore(%run_scoped3A_1023 : memref<!tpu.dma_semaphore, #tpu.memory_space<semaphore_mem>>)
        %dma_wait3A_1036 = arith.constant 0 : i32
        %dma_wait3A_1037 = arith.constant 0 : i32
        %dma_wait3A_1038 = tpu.memref_slice %arg20[%run_scoped3A_797, %dma_wait3A_1036, %dma_wait3A_1037] : memref<2x48x128xf32, #tpu.memory_space<vmem>> -> memref<1x48x128xf32, #tpu.memory_space<vmem>>
        %dma_wait3A_1039 = tpu.memref_squeeze %dma_wait3A_1038 : memref<1x48x128xf32, #tpu.memory_space<vmem>> -> memref<48x128xf32, #tpu.memory_space<vmem>>
        %dma_wait3A_1040 = arith.constant 0 : i32
        %dma_wait3A_1041 = tpu.memref_slice %arg6[%add3A_796, %dma_wait3A_1040] : memref<10000x128xf32, #tpu.memory_space<hbm>> -> memref<48x128xf32, #tpu.memory_space<hbm>>
        %dma_wait3A_1042 = arith.constant 0 : i32
        %dma_wait3A_1043 = tpu.memref_slice %arg6[%add3A_796, %dma_wait3A_1042] : memref<10000x128xf32, #tpu.memory_space<hbm>> -> memref<48x128xf32, #tpu.memory_space<hbm>>
        %dma_wait3A_1044 = arith.constant 0 : i32
        %dma_wait3A_1045 = arith.constant 0 : i32
        %dma_wait3A_1046 = tpu.memref_slice %arg20[%run_scoped3A_797, %dma_wait3A_1044, %dma_wait3A_1045] : memref<2x48x128xf32, #tpu.memory_space<vmem>> -> memref<1x48x128xf32, #tpu.memory_space<vmem>>
        %dma_wait3A_1047 = tpu.memref_squeeze %dma_wait3A_1046 : memref<1x48x128xf32, #tpu.memory_space<vmem>> -> memref<48x128xf32, #tpu.memory_space<vmem>>
        tpu.wait_dma2 semaphore(%run_scoped3A_1023 : memref<!tpu.dma_semaphore, #tpu.memory_space<semaphore_mem>>) src(%dma_wait3A_1047 : memref<48x128xf32, #tpu.memory_space<vmem>>) dst(%dma_wait3A_1043 : memref<48x128xf32, #tpu.memory_space<hbm>>)
        tpu.yield
      }) : () -> ()
      %dma_start3A_798 = arith.constant 0 : i32
      %dma_start3A_799 = arith.constant 0 : i32
      %dma_start3A_800 = arith.constant 0 : i32
      %dma_start3A_801 = tpu.memref_slice %arg20[%dma_start3A_798, %dma_start3A_799, %dma_start3A_800] : memref<2x48x128xf32, #tpu.memory_space<vmem>> -> memref<1x48x128xf32, #tpu.memory_space<vmem>>
      %dma_start3A_802 = tpu.memref_squeeze %dma_start3A_801 : memref<1x48x128xf32, #tpu.memory_space<vmem>> -> memref<48x128xf32, #tpu.memory_space<vmem>>
      %dma_start3A_803 = arith.constant 192 : i32
      %dma_start3A_804 = tpu.memref_slice %arg17[%dma_start3A_803] : memref<640xi32, #tpu.memory_space<vmem>> -> memref<48xi32, #tpu.memory_space<vmem>>
      %dma_start3A_805 = arith.constant 0 : i32
      %dma_start3A_806 = arith.constant 0 : i32
      %dma_start3A_807 = tpu.memref_slice %arg2[%dma_start3A_805, %dma_start3A_806] : memref<320000x128xf32, #tpu.memory_space<hbm>> -> memref<320000x128xf32, #tpu.memory_space<hbm>>
      tpu.enqueue_indirect_dma source(%dma_start3A_807 : memref<320000x128xf32, #tpu.memory_space<hbm>>) target(%dma_start3A_802 : memref<48x128xf32, #tpu.memory_space<vmem>>) offsets(%dma_start3A_804 : memref<48xi32, #tpu.memory_space<vmem>>) semaphore(%arg23 : memref<!tpu.dma_semaphore, #tpu.memory_space<semaphore_mem>>)
      %dma_wait3A_808 = arith.constant 1 : i32
      %dma_wait3A_809 = arith.constant 0 : i32
      %dma_wait3A_810 = arith.constant 0 : i32
      %dma_wait3A_811 = tpu.memref_slice %arg20[%dma_wait3A_808, %dma_wait3A_809, %dma_wait3A_810] : memref<2x48x128xf32, #tpu.memory_space<vmem>> -> memref<1x48x128xf32, #tpu.memory_space<vmem>>
      %dma_wait3A_812 = tpu.memref_squeeze %dma_wait3A_811 : memref<1x48x128xf32, #tpu.memory_space<vmem>> -> memref<48x128xf32, #tpu.memory_space<vmem>>
      %dma_wait3A_813 = arith.constant 144 : i32
      %dma_wait3A_814 = tpu.memref_slice %arg17[%dma_wait3A_813] : memref<640xi32, #tpu.memory_space<vmem>> -> memref<48xi32, #tpu.memory_space<vmem>>
      %dma_wait3A_815 = arith.constant 0 : i32
      %dma_wait3A_816 = arith.constant 0 : i32
      %dma_wait3A_817 = tpu.memref_slice %arg2[%dma_wait3A_815, %dma_wait3A_816] : memref<320000x128xf32, #tpu.memory_space<hbm>> -> memref<320000x128xf32, #tpu.memory_space<hbm>>
      tpu.wait_indirect_dma semaphore(%arg24 : memref<!tpu.dma_semaphore, #tpu.memory_space<semaphore_mem>>) src(%dma_wait3A_817 : memref<320000x128xf32, #tpu.memory_space<hbm>>) dst(%dma_wait3A_812 : memref<48x128xf32, #tpu.memory_space<vmem>>)
      %add3A_818 = arith.constant 144 : i32
      %add3A_819 = arith.addi %multiple_of3A_713, %add3A_818 : i32
      %run_scoped3A_820 = arith.constant 1 : i32
      "tpu.region"() ({
        %run_scoped3A_1023 = tpu.sem_alloc : memref<!tpu.dma_semaphore, #tpu.memory_space<semaphore_mem>>
        %dma_start3A_1024 = arith.constant 0 : i32
        %dma_start3A_1025 = arith.constant 0 : i32
        %dma_start3A_1026 = tpu.memref_slice %arg20[%run_scoped3A_820, %dma_start3A_1024, %dma_start3A_1025] : memref<2x48x128xf32, #tpu.memory_space<vmem>> -> memref<1x48x128xf32, #tpu.memory_space<vmem>>
        %dma_start3A_1027 = tpu.memref_squeeze %dma_start3A_1026 : memref<1x48x128xf32, #tpu.memory_space<vmem>> -> memref<48x128xf32, #tpu.memory_space<vmem>>
        %dma_start3A_1028 = arith.constant 0 : i32
        %dma_start3A_1029 = tpu.memref_slice %arg6[%add3A_819, %dma_start3A_1028] : memref<10000x128xf32, #tpu.memory_space<hbm>> -> memref<48x128xf32, #tpu.memory_space<hbm>>
        %dma_start3A_1030 = arith.constant 0 : i32
        %dma_start3A_1031 = tpu.memref_slice %arg6[%add3A_819, %dma_start3A_1030] : memref<10000x128xf32, #tpu.memory_space<hbm>> -> memref<48x128xf32, #tpu.memory_space<hbm>>
        %dma_start3A_1032 = arith.constant 0 : i32
        %dma_start3A_1033 = arith.constant 0 : i32
        %dma_start3A_1034 = tpu.memref_slice %arg20[%run_scoped3A_820, %dma_start3A_1032, %dma_start3A_1033] : memref<2x48x128xf32, #tpu.memory_space<vmem>> -> memref<1x48x128xf32, #tpu.memory_space<vmem>>
        %dma_start3A_1035 = tpu.memref_squeeze %dma_start3A_1034 : memref<1x48x128xf32, #tpu.memory_space<vmem>> -> memref<48x128xf32, #tpu.memory_space<vmem>>
        tpu.enqueue_dma source(%dma_start3A_1035 : memref<48x128xf32, #tpu.memory_space<vmem>>) target(%dma_start3A_1031 : memref<48x128xf32, #tpu.memory_space<hbm>>) target_semaphore(%run_scoped3A_1023 : memref<!tpu.dma_semaphore, #tpu.memory_space<semaphore_mem>>)
        %dma_wait3A_1036 = arith.constant 0 : i32
        %dma_wait3A_1037 = arith.constant 0 : i32
        %dma_wait3A_1038 = tpu.memref_slice %arg20[%run_scoped3A_820, %dma_wait3A_1036, %dma_wait3A_1037] : memref<2x48x128xf32, #tpu.memory_space<vmem>> -> memref<1x48x128xf32, #tpu.memory_space<vmem>>
        %dma_wait3A_1039 = tpu.memref_squeeze %dma_wait3A_1038 : memref<1x48x128xf32, #tpu.memory_space<vmem>> -> memref<48x128xf32, #tpu.memory_space<vmem>>
        %dma_wait3A_1040 = arith.constant 0 : i32
        %dma_wait3A_1041 = tpu.memref_slice %arg6[%add3A_819, %dma_wait3A_1040] : memref<10000x128xf32, #tpu.memory_space<hbm>> -> memref<48x128xf32, #tpu.memory_space<hbm>>
        %dma_wait3A_1042 = arith.constant 0 : i32
        %dma_wait3A_1043 = tpu.memref_slice %arg6[%add3A_819, %dma_wait3A_1042] : memref<10000x128xf32, #tpu.memory_space<hbm>> -> memref<48x128xf32, #tpu.memory_space<hbm>>
        %dma_wait3A_1044 = arith.constant 0 : i32
        %dma_wait3A_1045 = arith.constant 0 : i32
        %dma_wait3A_1046 = tpu.memref_slice %arg20[%run_scoped3A_820, %dma_wait3A_1044, %dma_wait3A_1045] : memref<2x48x128xf32, #tpu.memory_space<vmem>> -> memref<1x48x128xf32, #tpu.memory_space<vmem>>
        %dma_wait3A_1047 = tpu.memref_squeeze %dma_wait3A_1046 : memref<1x48x128xf32, #tpu.memory_space<vmem>> -> memref<48x128xf32, #tpu.memory_space<vmem>>
        tpu.wait_dma2 semaphore(%run_scoped3A_1023 : memref<!tpu.dma_semaphore, #tpu.memory_space<semaphore_mem>>) src(%dma_wait3A_1047 : memref<48x128xf32, #tpu.memory_space<vmem>>) dst(%dma_wait3A_1043 : memref<48x128xf32, #tpu.memory_space<hbm>>)
        tpu.yield
      }) : () -> ()
      %dma_start3A_821 = arith.constant 1 : i32
      %dma_start3A_822 = arith.constant 0 : i32
      %dma_start3A_823 = arith.constant 0 : i32
      %dma_start3A_824 = tpu.memref_slice %arg20[%dma_start3A_821, %dma_start3A_822, %dma_start3A_823] : memref<2x48x128xf32, #tpu.memory_space<vmem>> -> memref<1x48x128xf32, #tpu.memory_space<vmem>>
      %dma_start3A_825 = tpu.memref_squeeze %dma_start3A_824 : memref<1x48x128xf32, #tpu.memory_space<vmem>> -> memref<48x128xf32, #tpu.memory_space<vmem>>
      %dma_start3A_826 = arith.constant 240 : i32
      %dma_start3A_827 = tpu.memref_slice %arg17[%dma_start3A_826] : memref<640xi32, #tpu.memory_space<vmem>> -> memref<48xi32, #tpu.memory_space<vmem>>
      %dma_start3A_828 = arith.constant 0 : i32
      %dma_start3A_829 = arith.constant 0 : i32
      %dma_start3A_830 = tpu.memref_slice %arg2[%dma_start3A_828, %dma_start3A_829] : memref<320000x128xf32, #tpu.memory_space<hbm>> -> memref<320000x128xf32, #tpu.memory_space<hbm>>
      tpu.enqueue_indirect_dma source(%dma_start3A_830 : memref<320000x128xf32, #tpu.memory_space<hbm>>) target(%dma_start3A_825 : memref<48x128xf32, #tpu.memory_space<vmem>>) offsets(%dma_start3A_827 : memref<48xi32, #tpu.memory_space<vmem>>) semaphore(%arg24 : memref<!tpu.dma_semaphore, #tpu.memory_space<semaphore_mem>>)
      %dma_wait3A_831 = arith.constant 0 : i32
      %dma_wait3A_832 = arith.constant 0 : i32
      %dma_wait3A_833 = arith.constant 0 : i32
      %dma_wait3A_834 = tpu.memref_slice %arg20[%dma_wait3A_831, %dma_wait3A_832, %dma_wait3A_833] : memref<2x48x128xf32, #tpu.memory_space<vmem>> -> memref<1x48x128xf32, #tpu.memory_space<vmem>>
      %dma_wait3A_835 = tpu.memref_squeeze %dma_wait3A_834 : memref<1x48x128xf32, #tpu.memory_space<vmem>> -> memref<48x128xf32, #tpu.memory_space<vmem>>
      %dma_wait3A_836 = arith.constant 192 : i32
      %dma_wait3A_837 = tpu.memref_slice %arg17[%dma_wait3A_836] : memref<640xi32, #tpu.memory_space<vmem>> -> memref<48xi32, #tpu.memory_space<vmem>>
      %dma_wait3A_838 = arith.constant 0 : i32
      %dma_wait3A_839 = arith.constant 0 : i32
      %dma_wait3A_840 = tpu.memref_slice %arg2[%dma_wait3A_838, %dma_wait3A_839] : memref<320000x128xf32, #tpu.memory_space<hbm>> -> memref<320000x128xf32, #tpu.memory_space<hbm>>
      tpu.wait_indirect_dma semaphore(%arg23 : memref<!tpu.dma_semaphore, #tpu.memory_space<semaphore_mem>>) src(%dma_wait3A_840 : memref<320000x128xf32, #tpu.memory_space<hbm>>) dst(%dma_wait3A_835 : memref<48x128xf32, #tpu.memory_space<vmem>>)
      %add3A_841 = arith.constant 192 : i32
      %add3A_842 = arith.addi %multiple_of3A_713, %add3A_841 : i32
      %run_scoped3A_843 = arith.constant 0 : i32
      "tpu.region"() ({
        %run_scoped3A_1023 = tpu.sem_alloc : memref<!tpu.dma_semaphore, #tpu.memory_space<semaphore_mem>>
        %dma_start3A_1024 = arith.constant 0 : i32
        %dma_start3A_1025 = arith.constant 0 : i32
        %dma_start3A_1026 = tpu.memref_slice %arg20[%run_scoped3A_843, %dma_start3A_1024, %dma_start3A_1025] : memref<2x48x128xf32, #tpu.memory_space<vmem>> -> memref<1x48x128xf32, #tpu.memory_space<vmem>>
        %dma_start3A_1027 = tpu.memref_squeeze %dma_start3A_1026 : memref<1x48x128xf32, #tpu.memory_space<vmem>> -> memref<48x128xf32, #tpu.memory_space<vmem>>
        %dma_start3A_1028 = arith.constant 0 : i32
        %dma_start3A_1029 = tpu.memref_slice %arg6[%add3A_842, %dma_start3A_1028] : memref<10000x128xf32, #tpu.memory_space<hbm>> -> memref<48x128xf32, #tpu.memory_space<hbm>>
        %dma_start3A_1030 = arith.constant 0 : i32
        %dma_start3A_1031 = tpu.memref_slice %arg6[%add3A_842, %dma_start3A_1030] : memref<10000x128xf32, #tpu.memory_space<hbm>> -> memref<48x128xf32, #tpu.memory_space<hbm>>
        %dma_start3A_1032 = arith.constant 0 : i32
        %dma_start3A_1033 = arith.constant 0 : i32
        %dma_start3A_1034 = tpu.memref_slice %arg20[%run_scoped3A_843, %dma_start3A_1032, %dma_start3A_1033] : memref<2x48x128xf32, #tpu.memory_space<vmem>> -> memref<1x48x128xf32, #tpu.memory_space<vmem>>
        %dma_start3A_1035 = tpu.memref_squeeze %dma_start3A_1034 : memref<1x48x128xf32, #tpu.memory_space<vmem>> -> memref<48x128xf32, #tpu.memory_space<vmem>>
        tpu.enqueue_dma source(%dma_start3A_1035 : memref<48x128xf32, #tpu.memory_space<vmem>>) target(%dma_start3A_1031 : memref<48x128xf32, #tpu.memory_space<hbm>>) target_semaphore(%run_scoped3A_1023 : memref<!tpu.dma_semaphore, #tpu.memory_space<semaphore_mem>>)
        %dma_wait3A_1036 = arith.constant 0 : i32
        %dma_wait3A_1037 = arith.constant 0 : i32
        %dma_wait3A_1038 = tpu.memref_slice %arg20[%run_scoped3A_843, %dma_wait3A_1036, %dma_wait3A_1037] : memref<2x48x128xf32, #tpu.memory_space<vmem>> -> memref<1x48x128xf32, #tpu.memory_space<vmem>>
        %dma_wait3A_1039 = tpu.memref_squeeze %dma_wait3A_1038 : memref<1x48x128xf32, #tpu.memory_space<vmem>> -> memref<48x128xf32, #tpu.memory_space<vmem>>
        %dma_wait3A_1040 = arith.constant 0 : i32
        %dma_wait3A_1041 = tpu.memref_slice %arg6[%add3A_842, %dma_wait3A_1040] : memref<10000x128xf32, #tpu.memory_space<hbm>> -> memref<48x128xf32, #tpu.memory_space<hbm>>
        %dma_wait3A_1042 = arith.constant 0 : i32
        %dma_wait3A_1043 = tpu.memref_slice %arg6[%add3A_842, %dma_wait3A_1042] : memref<10000x128xf32, #tpu.memory_space<hbm>> -> memref<48x128xf32, #tpu.memory_space<hbm>>
        %dma_wait3A_1044 = arith.constant 0 : i32
        %dma_wait3A_1045 = arith.constant 0 : i32
        %dma_wait3A_1046 = tpu.memref_slice %arg20[%run_scoped3A_843, %dma_wait3A_1044, %dma_wait3A_1045] : memref<2x48x128xf32, #tpu.memory_space<vmem>> -> memref<1x48x128xf32, #tpu.memory_space<vmem>>
        %dma_wait3A_1047 = tpu.memref_squeeze %dma_wait3A_1046 : memref<1x48x128xf32, #tpu.memory_space<vmem>> -> memref<48x128xf32, #tpu.memory_space<vmem>>
        tpu.wait_dma2 semaphore(%run_scoped3A_1023 : memref<!tpu.dma_semaphore, #tpu.memory_space<semaphore_mem>>) src(%dma_wait3A_1047 : memref<48x128xf32, #tpu.memory_space<vmem>>) dst(%dma_wait3A_1043 : memref<48x128xf32, #tpu.memory_space<hbm>>)
        tpu.yield
      }) : () -> ()
      %dma_start3A_844 = arith.constant 0 : i32
      %dma_start3A_845 = arith.constant 0 : i32
      %dma_start3A_846 = arith.constant 0 : i32
      %dma_start3A_847 = tpu.memref_slice %arg20[%dma_start3A_844, %dma_start3A_845, %dma_start3A_846] : memref<2x48x128xf32, #tpu.memory_space<vmem>> -> memref<1x48x128xf32, #tpu.memory_space<vmem>>
      %dma_start3A_848 = tpu.memref_squeeze %dma_start3A_847 : memref<1x48x128xf32, #tpu.memory_space<vmem>> -> memref<48x128xf32, #tpu.memory_space<vmem>>
      %dma_start3A_849 = arith.constant 288 : i32
      %dma_start3A_850 = tpu.memref_slice %arg17[%dma_start3A_849] : memref<640xi32, #tpu.memory_space<vmem>> -> memref<48xi32, #tpu.memory_space<vmem>>
      %dma_start3A_851 = arith.constant 0 : i32
      %dma_start3A_852 = arith.constant 0 : i32
      %dma_start3A_853 = tpu.memref_slice %arg2[%dma_start3A_851, %dma_start3A_852] : memref<320000x128xf32, #tpu.memory_space<hbm>> -> memref<320000x128xf32, #tpu.memory_space<hbm>>
      tpu.enqueue_indirect_dma source(%dma_start3A_853 : memref<320000x128xf32, #tpu.memory_space<hbm>>) target(%dma_start3A_848 : memref<48x128xf32, #tpu.memory_space<vmem>>) offsets(%dma_start3A_850 : memref<48xi32, #tpu.memory_space<vmem>>) semaphore(%arg23 : memref<!tpu.dma_semaphore, #tpu.memory_space<semaphore_mem>>)
      %dma_wait3A_854 = arith.constant 1 : i32
      %dma_wait3A_855 = arith.constant 0 : i32
      %dma_wait3A_856 = arith.constant 0 : i32
      %dma_wait3A_857 = tpu.memref_slice %arg20[%dma_wait3A_854, %dma_wait3A_855, %dma_wait3A_856] : memref<2x48x128xf32, #tpu.memory_space<vmem>> -> memref<1x48x128xf32, #tpu.memory_space<vmem>>
      %dma_wait3A_858 = tpu.memref_squeeze %dma_wait3A_857 : memref<1x48x128xf32, #tpu.memory_space<vmem>> -> memref<48x128xf32, #tpu.memory_space<vmem>>
      %dma_wait3A_859 = arith.constant 240 : i32
      %dma_wait3A_860 = tpu.memref_slice %arg17[%dma_wait3A_859] : memref<640xi32, #tpu.memory_space<vmem>> -> memref<48xi32, #tpu.memory_space<vmem>>
      %dma_wait3A_861 = arith.constant 0 : i32
      %dma_wait3A_862 = arith.constant 0 : i32
      %dma_wait3A_863 = tpu.memref_slice %arg2[%dma_wait3A_861, %dma_wait3A_862] : memref<320000x128xf32, #tpu.memory_space<hbm>> -> memref<320000x128xf32, #tpu.memory_space<hbm>>
      tpu.wait_indirect_dma semaphore(%arg24 : memref<!tpu.dma_semaphore, #tpu.memory_space<semaphore_mem>>) src(%dma_wait3A_863 : memref<320000x128xf32, #tpu.memory_space<hbm>>) dst(%dma_wait3A_858 : memref<48x128xf32, #tpu.memory_space<vmem>>)
      %add3A_864 = arith.constant 240 : i32
      %add3A_865 = arith.addi %multiple_of3A_713, %add3A_864 : i32
      %run_scoped3A_866 = arith.constant 1 : i32
      "tpu.region"() ({
        %run_scoped3A_1023 = tpu.sem_alloc : memref<!tpu.dma_semaphore, #tpu.memory_space<semaphore_mem>>
        %dma_start3A_1024 = arith.constant 0 : i32
        %dma_start3A_1025 = arith.constant 0 : i32
        %dma_start3A_1026 = tpu.memref_slice %arg20[%run_scoped3A_866, %dma_start3A_1024, %dma_start3A_1025] : memref<2x48x128xf32, #tpu.memory_space<vmem>> -> memref<1x48x128xf32, #tpu.memory_space<vmem>>
        %dma_start3A_1027 = tpu.memref_squeeze %dma_start3A_1026 : memref<1x48x128xf32, #tpu.memory_space<vmem>> -> memref<48x128xf32, #tpu.memory_space<vmem>>
        %dma_start3A_1028 = arith.constant 0 : i32
        %dma_start3A_1029 = tpu.memref_slice %arg6[%add3A_865, %dma_start3A_1028] : memref<10000x128xf32, #tpu.memory_space<hbm>> -> memref<48x128xf32, #tpu.memory_space<hbm>>
        %dma_start3A_1030 = arith.constant 0 : i32
        %dma_start3A_1031 = tpu.memref_slice %arg6[%add3A_865, %dma_start3A_1030] : memref<10000x128xf32, #tpu.memory_space<hbm>> -> memref<48x128xf32, #tpu.memory_space<hbm>>
        %dma_start3A_1032 = arith.constant 0 : i32
        %dma_start3A_1033 = arith.constant 0 : i32
        %dma_start3A_1034 = tpu.memref_slice %arg20[%run_scoped3A_866, %dma_start3A_1032, %dma_start3A_1033] : memref<2x48x128xf32, #tpu.memory_space<vmem>> -> memref<1x48x128xf32, #tpu.memory_space<vmem>>
        %dma_start3A_1035 = tpu.memref_squeeze %dma_start3A_1034 : memref<1x48x128xf32, #tpu.memory_space<vmem>> -> memref<48x128xf32, #tpu.memory_space<vmem>>
        tpu.enqueue_dma source(%dma_start3A_1035 : memref<48x128xf32, #tpu.memory_space<vmem>>) target(%dma_start3A_1031 : memref<48x128xf32, #tpu.memory_space<hbm>>) target_semaphore(%run_scoped3A_1023 : memref<!tpu.dma_semaphore, #tpu.memory_space<semaphore_mem>>)
        %dma_wait3A_1036 = arith.constant 0 : i32
        %dma_wait3A_1037 = arith.constant 0 : i32
        %dma_wait3A_1038 = tpu.memref_slice %arg20[%run_scoped3A_866, %dma_wait3A_1036, %dma_wait3A_1037] : memref<2x48x128xf32, #tpu.memory_space<vmem>> -> memref<1x48x128xf32, #tpu.memory_space<vmem>>
        %dma_wait3A_1039 = tpu.memref_squeeze %dma_wait3A_1038 : memref<1x48x128xf32, #tpu.memory_space<vmem>> -> memref<48x128xf32, #tpu.memory_space<vmem>>
        %dma_wait3A_1040 = arith.constant 0 : i32
        %dma_wait3A_1041 = tpu.memref_slice %arg6[%add3A_865, %dma_wait3A_1040] : memref<10000x128xf32, #tpu.memory_space<hbm>> -> memref<48x128xf32, #tpu.memory_space<hbm>>
        %dma_wait3A_1042 = arith.constant 0 : i32
        %dma_wait3A_1043 = tpu.memref_slice %arg6[%add3A_865, %dma_wait3A_1042] : memref<10000x128xf32, #tpu.memory_space<hbm>> -> memref<48x128xf32, #tpu.memory_space<hbm>>
        %dma_wait3A_1044 = arith.constant 0 : i32
        %dma_wait3A_1045 = arith.constant 0 : i32
        %dma_wait3A_1046 = tpu.memref_slice %arg20[%run_scoped3A_866, %dma_wait3A_1044, %dma_wait3A_1045] : memref<2x48x128xf32, #tpu.memory_space<vmem>> -> memref<1x48x128xf32, #tpu.memory_space<vmem>>
        %dma_wait3A_1047 = tpu.memref_squeeze %dma_wait3A_1046 : memref<1x48x128xf32, #tpu.memory_space<vmem>> -> memref<48x128xf32, #tpu.memory_space<vmem>>
        tpu.wait_dma2 semaphore(%run_scoped3A_1023 : memref<!tpu.dma_semaphore, #tpu.memory_space<semaphore_mem>>) src(%dma_wait3A_1047 : memref<48x128xf32, #tpu.memory_space<vmem>>) dst(%dma_wait3A_1043 : memref<48x128xf32, #tpu.memory_space<hbm>>)
        tpu.yield
      }) : () -> ()
      %dma_start3A_867 = arith.constant 1 : i32
      %dma_start3A_868 = arith.constant 0 : i32
      %dma_start3A_869 = arith.constant 0 : i32
      %dma_start3A_870 = tpu.memref_slice %arg20[%dma_start3A_867, %dma_start3A_868, %dma_start3A_869] : memref<2x48x128xf32, #tpu.memory_space<vmem>> -> memref<1x48x128xf32, #tpu.memory_space<vmem>>
      %dma_start3A_871 = tpu.memref_squeeze %dma_start3A_870 : memref<1x48x128xf32, #tpu.memory_space<vmem>> -> memref<48x128xf32, #tpu.memory_space<vmem>>
      %dma_start3A_872 = arith.constant 336 : i32
      %dma_start3A_873 = tpu.memref_slice %arg17[%dma_start3A_872] : memref<640xi32, #tpu.memory_space<vmem>> -> memref<48xi32, #tpu.memory_space<vmem>>
      %dma_start3A_874 = arith.constant 0 : i32
      %dma_start3A_875 = arith.constant 0 : i32
      %dma_start3A_876 = tpu.memref_slice %arg2[%dma_start3A_874, %dma_start3A_875] : memref<320000x128xf32, #tpu.memory_space<hbm>> -> memref<320000x128xf32, #tpu.memory_space<hbm>>
      tpu.enqueue_indirect_dma source(%dma_start3A_876 : memref<320000x128xf32, #tpu.memory_space<hbm>>) target(%dma_start3A_871 : memref<48x128xf32, #tpu.memory_space<vmem>>) offsets(%dma_start3A_873 : memref<48xi32, #tpu.memory_space<vmem>>) semaphore(%arg24 : memref<!tpu.dma_semaphore, #tpu.memory_space<semaphore_mem>>)
      %dma_wait3A_877 = arith.constant 0 : i32
      %dma_wait3A_878 = arith.constant 0 : i32
      %dma_wait3A_879 = arith.constant 0 : i32
      %dma_wait3A_880 = tpu.memref_slice %arg20[%dma_wait3A_877, %dma_wait3A_878, %dma_wait3A_879] : memref<2x48x128xf32, #tpu.memory_space<vmem>> -> memref<1x48x128xf32, #tpu.memory_space<vmem>>
      %dma_wait3A_881 = tpu.memref_squeeze %dma_wait3A_880 : memref<1x48x128xf32, #tpu.memory_space<vmem>> -> memref<48x128xf32, #tpu.memory_space<vmem>>
      %dma_wait3A_882 = arith.constant 288 : i32
      %dma_wait3A_883 = tpu.memref_slice %arg17[%dma_wait3A_882] : memref<640xi32, #tpu.memory_space<vmem>> -> memref<48xi32, #tpu.memory_space<vmem>>
      %dma_wait3A_884 = arith.constant 0 : i32
      %dma_wait3A_885 = arith.constant 0 : i32
      %dma_wait3A_886 = tpu.memref_slice %arg2[%dma_wait3A_884, %dma_wait3A_885] : memref<320000x128xf32, #tpu.memory_space<hbm>> -> memref<320000x128xf32, #tpu.memory_space<hbm>>
      tpu.wait_indirect_dma semaphore(%arg23 : memref<!tpu.dma_semaphore, #tpu.memory_space<semaphore_mem>>) src(%dma_wait3A_886 : memref<320000x128xf32, #tpu.memory_space<hbm>>) dst(%dma_wait3A_881 : memref<48x128xf32, #tpu.memory_space<vmem>>)
      %add3A_887 = arith.constant 288 : i32
      %add3A_888 = arith.addi %multiple_of3A_713, %add3A_887 : i32
      %run_scoped3A_889 = arith.constant 0 : i32
      "tpu.region"() ({
        %run_scoped3A_1023 = tpu.sem_alloc : memref<!tpu.dma_semaphore, #tpu.memory_space<semaphore_mem>>
        %dma_start3A_1024 = arith.constant 0 : i32
        %dma_start3A_1025 = arith.constant 0 : i32
        %dma_start3A_1026 = tpu.memref_slice %arg20[%run_scoped3A_889, %dma_start3A_1024, %dma_start3A_1025] : memref<2x48x128xf32, #tpu.memory_space<vmem>> -> memref<1x48x128xf32, #tpu.memory_space<vmem>>
        %dma_start3A_1027 = tpu.memref_squeeze %dma_start3A_1026 : memref<1x48x128xf32, #tpu.memory_space<vmem>> -> memref<48x128xf32, #tpu.memory_space<vmem>>
        %dma_start3A_1028 = arith.constant 0 : i32
        %dma_start3A_1029 = tpu.memref_slice %arg6[%add3A_888, %dma_start3A_1028] : memref<10000x128xf32, #tpu.memory_space<hbm>> -> memref<48x128xf32, #tpu.memory_space<hbm>>
        %dma_start3A_1030 = arith.constant 0 : i32
        %dma_start3A_1031 = tpu.memref_slice %arg6[%add3A_888, %dma_start3A_1030] : memref<10000x128xf32, #tpu.memory_space<hbm>> -> memref<48x128xf32, #tpu.memory_space<hbm>>
        %dma_start3A_1032 = arith.constant 0 : i32
        %dma_start3A_1033 = arith.constant 0 : i32
        %dma_start3A_1034 = tpu.memref_slice %arg20[%run_scoped3A_889, %dma_start3A_1032, %dma_start3A_1033] : memref<2x48x128xf32, #tpu.memory_space<vmem>> -> memref<1x48x128xf32, #tpu.memory_space<vmem>>
        %dma_start3A_1035 = tpu.memref_squeeze %dma_start3A_1034 : memref<1x48x128xf32, #tpu.memory_space<vmem>> -> memref<48x128xf32, #tpu.memory_space<vmem>>
        tpu.enqueue_dma source(%dma_start3A_1035 : memref<48x128xf32, #tpu.memory_space<vmem>>) target(%dma_start3A_1031 : memref<48x128xf32, #tpu.memory_space<hbm>>) target_semaphore(%run_scoped3A_1023 : memref<!tpu.dma_semaphore, #tpu.memory_space<semaphore_mem>>)
        %dma_wait3A_1036 = arith.constant 0 : i32
        %dma_wait3A_1037 = arith.constant 0 : i32
        %dma_wait3A_1038 = tpu.memref_slice %arg20[%run_scoped3A_889, %dma_wait3A_1036, %dma_wait3A_1037] : memref<2x48x128xf32, #tpu.memory_space<vmem>> -> memref<1x48x128xf32, #tpu.memory_space<vmem>>
        %dma_wait3A_1039 = tpu.memref_squeeze %dma_wait3A_1038 : memref<1x48x128xf32, #tpu.memory_space<vmem>> -> memref<48x128xf32, #tpu.memory_space<vmem>>
        %dma_wait3A_1040 = arith.constant 0 : i32
        %dma_wait3A_1041 = tpu.memref_slice %arg6[%add3A_888, %dma_wait3A_1040] : memref<10000x128xf32, #tpu.memory_space<hbm>> -> memref<48x128xf32, #tpu.memory_space<hbm>>
        %dma_wait3A_1042 = arith.constant 0 : i32
        %dma_wait3A_1043 = tpu.memref_slice %arg6[%add3A_888, %dma_wait3A_1042] : memref<10000x128xf32, #tpu.memory_space<hbm>> -> memref<48x128xf32, #tpu.memory_space<hbm>>
        %dma_wait3A_1044 = arith.constant 0 : i32
        %dma_wait3A_1045 = arith.constant 0 : i32
        %dma_wait3A_1046 = tpu.memref_slice %arg20[%run_scoped3A_889, %dma_wait3A_1044, %dma_wait3A_1045] : memref<2x48x128xf32, #tpu.memory_space<vmem>> -> memref<1x48x128xf32, #tpu.memory_space<vmem>>
        %dma_wait3A_1047 = tpu.memref_squeeze %dma_wait3A_1046 : memref<1x48x128xf32, #tpu.memory_space<vmem>> -> memref<48x128xf32, #tpu.memory_space<vmem>>
        tpu.wait_dma2 semaphore(%run_scoped3A_1023 : memref<!tpu.dma_semaphore, #tpu.memory_space<semaphore_mem>>) src(%dma_wait3A_1047 : memref<48x128xf32, #tpu.memory_space<vmem>>) dst(%dma_wait3A_1043 : memref<48x128xf32, #tpu.memory_space<hbm>>)
        tpu.yield
      }) : () -> ()
      %dma_start3A_890 = arith.constant 0 : i32
      %dma_start3A_891 = arith.constant 0 : i32
      %dma_start3A_892 = arith.constant 0 : i32
      %dma_start3A_893 = tpu.memref_slice %arg20[%dma_start3A_890, %dma_start3A_891, %dma_start3A_892] : memref<2x48x128xf32, #tpu.memory_space<vmem>> -> memref<1x48x128xf32, #tpu.memory_space<vmem>>
      %dma_start3A_894 = tpu.memref_squeeze %dma_start3A_893 : memref<1x48x128xf32, #tpu.memory_space<vmem>> -> memref<48x128xf32, #tpu.memory_space<vmem>>
      %dma_start3A_895 = arith.constant 384 : i32
      %dma_start3A_896 = tpu.memref_slice %arg17[%dma_start3A_895] : memref<640xi32, #tpu.memory_space<vmem>> -> memref<48xi32, #tpu.memory_space<vmem>>
      %dma_start3A_897 = arith.constant 0 : i32
      %dma_start3A_898 = arith.constant 0 : i32
      %dma_start3A_899 = tpu.memref_slice %arg2[%dma_start3A_897, %dma_start3A_898] : memref<320000x128xf32, #tpu.memory_space<hbm>> -> memref<320000x128xf32, #tpu.memory_space<hbm>>
      tpu.enqueue_indirect_dma source(%dma_start3A_899 : memref<320000x128xf32, #tpu.memory_space<hbm>>) target(%dma_start3A_894 : memref<48x128xf32, #tpu.memory_space<vmem>>) offsets(%dma_start3A_896 : memref<48xi32, #tpu.memory_space<vmem>>) semaphore(%arg23 : memref<!tpu.dma_semaphore, #tpu.memory_space<semaphore_mem>>)
      %dma_wait3A_900 = arith.constant 1 : i32
      %dma_wait3A_901 = arith.constant 0 : i32
      %dma_wait3A_902 = arith.constant 0 : i32
      %dma_wait3A_903 = tpu.memref_slice %arg20[%dma_wait3A_900, %dma_wait3A_901, %dma_wait3A_902] : memref<2x48x128xf32, #tpu.memory_space<vmem>> -> memref<1x48x128xf32, #tpu.memory_space<vmem>>
      %dma_wait3A_904 = tpu.memref_squeeze %dma_wait3A_903 : memref<1x48x128xf32, #tpu.memory_space<vmem>> -> memref<48x128xf32, #tpu.memory_space<vmem>>
      %dma_wait3A_905 = arith.constant 336 : i32
      %dma_wait3A_906 = tpu.memref_slice %arg17[%dma_wait3A_905] : memref<640xi32, #tpu.memory_space<vmem>> -> memref<48xi32, #tpu.memory_space<vmem>>
      %dma_wait3A_907 = arith.constant 0 : i32
      %dma_wait3A_908 = arith.constant 0 : i32
      %dma_wait3A_909 = tpu.memref_slice %arg2[%dma_wait3A_907, %dma_wait3A_908] : memref<320000x128xf32, #tpu.memory_space<hbm>> -> memref<320000x128xf32, #tpu.memory_space<hbm>>
      tpu.wait_indirect_dma semaphore(%arg24 : memref<!tpu.dma_semaphore, #tpu.memory_space<semaphore_mem>>) src(%dma_wait3A_909 : memref<320000x128xf32, #tpu.memory_space<hbm>>) dst(%dma_wait3A_904 : memref<48x128xf32, #tpu.memory_space<vmem>>)
      %add3A_910 = arith.constant 336 : i32
      %add3A_911 = arith.addi %multiple_of3A_713, %add3A_910 : i32
      %run_scoped3A_912 = arith.constant 1 : i32
      "tpu.region"() ({
        %run_scoped3A_1023 = tpu.sem_alloc : memref<!tpu.dma_semaphore, #tpu.memory_space<semaphore_mem>>
        %dma_start3A_1024 = arith.constant 0 : i32
        %dma_start3A_1025 = arith.constant 0 : i32
        %dma_start3A_1026 = tpu.memref_slice %arg20[%run_scoped3A_912, %dma_start3A_1024, %dma_start3A_1025] : memref<2x48x128xf32, #tpu.memory_space<vmem>> -> memref<1x48x128xf32, #tpu.memory_space<vmem>>
        %dma_start3A_1027 = tpu.memref_squeeze %dma_start3A_1026 : memref<1x48x128xf32, #tpu.memory_space<vmem>> -> memref<48x128xf32, #tpu.memory_space<vmem>>
        %dma_start3A_1028 = arith.constant 0 : i32
        %dma_start3A_1029 = tpu.memref_slice %arg6[%add3A_911, %dma_start3A_1028] : memref<10000x128xf32, #tpu.memory_space<hbm>> -> memref<48x128xf32, #tpu.memory_space<hbm>>
        %dma_start3A_1030 = arith.constant 0 : i32
        %dma_start3A_1031 = tpu.memref_slice %arg6[%add3A_911, %dma_start3A_1030] : memref<10000x128xf32, #tpu.memory_space<hbm>> -> memref<48x128xf32, #tpu.memory_space<hbm>>
        %dma_start3A_1032 = arith.constant 0 : i32
        %dma_start3A_1033 = arith.constant 0 : i32
        %dma_start3A_1034 = tpu.memref_slice %arg20[%run_scoped3A_912, %dma_start3A_1032, %dma_start3A_1033] : memref<2x48x128xf32, #tpu.memory_space<vmem>> -> memref<1x48x128xf32, #tpu.memory_space<vmem>>
        %dma_start3A_1035 = tpu.memref_squeeze %dma_start3A_1034 : memref<1x48x128xf32, #tpu.memory_space<vmem>> -> memref<48x128xf32, #tpu.memory_space<vmem>>
        tpu.enqueue_dma source(%dma_start3A_1035 : memref<48x128xf32, #tpu.memory_space<vmem>>) target(%dma_start3A_1031 : memref<48x128xf32, #tpu.memory_space<hbm>>) target_semaphore(%run_scoped3A_1023 : memref<!tpu.dma_semaphore, #tpu.memory_space<semaphore_mem>>)
        %dma_wait3A_1036 = arith.constant 0 : i32
        %dma_wait3A_1037 = arith.constant 0 : i32
        %dma_wait3A_1038 = tpu.memref_slice %arg20[%run_scoped3A_912, %dma_wait3A_1036, %dma_wait3A_1037] : memref<2x48x128xf32, #tpu.memory_space<vmem>> -> memref<1x48x128xf32, #tpu.memory_space<vmem>>
        %dma_wait3A_1039 = tpu.memref_squeeze %dma_wait3A_1038 : memref<1x48x128xf32, #tpu.memory_space<vmem>> -> memref<48x128xf32, #tpu.memory_space<vmem>>
        %dma_wait3A_1040 = arith.constant 0 : i32
        %dma_wait3A_1041 = tpu.memref_slice %arg6[%add3A_911, %dma_wait3A_1040] : memref<10000x128xf32, #tpu.memory_space<hbm>> -> memref<48x128xf32, #tpu.memory_space<hbm>>
        %dma_wait3A_1042 = arith.constant 0 : i32
        %dma_wait3A_1043 = tpu.memref_slice %arg6[%add3A_911, %dma_wait3A_1042] : memref<10000x128xf32, #tpu.memory_space<hbm>> -> memref<48x128xf32, #tpu.memory_space<hbm>>
        %dma_wait3A_1044 = arith.constant 0 : i32
        %dma_wait3A_1045 = arith.constant 0 : i32
        %dma_wait3A_1046 = tpu.memref_slice %arg20[%run_scoped3A_912, %dma_wait3A_1044, %dma_wait3A_1045] : memref<2x48x128xf32, #tpu.memory_space<vmem>> -> memref<1x48x128xf32, #tpu.memory_space<vmem>>
        %dma_wait3A_1047 = tpu.memref_squeeze %dma_wait3A_1046 : memref<1x48x128xf32, #tpu.memory_space<vmem>> -> memref<48x128xf32, #tpu.memory_space<vmem>>
        tpu.wait_dma2 semaphore(%run_scoped3A_1023 : memref<!tpu.dma_semaphore, #tpu.memory_space<semaphore_mem>>) src(%dma_wait3A_1047 : memref<48x128xf32, #tpu.memory_space<vmem>>) dst(%dma_wait3A_1043 : memref<48x128xf32, #tpu.memory_space<hbm>>)
        tpu.yield
      }) : () -> ()
      %dma_start3A_913 = arith.constant 1 : i32
      %dma_start3A_914 = arith.constant 0 : i32
      %dma_start3A_915 = arith.constant 0 : i32
      %dma_start3A_916 = tpu.memref_slice %arg20[%dma_start3A_913, %dma_start3A_914, %dma_start3A_915] : memref<2x48x128xf32, #tpu.memory_space<vmem>> -> memref<1x48x128xf32, #tpu.memory_space<vmem>>
      %dma_start3A_917 = tpu.memref_squeeze %dma_start3A_916 : memref<1x48x128xf32, #tpu.memory_space<vmem>> -> memref<48x128xf32, #tpu.memory_space<vmem>>
      %dma_start3A_918 = arith.constant 432 : i32
      %dma_start3A_919 = tpu.memref_slice %arg17[%dma_start3A_918] : memref<640xi32, #tpu.memory_space<vmem>> -> memref<48xi32, #tpu.memory_space<vmem>>
      %dma_start3A_920 = arith.constant 0 : i32
      %dma_start3A_921 = arith.constant 0 : i32
      %dma_start3A_922 = tpu.memref_slice %arg2[%dma_start3A_920, %dma_start3A_921] : memref<320000x128xf32, #tpu.memory_space<hbm>> -> memref<320000x128xf32, #tpu.memory_space<hbm>>
      tpu.enqueue_indirect_dma source(%dma_start3A_922 : memref<320000x128xf32, #tpu.memory_space<hbm>>) target(%dma_start3A_917 : memref<48x128xf32, #tpu.memory_space<vmem>>) offsets(%dma_start3A_919 : memref<48xi32, #tpu.memory_space<vmem>>) semaphore(%arg24 : memref<!tpu.dma_semaphore, #tpu.memory_space<semaphore_mem>>)
      %dma_wait3A_923 = arith.constant 0 : i32
      %dma_wait3A_924 = arith.constant 0 : i32
      %dma_wait3A_925 = arith.constant 0 : i32
      %dma_wait3A_926 = tpu.memref_slice %arg20[%dma_wait3A_923, %dma_wait3A_924, %dma_wait3A_925] : memref<2x48x128xf32, #tpu.memory_space<vmem>> -> memref<1x48x128xf32, #tpu.memory_space<vmem>>
      %dma_wait3A_927 = tpu.memref_squeeze %dma_wait3A_926 : memref<1x48x128xf32, #tpu.memory_space<vmem>> -> memref<48x128xf32, #tpu.memory_space<vmem>>
      %dma_wait3A_928 = arith.constant 384 : i32
      %dma_wait3A_929 = tpu.memref_slice %arg17[%dma_wait3A_928] : memref<640xi32, #tpu.memory_space<vmem>> -> memref<48xi32, #tpu.memory_space<vmem>>
      %dma_wait3A_930 = arith.constant 0 : i32
      %dma_wait3A_931 = arith.constant 0 : i32
      %dma_wait3A_932 = tpu.memref_slice %arg2[%dma_wait3A_930, %dma_wait3A_931] : memref<320000x128xf32, #tpu.memory_space<hbm>> -> memref<320000x128xf32, #tpu.memory_space<hbm>>
      tpu.wait_indirect_dma semaphore(%arg23 : memref<!tpu.dma_semaphore, #tpu.memory_space<semaphore_mem>>) src(%dma_wait3A_932 : memref<320000x128xf32, #tpu.memory_space<hbm>>) dst(%dma_wait3A_927 : memref<48x128xf32, #tpu.memory_space<vmem>>)
      %add3A_933 = arith.constant 384 : i32
      %add3A_934 = arith.addi %multiple_of3A_713, %add3A_933 : i32
      %run_scoped3A_935 = arith.constant 0 : i32
      "tpu.region"() ({
        %run_scoped3A_1023 = tpu.sem_alloc : memref<!tpu.dma_semaphore, #tpu.memory_space<semaphore_mem>>
        %dma_start3A_1024 = arith.constant 0 : i32
        %dma_start3A_1025 = arith.constant 0 : i32
        %dma_start3A_1026 = tpu.memref_slice %arg20[%run_scoped3A_935, %dma_start3A_1024, %dma_start3A_1025] : memref<2x48x128xf32, #tpu.memory_space<vmem>> -> memref<1x48x128xf32, #tpu.memory_space<vmem>>
        %dma_start3A_1027 = tpu.memref_squeeze %dma_start3A_1026 : memref<1x48x128xf32, #tpu.memory_space<vmem>> -> memref<48x128xf32, #tpu.memory_space<vmem>>
        %dma_start3A_1028 = arith.constant 0 : i32
        %dma_start3A_1029 = tpu.memref_slice %arg6[%add3A_934, %dma_start3A_1028] : memref<10000x128xf32, #tpu.memory_space<hbm>> -> memref<48x128xf32, #tpu.memory_space<hbm>>
        %dma_start3A_1030 = arith.constant 0 : i32
        %dma_start3A_1031 = tpu.memref_slice %arg6[%add3A_934, %dma_start3A_1030] : memref<10000x128xf32, #tpu.memory_space<hbm>> -> memref<48x128xf32, #tpu.memory_space<hbm>>
        %dma_start3A_1032 = arith.constant 0 : i32
        %dma_start3A_1033 = arith.constant 0 : i32
        %dma_start3A_1034 = tpu.memref_slice %arg20[%run_scoped3A_935, %dma_start3A_1032, %dma_start3A_1033] : memref<2x48x128xf32, #tpu.memory_space<vmem>> -> memref<1x48x128xf32, #tpu.memory_space<vmem>>
        %dma_start3A_1035 = tpu.memref_squeeze %dma_start3A_1034 : memref<1x48x128xf32, #tpu.memory_space<vmem>> -> memref<48x128xf32, #tpu.memory_space<vmem>>
        tpu.enqueue_dma source(%dma_start3A_1035 : memref<48x128xf32, #tpu.memory_space<vmem>>) target(%dma_start3A_1031 : memref<48x128xf32, #tpu.memory_space<hbm>>) target_semaphore(%run_scoped3A_1023 : memref<!tpu.dma_semaphore, #tpu.memory_space<semaphore_mem>>)
        %dma_wait3A_1036 = arith.constant 0 : i32
        %dma_wait3A_1037 = arith.constant 0 : i32
        %dma_wait3A_1038 = tpu.memref_slice %arg20[%run_scoped3A_935, %dma_wait3A_1036, %dma_wait3A_1037] : memref<2x48x128xf32, #tpu.memory_space<vmem>> -> memref<1x48x128xf32, #tpu.memory_space<vmem>>
        %dma_wait3A_1039 = tpu.memref_squeeze %dma_wait3A_1038 : memref<1x48x128xf32, #tpu.memory_space<vmem>> -> memref<48x128xf32, #tpu.memory_space<vmem>>
        %dma_wait3A_1040 = arith.constant 0 : i32
        %dma_wait3A_1041 = tpu.memref_slice %arg6[%add3A_934, %dma_wait3A_1040] : memref<10000x128xf32, #tpu.memory_space<hbm>> -> memref<48x128xf32, #tpu.memory_space<hbm>>
        %dma_wait3A_1042 = arith.constant 0 : i32
        %dma_wait3A_1043 = tpu.memref_slice %arg6[%add3A_934, %dma_wait3A_1042] : memref<10000x128xf32, #tpu.memory_space<hbm>> -> memref<48x128xf32, #tpu.memory_space<hbm>>
        %dma_wait3A_1044 = arith.constant 0 : i32
        %dma_wait3A_1045 = arith.constant 0 : i32
        %dma_wait3A_1046 = tpu.memref_slice %arg20[%run_scoped3A_935, %dma_wait3A_1044, %dma_wait3A_1045] : memref<2x48x128xf32, #tpu.memory_space<vmem>> -> memref<1x48x128xf32, #tpu.memory_space<vmem>>
        %dma_wait3A_1047 = tpu.memref_squeeze %dma_wait3A_1046 : memref<1x48x128xf32, #tpu.memory_space<vmem>> -> memref<48x128xf32, #tpu.memory_space<vmem>>
        tpu.wait_dma2 semaphore(%run_scoped3A_1023 : memref<!tpu.dma_semaphore, #tpu.memory_space<semaphore_mem>>) src(%dma_wait3A_1047 : memref<48x128xf32, #tpu.memory_space<vmem>>) dst(%dma_wait3A_1043 : memref<48x128xf32, #tpu.memory_space<hbm>>)
        tpu.yield
      }) : () -> ()
      %dma_start3A_936 = arith.constant 0 : i32
      %dma_start3A_937 = arith.constant 0 : i32
      %dma_start3A_938 = arith.constant 0 : i32
      %dma_start3A_939 = tpu.memref_slice %arg20[%dma_start3A_936, %dma_start3A_937, %dma_start3A_938] : memref<2x48x128xf32, #tpu.memory_space<vmem>> -> memref<1x48x128xf32, #tpu.memory_space<vmem>>
      %dma_start3A_940 = tpu.memref_squeeze %dma_start3A_939 : memref<1x48x128xf32, #tpu.memory_space<vmem>> -> memref<48x128xf32, #tpu.memory_space<vmem>>
      %dma_start3A_941 = arith.constant 480 : i32
      %dma_start3A_942 = tpu.memref_slice %arg17[%dma_start3A_941] : memref<640xi32, #tpu.memory_space<vmem>> -> memref<48xi32, #tpu.memory_space<vmem>>
      %dma_start3A_943 = arith.constant 0 : i32
      %dma_start3A_944 = arith.constant 0 : i32
      %dma_start3A_945 = tpu.memref_slice %arg2[%dma_start3A_943, %dma_start3A_944] : memref<320000x128xf32, #tpu.memory_space<hbm>> -> memref<320000x128xf32, #tpu.memory_space<hbm>>
      tpu.enqueue_indirect_dma source(%dma_start3A_945 : memref<320000x128xf32, #tpu.memory_space<hbm>>) target(%dma_start3A_940 : memref<48x128xf32, #tpu.memory_space<vmem>>) offsets(%dma_start3A_942 : memref<48xi32, #tpu.memory_space<vmem>>) semaphore(%arg23 : memref<!tpu.dma_semaphore, #tpu.memory_space<semaphore_mem>>)
      %dma_wait3A_946 = arith.constant 1 : i32
      %dma_wait3A_947 = arith.constant 0 : i32
      %dma_wait3A_948 = arith.constant 0 : i32
      %dma_wait3A_949 = tpu.memref_slice %arg20[%dma_wait3A_946, %dma_wait3A_947, %dma_wait3A_948] : memref<2x48x128xf32, #tpu.memory_space<vmem>> -> memref<1x48x128xf32, #tpu.memory_space<vmem>>
      %dma_wait3A_950 = tpu.memref_squeeze %dma_wait3A_949 : memref<1x48x128xf32, #tpu.memory_space<vmem>> -> memref<48x128xf32, #tpu.memory_space<vmem>>
      %dma_wait3A_951 = arith.constant 432 : i32
      %dma_wait3A_952 = tpu.memref_slice %arg17[%dma_wait3A_951] : memref<640xi32, #tpu.memory_space<vmem>> -> memref<48xi32, #tpu.memory_space<vmem>>
      %dma_wait3A_953 = arith.constant 0 : i32
      %dma_wait3A_954 = arith.constant 0 : i32
      %dma_wait3A_955 = tpu.memref_slice %arg2[%dma_wait3A_953, %dma_wait3A_954] : memref<320000x128xf32, #tpu.memory_space<hbm>> -> memref<320000x128xf32, #tpu.memory_space<hbm>>
      tpu.wait_indirect_dma semaphore(%arg24 : memref<!tpu.dma_semaphore, #tpu.memory_space<semaphore_mem>>) src(%dma_wait3A_955 : memref<320000x128xf32, #tpu.memory_space<hbm>>) dst(%dma_wait3A_950 : memref<48x128xf32, #tpu.memory_space<vmem>>)
      %add3A_956 = arith.constant 432 : i32
      %add3A_957 = arith.addi %multiple_of3A_713, %add3A_956 : i32
      %run_scoped3A_958 = arith.constant 1 : i32
      "tpu.region"() ({
        %run_scoped3A_1023 = tpu.sem_alloc : memref<!tpu.dma_semaphore, #tpu.memory_space<semaphore_mem>>
        %dma_start3A_1024 = arith.constant 0 : i32
        %dma_start3A_1025 = arith.constant 0 : i32
        %dma_start3A_1026 = tpu.memref_slice %arg20[%run_scoped3A_958, %dma_start3A_1024, %dma_start3A_1025] : memref<2x48x128xf32, #tpu.memory_space<vmem>> -> memref<1x48x128xf32, #tpu.memory_space<vmem>>
        %dma_start3A_1027 = tpu.memref_squeeze %dma_start3A_1026 : memref<1x48x128xf32, #tpu.memory_space<vmem>> -> memref<48x128xf32, #tpu.memory_space<vmem>>
        %dma_start3A_1028 = arith.constant 0 : i32
        %dma_start3A_1029 = tpu.memref_slice %arg6[%add3A_957, %dma_start3A_1028] : memref<10000x128xf32, #tpu.memory_space<hbm>> -> memref<48x128xf32, #tpu.memory_space<hbm>>
        %dma_start3A_1030 = arith.constant 0 : i32
        %dma_start3A_1031 = tpu.memref_slice %arg6[%add3A_957, %dma_start3A_1030] : memref<10000x128xf32, #tpu.memory_space<hbm>> -> memref<48x128xf32, #tpu.memory_space<hbm>>
        %dma_start3A_1032 = arith.constant 0 : i32
        %dma_start3A_1033 = arith.constant 0 : i32
        %dma_start3A_1034 = tpu.memref_slice %arg20[%run_scoped3A_958, %dma_start3A_1032, %dma_start3A_1033] : memref<2x48x128xf32, #tpu.memory_space<vmem>> -> memref<1x48x128xf32, #tpu.memory_space<vmem>>
        %dma_start3A_1035 = tpu.memref_squeeze %dma_start3A_1034 : memref<1x48x128xf32, #tpu.memory_space<vmem>> -> memref<48x128xf32, #tpu.memory_space<vmem>>
        tpu.enqueue_dma source(%dma_start3A_1035 : memref<48x128xf32, #tpu.memory_space<vmem>>) target(%dma_start3A_1031 : memref<48x128xf32, #tpu.memory_space<hbm>>) target_semaphore(%run_scoped3A_1023 : memref<!tpu.dma_semaphore, #tpu.memory_space<semaphore_mem>>)
        %dma_wait3A_1036 = arith.constant 0 : i32
        %dma_wait3A_1037 = arith.constant 0 : i32
        %dma_wait3A_1038 = tpu.memref_slice %arg20[%run_scoped3A_958, %dma_wait3A_1036, %dma_wait3A_1037] : memref<2x48x128xf32, #tpu.memory_space<vmem>> -> memref<1x48x128xf32, #tpu.memory_space<vmem>>
        %dma_wait3A_1039 = tpu.memref_squeeze %dma_wait3A_1038 : memref<1x48x128xf32, #tpu.memory_space<vmem>> -> memref<48x128xf32, #tpu.memory_space<vmem>>
        %dma_wait3A_1040 = arith.constant 0 : i32
        %dma_wait3A_1041 = tpu.memref_slice %arg6[%add3A_957, %dma_wait3A_1040] : memref<10000x128xf32, #tpu.memory_space<hbm>> -> memref<48x128xf32, #tpu.memory_space<hbm>>
        %dma_wait3A_1042 = arith.constant 0 : i32
        %dma_wait3A_1043 = tpu.memref_slice %arg6[%add3A_957, %dma_wait3A_1042] : memref<10000x128xf32, #tpu.memory_space<hbm>> -> memref<48x128xf32, #tpu.memory_space<hbm>>
        %dma_wait3A_1044 = arith.constant 0 : i32
        %dma_wait3A_1045 = arith.constant 0 : i32
        %dma_wait3A_1046 = tpu.memref_slice %arg20[%run_scoped3A_958, %dma_wait3A_1044, %dma_wait3A_1045] : memref<2x48x128xf32, #tpu.memory_space<vmem>> -> memref<1x48x128xf32, #tpu.memory_space<vmem>>
        %dma_wait3A_1047 = tpu.memref_squeeze %dma_wait3A_1046 : memref<1x48x128xf32, #tpu.memory_space<vmem>> -> memref<48x128xf32, #tpu.memory_space<vmem>>
        tpu.wait_dma2 semaphore(%run_scoped3A_1023 : memref<!tpu.dma_semaphore, #tpu.memory_space<semaphore_mem>>) src(%dma_wait3A_1047 : memref<48x128xf32, #tpu.memory_space<vmem>>) dst(%dma_wait3A_1043 : memref<48x128xf32, #tpu.memory_space<hbm>>)
        tpu.yield
      }) : () -> ()
      %dma_start3A_959 = arith.constant 1 : i32
      %dma_start3A_960 = arith.constant 0 : i32
      %dma_start3A_961 = arith.constant 0 : i32
      %dma_start3A_962 = tpu.memref_slice %arg20[%dma_start3A_959, %dma_start3A_960, %dma_start3A_961] : memref<2x48x128xf32, #tpu.memory_space<vmem>> -> memref<1x48x128xf32, #tpu.memory_space<vmem>>
      %dma_start3A_963 = tpu.memref_squeeze %dma_start3A_962 : memref<1x48x128xf32, #tpu.memory_space<vmem>> -> memref<48x128xf32, #tpu.memory_space<vmem>>
      %dma_start3A_964 = arith.constant 528 : i32
      %dma_start3A_965 = tpu.memref_slice %arg17[%dma_start3A_964] : memref<640xi32, #tpu.memory_space<vmem>> -> memref<48xi32, #tpu.memory_space<vmem>>
      %dma_start3A_966 = arith.constant 0 : i32
      %dma_start3A_967 = arith.constant 0 : i32
      %dma_start3A_968 = tpu.memref_slice %arg2[%dma_start3A_966, %dma_start3A_967] : memref<320000x128xf32, #tpu.memory_space<hbm>> -> memref<320000x128xf32, #tpu.memory_space<hbm>>
      tpu.enqueue_indirect_dma source(%dma_start3A_968 : memref<320000x128xf32, #tpu.memory_space<hbm>>) target(%dma_start3A_963 : memref<48x128xf32, #tpu.memory_space<vmem>>) offsets(%dma_start3A_965 : memref<48xi32, #tpu.memory_space<vmem>>) semaphore(%arg24 : memref<!tpu.dma_semaphore, #tpu.memory_space<semaphore_mem>>)
      %dma_wait3A_969 = arith.constant 0 : i32
      %dma_wait3A_970 = arith.constant 0 : i32
      %dma_wait3A_971 = arith.constant 0 : i32
      %dma_wait3A_972 = tpu.memref_slice %arg20[%dma_wait3A_969, %dma_wait3A_970, %dma_wait3A_971] : memref<2x48x128xf32, #tpu.memory_space<vmem>> -> memref<1x48x128xf32, #tpu.memory_space<vmem>>
      %dma_wait3A_973 = tpu.memref_squeeze %dma_wait3A_972 : memref<1x48x128xf32, #tpu.memory_space<vmem>> -> memref<48x128xf32, #tpu.memory_space<vmem>>
      %dma_wait3A_974 = arith.constant 480 : i32
      %dma_wait3A_975 = tpu.memref_slice %arg17[%dma_wait3A_974] : memref<640xi32, #tpu.memory_space<vmem>> -> memref<48xi32, #tpu.memory_space<vmem>>
      %dma_wait3A_976 = arith.constant 0 : i32
      %dma_wait3A_977 = arith.constant 0 : i32
      %dma_wait3A_978 = tpu.memref_slice %arg2[%dma_wait3A_976, %dma_wait3A_977] : memref<320000x128xf32, #tpu.memory_space<hbm>> -> memref<320000x128xf32, #tpu.memory_space<hbm>>
      tpu.wait_indirect_dma semaphore(%arg23 : memref<!tpu.dma_semaphore, #tpu.memory_space<semaphore_mem>>) src(%dma_wait3A_978 : memref<320000x128xf32, #tpu.memory_space<hbm>>) dst(%dma_wait3A_973 : memref<48x128xf32, #tpu.memory_space<vmem>>)
      %add3A_979 = arith.constant 480 : i32
      %add3A_980 = arith.addi %multiple_of3A_713, %add3A_979 : i32
      %run_scoped3A_981 = arith.constant 0 : i32
      "tpu.region"() ({
        %run_scoped3A_1023 = tpu.sem_alloc : memref<!tpu.dma_semaphore, #tpu.memory_space<semaphore_mem>>
        %dma_start3A_1024 = arith.constant 0 : i32
        %dma_start3A_1025 = arith.constant 0 : i32
        %dma_start3A_1026 = tpu.memref_slice %arg20[%run_scoped3A_981, %dma_start3A_1024, %dma_start3A_1025] : memref<2x48x128xf32, #tpu.memory_space<vmem>> -> memref<1x48x128xf32, #tpu.memory_space<vmem>>
        %dma_start3A_1027 = tpu.memref_squeeze %dma_start3A_1026 : memref<1x48x128xf32, #tpu.memory_space<vmem>> -> memref<48x128xf32, #tpu.memory_space<vmem>>
        %dma_start3A_1028 = arith.constant 0 : i32
        %dma_start3A_1029 = tpu.memref_slice %arg6[%add3A_980, %dma_start3A_1028] : memref<10000x128xf32, #tpu.memory_space<hbm>> -> memref<48x128xf32, #tpu.memory_space<hbm>>
        %dma_start3A_1030 = arith.constant 0 : i32
        %dma_start3A_1031 = tpu.memref_slice %arg6[%add3A_980, %dma_start3A_1030] : memref<10000x128xf32, #tpu.memory_space<hbm>> -> memref<48x128xf32, #tpu.memory_space<hbm>>
        %dma_start3A_1032 = arith.constant 0 : i32
        %dma_start3A_1033 = arith.constant 0 : i32
        %dma_start3A_1034 = tpu.memref_slice %arg20[%run_scoped3A_981, %dma_start3A_1032, %dma_start3A_1033] : memref<2x48x128xf32, #tpu.memory_space<vmem>> -> memref<1x48x128xf32, #tpu.memory_space<vmem>>
        %dma_start3A_1035 = tpu.memref_squeeze %dma_start3A_1034 : memref<1x48x128xf32, #tpu.memory_space<vmem>> -> memref<48x128xf32, #tpu.memory_space<vmem>>
        tpu.enqueue_dma source(%dma_start3A_1035 : memref<48x128xf32, #tpu.memory_space<vmem>>) target(%dma_start3A_1031 : memref<48x128xf32, #tpu.memory_space<hbm>>) target_semaphore(%run_scoped3A_1023 : memref<!tpu.dma_semaphore, #tpu.memory_space<semaphore_mem>>)
        %dma_wait3A_1036 = arith.constant 0 : i32
        %dma_wait3A_1037 = arith.constant 0 : i32
        %dma_wait3A_1038 = tpu.memref_slice %arg20[%run_scoped3A_981, %dma_wait3A_1036, %dma_wait3A_1037] : memref<2x48x128xf32, #tpu.memory_space<vmem>> -> memref<1x48x128xf32, #tpu.memory_space<vmem>>
        %dma_wait3A_1039 = tpu.memref_squeeze %dma_wait3A_1038 : memref<1x48x128xf32, #tpu.memory_space<vmem>> -> memref<48x128xf32, #tpu.memory_space<vmem>>
        %dma_wait3A_1040 = arith.constant 0 : i32
        %dma_wait3A_1041 = tpu.memref_slice %arg6[%add3A_980, %dma_wait3A_1040] : memref<10000x128xf32, #tpu.memory_space<hbm>> -> memref<48x128xf32, #tpu.memory_space<hbm>>
        %dma_wait3A_1042 = arith.constant 0 : i32
        %dma_wait3A_1043 = tpu.memref_slice %arg6[%add3A_980, %dma_wait3A_1042] : memref<10000x128xf32, #tpu.memory_space<hbm>> -> memref<48x128xf32, #tpu.memory_space<hbm>>
        %dma_wait3A_1044 = arith.constant 0 : i32
        %dma_wait3A_1045 = arith.constant 0 : i32
        %dma_wait3A_1046 = tpu.memref_slice %arg20[%run_scoped3A_981, %dma_wait3A_1044, %dma_wait3A_1045] : memref<2x48x128xf32, #tpu.memory_space<vmem>> -> memref<1x48x128xf32, #tpu.memory_space<vmem>>
        %dma_wait3A_1047 = tpu.memref_squeeze %dma_wait3A_1046 : memref<1x48x128xf32, #tpu.memory_space<vmem>> -> memref<48x128xf32, #tpu.memory_space<vmem>>
        tpu.wait_dma2 semaphore(%run_scoped3A_1023 : memref<!tpu.dma_semaphore, #tpu.memory_space<semaphore_mem>>) src(%dma_wait3A_1047 : memref<48x128xf32, #tpu.memory_space<vmem>>) dst(%dma_wait3A_1043 : memref<48x128xf32, #tpu.memory_space<hbm>>)
        tpu.yield
      }) : () -> ()
      %dma_start3A_982 = arith.constant 0 : i32
      %dma_start3A_983 = arith.constant 0 : i32
      %dma_start3A_984 = arith.constant 0 : i32
      %dma_start3A_985 = tpu.memref_slice %arg20[%dma_start3A_982, %dma_start3A_983, %dma_start3A_984] : memref<2x48x128xf32, #tpu.memory_space<vmem>> -> memref<1x48x128xf32, #tpu.memory_space<vmem>>
      %dma_start3A_986 = tpu.memref_squeeze %dma_start3A_985 : memref<1x48x128xf32, #tpu.memory_space<vmem>> -> memref<48x128xf32, #tpu.memory_space<vmem>>
      %dma_start3A_987 = arith.constant 576 : i32
      %dma_start3A_988 = tpu.memref_slice %arg17[%dma_start3A_987] : memref<640xi32, #tpu.memory_space<vmem>> -> memref<48xi32, #tpu.memory_space<vmem>>
      %dma_start3A_989 = arith.constant 0 : i32
      %dma_start3A_990 = arith.constant 0 : i32
      %dma_start3A_991 = tpu.memref_slice %arg2[%dma_start3A_989, %dma_start3A_990] : memref<320000x128xf32, #tpu.memory_space<hbm>> -> memref<320000x128xf32, #tpu.memory_space<hbm>>
      tpu.enqueue_indirect_dma source(%dma_start3A_991 : memref<320000x128xf32, #tpu.memory_space<hbm>>) target(%dma_start3A_986 : memref<48x128xf32, #tpu.memory_space<vmem>>) offsets(%dma_start3A_988 : memref<48xi32, #tpu.memory_space<vmem>>) semaphore(%arg23 : memref<!tpu.dma_semaphore, #tpu.memory_space<semaphore_mem>>)
      %dma_wait3A_992 = arith.constant 1 : i32
      %dma_wait3A_993 = arith.constant 0 : i32
      %dma_wait3A_994 = arith.constant 0 : i32
      %dma_wait3A_995 = tpu.memref_slice %arg20[%dma_wait3A_992, %dma_wait3A_993, %dma_wait3A_994] : memref<2x48x128xf32, #tpu.memory_space<vmem>> -> memref<1x48x128xf32, #tpu.memory_space<vmem>>
      %dma_wait3A_996 = tpu.memref_squeeze %dma_wait3A_995 : memref<1x48x128xf32, #tpu.memory_space<vmem>> -> memref<48x128xf32, #tpu.memory_space<vmem>>
      %dma_wait3A_997 = arith.constant 528 : i32
      %dma_wait3A_998 = tpu.memref_slice %arg17[%dma_wait3A_997] : memref<640xi32, #tpu.memory_space<vmem>> -> memref<48xi32, #tpu.memory_space<vmem>>
      %dma_wait3A_999 = arith.constant 0 : i32
      %dma_wait3A_1000 = arith.constant 0 : i32
      %dma_wait3A_1001 = tpu.memref_slice %arg2[%dma_wait3A_999, %dma_wait3A_1000] : memref<320000x128xf32, #tpu.memory_space<hbm>> -> memref<320000x128xf32, #tpu.memory_space<hbm>>
      tpu.wait_indirect_dma semaphore(%arg24 : memref<!tpu.dma_semaphore, #tpu.memory_space<semaphore_mem>>) src(%dma_wait3A_1001 : memref<320000x128xf32, #tpu.memory_space<hbm>>) dst(%dma_wait3A_996 : memref<48x128xf32, #tpu.memory_space<vmem>>)
      %add3A_1002 = arith.constant 528 : i32
      %add3A_1003 = arith.addi %multiple_of3A_713, %add3A_1002 : i32
      %run_scoped3A_1004 = arith.constant 1 : i32
      "tpu.region"() ({
        %run_scoped3A_1023 = tpu.sem_alloc : memref<!tpu.dma_semaphore, #tpu.memory_space<semaphore_mem>>
        %dma_start3A_1024 = arith.constant 0 : i32
        %dma_start3A_1025 = arith.constant 0 : i32
        %dma_start3A_1026 = tpu.memref_slice %arg20[%run_scoped3A_1004, %dma_start3A_1024, %dma_start3A_1025] : memref<2x48x128xf32, #tpu.memory_space<vmem>> -> memref<1x48x128xf32, #tpu.memory_space<vmem>>
        %dma_start3A_1027 = tpu.memref_squeeze %dma_start3A_1026 : memref<1x48x128xf32, #tpu.memory_space<vmem>> -> memref<48x128xf32, #tpu.memory_space<vmem>>
        %dma_start3A_1028 = arith.constant 0 : i32
        %dma_start3A_1029 = tpu.memref_slice %arg6[%add3A_1003, %dma_start3A_1028] : memref<10000x128xf32, #tpu.memory_space<hbm>> -> memref<48x128xf32, #tpu.memory_space<hbm>>
        %dma_start3A_1030 = arith.constant 0 : i32
        %dma_start3A_1031 = tpu.memref_slice %arg6[%add3A_1003, %dma_start3A_1030] : memref<10000x128xf32, #tpu.memory_space<hbm>> -> memref<48x128xf32, #tpu.memory_space<hbm>>
        %dma_start3A_1032 = arith.constant 0 : i32
        %dma_start3A_1033 = arith.constant 0 : i32
        %dma_start3A_1034 = tpu.memref_slice %arg20[%run_scoped3A_1004, %dma_start3A_1032, %dma_start3A_1033] : memref<2x48x128xf32, #tpu.memory_space<vmem>> -> memref<1x48x128xf32, #tpu.memory_space<vmem>>
        %dma_start3A_1035 = tpu.memref_squeeze %dma_start3A_1034 : memref<1x48x128xf32, #tpu.memory_space<vmem>> -> memref<48x128xf32, #tpu.memory_space<vmem>>
        tpu.enqueue_dma source(%dma_start3A_1035 : memref<48x128xf32, #tpu.memory_space<vmem>>) target(%dma_start3A_1031 : memref<48x128xf32, #tpu.memory_space<hbm>>) target_semaphore(%run_scoped3A_1023 : memref<!tpu.dma_semaphore, #tpu.memory_space<semaphore_mem>>)
        %dma_wait3A_1036 = arith.constant 0 : i32
        %dma_wait3A_1037 = arith.constant 0 : i32
        %dma_wait3A_1038 = tpu.memref_slice %arg20[%run_scoped3A_1004, %dma_wait3A_1036, %dma_wait3A_1037] : memref<2x48x128xf32, #tpu.memory_space<vmem>> -> memref<1x48x128xf32, #tpu.memory_space<vmem>>
        %dma_wait3A_1039 = tpu.memref_squeeze %dma_wait3A_1038 : memref<1x48x128xf32, #tpu.memory_space<vmem>> -> memref<48x128xf32, #tpu.memory_space<vmem>>
        %dma_wait3A_1040 = arith.constant 0 : i32
        %dma_wait3A_1041 = tpu.memref_slice %arg6[%add3A_1003, %dma_wait3A_1040] : memref<10000x128xf32, #tpu.memory_space<hbm>> -> memref<48x128xf32, #tpu.memory_space<hbm>>
        %dma_wait3A_1042 = arith.constant 0 : i32
        %dma_wait3A_1043 = tpu.memref_slice %arg6[%add3A_1003, %dma_wait3A_1042] : memref<10000x128xf32, #tpu.memory_space<hbm>> -> memref<48x128xf32, #tpu.memory_space<hbm>>
        %dma_wait3A_1044 = arith.constant 0 : i32
        %dma_wait3A_1045 = arith.constant 0 : i32
        %dma_wait3A_1046 = tpu.memref_slice %arg20[%run_scoped3A_1004, %dma_wait3A_1044, %dma_wait3A_1045] : memref<2x48x128xf32, #tpu.memory_space<vmem>> -> memref<1x48x128xf32, #tpu.memory_space<vmem>>
        %dma_wait3A_1047 = tpu.memref_squeeze %dma_wait3A_1046 : memref<1x48x128xf32, #tpu.memory_space<vmem>> -> memref<48x128xf32, #tpu.memory_space<vmem>>
        tpu.wait_dma2 semaphore(%run_scoped3A_1023 : memref<!tpu.dma_semaphore, #tpu.memory_space<semaphore_mem>>) src(%dma_wait3A_1047 : memref<48x128xf32, #tpu.memory_space<vmem>>) dst(%dma_wait3A_1043 : memref<48x128xf32, #tpu.memory_space<hbm>>)
        tpu.yield
      }) : () -> ()
      %dma_wait3A_1005 = arith.constant 0 : i32
      %dma_wait3A_1006 = arith.constant 0 : i32
      %dma_wait3A_1007 = arith.constant 0 : i32
      %dma_wait3A_1008 = tpu.memref_slice %arg20[%dma_wait3A_1005, %dma_wait3A_1006, %dma_wait3A_1007] : memref<2x48x128xf32, #tpu.memory_space<vmem>> -> memref<1x48x128xf32, #tpu.memory_space<vmem>>
      %dma_wait3A_1009 = tpu.memref_squeeze %dma_wait3A_1008 : memref<1x48x128xf32, #tpu.memory_space<vmem>> -> memref<48x128xf32, #tpu.memory_space<vmem>>
      %dma_wait3A_1010 = arith.constant 576 : i32
      %dma_wait3A_1011 = tpu.memref_slice %arg17[%dma_wait3A_1010] : memref<640xi32, #tpu.memory_space<vmem>> -> memref<48xi32, #tpu.memory_space<vmem>>
      %dma_wait3A_1012 = arith.constant 0 : i32
      %dma_wait3A_1013 = arith.constant 0 : i32
      %dma_wait3A_1014 = tpu.memref_slice %arg2[%dma_wait3A_1012, %dma_wait3A_1013] : memref<320000x128xf32, #tpu.memory_space<hbm>> -> memref<320000x128xf32, #tpu.memory_space<hbm>>
      tpu.wait_indirect_dma semaphore(%arg23 : memref<!tpu.dma_semaphore, #tpu.memory_space<semaphore_mem>>) src(%dma_wait3A_1014 : memref<320000x128xf32, #tpu.memory_space<hbm>>) dst(%dma_wait3A_1009 : memref<48x128xf32, #tpu.memory_space<vmem>>)
      %add3A_1015 = arith.constant 576 : i32
      %add3A_1016 = arith.addi %multiple_of3A_713, %add3A_1015 : i32
      %run_scoped3A_1017 = arith.constant 0 : i32
      "tpu.region"() ({
        %run_scoped3A_1023 = tpu.sem_alloc : memref<!tpu.dma_semaphore, #tpu.memory_space<semaphore_mem>>
        %dma_start3A_1024 = arith.constant 0 : i32
        %dma_start3A_1025 = arith.constant 0 : i32
        %dma_start3A_1026 = tpu.memref_slice %arg20[%run_scoped3A_1017, %dma_start3A_1024, %dma_start3A_1025] : memref<2x48x128xf32, #tpu.memory_space<vmem>> -> memref<1x48x128xf32, #tpu.memory_space<vmem>>
        %dma_start3A_1027 = tpu.memref_squeeze %dma_start3A_1026 : memref<1x48x128xf32, #tpu.memory_space<vmem>> -> memref<48x128xf32, #tpu.memory_space<vmem>>
        %dma_start3A_1028 = arith.constant 0 : i32
        %dma_start3A_1029 = tpu.memref_slice %arg6[%add3A_1016, %dma_start3A_1028] : memref<10000x128xf32, #tpu.memory_space<hbm>> -> memref<48x128xf32, #tpu.memory_space<hbm>>
        %dma_start3A_1030 = arith.constant 0 : i32
        %dma_start3A_1031 = tpu.memref_slice %arg6[%add3A_1016, %dma_start3A_1030] : memref<10000x128xf32, #tpu.memory_space<hbm>> -> memref<48x128xf32, #tpu.memory_space<hbm>>
        %dma_start3A_1032 = arith.constant 0 : i32
        %dma_start3A_1033 = arith.constant 0 : i32
        %dma_start3A_1034 = tpu.memref_slice %arg20[%run_scoped3A_1017, %dma_start3A_1032, %dma_start3A_1033] : memref<2x48x128xf32, #tpu.memory_space<vmem>> -> memref<1x48x128xf32, #tpu.memory_space<vmem>>
        %dma_start3A_1035 = tpu.memref_squeeze %dma_start3A_1034 : memref<1x48x128xf32, #tpu.memory_space<vmem>> -> memref<48x128xf32, #tpu.memory_space<vmem>>
        tpu.enqueue_dma source(%dma_start3A_1035 : memref<48x128xf32, #tpu.memory_space<vmem>>) target(%dma_start3A_1031 : memref<48x128xf32, #tpu.memory_space<hbm>>) target_semaphore(%run_scoped3A_1023 : memref<!tpu.dma_semaphore, #tpu.memory_space<semaphore_mem>>)
        %dma_wait3A_1036 = arith.constant 0 : i32
        %dma_wait3A_1037 = arith.constant 0 : i32
        %dma_wait3A_1038 = tpu.memref_slice %arg20[%run_scoped3A_1017, %dma_wait3A_1036, %dma_wait3A_1037] : memref<2x48x128xf32, #tpu.memory_space<vmem>> -> memref<1x48x128xf32, #tpu.memory_space<vmem>>
        %dma_wait3A_1039 = tpu.memref_squeeze %dma_wait3A_1038 : memref<1x48x128xf32, #tpu.memory_space<vmem>> -> memref<48x128xf32, #tpu.memory_space<vmem>>
        %dma_wait3A_1040 = arith.constant 0 : i32
        %dma_wait3A_1041 = tpu.memref_slice %arg6[%add3A_1016, %dma_wait3A_1040] : memref<10000x128xf32, #tpu.memory_space<hbm>> -> memref<48x128xf32, #tpu.memory_space<hbm>>
        %dma_wait3A_1042 = arith.constant 0 : i32
        %dma_wait3A_1043 = tpu.memref_slice %arg6[%add3A_1016, %dma_wait3A_1042] : memref<10000x128xf32, #tpu.memory_space<hbm>> -> memref<48x128xf32, #tpu.memory_space<hbm>>
        %dma_wait3A_1044 = arith.constant 0 : i32
        %dma_wait3A_1045 = arith.constant 0 : i32
        %dma_wait3A_1046 = tpu.memref_slice %arg20[%run_scoped3A_1017, %dma_wait3A_1044, %dma_wait3A_1045] : memref<2x48x128xf32, #tpu.memory_space<vmem>> -> memref<1x48x128xf32, #tpu.memory_space<vmem>>
        %dma_wait3A_1047 = tpu.memref_squeeze %dma_wait3A_1046 : memref<1x48x128xf32, #tpu.memory_space<vmem>> -> memref<48x128xf32, #tpu.memory_space<vmem>>
        tpu.wait_dma2 semaphore(%run_scoped3A_1023 : memref<!tpu.dma_semaphore, #tpu.memory_space<semaphore_mem>>) src(%dma_wait3A_1047 : memref<48x128xf32, #tpu.memory_space<vmem>>) dst(%dma_wait3A_1043 : memref<48x128xf32, #tpu.memory_space<hbm>>)
        tpu.yield
      }) : () -> ()
      %eq3A_1018 = arith.constant 15 : i32
      %eq3A_1019 = arith.cmpi eq, %arg1, %eq3A_1018 : i32
      %convert_element_type3A_1020 = arith.extui %eq3A_1019 : i1 to i32
      %cond3A_1021 = arith.constant 0 : i32
      %cond3A_1022 = arith.cmpi ne, %convert_element_type3A_1020, %cond3A_1021 : i32
      scf.if %cond3A_1022 {
        %multiple_of3A_1023 = arith.constant 9984 : i32
        %multiple_of3A_1024 = tpu.assume_multiple %multiple_of3A_1023, 8 : i32
        %dma_start3A_1025 = arith.constant 0 : i32
        %dma_start3A_1026 = arith.constant 0 : i32
        %dma_start3A_1027 = arith.constant 0 : i32
        %dma_start3A_1028 = tpu.memref_slice %arg20[%dma_start3A_1025, %dma_start3A_1026, %dma_start3A_1027] : memref<2x48x128xf32, #tpu.memory_space<vmem>> -> memref<1x16x128xf32, #tpu.memory_space<vmem>>
        %dma_start3A_1029 = tpu.memref_squeeze %dma_start3A_1028 : memref<1x16x128xf32, #tpu.memory_space<vmem>> -> memref<16x128xf32, #tpu.memory_space<vmem>>
        %dma_start3A_1030 = arith.constant 624 : i32
        %dma_start3A_1031 = tpu.memref_slice %arg17[%dma_start3A_1030] : memref<640xi32, #tpu.memory_space<vmem>> -> memref<16xi32, #tpu.memory_space<vmem>>
        %dma_start3A_1032 = arith.constant 0 : i32
        %dma_start3A_1033 = arith.constant 0 : i32
        %dma_start3A_1034 = tpu.memref_slice %arg2[%dma_start3A_1032, %dma_start3A_1033] : memref<320000x128xf32, #tpu.memory_space<hbm>> -> memref<320000x128xf32, #tpu.memory_space<hbm>>
        tpu.enqueue_indirect_dma source(%dma_start3A_1034 : memref<320000x128xf32, #tpu.memory_space<hbm>>) target(%dma_start3A_1029 : memref<16x128xf32, #tpu.memory_space<vmem>>) offsets(%dma_start3A_1031 : memref<16xi32, #tpu.memory_space<vmem>>) semaphore(%arg23 : memref<!tpu.dma_semaphore, #tpu.memory_space<semaphore_mem>>)
        %dma_wait3A_1035 = arith.constant 0 : i32
        %dma_wait3A_1036 = arith.constant 0 : i32
        %dma_wait3A_1037 = arith.constant 0 : i32
        %dma_wait3A_1038 = tpu.memref_slice %arg20[%dma_wait3A_1035, %dma_wait3A_1036, %dma_wait3A_1037] : memref<2x48x128xf32, #tpu.memory_space<vmem>> -> memref<1x16x128xf32, #tpu.memory_space<vmem>>
        %dma_wait3A_1039 = tpu.memref_squeeze %dma_wait3A_1038 : memref<1x16x128xf32, #tpu.memory_space<vmem>> -> memref<16x128xf32, #tpu.memory_space<vmem>>
        %dma_wait3A_1040 = arith.constant 624 : i32
        %dma_wait3A_1041 = tpu.memref_slice %arg17[%dma_wait3A_1040] : memref<640xi32, #tpu.memory_space<vmem>> -> memref<16xi32, #tpu.memory_space<vmem>>
        %dma_wait3A_1042 = arith.constant 0 : i32
        %dma_wait3A_1043 = arith.constant 0 : i32
        %dma_wait3A_1044 = tpu.memref_slice %arg2[%dma_wait3A_1042, %dma_wait3A_1043] : memref<320000x128xf32, #tpu.memory_space<hbm>> -> memref<320000x128xf32, #tpu.memory_space<hbm>>
        tpu.wait_indirect_dma semaphore(%arg23 : memref<!tpu.dma_semaphore, #tpu.memory_space<semaphore_mem>>) src(%dma_wait3A_1044 : memref<320000x128xf32, #tpu.memory_space<hbm>>) dst(%dma_wait3A_1039 : memref<16x128xf32, #tpu.memory_space<vmem>>)
        %run_scoped3A_1045 = arith.constant 0 : i32
        "tpu.region"() ({
          %run_scoped3A_1046 = tpu.sem_alloc : memref<!tpu.dma_semaphore, #tpu.memory_space<semaphore_mem>>
          %dma_start3A_1047 = arith.constant 0 : i32
          %dma_start3A_1048 = arith.constant 0 : i32
          %dma_start3A_1049 = tpu.memref_slice %arg20[%run_scoped3A_1045, %dma_start3A_1047, %dma_start3A_1048] : memref<2x48x128xf32, #tpu.memory_space<vmem>> -> memref<1x16x128xf32, #tpu.memory_space<vmem>>
          %dma_start3A_1050 = tpu.memref_squeeze %dma_start3A_1049 : memref<1x16x128xf32, #tpu.memory_space<vmem>> -> memref<16x128xf32, #tpu.memory_space<vmem>>
          %dma_start3A_1051 = arith.constant 0 : i32
          %dma_start3A_1052 = tpu.memref_slice %arg6[%multiple_of3A_1024, %dma_start3A_1051] : memref<10000x128xf32, #tpu.memory_space<hbm>> -> memref<16x128xf32, #tpu.memory_space<hbm>>
          %dma_start3A_1053 = arith.constant 0 : i32
          %dma_start3A_1054 = tpu.memref_slice %arg6[%multiple_of3A_1024, %dma_start3A_1053] : memref<10000x128xf32, #tpu.memory_space<hbm>> -> memref<16x128xf32, #tpu.memory_space<hbm>>
          %dma_start3A_1055 = arith.constant 0 : i32
          %dma_start3A_1056 = arith.constant 0 : i32
          %dma_start3A_1057 = tpu.memref_slice %arg20[%run_scoped3A_1045, %dma_start3A_1055, %dma_start3A_1056] : memref<2x48x128xf32, #tpu.memory_space<vmem>> -> memref<1x16x128xf32, #tpu.memory_space<vmem>>
          %dma_start3A_1058 = tpu.memref_squeeze %dma_start3A_1057 : memref<1x16x128xf32, #tpu.memory_space<vmem>> -> memref<16x128xf32, #tpu.memory_space<vmem>>
          tpu.enqueue_dma source(%dma_start3A_1058 : memref<16x128xf32, #tpu.memory_space<vmem>>) target(%dma_start3A_1054 : memref<16x128xf32, #tpu.memory_space<hbm>>) target_semaphore(%run_scoped3A_1046 : memref<!tpu.dma_semaphore, #tpu.memory_space<semaphore_mem>>)
          %dma_wait3A_1059 = arith.constant 0 : i32
          %dma_wait3A_1060 = arith.constant 0 : i32
          %dma_wait3A_1061 = tpu.memref_slice %arg20[%run_scoped3A_1045, %dma_wait3A_1059, %dma_wait3A_1060] : memref<2x48x128xf32, #tpu.memory_space<vmem>> -> memref<1x16x128xf32, #tpu.memory_space<vmem>>
          %dma_wait3A_1062 = tpu.memref_squeeze %dma_wait3A_1061 : memref<1x16x128xf32, #tpu.memory_space<vmem>> -> memref<16x128xf32, #tpu.memory_space<vmem>>
          %dma_wait3A_1063 = arith.constant 0 : i32
          %dma_wait3A_1064 = tpu.memref_slice %arg6[%multiple_of3A_1024, %dma_wait3A_1063] : memref<10000x128xf32, #tpu.memory_space<hbm>> -> memref<16x128xf32, #tpu.memory_space<hbm>>
          %dma_wait3A_1065 = arith.constant 0 : i32
          %dma_wait3A_1066 = tpu.memref_slice %arg6[%multiple_of3A_1024, %dma_wait3A_1065] : memref<10000x128xf32, #tpu.memory_space<hbm>> -> memref<16x128xf32, #tpu.memory_space<hbm>>
          %dma_wait3A_1067 = arith.constant 0 : i32
          %dma_wait3A_1068 = arith.constant 0 : i32
          %dma_wait3A_1069 = tpu.memref_slice %arg20[%run_scoped3A_1045, %dma_wait3A_1067, %dma_wait3A_1068] : memref<2x48x128xf32, #tpu.memory_space<vmem>> -> memref<1x16x128xf32, #tpu.memory_space<vmem>>
          %dma_wait3A_1070 = tpu.memref_squeeze %dma_wait3A_1069 : memref<1x16x128xf32, #tpu.memory_space<vmem>> -> memref<16x128xf32, #tpu.memory_space<vmem>>
          tpu.wait_dma2 semaphore(%run_scoped3A_1046 : memref<!tpu.dma_semaphore, #tpu.memory_space<semaphore_mem>>) src(%dma_wait3A_1070 : memref<16x128xf32, #tpu.memory_space<vmem>>) dst(%dma_wait3A_1066 : memref<16x128xf32, #tpu.memory_space<hbm>>)
          tpu.yield
        }) : () -> ()
      } else {
      }
    } else {
    }
    return
  }
}

</mosaic_0001>

<sc_bundles>
// kernel: kernel.3.cloned.1.call-start
scs
__scs_entry_jumppad:
0x0: {  	(pc) =	sbr.rel $0x88, $3  }
0x1: {  	(tag) =	ssettag $0x0;
	lr =	simm.s32 $0x1  }
0x2: {  	[smem:$0x3F9E] =	sst lr;
	_ =	strace $0xD0000000  }
0x3: {  	_ = 	snop  }
0x4: {  	_ = 	snop  }
0x5: {  	_ = 	snop  }
0x6: {  	_ = 	snop  }
0x7: {  	_ = 	snop  }
__scs_overlays_trampoline_lowered:
0x8: {  	[smem:$0x3FAD] =	sst s0  }
0x9: {  	[smem:$0x3FAE] =	sst s1  }
0xa: {  	[smem:$0x3FAF] =	sst s2  }
0xb: {  	[smem:$0x3FB0] =	sst s3  }
0xc: {  	[smem:$0x3FB1] =	sst s4  }
0xd: {  	[smem:$0x3FB2] =	sst s5  }
0xe: {  	[smem:$0x3FB3] =	sst s6  }
0xf: {  	[smem:$0x3FB4] =	sst s7  }
0x10: {  	[smem:$0x3FB5] =	sst s8  }
0x11: {  	[smem:$0x3FB6] =	sst s9;
	s0 =	simm.s32 @!p0 $0x0  }
0x12: {  	s1 =	sld [smem:$0x3F9C];
	s0 =	simm.s32 @p0 $0x1  }
0x13: {  	[smem:$0x3FB7] =	sst s0;
	s0 =	simm.s32 @!p1 $0x0  }
0x14: {  	s2 =	sld [smem:$0x3F9B];
	s0 =	simm.s32 @p1 $0x1  }
0x15: {  	[smem:$0x3FB8] =	sst s0;
	s0 =	simm.s32 @!p2 $0x0  }
0x16: {  	s3 =	sld [smem:$0x3FDB];
	s0 =	simm.s32 @p2 $0x1  }
0x17: {  	s4 =	simm.s32 $0x1BF5;
	[smem:$0x3FBA] =	sst s0  }
0x18: {  	s0 =	sld [smem:$0x3F9D];
	_ =	swait.ge [sflag:s4], $0x0  }
0x19: {  	s7 =	sld [smem:$0x3F9E]  }
0x1a: {  	s8 =	sadd.s32 $0xFFFFE003, lr  }
0x1b: {  	s9 =	sadd.s32 $0xFFFFFEF7, lr;
	s5 =	simm.s32 $0xFFFFFFFF;
	p2 =	slt.u32 s8, $0xFFFFF086  }
0x1c: {  	p1 =	slt.u32 s9, $0xF7A;
	s5 =	simm.s32 @!p2 $0x0  }
0x1d: {  	s5 =	simm.s32 @p1 $0x1;
	p0 =	seq.s32 s7, s2  }
0x1e: {  	s7 =	smul.u32 @!p0 $0xF7A, s2;
	p2 =	seq.s32 @!p0 s5, $0x0  }
0x1f: {  	s9 =	smul.u32 $0xF7A, s1;
	s8 =	simm.s32 @!p0 $0x1BF5;
	p2 =	por !p2, p0  }
0x20: {  	[sflag:s8] =	ssyncset.s32 @!p0 $0xFFFFF086;
	s6 =	sadd.s32 @!p0 s3, s7;
	s7 =	simm.s32 @!p0 $0x108  }
0x21: {  	s3 =	sadd.s32 s3, s9;
	s6 =	sadd.s32 @!p0 $0x88, s6;
	s7 =	simm.s32 @p2 $0x1082  }
0x22: {  	[simem:s7], [sflag:s8] =	dma.local @!p0 [hbm:s6], $0xF7A  }
0x23: {  	s9 =	sor.u32 $0xD0000000, s2;
	s6 =	simm.s32 $0x108;
	_ =	swait.ge @!p0 [sflag:s8], $0x0  }
0x24: {  	s3 =	sadd.s32 $0x88, s3;
	s6 =	simm.s32 @!p1 $0x1082;
	[sflag:s4] =	ssyncset.s32 $0xFFFFF086  }
0x25: {  	[simem:s6], [sflag:s4] =	dma.local [hbm:s3], $0xF7A  }
0x26: {  	[smem:$0x3F9E] =	sst s1;
	(tag) =	ssettag s2;
	_ =	strace s9  }
0x27: {  	s1 =	sld [smem:$0x3FAE]  }
0x28: {  	s2 =	sld [smem:$0x3FAF]  }
0x29: {  	s4 =	sld [smem:$0x3FB1]  }
0x2a: {  	p0 =	seq.s32 s5, $0x0;
	s5 =	sld [smem:$0x3FB2]  }
0x2b: {  	s6 =	sld [smem:$0x3FB3]  }
0x2c: {  	s7 =	sld [smem:$0x3FB4]  }
0x2d: {  	s3 =	simm.s32 $0x108;
	s8 =	sld [smem:$0x3FB5]  }
0x2e: {  	s3 =	simm.s32 @!p0 $0x1082;
	s9 =	sld [smem:$0x3FB6]  }
0x2f: {  	lr =	sadd.s32 s0, s3;
	s0 =	sld [smem:$0x3FAD]  }
0x30: {  	s3 =	sld [smem:$0x3FB0]  }
0x31: {  	[smem:$0x3FB9] =	sst s10  }
0x32: {  	s10 =	sld [smem:$0x3FB7];
	_ =	sdelay $0x3  }
0x33: {  	p0 =	seq.s32 s10, $0x1;
	s10 =	sld [smem:$0x3FB9];
	_ =	sdelay $0x3  }
0x34: {  	[smem:$0x3FB9] =	sst s10  }
0x35: {  	s10 =	sld [smem:$0x3FB8];
	_ =	sdelay $0x3  }
0x36: {  	p1 =	seq.s32 s10, $0x1;
	s10 =	sld [smem:$0x3FB9];
	_ =	sdelay $0x3  }
0x37: {  	[smem:$0x3FB9] =	sst s10  }
0x38: {  	s10 =	sld [smem:$0x3FBA]  }
0x39: {  	_ = 	snop;
	(pc) =	sbr.ind lr, $3  }
0x3a: {  	_ = 	snop  }
0x3b: {  	_ = 	snop  }
0x3c: {  	p2 =	seq.s32 s10, $0x1;
	s10 =	sld [smem:$0x3FB9]  }
0x3d: {  	_ =	shalt  }
0x3e: {  	_ =	shalt  }
0x3f: {  	_ =	shalt  }
0x40: {  	_ =	shalt  }
0x41: {  	_ =	shalt  }
0x42: {  	_ =	shalt  }
0x43: {  	_ =	shalt  }
0x44: {  	_ =	shalt  }
0x45: {  	_ =	shalt  }
0x46: {  	_ =	shalt  }
0x47: {  	_ =	shalt  }
0x48: {  	_ =	shalt  }
0x49: {  	_ =	shalt  }
0x4a: {  	_ =	shalt  }
0x4b: {  	_ =	shalt  }
0x4c: {  	_ =	shalt  }
0x4d: {  	_ =	shalt  }
0x4e: {  	_ =	shalt  }
0x4f: {  	_ =	shalt  }
0x50: {  	_ =	shalt  }
0x51: {  	_ =	shalt  }
0x52: {  	_ =	shalt  }
0x53: {  	_ =	shalt  }
0x54: {  	_ =	shalt  }
0x55: {  	_ =	shalt  }
0x56: {  	_ =	shalt  }
0x57: {  	_ =	shalt  }
0x58: {  	_ =	shalt  }
0x59: {  	_ =	shalt  }
0x5a: {  	_ =	shalt  }
0x5b: {  	_ =	shalt  }
0x5c: {  	_ =	shalt  }
0x5d: {  	_ =	shalt  }
0x5e: {  	_ =	shalt  }
0x5f: {  	_ =	shalt  }
0x60: {  	_ =	shalt  }
0x61: {  	_ =	shalt  }
0x62: {  	_ =	shalt  }
0x63: {  	_ =	shalt  }
0x64: {  	_ =	shalt  }
0x65: {  	_ =	shalt  }
0x66: {  	_ =	shalt  }
0x67: {  	_ =	shalt  }
0x68: {  	_ =	shalt  }
0x69: {  	_ =	shalt  }
0x6a: {  	_ =	shalt  }
0x6b: {  	_ =	shalt  }
0x6c: {  	_ =	shalt  }
0x6d: {  	_ =	shalt  }
0x6e: {  	_ =	shalt  }
0x6f: {  	_ =	shalt  }
0x70: {  	_ =	shalt  }
0x71: {  	_ =	shalt  }
0x72: {  	_ =	shalt  }
0x73: {  	_ =	shalt  }
0x74: {  	_ =	shalt  }
0x75: {  	_ =	shalt  }
0x76: {  	_ =	shalt  }
0x77: {  	_ =	shalt  }
0x78: {  	_ =	shalt  }
0x79: {  	_ =	shalt  }
0x7a: {  	_ =	shalt  }
0x7b: {  	_ =	shalt  }
0x7c: {  	_ =	shalt  }
0x7d: {  	_ =	shalt  }
0x7e: {  	_ =	shalt  }
0x7f: {  	_ =	shalt  }
0x80: {  	_ =	shalt  }
0x81: {  	_ =	shalt  }
0x82: {  	_ =	shalt  }
0x83: {  	_ =	shalt  }
0x84: {  	_ =	shalt  }
0x85: {  	_ =	shalt  }
0x86: {  	_ =	shalt  }
0x87: {  	_ =	shalt  }
.Lfunc_end0:
.L_simem_size_0:
called_computation_lowered:
.L_overlay_start_0:
0x88: {  	s2 =	sld [smem:$0x3FD9]  }
0x89: {  	s3 =	sld [smem:$0x3FFE];
	_ =	sdelay $0x1  }
0x8a: {  	s1 =	srdreg.scid  }
0x8b: {  	s0 =	sand.u32 $0x1, s1  }
0x8c: {  	s15 =	sshll.u32 s0, $0xA;
	s2 =	sadd.s32 s3, s2  }
0x8d: {  	s2 =	sadd.s32 s2, s15  }
0x8e: {  	[smem:$0x3FC5] =	sst s2  }
0x8f: {  	_ = 	snop  }
0x90: {  	s2 =	sld [smem:$0x3FD0]  }
0x91: {  	s16 =	sld [smem:$0x3FC9]  }
0x92: {  	s4 =	sld [smem:$0x3FC8]  }
0x93: {  	s6 =	simm.s32 $0xA;
	s7 =	simm.s32 $0x10;
	s5 =	sld [smem:$0x3FC7]  }
0x94: {  	[smem:s7], [sflag:s6] =	dma.local [hbm:s2], $0x1  }
0x95: {  	_ =	swait.eq [sflag:s6], $0x1  }
0x96: {  	[sflag:s6] =	ssyncset.done $0x0  }
0x97: {  	s17 =	sld [smem:$0x10];
	[sflag:s6] =	ssyncadd.s32 $0xFFFFFFFF  }
0x98: {  	s18 =	sld [smem:$0x11];
	(tm) =	ssettm $0x1  }
0x99: {  	s19 =	sld [smem:$0x3FFB];
	_ =	sdelay $0x3  }
0x9a: {  	_ =	strace s19  }
0x9b: {  	s7 =	sld [smem:$0x3FFC];
	_ =	sdelay $0x3  }
0x9c: {  	_ =	strace s7  }
0x9d: {  	s7 =	sld [smem:$0x3FFD];
	_ =	sdelay $0x3  }
0x9e: {  	_ =	strace s7  }
0x9f: {  	_ =	strace $0x8FFFFFFF  }
0xa0: {  	s20 =	sld [smem:$0x3FDB];
	_ =	sdelay $0x1  }
0xa1: {  	s8 =	simm.s32 $_scs_section_size  }
0xa2: {  	s9 =	simm.s32 $_size__tile_overlayer_lowered;
	s10 =	simm.s32 $_tile_overlayer_lowered  }
0xa3: {  	s23 =	simm.s32 $0x1BFF;
	s22 =	sshll.u32 s10, $0x1;
	s7 =	sadd.s32 s8, s20  }
0xa4: {  	s11 =	simm.s32 $0x0;
	s21 =	sshll.u32 s9, $0x1;
	s9 =	sadd.s32 s22, s7  }
0xa5: {  	[timem:s11], [sflag:s23] =	dma.local [hbm:s9], s21  }
0xa6: {  	_ =	swait.ge [sflag:s23], s21  }
0xa7: {  	s8 =	ssub.s32 $0x0, s21;
	[sflag:s23] =	ssyncset.done $0x0  }
0xa8: {  	[sflag:s23] =	ssyncadd.s32 s8;
	_ =	sdelay $0x1  }
0xa9: {  	s24 =	simm.s32 $0x1B8B  }
0xaa: {  	_ =	swait.ge [sflag:s24], $0x1  }
0xab: {  	[sflag:s24] =	ssyncset.done $0x0  }
0xac: {  	s25 =	simm.s32 $0x1B8E;
	[sflag:s24] =	ssyncadd.s32 $0xFFFFFFFF  }
0xad: {  	s26 =	simm.s32 $execute0_lowered;
	[smem:$0x3FD2] =	sst s25  }
0xae: {  	s8 =	sshll.u32 s26, $0x1;
	_ =	strace $0x80000046;
	[dreg:$0x1] =	wrdreg $0xFFFFFFFF  }
0xaf: {  	s28 =	simm.s32 $_size_execute0_lowered;
	s7 =	sadd.s32 s7, s8;
	[dreg:$0x0] =	wrdreg $0x0  }
0xb0: {  	s8 =	sshll.u32 s28, $0x1;
	[dreg:$0x2] =	wrdreg s7  }
0xb1: {  	[dreg:$0x3] =	wrdreg s8  }
0xb2: {  	[dreg:$0x4] =	wrdreg $0xC0  }
0xb3: {  	_ =	task [dreg:s11], $0x5FFFF  }
0xb4: {  	[dreg:$0x1] =	wrdreg $0xFFFFFFFF  }
0xb5: {  	[dreg:$0x0] =	wrdreg $0x60  }
0xb6: {  	[dreg:$0x2] =	wrdreg s16  }
0xb7: {  	[dreg:$0x3] =	wrdreg s4  }
0xb8: {  	[dreg:$0x4] =	wrdreg s5  }
0xb9: {  	[dreg:$0x5] =	wrdreg s17  }
0xba: {  	[dreg:$0x6] =	wrdreg s18  }
0xbb: {  	[dreg:$0x7] =	wrdreg $0x1C9000  }
0xbc: {  	[dreg:$0x8] =	wrdreg $0x1F1000  }
0xbd: {  	[dreg:$0x9] =	wrdreg $0x9  }
0xbe: {  	_ =	task.clear_ibuf [dreg:s11], $0xAFFFF;
	_ =	strace $0x90000046  }
0xbf: {  	s29 =	simm.s32 $0x9;
	_ =	strace $0x80000048  }
0xc0: {  	_ =	swait.ge [sflag:s29], $0x1  }
0xc1: {  	[sflag:s29] =	ssyncadd.s32 $0xFFFFFFFF  }
0xc2: {  	_ =	strace $0x90000048  }
0xc3: {  	_ =	sfence  }
0xc4: {  	s30 =	sld [smem:$0x0];
	_ =	sdelay $0x2  }
0xc5: {  	s31 =	sshll.u32 s1, $0xD;
	s1 =	sshrl.u32 s1, $0x2  }
0xc6: {  	s3 =	sand.u32 $0x4000, s31;
	s1 =	sadd.s32 s1, s30  }
0xc7: {  	s0 =	sor.u32 s3, s0;
	s1 =	sshll.u32 s1, $0x11  }
0xc8: {  	s0 =	sor.u32 s1, s0  }
0xc9: {  	s0 =	sadd.s32 $0x8F2B, s0  }
0xca: {  	[sflag:s0] =	ssyncadd.remote.s32 $0x1  }
0xcb: {  	_ =	sfence.sel $0xFFFF  }
0xcc: {  	[dreg:$0x0] =	wrdreg $0xFFFFFFFF;
	(pc) =	sbr.abs _section_cstart, $3  }
0xcd: {  	[dreg:$0x1] =	wrdreg $0xFFFFFFFF  }
0xce: {  	_ =	task.clear_ibuf [dreg:s11], $0x2FFFF;
	_ =	strace $0x9FFFFFFF  }
0xcf: {  	(tm) =	ssettm $0x7FFFFFFF  }
tec
execute0_lowered:
.L_overlay_start_1:
0x0: {  	(tag) =	ssettag $0x1  }
0x1: {  	s2 =	rddreg [dreg:$0x0]  }
0x2: {  	s4 =	rddreg [dreg:$0x1];
	s1 =	srdreg.scid  }
0x3: {  	s3 =	rddreg [dreg:$0x2];
	s1 =	sand.u32 $0x1, s1  }
0x4: {  	s6 =	rddreg [dreg:$0x3];
	p0 =	seq.s32 s1, $0x1  }
.Ltmp0:
0x5: {  	s0 =	rddreg [dreg:$0x4];
	(pc) =	sbr.rel @p0 .LBB2_80-.Ltmp0, $4  }
0x6: {  	s18 =	rddreg [dreg:$0x5]  }
0x7: {  	s17 =	rddreg [dreg:$0x6];
	s5 =	simm.s32 $0x0  }
0x8: {  	[smem:$0x7FF] =	sst s5  }
0x9: {  	s7 =	rddreg [dreg:$0x7];
	_ =	strace $0x80000047;
	s1 =	stileid.u32  }
0xa: {  	s8 =	smul.u32 $0x5000, s1  }
0xb: {  	s25 =	smul.u32 $0x280, s1  }
0xc: {  	s14 =	smul.u32 $0x4E20, s1  }
0xd: {  	s30 =	smul.u32 $0x13800, s1  }
0xe: {  	s7 =	sshrl.u32 s1, $0x3;
	s9 =	sshll.u32 s1, $0x7;
	s31 =	smul.u32 $0x4E, s1  }
0xf: {  	s15 =	sshll.u32 s1, $0x4;
	s16 =	smul.u32 $0x2700, s1;
	s29 =	simm.s32 $0x4E80  }
0x10: {  	s7 =	smul.u32 $0x50000, s7;
	s9 =	sand.u32 $0x380, s9;
	s15 =	sadd.s32 s15, s17  }
0x11: {  	s8 =	sshrl.u32 s8, $0x2;
	[dreg:$0x19] =	wrdreg s15;
	s15 =	sadd.s32 s0, s16  }
0x12: {  	s21 =	sshrl.u32 s14, $0x3;
	s7 =	sshrl.u32 s7, $0x2;
	s24 =	sadd.s32 s8, s18  }
0x13: {  	s8 =	sadd.s32 s6, s31;
	[dreg:$0x15] =	wrdreg s15;
	s4 =	sadd.s32 s4, s21  }
0x14: {  	s3 =	sadd.s32 s3, s21;
	[dreg:$0x17] =	wrdreg s8;
	s8 =	sadd.s32 $0x4E0, s6  }
0x15: {  	[tilespmem:s5], [sflag:$0x1] =	stream.linear.gather [hbm4b:s4+s5], $0x4E20, $0x38;
	[tilespmem:$0x1F380] =	vst v63  }
0x16: {  	s7 =	sadd.s32 s7, s18;
	s15 =	sadd.s32 $0x14080, s24;
	[dreg:$0x16] =	wrdreg s8  }
0x17: {  	s21 =	sadd.s32 $0x14280, s24;
	s13 =	sadd.s32 s9, s7;
	[smem:$0x7FA] =	sst s15  }
0x18: {  	s7 =	sshrl.u32 s30, $0x3;
	s8 =	sadd.s32 $0x27000, s0;
	[dreg:$0x1f] =	wrdreg s21  }
0x19: {  	[tilespmem:s29], [sflag:$0x2] =	stream.linear.gather [hbm4b:s3+s5], $0x4E20, $0x38;
	[tilespmem:$0x1F380] =	vst v63  }
0x1a: {  	s7 =	sadd.s32 s0, s7;
	[dreg:$0x8] =	wrdreg s8;
	s29 =	sadd.s32 $0x11500, s25  }
0x1b: {  	s16 =	sadd.s32 $0x300, s7;
	[dreg:$0x1b] =	wrdreg s29  }
0x1c: {  	s19 =	sadd.s32 $0x600, s7;
	[dreg:$0x14] =	wrdreg s16  }
0x1d: {  	s20 =	sadd.s32 $0x900, s7;
	[dreg:$0x13] =	wrdreg s19  }
0x1e: {  	s23 =	sadd.s32 $0xC00, s7;
	[dreg:$0x12] =	wrdreg s20  }
0x1f: {  	s26 =	sadd.s32 $0xF00, s7;
	[dreg:$0x11] =	wrdreg s23  }
0x20: {  	s28 =	sadd.s32 $0x1200, s7;
	[dreg:$0x10] =	wrdreg s26  }
0x21: {  	s30 =	sadd.s32 $0x1500, s7;
	[dreg:$0xf] =	wrdreg s28  }
0x22: {  	s31 =	sadd.s32 $0x1800, s7;
	[dreg:$0xe] =	wrdreg s30  }
0x23: {  	s4 =	sadd.s32 $0x1B00, s7;
	[dreg:$0xd] =	wrdreg s31  }
0x24: {  	s5 =	sadd.s32 $0x1E00, s7;
	[dreg:$0xc] =	wrdreg s4  }
0x25: {  	s6 =	sadd.s32 $0x2100, s7;
	[dreg:$0xb] =	wrdreg s5  }
0x26: {  	s22 =	sadd.s32 $0x80, s24;
	s7 =	sadd.s32 $0x2400, s7;
	[dreg:$0xa] =	wrdreg s6  }
0x27: {  	s12 =	sadd.s32 $0x100, s24;
	[dreg:$0x9] =	wrdreg s7;
	s16 =	sadd.s32 $0x14100, s24  }
0x28: {  	s11 =	sadd.s32 $0x180, s24;
	s19 =	sadd.s32 $0x14180, s24;
	[smem:$0x7FB] =	sst s16  }
0x29: {  	s10 =	sadd.s32 $0x200, s24;
	s20 =	sadd.s32 $0x14200, s24;
	[smem:$0x7FC] =	sst s19  }
0x2a: {  	s9 =	sadd.s32 $0x280, s24;
	s23 =	sadd.s32 $0x14300, s24;
	[smem:$0x7FD] =	sst s20  }
0x2b: {  	s15 =	sadd.s32 s25, s17;
	s26 =	sadd.s32 $0x14380, s24;
	[dreg:$0x1e] =	wrdreg s23  }
0x2c: {  	s8 =	sadd.s32 $0x300, s24;
	s28 =	sadd.s32 $0xED00, s25;
	[dreg:$0x1d] =	wrdreg s26  }
0x2d: {  	s30 =	sadd.s32 $0x80, s18;
	s31 =	smul.u32 $0x270, s1;
	[dreg:$0x1c] =	wrdreg s28  }
0x2e: {  	s7 =	sadd.s32 $0x380, s24;
	s6 =	sadd.s32 $0x14000, s24;
	[dreg:$0x1a] =	wrdreg s30  }
0x2f: {  	v1 =	vimm.s32 $0xFFFFFFFF;
	v0 =	vmov s14;
	s18 =	simm.s32 $0x0;
	s16 =	simm.s32 $0x40;
	[dreg:$0x18] =	wrdreg s31  }
.LBB2_2:
0x30: {  	p0 =	sne.s32 s16, $0x9FC0;
	[tilespmem:s18+$0x9D00] =	vst v1;
	s19 =	smov.u32 s16;
	s16 =	sadd.s32 $0x40, s16  }
.Ltmp1:
0x31: {  	[tilespmem:s18+$0xC500] =	vst v1;
	(pc) =	sbr.rel @p0 .LBB2_2-.Ltmp1, $2  }
0x32: {  	_ =	sdelay $0x2  }
0x33: {  	s18 =	sshra.s32 s19, $0x2  }
0x34: {  	[tilespmem:s18+$0x9D00] =	vst v1  }
0x35: {  	[tilespmem:s18+$0xC500] =	vst v1;
	s16 =	simm.s32 $0x1  }
0x36: {  	_ =	swait.ge [sflag:s16], $0x4E20  }
0x37: {  	[sflag:s16] =	ssyncset.done $0x0  }
0x38: {  	s31 =	simm.s32 $0x2;
	[sflag:s16] =	ssyncadd.s32 $0xFFFFB1E0  }
0x39: {  	_ =	swait.ge [sflag:s31], $0x4E20  }
0x3a: {  	[sflag:s31] =	ssyncset.done $0x0  }
0x3b: {  	s18 =	simm.s32 $0x4ED0;
	[sflag:s31] =	ssyncadd.s32 $0xFFFFB1E0  }
0x3c: {  	v2 =	vld [tilespmem:s18+$0xFFFFFFF0]  }
0x3d: {  	s23 =	simm.s32 $0x50;
	v3 =	vld [tilespmem:s18+$0xFFFFFFC0]  }
0x3e: {  	v1 =	vld [tilespmem:s23+$0xFFFFFFB0]  }
0x3f: {  	v4 =	vld [tilespmem:s23+$0xFFFFFFD0]  }
0x40: {  	v5 =	vld [tilespmem:s18+$0x20]  }
0x41: {  	v6 =	vld [tilespmem:s23+$0x40]  }
0x42: {  	v7 =	vld [tilespmem:s23+$0x20]  }
0x43: {  	v8 =	vld [tilespmem:s23+$0x0]  }
0x44: {  	v9 =	vld [tilespmem:s23+$0x10]  }
0x45: {  	v10 =	vld [tilespmem:s23+$0xFFFFFFF0]  }
0x46: {  	v11 =	vld [tilespmem:s18+$0xFFFFFFD0]  }
0x47: {  	s19 =	simm.s32 $0x0;
	s16 =	simm.s32 $0x80;
	v12 =	vld [tilespmem:s18+$0xFFFFFFB0]  }
0x48: {  	s21 =	sand.u32 $0x60, s19;
	s20 =	sand.u32 $0xFF80, s16;
	v13 =	vld [tilespmem:s23+$0xFFFFFFC0]  }
0x49: {  	s20 =	sor.u32 s21, s20;
	v14 =	vld [tilespmem:s23+$0xFFFFFFE0]  }
0x4a: {  	v15 =	vld [tilespmem:s20+$0x0]  }
0x4b: {  	v24 =	vld [tilespmem:s18+$0xFFFFFFE0]  }
0x4c: {  	v26 =	vld [tilespmem:s18+$0x0]  }
0x4d: {  	v54 =	vld [tilespmem:s18+$0x10]  }
0x4e: {  	v56 =	vld [tilespmem:s20+$0x4E80]  }
0x4f: {  	s26 =	simm.s32 $0x9D00;
	v57 =	vld [tilespmem:s18+$0x40]  }
0x50: {  	v20 =	vld.idx.msk [tilespmem:v1+s26+$0x0], $0xffff  }
0x51: {  	v21 =	vld.idx.msk [tilespmem:v13+s26+$0x0], $0xffff  }
0x52: {  	v16 =	vld.idx.msk [tilespmem:v4+s26+$0x0], $0xffff  }
0x53: {  	v23 =	vld.idx.msk [tilespmem:v14+s26+$0x0], $0xffff  }
0x54: {  	v18 =	vld.idx.msk [tilespmem:v10+s26+$0x0], $0xffff  }
0x55: {  	v25 =	vld.idx.msk [tilespmem:v8+s26+$0x0], $0xffff;
	vm7 =	vgt.s32 v12, v20  }
0x56: {  	v17 =	vld.idx.msk [tilespmem:v9+s26+$0x0], $0xffff;
	vm6 =	vgt.s32 v3, v21  }
0x57: {  	v19 =	vld.idx.msk [tilespmem:v7+s26+$0x0], $0xffff;
	vm0 =	vgt.s32 v11, v16  }
0x58: {  	v55 =	vld.idx.msk [tilespmem:v15+s26+$0x0], $0xffff;
	vm8 =	vgt.s32 v24, v23  }
0x59: {  	v22 =	vld.idx.msk [tilespmem:v6+s26+$0x0], $0xffff;
	vm10 =	vgt.s32 v2, v18  }
0x5a: {  	vm4 =	vgt.s32 v26, v25  }
0x5b: {  	vm2 =	vgt.s32 v54, v17;
	[tilespmem:v1+s26+$0x0] =	vst.idx.msk vm7, v12  }
0x5c: {  	vm1 =	vgt.s32 v5, v19;
	[tilespmem:v13+s26+$0x0] =	vst.idx.msk vm6, v3  }
0x5d: {  	vm3 =	vgt.s32 v56, v55;
	[tilespmem:v4+s26+$0x0] =	vst.idx.msk vm0, v11  }
0x5e: {  	vm5 =	vgt.s32 v57, v22;
	[tilespmem:v14+s26+$0x0] =	vst.idx.msk vm8, v24  }
0x5f: {  	[tilespmem:v10+s26+$0x0] =	vst.idx.msk vm10, v2  }
0x60: {  	[tilespmem:v8+s26+$0x0] =	vst.idx.msk vm4, v26  }
0x61: {  	[tilespmem:v9+s26+$0x0] =	vst.idx.msk vm2, v54  }
0x62: {  	[tilespmem:v7+s26+$0x0] =	vst.idx.msk vm1, v5  }
0x63: {  	[tilespmem:v15+s26+$0x0] =	vst.idx.msk vm3, v56  }
0x64: {  	[tilespmem:v6+s26+$0x0] =	vst.idx.msk vm5, v57  }
0x65: {  	v58 =	vld.idx.msk [tilespmem:v1+s26+$0x0], vm7  }
0x66: {  	v13 =	vld.idx.msk [tilespmem:v13+s26+$0x0], vm6  }
0x67: {  	v4 =	vld.idx.msk [tilespmem:v4+s26+$0x0], vm0  }
0x68: {  	v10 =	vld.idx.msk [tilespmem:v10+s26+$0x0], vm10;
	_ =	sdelay $0x1  }
0x69: {  	v1 =	vlaneseq.u32;
	v14 =	vld.idx.msk [tilespmem:v14+s26+$0x0], vm8;
	vm9 =	vne.s32 v58, v12  }
0x6a: {  	v8 =	vld.idx.msk [tilespmem:v8+s26+$0x0], vm4;
	v59 =	vor.u32 s19, v1;
	vm9 =	vmand vm7, vm9;
	vm7 =	vne.s32 v13, v3  }
0x6b: {  	v3 =	vld.idx.msk [tilespmem:v9+s26+$0x0], vm2;
	v60 =	vmpcnt.ones.xlane vm9;
	vm6 =	vmand vm6, vm7;
	vm7 =	vne.s32 v4, v11  }
0x6c: {  	v4 =	vld.idx.msk [tilespmem:v7+s26+$0x0], vm1;
	v61 =	vmpcnt.ones.xlane vm6;
	vm7 =	vmand vm0, vm7;
	vm0 =	vne.s32 v10, v2  }
0x6d: {  	v2 =	vmpcnt.ones.xlane vm7;
	vm0 =	vmand vm10, vm0;
	(v2sf) =	vpush v60, $0x0  }
0x6e: {  	v62 =	vld.idx.msk [tilespmem:v15+s26+$0x0], vm3;
	vm10 =	vne.s32 v14, v24;
	v63 =	vmpcnt.ones.xlane vm0;
	(v2sf) =	vpush v61, $0x0  }
0x6f: {  	v6 =	vld.idx.msk [tilespmem:v6+s26+$0x0], vm5;
	vm8 =	vmand vm8, vm10;
	vm10 =	vne.s32 v8, v26;
	(v2sf) =	vpush v2, $0x0  }
0x70: {  	v2 =	vmpcnt.ones.xlane vm8;
	vm4 =	vmand vm4, vm10;
	vm10 =	vne.s32 v3, v54  }
0x71: {  	v3 =	vmpcnt.ones.xlane vm4;
	vm2 =	vmand vm2, vm10;
	vm10 =	vne.s32 v4, v5  }
0x72: {  	v4 =	vmpcnt.ones.xlane vm2;
	vm1 =	vmand vm1, vm10;
	(v2sf) =	vpush v2, $0x0  }
0x73: {  	vm10 =	vne.s32 v62, v56;
	v2 =	vmpcnt.ones.xlane vm1;
	(v2sf) =	vpush v63, $0x0  }
0x74: {  	s19 =	simm.s32 $0x0;
	vm3 =	vmand vm3, vm10;
	vm10 =	vne.s32 v6, v57;
	(v2sf) =	vpush v3, $0x0  }
0x75: {  	s28 =	simm.s32 $0x90;
	s29 =	simm.s32 $0x130;
	[tilespmem:s19+$0x14480] =	vst.msk vm9, v59;
	v3 =	vmpcnt.ones.xlane vm3;
	vm5 =	vmand vm5, vm10;
	(v2sf) =	vpush v4, $0x0  }
.LBB2_4:
0x76: {  	p0 =	sne.s32 s29, $0x4E10;
	v4 =	vmpcnt.ones.xlane vm5;
	s18 =	sadd.s32 $0xA0, s18;
	s23 =	sadd.s32 $0xA0, s23;
	(v2sf) =	vpush v2, $0x0  }
0x77: {  	s30 =	smov.u32 s29;
	s29 =	sadd.s32 $0xA0, s29;
	(v2sf) =	vpush v3, $0x0  }
0x78: {  	(v2sf) =	vpush v4, $0x0;
	_ =	sdelay $0x3  }
0x79: {  	s20 =	sadd.s32 $0xFFFFFF80, s28;
	s21 =	spop (v2sf)  }
0x7a: {  	s31 =	sadd.s32 $0xFFFFFF90, s28;
	v2 =	vor.u32 s20, v1;
	s19 =	sadd.s32 s19, s21;
	s20 =	spop (v2sf)  }
0x7b: {  	v3 =	vor.u32 s31, v1;
	s21 =	sadd.s32 $0xFFFFFFA0, s28;
	[tilespmem:s19+$0x14480] =	vst.msk vm6, v2;
	s19 =	sadd.s32 s19, s20;
	s20 =	spop (v2sf)  }
0x7c: {  	s31 =	sadd.s32 $0xFFFFFFC0, s28;
	v2 =	vor.u32 s21, v1;
	[tilespmem:s19+$0x14480] =	vst.msk vm7, v3;
	s19 =	sadd.s32 s19, s20  }
0x7d: {  	s0 =	sadd.s32 $0xFFFFFFB0, s28;
	s17 =	sadd.s32 $0xFFFFFFF0, s30;
	s20 =	sadd.s32 $0xFFFFFF70, s30;
	[tilespmem:s19+$0x14480] =	vst.msk vm8, v2  }
0x7e: {  	s21 =	sand.u32 $0xFF80, s17;
	s3 =	sand.u32 $0x60, s20;
	s4 =	spop (v2sf)  }
0x7f: {  	v2 =	vor.u32 s0, v1;
	s21 =	sor.u32 s3, s21;
	s0 =	sadd.s32 s19, s4;
	s3 =	spop (v2sf)  }
0x80: {  	v3 =	vor.u32 s31, v1;
	s4 =	sadd.s32 $0xFFFFFFD0, s28;
	[tilespmem:s0+$0x14480] =	vst.msk vm0, v2;
	s0 =	sadd.s32 s0, s3;
	s3 =	spop (v2sf)  }
0x81: {  	s19 =	sadd.s32 $0xFFFFFFE0, s28;
	v2 =	vor.u32 s4, v1;
	[tilespmem:s0+$0x14480] =	vst.msk vm4, v3;
	s0 =	sadd.s32 s0, s3;
	s3 =	spop (v2sf)  }
0x82: {  	v3 =	vor.u32 s19, v1;
	[tilespmem:s0+$0x14480] =	vst.msk vm2, v2;
	s0 =	sadd.s32 s0, s3;
	s3 =	spop (v2sf)  }
0x83: {  	v2 =	vor.u32 s16, v1;
	s16 =	smov.u32 s17;
	[tilespmem:s0+$0x14480] =	vst.msk vm1, v3;
	s0 =	sadd.s32 s0, s3;
	s3 =	spop (v2sf)  }
0x84: {  	v3 =	vor.u32 s28, v1;
	s28 =	smov.u32 s30;
	[tilespmem:s0+$0x14480] =	vst.msk vm3, v2;
	s0 =	sadd.s32 s0, s3;
	s3 =	spop (v2sf)  }
0x85: {  	[tilespmem:s0+$0x14480] =	vst.msk vm5, v3;
	s19 =	sadd.s32 s0, s3  }
0x86: {  	v3 =	vld [tilespmem:s18+$0xFFFFFFF0]  }
0x87: {  	v4 =	vld [tilespmem:s18+$0xFFFFFFC0]  }
0x88: {  	v5 =	vld [tilespmem:s23+$0xFFFFFFB0]  }
0x89: {  	v6 =	vld [tilespmem:s23+$0xFFFFFFD0]  }
0x8a: {  	v2 =	vld [tilespmem:s18+$0x20]  }
0x8b: {  	v7 =	vld [tilespmem:s23+$0x40]  }
0x8c: {  	v8 =	vld [tilespmem:s23+$0x20]  }
0x8d: {  	v9 =	vld [tilespmem:s23+$0x0]  }
0x8e: {  	v10 =	vld [tilespmem:s23+$0x10]  }
0x8f: {  	v11 =	vld [tilespmem:s23+$0xFFFFFFF0]  }
0x90: {  	v12 =	vld [tilespmem:s18+$0xFFFFFFD0]  }
0x91: {  	v13 =	vld [tilespmem:s18+$0xFFFFFFB0]  }
0x92: {  	v14 =	vld [tilespmem:s23+$0xFFFFFFC0]  }
0x93: {  	v15 =	vld [tilespmem:s23+$0xFFFFFFE0]  }
0x94: {  	v16 =	vld [tilespmem:s21+$0x0]  }
0x95: {  	v17 =	vld.idx.msk [tilespmem:v6+s26+$0x0], $0xffff  }
0x96: {  	v18 =	vld.idx.msk [tilespmem:v10+s26+$0x0], $0xffff  }
0x97: {  	v19 =	vld.idx.msk [tilespmem:v11+s26+$0x0], $0xffff  }
0x98: {  	v20 =	vld.idx.msk [tilespmem:v8+s26+$0x0], $0xffff  }
0x99: {  	v21 =	vld.idx.msk [tilespmem:v5+s26+$0x0], $0xffff  }
0x9a: {  	v22 =	vld.idx.msk [tilespmem:v14+s26+$0x0], $0xffff  }
0x9b: {  	v23 =	vld.idx.msk [tilespmem:v7+s26+$0x0], $0xffff  }
0x9c: {  	v24 =	vld.idx.msk [tilespmem:v15+s26+$0x0], $0xffff  }
0x9d: {  	v25 =	vld [tilespmem:s18+$0xFFFFFFE0]  }
0x9e: {  	v26 =	vld.idx.msk [tilespmem:v9+s26+$0x0], $0xffff  }
0x9f: {  	vm7 =	vgt.s32 v13, v21;
	v27 =	vld [tilespmem:s18+$0x0]  }
0xa0: {  	vm6 =	vgt.s32 v4, v22;
	v21 =	vld [tilespmem:s18+$0x10]  }
0xa1: {  	vm0 =	vgt.s32 v12, v17;
	v22 =	vld.idx.msk [tilespmem:v16+s26+$0x0], $0xffff  }
0xa2: {  	v17 =	vld [tilespmem:s21+$0x4E80];
	vm4 =	vgt.s32 v25, v24  }
0xa3: {  	vm8 =	vgt.s32 v3, v19;
	v24 =	vld [tilespmem:s18+$0x40]  }
0xa4: {  	vm9 =	vgt.s32 v27, v26  }
0xa5: {  	vm2 =	vgt.s32 v21, v18;
	[tilespmem:v5+s26+$0x0] =	vst.idx.msk vm7, v13  }
0xa6: {  	vm1 =	vgt.s32 v2, v20;
	[tilespmem:v14+s26+$0x0] =	vst.idx.msk vm6, v4  }
0xa7: {  	vm3 =	vgt.s32 v17, v22;
	[tilespmem:v6+s26+$0x0] =	vst.idx.msk vm0, v12  }
0xa8: {  	vm5 =	vgt.s32 v24, v23;
	[tilespmem:v15+s26+$0x0] =	vst.idx.msk vm4, v25  }
0xa9: {  	[tilespmem:v11+s26+$0x0] =	vst.idx.msk vm8, v3  }
0xaa: {  	[tilespmem:v9+s26+$0x0] =	vst.idx.msk vm9, v27  }
0xab: {  	[tilespmem:v10+s26+$0x0] =	vst.idx.msk vm2, v21  }
0xac: {  	[tilespmem:v8+s26+$0x0] =	vst.idx.msk vm1, v2  }
0xad: {  	[tilespmem:v16+s26+$0x0] =	vst.idx.msk vm3, v17  }
0xae: {  	[tilespmem:v7+s26+$0x0] =	vst.idx.msk vm5, v24  }
0xaf: {  	v5 =	vld.idx.msk [tilespmem:v5+s26+$0x0], vm7  }
0xb0: {  	v14 =	vld.idx.msk [tilespmem:v14+s26+$0x0], vm6  }
0xb1: {  	v6 =	vld.idx.msk [tilespmem:v6+s26+$0x0], vm0  }
0xb2: {  	v11 =	vld.idx.msk [tilespmem:v11+s26+$0x0], vm8  }
0xb3: {  	v9 =	vld.idx.msk [tilespmem:v9+s26+$0x0], vm9  }
0xb4: {  	v15 =	vld.idx.msk [tilespmem:v15+s26+$0x0], vm4  }
0xb5: {  	vm10 =	vne.s32 v5, v13;
	v10 =	vld.idx.msk [tilespmem:v10+s26+$0x0], vm2  }
0xb6: {  	v5 =	vor.u32 s20, v1;
	vm10 =	vmand vm7, vm10;
	vm7 =	vne.s32 v14, v4;
	v8 =	vld.idx.msk [tilespmem:v8+s26+$0x0], vm1  }
0xb7: {  	v13 =	vmpcnt.ones.xlane vm10;
	vm6 =	vmand vm6, vm7;
	vm7 =	vne.s32 v6, v12;
	v4 =	vld.idx.msk [tilespmem:v16+s26+$0x0], vm3  }
0xb8: {  	vm7 =	vmand vm0, vm7;
	vm0 =	vne.s32 v11, v3;
	v6 =	vld.idx.msk [tilespmem:v7+s26+$0x0], vm5;
	v7 =	vmpcnt.ones.xlane vm6  }
0xb9: {  	v3 =	vmpcnt.ones.xlane vm7;
	vm0 =	vmand vm8, vm0;
	[tilespmem:s19+$0x14480] =	vst.msk vm10, v5;
	(v2sf) =	vpush v13, $0x0  }
0xba: {  	vm8 =	vne.s32 v15, v25;
	v5 =	vmpcnt.ones.xlane vm0;
	(v2sf) =	vpush v7, $0x0  }
0xbb: {  	vm8 =	vmand vm4, vm8;
	vm4 =	vne.s32 v9, v27;
	(v2sf) =	vpush v3, $0x0  }
0xbc: {  	v3 =	vmpcnt.ones.xlane vm8;
	vm4 =	vmand vm9, vm4;
	vm9 =	vne.s32 v10, v21  }
.Ltmp2:
0xbd: {  	v7 =	vmpcnt.ones.xlane vm4;
	vm2 =	vmand vm2, vm9;
	vm9 =	vne.s32 v8, v2;
	(pc) =	sbr.rel @p0 .LBB2_4-.Ltmp2, $4  }
0xbe: {  	v8 =	vmpcnt.ones.xlane vm2;
	vm1 =	vmand vm1, vm9;
	(v2sf) =	vpush v3, $0x0  }
0xbf: {  	vm9 =	vne.s32 v4, v17;
	v2 =	vmpcnt.ones.xlane vm1;
	(v2sf) =	vpush v5, $0x0  }
0xc0: {  	vm3 =	vmand vm3, vm9;
	vm9 =	vne.s32 v6, v24;
	(v2sf) =	vpush v7, $0x0  }
0xc1: {  	v3 =	vmpcnt.ones.xlane vm3;
	vm5 =	vmand vm5, vm9;
	(v2sf) =	vpush v8, $0x0  }
0xc2: {  	v4 =	vmpcnt.ones.xlane vm5;
	(v2sf) =	vpush v2, $0x0  }
0xc3: {  	(v2sf) =	vpush v3, $0x0  }
0xc4: {  	(v2sf) =	vpush v4, $0x0;
	_ =	sdelay $0x5  }
0xc5: {  	s0 =	spop (v2sf)  }
0xc6: {  	s0 =	sadd.s32 s19, s0;
	s3 =	spop (v2sf)  }
0xc7: {  	s3 =	sadd.s32 s0, s3;
	s4 =	spop (v2sf)  }
0xc8: {  	s4 =	sadd.s32 s3, s4;
	s17 =	spop (v2sf)  }
0xc9: {  	s17 =	sadd.s32 s4, s17;
	s18 =	spop (v2sf)  }
0xca: {  	s18 =	sadd.s32 s17, s18;
	s29 =	spop (v2sf)  }
0xcb: {  	s19 =	sadd.s32 s18, s29;
	s20 =	spop (v2sf)  }
0xcc: {  	s20 =	sadd.s32 s19, s20;
	s21 =	spop (v2sf)  }
0xcd: {  	s23 =	sadd.s32 $0xFFFFFF80, s28;
	s21 =	sadd.s32 s20, s21;
	s26 =	spop (v2sf)  }
0xce: {  	v2 =	vor.u32 s23, v1;
	s29 =	sadd.s32 $0xFFFFFF90, s28;
	s23 =	sadd.s32 s21, s26;
	s30 =	spop (v2sf)  }
0xcf: {  	s31 =	sadd.s32 $0xFFFFFFA0, s28;
	[tilespmem:s0+$0x14480] =	vst.msk vm6, v2;
	v3 =	vor.u32 s29, v1;
	s0 =	sadd.s32 s23, s30  }
0xd0: {  	s5 =	sadd.s32 $0xFFFFFFB0, s28;
	v2 =	vor.u32 s31, v1;
	[tilespmem:s3+$0x14480] =	vst.msk vm7, v3;
	s26 =	sadd.s32 $0xF, s0  }
0xd1: {  	s31 =	sadd.s32 $0xFFFFFFD0, s28;
	[tilespmem:s4+$0x14480] =	vst.msk vm8, v2;
	v2 =	vor.u32 s5, v1;
	s5 =	sand.u32 $0xF, s26  }
0xd2: {  	s29 =	sshra.s32 s26, $0x1F;
	p1 =	slt.s32 s26, $0x1;
	p0 =	sne.s32 s5, $0x0  }
0xd3: {  	s30 =	sadd.s32 $0xFFFFFFC0, s28;
	s4 =	sshrl.u32 s29, $0x1C;
	p0 =	por !p1, !p0  }
0xd4: {  	[tilespmem:s17+$0x14480] =	vst.msk vm0, v2;
	v2 =	vor.u32 s31, v1;
	v3 =	vor.u32 s30, v1;
	s31 =	sadd.s32 s4, s26;
	s4 =	simm.s32 $0x1;
	p0 =	por !p0, !p0  }
0xd5: {  	[tilespmem:s18+$0x14480] =	vst.msk vm4, v3;
	s3 =	sshra.s32 s31, $0x4;
	s4 =	simm.s32 @!p0 $0x0  }
0xd6: {  	[tilespmem:s19+$0x14480] =	vst.msk vm2, v2;
	v2 =	vor.u32 s16, v1;
	s16 =	ssub.s32 s3, s4  }
0xd7: {  	s30 =	sadd.s32 $0xFFFFFFE0, s28;
	p0 =	slt.s32 s16, $0x1  }
.Ltmp3:
0xd8: {  	v3 =	vor.u32 s30, v1;
	(pc) =	sbr.rel @p0 .LBB2_8-.Ltmp3, $4  }
0xd9: {  	[tilespmem:s20+$0x14480] =	vst.msk vm1, v3  }
0xda: {  	v1 =	vor.u32 s28, v1;
	[tilespmem:s21+$0x14480] =	vst.msk vm3, v2  }
0xdb: {  	[tilespmem:s23+$0x14480] =	vst.msk vm5, v1;
	v1 =	vimm.s32 $0x0  }
0xdc: {  	[tilespmem:s0+$0x14480] =	vst v1  }
0xdd: {  	s18 =	simm.s32 $0x14480  }
0xde: {  	s19 =	simm.s32 $0x0;
	s20 =	simm.s32 $0x4E80;
	s21 =	simm.s32 $0x9D00  }
.LBB2_7:
0xdf: {  	v1 =	vld [tilespmem:s18+$0x0];
	_ =	sdelay $0x7  }
0xe0: {  	v2 =	vld.idx.msk [tilespmem:v1+s19+$0x0], $0xffff;
	_ =	sdelay $0x6  }
0xe1: {  	v1 =	vld.idx.msk [tilespmem:v1+s20+$0x0], $0xffff  }
0xe2: {  	v3 =	vld.idx.msk [tilespmem:v2+s21+$0x0], $0xffff;
	_ =	sdelay $0x4  }
0xe3: {  	vm0 =	vgt.s32 v1, v3;
	_ =	sdelay $0x5  }
0xe4: {  	[tilespmem:v2+s21+$0x0] =	vst.idx.msk vm0, v1  }
0xe5: {  	v3 =	vld.idx.msk [tilespmem:v2+s21+$0x0], $0xffff;
	_ =	sdelay $0x4  }
0xe6: {  	vm13 =	vgt.s32 v1, v3;
	_ =	sdelay $0x5  }
0xe7: {  	[tilespmem:v2+s21+$0x0] =	vst.idx.msk vm13, v1  }
0xe8: {  	v3 =	vld.idx.msk [tilespmem:v2+s21+$0x0], $0xffff;
	_ =	sdelay $0x4  }
0xe9: {  	vm14 =	vgt.s32 v1, v3;
	_ =	sdelay $0x5  }
0xea: {  	[tilespmem:v2+s21+$0x0] =	vst.idx.msk vm14, v1  }
0xeb: {  	v3 =	vld.idx.msk [tilespmem:v2+s21+$0x0], $0xffff;
	_ =	sdelay $0x4  }
0xec: {  	vm15 =	vgt.s32 v1, v3;
	_ =	sdelay $0x5  }
0xed: {  	[tilespmem:v2+s21+$0x0] =	vst.idx.msk vm15, v1  }
0xee: {  	v3 =	vld.idx.msk [tilespmem:v2+s21+$0x0], $0xffff;
	_ =	sdelay $0x4  }
0xef: {  	vm4 =	vgt.s32 v1, v3;
	_ =	sdelay $0x5  }
0xf0: {  	[tilespmem:v2+s21+$0x0] =	vst.idx.msk vm4, v1  }
0xf1: {  	v3 =	vld.idx.msk [tilespmem:v2+s21+$0x0], $0xffff;
	_ =	sdelay $0x4  }
0xf2: {  	vm5 =	vgt.s32 v1, v3;
	_ =	sdelay $0x5  }
0xf3: {  	[tilespmem:v2+s21+$0x0] =	vst.idx.msk vm5, v1  }
0xf4: {  	v3 =	vld.idx.msk [tilespmem:v2+s21+$0x0], $0xffff;
	_ =	sdelay $0x4  }
0xf5: {  	vm6 =	vgt.s32 v1, v3;
	_ =	sdelay $0x5  }
0xf6: {  	[tilespmem:v2+s21+$0x0] =	vst.idx.msk vm6, v1  }
0xf7: {  	v3 =	vld.idx.msk [tilespmem:v2+s21+$0x0], $0xffff;
	_ =	sdelay $0x4  }
0xf8: {  	vm7 =	vgt.s32 v1, v3;
	_ =	sdelay $0x5  }
0xf9: {  	[tilespmem:v2+s21+$0x0] =	vst.idx.msk vm7, v1  }
0xfa: {  	v3 =	vld.idx.msk [tilespmem:v2+s21+$0x0], $0xffff;
	_ =	sdelay $0x4  }
0xfb: {  	vm8 =	vgt.s32 v1, v3;
	_ =	sdelay $0x5  }
0xfc: {  	[tilespmem:v2+s21+$0x0] =	vst.idx.msk vm8, v1  }
0xfd: {  	v3 =	vld.idx.msk [tilespmem:v2+s21+$0x0], $0xffff;
	_ =	sdelay $0x4  }
0xfe: {  	vm9 =	vgt.s32 v1, v3;
	_ =	sdelay $0x5  }
0xff: {  	[tilespmem:v2+s21+$0x0] =	vst.idx.msk vm9, v1  }
0x100: {  	v3 =	vld.idx.msk [tilespmem:v2+s21+$0x0], $0xffff;
	_ =	sdelay $0x4  }
0x101: {  	vm10 =	vgt.s32 v1, v3;
	_ =	sdelay $0x5  }
0x102: {  	[tilespmem:v2+s21+$0x0] =	vst.idx.msk vm10, v1  }
0x103: {  	v3 =	vld.idx.msk [tilespmem:v2+s21+$0x0], $0xffff;
	_ =	sdelay $0x4  }
0x104: {  	vm11 =	vgt.s32 v1, v3;
	_ =	sdelay $0x5  }
0x105: {  	[tilespmem:v2+s21+$0x0] =	vst.idx.msk vm11, v1  }
0x106: {  	v3 =	vld.idx.msk [tilespmem:v2+s21+$0x0], $0xffff;
	_ =	sdelay $0x4  }
0x107: {  	vm12 =	vgt.s32 v1, v3;
	_ =	sdelay $0x5  }
0x108: {  	[tilespmem:v2+s21+$0x0] =	vst.idx.msk vm12, v1  }
0x109: {  	v3 =	vld.idx.msk [tilespmem:v2+s21+$0x0], $0xffff;
	_ =	sdelay $0x4  }
0x10a: {  	vm13 =	vgt.s32 v1, v3;
	_ =	sdelay $0x5  }
0x10b: {  	[tilespmem:v2+s21+$0x0] =	vst.idx.msk vm13, v1  }
0x10c: {  	v3 =	vld.idx.msk [tilespmem:v2+s21+$0x0], $0xffff;
	_ =	sdelay $0x4  }
0x10d: {  	vm14 =	vgt.s32 v1, v3;
	_ =	sdelay $0x5  }
0x10e: {  	[tilespmem:v2+s21+$0x0] =	vst.idx.msk vm14, v1  }
0x10f: {  	v3 =	vld.idx.msk [tilespmem:v2+s21+$0x0], $0xffff;
	_ =	sdelay $0x4  }
0x110: {  	vm15 =	vgt.s32 v1, v3  }
0x111: {  	p0 =	sne.s32 s16, $0x1  }
.Ltmp4:
0x112: {  	_ = 	snop;
	(pc) =	sbr.rel @p0 .LBB2_7-.Ltmp4, $2  }
0x113: {  	_ =	sdelay $0x2  }
0x114: {  	s18 =	sadd.s32 $0x10, s18;
	s16 =	sadd.s32 $0xFFFFFFFF, s16;
	[tilespmem:v2+s21+$0x0] =	vst.idx.msk vm15, v1  }
.LBB2_8:
0x115: {  	s0 =	simm.s32 $0x80  }
0x116: {  	s3 =	simm.s32 $0x400;
	s4 =	simm.s32 $0x9D00;
	s28 =	simm.s32 $0x3  }
0x117: {  	[spmem:s13] =	stream.strided.scatter [tilespmem:s4], [sflag:$0x3], $0x2800, s3, s0, $0x38;
	[tilespmem:$0x1F380] =	vst v63  }
0x118: {  	_ =	swait.ge [sflag:s28], $0x2800  }
0x119: {  	[sflag:s28] =	ssyncset.done $0x0  }
0x11a: {  	[sflag:s28] =	ssyncadd.s32 $0xFFFFD800  }
0x11b: {  	s16 =	simm.s32 $0x14200;
	[bflag:$0x0] =	sbarrier.arrive $0xFFFF  }
0x11c: {  	[tilespmem:s16], [sflag:$0x3] =	stream.strided.gather [spmem:s24], $0x280, s3, s0, $0x38;
	[tilespmem:$0x1F380] =	vst v63  }
0x11d: {  	_ =	swait.ge [sflag:s28], $0x280  }
0x11e: {  	[sflag:s28] =	ssyncset.done $0x0  }
0x11f: {  	s29 =	simm.s32 $0x13F80;
	[sflag:s28] =	ssyncadd.s32 $0xFFFFFD80  }
0x120: {  	[tilespmem:s29], [sflag:$0x2] =	stream.strided.gather [spmem:s22], $0x280, s3, s0, $0x38;
	[tilespmem:$0x1F380] =	vst v63  }
0x121: {  	s30 =	simm.s32 $0x13D00;
	s31 =	simm.s32 $0x2  }
0x122: {  	[tilespmem:s30], [sflag:$0x1] =	stream.strided.gather [spmem:s12], $0x280, s3, s0, $0x38;
	[tilespmem:$0x1F380] =	vst v63  }
0x123: {  	_ =	swait.ge [sflag:s31], $0x280  }
0x124: {  	[sflag:s31] =	ssyncset.done $0x0  }
0x125: {  	s16 =	simm.s32 $0x0;
	[sflag:s31] =	ssyncadd.s32 $0xFFFFFD80  }
0x126: {  	s18 =	simm.s32 $0x40;
	v1 =	vld [tilespmem:s16+$0x13F80]  }
.LBB2_9:
0x127: {  	p0 =	sne.s32 s18, $0x9C0;
	v2 =	vld [tilespmem:s16+$0x14200];
	_ =	sdelay $0x2  }
.Ltmp5:
0x128: {  	(pc) =	sbr.rel @p0 .LBB2_9-.Ltmp5, $4  }
0x129: {  	_ = 	snop  }
0x12a: {  	vm0 =	vgt.s32 v2, v1  }
0x12b: {  	s0 =	sshra.s32 s18, $0x2;
	v2 =	vsel vm0, v2, v1  }
0x12c: {  	s18 =	sadd.s32 $0x40, s18;
	v1 =	vld [tilespmem:s0+$0x13F80];
	[tilespmem:s16+$0x14200] =	vst v2;
	s16 =	smov.u32 s0  }
0x12d: {  	v2 =	vld [tilespmem:s16+$0x14200];
	_ =	sdelay $0x4  }
0x12e: {  	vm0 =	vgt.s32 v2, v1  }
0x12f: {  	s0 =	simm.s32 $0x80;
	v1 =	vsel vm0, v2, v1  }
0x130: {  	s3 =	simm.s32 $0x400;
	s4 =	simm.s32 $0x13F80;
	s31 =	simm.s32 $0x1;
	[tilespmem:s16+$0x14200] =	vst v1  }
0x131: {  	[tilespmem:s4], [sflag:$0x2] =	stream.strided.gather [spmem:s11], $0x280, s3, s0, $0x38;
	[tilespmem:$0x1F380] =	vst v63  }
0x132: {  	_ =	swait.ge [sflag:s31], $0x280  }
0x133: {  	[sflag:s31] =	ssyncset.done $0x0  }
0x134: {  	s16 =	simm.s32 $0x0;
	[sflag:s31] =	ssyncadd.s32 $0xFFFFFD80  }
0x135: {  	s18 =	simm.s32 $0x40;
	v1 =	vld [tilespmem:s16+$0x13D00];
	s5 =	rddreg [dreg:$0x6]  }
.LBB2_11:
0x136: {  	p0 =	sne.s32 s18, $0x9C0;
	v2 =	vld [tilespmem:s16+$0x14200];
	_ =	sdelay $0x2  }
.Ltmp6:
0x137: {  	(pc) =	sbr.rel @p0 .LBB2_11-.Ltmp6, $4  }
0x138: {  	_ = 	snop  }
0x139: {  	vm0 =	vgt.s32 v2, v1  }
0x13a: {  	s0 =	sshra.s32 s18, $0x2;
	v2 =	vsel vm0, v2, v1  }
0x13b: {  	s18 =	sadd.s32 $0x40, s18;
	v1 =	vld [tilespmem:s0+$0x13D00];
	[tilespmem:s16+$0x14200] =	vst v2;
	s16 =	smov.u32 s0  }
0x13c: {  	v2 =	vld [tilespmem:s16+$0x14200];
	_ =	sdelay $0x4  }
0x13d: {  	vm0 =	vgt.s32 v2, v1  }
0x13e: {  	s0 =	simm.s32 $0x80;
	v1 =	vsel vm0, v2, v1  }
0x13f: {  	s3 =	simm.s32 $0x400;
	s4 =	simm.s32 $0x13D00;
	s31 =	simm.s32 $0x2;
	[tilespmem:s16+$0x14200] =	vst v1  }
0x140: {  	[tilespmem:s4], [sflag:$0x1] =	stream.strided.gather [spmem:s10], $0x280, s3, s0, $0x38;
	[tilespmem:$0x1F380] =	vst v63  }
0x141: {  	_ =	swait.ge [sflag:s31], $0x280  }
0x142: {  	[sflag:s31] =	ssyncset.done $0x0  }
0x143: {  	s16 =	simm.s32 $0x0;
	[sflag:s31] =	ssyncadd.s32 $0xFFFFFD80  }
0x144: {  	s18 =	simm.s32 $0x40;
	v1 =	vld [tilespmem:s16+$0x13F80]  }
.LBB2_13:
0x145: {  	p0 =	sne.s32 s18, $0x9C0;
	v2 =	vld [tilespmem:s16+$0x14200];
	_ =	sdelay $0x2  }
.Ltmp7:
0x146: {  	(pc) =	sbr.rel @p0 .LBB2_13-.Ltmp7, $4  }
0x147: {  	_ = 	snop  }
0x148: {  	vm0 =	vgt.s32 v2, v1  }
0x149: {  	s0 =	sshra.s32 s18, $0x2;
	v2 =	vsel vm0, v2, v1  }
0x14a: {  	s18 =	sadd.s32 $0x40, s18;
	v1 =	vld [tilespmem:s0+$0x13F80];
	[tilespmem:s16+$0x14200] =	vst v2;
	s16 =	smov.u32 s0  }
0x14b: {  	v2 =	vld [tilespmem:s16+$0x14200];
	_ =	sdelay $0x4  }
0x14c: {  	vm0 =	vgt.s32 v2, v1  }
0x14d: {  	s0 =	simm.s32 $0x80;
	v1 =	vsel vm0, v2, v1  }
0x14e: {  	s3 =	simm.s32 $0x400;
	s4 =	simm.s32 $0x13F80;
	s31 =	simm.s32 $0x1;
	[tilespmem:s16+$0x14200] =	vst v1  }
0x14f: {  	[tilespmem:s4], [sflag:$0x2] =	stream.strided.gather [spmem:s9], $0x280, s3, s0, $0x38;
	[tilespmem:$0x1F380] =	vst v63  }
0x150: {  	_ =	swait.ge [sflag:s31], $0x280  }
0x151: {  	[sflag:s31] =	ssyncset.done $0x0  }
0x152: {  	s16 =	simm.s32 $0x0;
	[sflag:s31] =	ssyncadd.s32 $0xFFFFFD80  }
0x153: {  	s18 =	simm.s32 $0x40;
	v1 =	vld [tilespmem:s16+$0x13D00]  }
.LBB2_15:
0x154: {  	p0 =	sne.s32 s18, $0x9C0;
	v2 =	vld [tilespmem:s16+$0x14200];
	_ =	sdelay $0x2  }
.Ltmp8:
0x155: {  	(pc) =	sbr.rel @p0 .LBB2_15-.Ltmp8, $4  }
0x156: {  	_ = 	snop  }
0x157: {  	vm0 =	vgt.s32 v2, v1  }
0x158: {  	s0 =	sshra.s32 s18, $0x2;
	v2 =	vsel vm0, v2, v1  }
0x159: {  	s18 =	sadd.s32 $0x40, s18;
	v1 =	vld [tilespmem:s0+$0x13D00];
	[tilespmem:s16+$0x14200] =	vst v2;
	s16 =	smov.u32 s0  }
0x15a: {  	v2 =	vld [tilespmem:s16+$0x14200];
	_ =	sdelay $0x4  }
0x15b: {  	vm0 =	vgt.s32 v2, v1  }
0x15c: {  	s0 =	simm.s32 $0x80;
	v1 =	vsel vm0, v2, v1  }
0x15d: {  	s3 =	simm.s32 $0x400;
	s4 =	simm.s32 $0x13D00;
	s31 =	simm.s32 $0x2;
	[tilespmem:s16+$0x14200] =	vst v1  }
0x15e: {  	[tilespmem:s4], [sflag:$0x1] =	stream.strided.gather [spmem:s8], $0x280, s3, s0, $0x38;
	[tilespmem:$0x1F380] =	vst v63  }
0x15f: {  	_ =	swait.ge [sflag:s31], $0x280  }
0x160: {  	[sflag:s31] =	ssyncset.done $0x0  }
0x161: {  	s16 =	simm.s32 $0x0;
	[sflag:s31] =	ssyncadd.s32 $0xFFFFFD80  }
0x162: {  	s18 =	simm.s32 $0x40;
	v1 =	vld [tilespmem:s16+$0x13F80]  }
.LBB2_17:
0x163: {  	p0 =	sne.s32 s18, $0x9C0;
	v2 =	vld [tilespmem:s16+$0x14200];
	_ =	sdelay $0x2  }
.Ltmp9:
0x164: {  	(pc) =	sbr.rel @p0 .LBB2_17-.Ltmp9, $4  }
0x165: {  	_ = 	snop  }
0x166: {  	vm0 =	vgt.s32 v2, v1  }
0x167: {  	s0 =	sshra.s32 s18, $0x2;
	v2 =	vsel vm0, v2, v1  }
0x168: {  	s18 =	sadd.s32 $0x40, s18;
	v1 =	vld [tilespmem:s0+$0x13F80];
	[tilespmem:s16+$0x14200] =	vst v2;
	s16 =	smov.u32 s0  }
0x169: {  	v2 =	vld [tilespmem:s16+$0x14200];
	_ =	sdelay $0x4  }
0x16a: {  	vm0 =	vgt.s32 v2, v1  }
0x16b: {  	s0 =	simm.s32 $0x80;
	v1 =	vsel vm0, v2, v1  }
0x16c: {  	s3 =	simm.s32 $0x400;
	s4 =	simm.s32 $0x13F80;
	s31 =	simm.s32 $0x1;
	[tilespmem:s16+$0x14200] =	vst v1  }
0x16d: {  	[tilespmem:s4], [sflag:$0x2] =	stream.strided.gather [spmem:s7], $0x280, s3, s0, $0x38;
	[tilespmem:$0x1F380] =	vst v63  }
0x16e: {  	_ =	swait.ge [sflag:s31], $0x280  }
0x16f: {  	[sflag:s31] =	ssyncset.done $0x0  }
0x170: {  	s16 =	simm.s32 $0x0;
	[sflag:s31] =	ssyncadd.s32 $0xFFFFFD80  }
0x171: {  	s18 =	simm.s32 $0x40;
	v1 =	vld [tilespmem:s16+$0x13D00]  }
.LBB2_19:
0x172: {  	p0 =	sne.s32 s18, $0x9C0;
	v2 =	vld [tilespmem:s16+$0x14200];
	_ =	sdelay $0x2  }
.Ltmp10:
0x173: {  	(pc) =	sbr.rel @p0 .LBB2_19-.Ltmp10, $4  }
0x174: {  	_ = 	snop  }
0x175: {  	vm0 =	vgt.s32 v2, v1  }
0x176: {  	s0 =	sshra.s32 s18, $0x2;
	v2 =	vsel vm0, v2, v1  }
0x177: {  	s18 =	sadd.s32 $0x40, s18;
	v1 =	vld [tilespmem:s0+$0x13D00];
	[tilespmem:s16+$0x14200] =	vst v2;
	s16 =	smov.u32 s0  }
0x178: {  	v2 =	vld [tilespmem:s16+$0x14200];
	_ =	sdelay $0x4  }
0x179: {  	vm0 =	vgt.s32 v2, v1  }
0x17a: {  	s0 =	simm.s32 $0x80;
	v1 =	vsel vm0, v2, v1  }
0x17b: {  	s3 =	simm.s32 $0x400;
	s4 =	simm.s32 $0x13D00;
	s31 =	simm.s32 $0x2;
	[tilespmem:s16+$0x14200] =	vst v1  }
0x17c: {  	[tilespmem:s4], [sflag:$0x1] =	stream.strided.gather [spmem:s6], $0x280, s3, s0, $0x38;
	[tilespmem:$0x1F380] =	vst v63  }
0x17d: {  	_ =	swait.ge [sflag:s31], $0x280  }
0x17e: {  	[sflag:s31] =	ssyncset.done $0x0  }
0x17f: {  	s16 =	simm.s32 $0x0;
	[sflag:s31] =	ssyncadd.s32 $0xFFFFFD80  }
0x180: {  	s18 =	simm.s32 $0x40;
	v1 =	vld [tilespmem:s16+$0x13F80]  }
.LBB2_21:
0x181: {  	p0 =	sne.s32 s18, $0x9C0;
	v2 =	vld [tilespmem:s16+$0x14200];
	_ =	sdelay $0x2  }
.Ltmp11:
0x182: {  	(pc) =	sbr.rel @p0 .LBB2_21-.Ltmp11, $4  }
0x183: {  	_ = 	snop  }
0x184: {  	vm0 =	vgt.s32 v2, v1  }
0x185: {  	s0 =	sshra.s32 s18, $0x2;
	v2 =	vsel vm0, v2, v1  }
0x186: {  	s18 =	sadd.s32 $0x40, s18;
	v1 =	vld [tilespmem:s0+$0x13F80];
	[tilespmem:s16+$0x14200] =	vst v2;
	s16 =	smov.u32 s0  }
0x187: {  	v2 =	vld [tilespmem:s16+$0x14200];
	_ =	sdelay $0x4  }
0x188: {  	s30 =	sld [smem:$0x7FA];
	vm0 =	vgt.s32 v2, v1  }
0x189: {  	s0 =	simm.s32 $0x80;
	v1 =	vsel vm0, v2, v1  }
0x18a: {  	s3 =	simm.s32 $0x400;
	s4 =	simm.s32 $0x13F80;
	s31 =	simm.s32 $0x1;
	[tilespmem:s16+$0x14200] =	vst v1  }
0x18b: {  	[tilespmem:s4], [sflag:$0x2] =	stream.strided.gather [spmem:s30], $0x280, s3, s0, $0x38;
	[tilespmem:$0x1F380] =	vst v63  }
0x18c: {  	_ =	swait.ge [sflag:s31], $0x280  }
0x18d: {  	[sflag:s31] =	ssyncset.done $0x0  }
0x18e: {  	s16 =	simm.s32 $0x0;
	[sflag:s31] =	ssyncadd.s32 $0xFFFFFD80  }
0x18f: {  	s18 =	simm.s32 $0x40;
	v1 =	vld [tilespmem:s16+$0x13D00]  }
.LBB2_23:
0x190: {  	p0 =	sne.s32 s18, $0x9C0;
	v2 =	vld [tilespmem:s16+$0x14200];
	_ =	sdelay $0x2  }
.Ltmp12:
0x191: {  	(pc) =	sbr.rel @p0 .LBB2_23-.Ltmp12, $4  }
0x192: {  	_ = 	snop  }
0x193: {  	vm0 =	vgt.s32 v2, v1  }
0x194: {  	s0 =	sshra.s32 s18, $0x2;
	v2 =	vsel vm0, v2, v1  }
0x195: {  	s18 =	sadd.s32 $0x40, s18;
	v1 =	vld [tilespmem:s0+$0x13D00];
	[tilespmem:s16+$0x14200] =	vst v2;
	s16 =	smov.u32 s0  }
0x196: {  	v2 =	vld [tilespmem:s16+$0x14200];
	_ =	sdelay $0x4  }
0x197: {  	s30 =	sld [smem:$0x7FB];
	vm0 =	vgt.s32 v2, v1  }
0x198: {  	s0 =	simm.s32 $0x80;
	v1 =	vsel vm0, v2, v1  }
0x199: {  	s3 =	simm.s32 $0x400;
	s4 =	simm.s32 $0x13D00;
	s31 =	simm.s32 $0x2;
	[tilespmem:s16+$0x14200] =	vst v1  }
0x19a: {  	[tilespmem:s4], [sflag:$0x1] =	stream.strided.gather [spmem:s30], $0x280, s3, s0, $0x38;
	[tilespmem:$0x1F380] =	vst v63  }
0x19b: {  	_ =	swait.ge [sflag:s31], $0x280  }
0x19c: {  	[sflag:s31] =	ssyncset.done $0x0  }
0x19d: {  	s16 =	simm.s32 $0x0;
	[sflag:s31] =	ssyncadd.s32 $0xFFFFFD80  }
0x19e: {  	s18 =	simm.s32 $0x40;
	v1 =	vld [tilespmem:s16+$0x13F80]  }
.LBB2_25:
0x19f: {  	p0 =	sne.s32 s18, $0x9C0;
	v2 =	vld [tilespmem:s16+$0x14200];
	_ =	sdelay $0x2  }
.Ltmp13:
0x1a0: {  	(pc) =	sbr.rel @p0 .LBB2_25-.Ltmp13, $4  }
0x1a1: {  	_ = 	snop  }
0x1a2: {  	vm0 =	vgt.s32 v2, v1  }
0x1a3: {  	s0 =	sshra.s32 s18, $0x2;
	v2 =	vsel vm0, v2, v1  }
0x1a4: {  	s18 =	sadd.s32 $0x40, s18;
	v1 =	vld [tilespmem:s0+$0x13F80];
	[tilespmem:s16+$0x14200] =	vst v2;
	s16 =	smov.u32 s0  }
0x1a5: {  	v2 =	vld [tilespmem:s16+$0x14200];
	_ =	sdelay $0x4  }
0x1a6: {  	s30 =	sld [smem:$0x7FC];
	vm0 =	vgt.s32 v2, v1  }
0x1a7: {  	s0 =	simm.s32 $0x80;
	v1 =	vsel vm0, v2, v1  }
0x1a8: {  	s3 =	simm.s32 $0x400;
	s4 =	simm.s32 $0x13F80;
	s31 =	simm.s32 $0x1;
	[tilespmem:s16+$0x14200] =	vst v1  }
0x1a9: {  	[tilespmem:s4], [sflag:$0x2] =	stream.strided.gather [spmem:s30], $0x280, s3, s0, $0x38;
	[tilespmem:$0x1F380] =	vst v63  }
0x1aa: {  	_ =	swait.ge [sflag:s31], $0x280  }
0x1ab: {  	[sflag:s31] =	ssyncset.done $0x0  }
0x1ac: {  	s16 =	simm.s32 $0x0;
	[sflag:s31] =	ssyncadd.s32 $0xFFFFFD80  }
0x1ad: {  	s18 =	simm.s32 $0x40;
	v1 =	vld [tilespmem:s16+$0x13D00]  }
.LBB2_27:
0x1ae: {  	p0 =	sne.s32 s18, $0x9C0;
	v2 =	vld [tilespmem:s16+$0x14200];
	_ =	sdelay $0x2  }
.Ltmp14:
0x1af: {  	(pc) =	sbr.rel @p0 .LBB2_27-.Ltmp14, $4  }
0x1b0: {  	_ = 	snop  }
0x1b1: {  	vm0 =	vgt.s32 v2, v1  }
0x1b2: {  	s0 =	sshra.s32 s18, $0x2;
	v2 =	vsel vm0, v2, v1  }
0x1b3: {  	s18 =	sadd.s32 $0x40, s18;
	v1 =	vld [tilespmem:s0+$0x13D00];
	[tilespmem:s16+$0x14200] =	vst v2;
	s16 =	smov.u32 s0  }
0x1b4: {  	v2 =	vld [tilespmem:s16+$0x14200];
	_ =	sdelay $0x4  }
0x1b5: {  	s30 =	sld [smem:$0x7FD];
	vm0 =	vgt.s32 v2, v1  }
0x1b6: {  	s0 =	simm.s32 $0x80;
	v1 =	vsel vm0, v2, v1  }
0x1b7: {  	s3 =	simm.s32 $0x400;
	s4 =	simm.s32 $0x13D00;
	s31 =	simm.s32 $0x2;
	[tilespmem:s16+$0x14200] =	vst v1  }
0x1b8: {  	[tilespmem:s4], [sflag:$0x1] =	stream.strided.gather [spmem:s30], $0x280, s3, s0, $0x38;
	[tilespmem:$0x1F380] =	vst v63  }
0x1b9: {  	_ =	swait.ge [sflag:s31], $0x280  }
0x1ba: {  	[sflag:s31] =	ssyncset.done $0x0  }
0x1bb: {  	s16 =	simm.s32 $0x0;
	[sflag:s31] =	ssyncadd.s32 $0xFFFFFD80  }
0x1bc: {  	s18 =	simm.s32 $0x40;
	v1 =	vld [tilespmem:s16+$0x13F80]  }
.LBB2_29:
0x1bd: {  	p0 =	sne.s32 s18, $0x9C0;
	v2 =	vld [tilespmem:s16+$0x14200];
	_ =	sdelay $0x2  }
.Ltmp15:
0x1be: {  	(pc) =	sbr.rel @p0 .LBB2_29-.Ltmp15, $4  }
0x1bf: {  	_ = 	snop  }
0x1c0: {  	vm0 =	vgt.s32 v2, v1  }
0x1c1: {  	s0 =	sshra.s32 s18, $0x2;
	v2 =	vsel vm0, v2, v1  }
0x1c2: {  	s18 =	sadd.s32 $0x40, s18;
	v1 =	vld [tilespmem:s0+$0x13F80];
	[tilespmem:s16+$0x14200] =	vst v2;
	s16 =	smov.u32 s0  }
0x1c3: {  	v2 =	vld [tilespmem:s16+$0x14200];
	_ =	sdelay $0x4  }
0x1c4: {  	vm0 =	vgt.s32 v2, v1  }
0x1c5: {  	s0 =	simm.s32 $0x80;
	s3 =	simm.s32 $0x400;
	v1 =	vsel vm0, v2, v1  }
0x1c6: {  	s4 =	simm.s32 $0x13F80;
	s30 =	rddreg [dreg:$0x1f];
	s31 =	simm.s32 $0x1;
	[tilespmem:s16+$0x14200] =	vst v1  }
0x1c7: {  	[tilespmem:s4], [sflag:$0x2] =	stream.strided.gather [spmem:s30], $0x280, s3, s0, $0x38;
	[tilespmem:$0x1F380] =	vst v63  }
0x1c8: {  	_ =	swait.ge [sflag:s31], $0x280  }
0x1c9: {  	[sflag:s31] =	ssyncset.done $0x0  }
0x1ca: {  	s16 =	simm.s32 $0x0;
	[sflag:s31] =	ssyncadd.s32 $0xFFFFFD80  }
0x1cb: {  	s18 =	simm.s32 $0x40;
	v1 =	vld [tilespmem:s16+$0x13D00]  }
.LBB2_31:
0x1cc: {  	p0 =	sne.s32 s18, $0x9C0;
	v2 =	vld [tilespmem:s16+$0x14200];
	_ =	sdelay $0x2  }
.Ltmp16:
0x1cd: {  	(pc) =	sbr.rel @p0 .LBB2_31-.Ltmp16, $4  }
0x1ce: {  	_ = 	snop  }
0x1cf: {  	vm0 =	vgt.s32 v2, v1  }
0x1d0: {  	s0 =	sshra.s32 s18, $0x2;
	v2 =	vsel vm0, v2, v1  }
0x1d1: {  	s18 =	sadd.s32 $0x40, s18;
	v1 =	vld [tilespmem:s0+$0x13D00];
	[tilespmem:s16+$0x14200] =	vst v2;
	s16 =	smov.u32 s0  }
0x1d2: {  	v2 =	vld [tilespmem:s16+$0x14200];
	_ =	sdelay $0x4  }
0x1d3: {  	vm0 =	vgt.s32 v2, v1  }
0x1d4: {  	s0 =	simm.s32 $0x80;
	s3 =	simm.s32 $0x400;
	v1 =	vsel vm0, v2, v1  }
0x1d5: {  	s4 =	simm.s32 $0x13D00;
	s30 =	rddreg [dreg:$0x1e];
	s31 =	simm.s32 $0x2;
	[tilespmem:s16+$0x14200] =	vst v1  }
0x1d6: {  	[tilespmem:s4], [sflag:$0x1] =	stream.strided.gather [spmem:s30], $0x280, s3, s0, $0x38;
	[tilespmem:$0x1F380] =	vst v63  }
0x1d7: {  	_ =	swait.ge [sflag:s31], $0x280  }
0x1d8: {  	[sflag:s31] =	ssyncset.done $0x0  }
0x1d9: {  	s16 =	simm.s32 $0x0;
	[sflag:s31] =	ssyncadd.s32 $0xFFFFFD80  }
0x1da: {  	s18 =	simm.s32 $0x40;
	v1 =	vld [tilespmem:s16+$0x13F80]  }
.LBB2_33:
0x1db: {  	p0 =	sne.s32 s18, $0x9C0;
	v2 =	vld [tilespmem:s16+$0x14200];
	_ =	sdelay $0x2  }
.Ltmp17:
0x1dc: {  	(pc) =	sbr.rel @p0 .LBB2_33-.Ltmp17, $4  }
0x1dd: {  	_ = 	snop  }
0x1de: {  	vm0 =	vgt.s32 v2, v1  }
0x1df: {  	s0 =	sshra.s32 s18, $0x2;
	v2 =	vsel vm0, v2, v1  }
0x1e0: {  	s18 =	sadd.s32 $0x40, s18;
	v1 =	vld [tilespmem:s0+$0x13F80];
	[tilespmem:s16+$0x14200] =	vst v2;
	s16 =	smov.u32 s0  }
0x1e1: {  	v2 =	vld [tilespmem:s16+$0x14200];
	_ =	sdelay $0x4  }
0x1e2: {  	vm0 =	vgt.s32 v2, v1  }
0x1e3: {  	s0 =	simm.s32 $0x80;
	s3 =	simm.s32 $0x400;
	v1 =	vsel vm0, v2, v1  }
0x1e4: {  	s4 =	simm.s32 $0x13F80;
	s30 =	rddreg [dreg:$0x1d];
	s31 =	simm.s32 $0x1;
	[tilespmem:s16+$0x14200] =	vst v1  }
0x1e5: {  	[tilespmem:s4], [sflag:$0x2] =	stream.strided.gather [spmem:s30], $0x280, s3, s0, $0x38;
	[tilespmem:$0x1F380] =	vst v63  }
0x1e6: {  	_ =	swait.ge [sflag:s31], $0x280  }
0x1e7: {  	[sflag:s31] =	ssyncset.done $0x0  }
0x1e8: {  	s16 =	simm.s32 $0x0;
	[sflag:s31] =	ssyncadd.s32 $0xFFFFFD80  }
0x1e9: {  	s18 =	simm.s32 $0x40;
	v1 =	vld [tilespmem:s16+$0x13D00]  }
.LBB2_35:
0x1ea: {  	p0 =	sne.s32 s18, $0x9C0;
	v2 =	vld [tilespmem:s16+$0x14200];
	_ =	sdelay $0x2  }
.Ltmp18:
0x1eb: {  	(pc) =	sbr.rel @p0 .LBB2_35-.Ltmp18, $4  }
0x1ec: {  	_ = 	snop  }
0x1ed: {  	vm0 =	vgt.s32 v2, v1  }
0x1ee: {  	s0 =	sshra.s32 s18, $0x2;
	v2 =	vsel vm0, v2, v1  }
0x1ef: {  	s18 =	sadd.s32 $0x40, s18;
	v1 =	vld [tilespmem:s0+$0x13D00];
	[tilespmem:s16+$0x14200] =	vst v2;
	s16 =	smov.u32 s0  }
0x1f0: {  	v2 =	vld [tilespmem:s16+$0x14200];
	_ =	sdelay $0x4  }
0x1f1: {  	vm0 =	vgt.s32 v2, v1  }
0x1f2: {  	v1 =	vsel vm0, v2, v1  }
0x1f3: {  	s0 =	simm.s32 $0x2;
	[tilespmem:s16+$0x14200] =	vst v1  }
0x1f4: {  	_ =	swait.ge [sflag:s0], $0x280  }
0x1f5: {  	[sflag:s0] =	ssyncset.done $0x0  }
0x1f6: {  	s16 =	simm.s32 $0x0;
	[sflag:s0] =	ssyncadd.s32 $0xFFFFFD80  }
0x1f7: {  	s18 =	simm.s32 $0x40;
	v1 =	vld [tilespmem:s16+$0x13F80]  }
.LBB2_37:
0x1f8: {  	p0 =	sne.s32 s18, $0x9C0;
	v2 =	vld [tilespmem:s16+$0x14200];
	_ =	sdelay $0x2  }
.Ltmp19:
0x1f9: {  	(pc) =	sbr.rel @p0 .LBB2_37-.Ltmp19, $4  }
0x1fa: {  	_ = 	snop  }
0x1fb: {  	vm0 =	vgt.s32 v2, v1  }
0x1fc: {  	s0 =	sshra.s32 s18, $0x2;
	v2 =	vsel vm0, v2, v1  }
0x1fd: {  	s18 =	sadd.s32 $0x40, s18;
	v1 =	vld [tilespmem:s0+$0x13F80];
	[tilespmem:s16+$0x14200] =	vst v2;
	s16 =	smov.u32 s0  }
0x1fe: {  	v2 =	vld [tilespmem:s16+$0x14200];
	_ =	sdelay $0x4  }
0x1ff: {  	vm0 =	vgt.s32 v2, v1  }
0x200: {  	v1 =	vsel vm0, v2, v1  }
0x201: {  	s0 =	simm.s32 $0x14200;
	s30 =	simm.s32 $0x3;
	[tilespmem:s16+$0x14200] =	vst v1  }
0x202: {  	[spmem:s15] =	stream.linear.scatter [tilespmem:s0], [sflag:$0x3], $0x280, $0x38;
	[tilespmem:$0x1F380] =	vst v63  }
0x203: {  	_ =	swait.ge [sflag:s30], $0x280  }
0x204: {  	[sflag:s30] =	ssyncset.done $0x0  }
0x205: {  	[sflag:s30] =	ssyncadd.s32 $0xFFFFFD80  }
0x206: {  	s16 =	simm.s32 $0x9D00;
	[bflag:$0x0] =	sbarrier.arrive $0xFFFF  }
0x207: {  	[tilespmem:s16], [sflag:$0x3] =	stream.linear.gather [spmem:s5], $0x2800, $0x38;
	[tilespmem:$0x1F380] =	vst v63  }
0x208: {  	_ =	swait.ge [sflag:s30], $0x2800  }
0x209: {  	[sflag:s30] =	ssyncset.done $0x0  }
0x20a: {  	s31 =	simm.s32 $0x4ED0;
	[sflag:s30] =	ssyncadd.s32 $0xFFFFD800  }
0x20b: {  	v2 =	vld [tilespmem:s31+$0x0]  }
0x20c: {  	v1 =	vld [tilespmem:s31+$0x40]  }
0x20d: {  	v3 =	vld [tilespmem:s31+$0x10]  }
0x20e: {  	v4 =	vld [tilespmem:s31+$0xFFFFFFF0]  }
0x20f: {  	v5 =	vld [tilespmem:s31+$0xFFFFFFE0]  }
0x210: {  	s18 =	simm.s32 $0x50;
	v6 =	vld [tilespmem:s31+$0xFFFFFFD0]  }
0x211: {  	v7 =	vld [tilespmem:s18+$0xFFFFFFB0]  }
0x212: {  	v8 =	vld [tilespmem:s18+$0x40]  }
0x213: {  	s23 =	simm.s32 $0x80;
	s15 =	simm.s32 $0x0;
	v9 =	vld [tilespmem:s31+$0xFFFFFFB0]  }
0x214: {  	s3 =	sand.u32 $0xFF80, s23;
	s4 =	sand.u32 $0x60, s15;
	v10 =	vld [tilespmem:s18+$0x0]  }
0x215: {  	s3 =	sor.u32 s4, s3;
	v11 =	vld [tilespmem:s31+$0x20]  }
0x216: {  	v12 =	vld [tilespmem:s3+$0x0]  }
0x217: {  	v13 =	vld [tilespmem:s3+$0x4E80]  }
0x218: {  	v14 =	vld [tilespmem:s31+$0xFFFFFFC0]  }
0x219: {  	v15 =	vld [tilespmem:s18+$0x20]  }
0x21a: {  	v17 =	vld [tilespmem:s18+$0xFFFFFFC0]  }
0x21b: {  	v18 =	vld [tilespmem:s18+$0xFFFFFFD0]  }
0x21c: {  	v21 =	vld [tilespmem:s18+$0xFFFFFFE0]  }
0x21d: {  	v19 =	vld [tilespmem:s18+$0x10]  }
0x21e: {  	v22 =	vld [tilespmem:s18+$0xFFFFFFF0]  }
0x21f: {  	v16 =	vld.idx.msk [tilespmem:v8+s16+$0x0], $0xffff  }
0x220: {  	v20 =	vld.idx.msk [tilespmem:v12+s16+$0x0], $0xffff  }
0x221: {  	v23 =	vld.idx.msk [tilespmem:v15+s16+$0x0], $0xffff  }
0x222: {  	s26 =	simm.s32 $0xC500;
	v24 =	vld.idx.msk [tilespmem:v7+s16+$0x0], $0xffff  }
0x223: {  	v25 =	vld.idx.msk [tilespmem:v17+s26+$0x0], $0xffff  }
0x224: {  	v30 =	vld.idx.msk [tilespmem:v21+s16+$0x0], $0xffff  }
0x225: {  	v32 =	vld.idx.msk [tilespmem:v18+s16+$0x0], $0xffff  }
0x226: {  	v36 =	vld.idx.msk [tilespmem:v19+s16+$0x0], $0xffff  }
0x227: {  	v26 =	vld.idx.msk [tilespmem:v18+s26+$0x0], $0xffff  }
0x228: {  	v27 =	vld.idx.msk [tilespmem:v17+s16+$0x0], $0xffff  }
0x229: {  	v28 =	vld.idx.msk [tilespmem:v7+s26+$0x0], $0xffff;
	vm0 =	veq.s32 v1, v16;
	v1 =	vlaneseq.u32  }
0x22a: {  	s0 =	sadd.s32 $0x0, s14;
	v29 =	vld.idx.msk [tilespmem:v21+s26+$0x0], $0xffff;
	vm3 =	veq.s32 v13, v20;
	vm1 =	veq.s32 v9, v24;
	vm7 =	veq.s32 v11, v23  }
0x22b: {  	s4 =	sadd.s32 $0x10, s0;
	s5 =	sadd.s32 $0x30, s0;
	v34 =	vld.idx.msk [tilespmem:v22+s16+$0x0], $0xffff;
	vm4 =	veq.s32 v6, v32;
	vm5 =	veq.s32 v5, v30;
	vm8 =	veq.s32 v3, v36  }
0x22c: {  	s19 =	sadd.s32 $0x40, s0;
	v38 =	vld.idx.msk [tilespmem:v10+s16+$0x0], $0xffff;
	v33 =	vor.u32 s0, v1;
	v35 =	vor.u32 s4, v1;
	v40 =	vor.u32 s5, v1  }
0x22d: {  	s17 =	sadd.s32 $0x20, s0;
	v39 =	vld.idx.msk [tilespmem:v22+s26+$0x0], $0xffff;
	v41 =	vor.u32 s19, v1;
	v13 =	vnsel vm1, $0xFFFFFFFF, v33;
	vm1 =	veq.s32 v14, v27  }
0x22e: {  	s20 =	sadd.s32 $0x50, s0;
	v42 =	vld.idx.msk [tilespmem:v10+s26+$0x0], $0xffff;
	v43 =	vor.u32 s17, v1;
	v37 =	vnsel vm1, $0xFFFFFFFF, v35;
	vm1 =	vgt.s32 v13, v28  }
0x22f: {  	v44 =	vld.idx.msk [tilespmem:v19+s26+$0x0], $0xffff;
	v47 =	vor.u32 s20, v1;
	v6 =	vnsel vm4, $0xFFFFFFFF, v43;
	vm2 =	vgt.s32 v37, v25  }
0x230: {  	v46 =	vld.idx.msk [tilespmem:v15+s26+$0x0], $0xffff;
	v45 =	vnsel vm5, $0xFFFFFFFF, v40;
	vm4 =	veq.s32 v4, v34;
	vm6 =	vgt.s32 v6, v26  }
0x231: {  	s21 =	sadd.s32 $0x60, s0;
	v3 =	vld.idx.msk [tilespmem:v12+s26+$0x0], $0xffff;
	vm5 =	vgt.s32 v45, v29;
	v9 =	vnsel vm4, $0xFFFFFFFF, v41;
	vm4 =	veq.s32 v2, v38  }
0x232: {  	s30 =	sadd.s32 $0x70, s0;
	v48 =	vor.u32 s21, v1;
	v2 =	vld.idx.msk [tilespmem:v8+s26+$0x0], $0xffff;
	v14 =	vnsel vm4, $0xFFFFFFFF, v47;
	vm4 =	vgt.s32 v9, v39  }
0x233: {  	s31 =	sadd.s32 $0x80, s0;
	v49 =	vor.u32 s30, v1;
	v20 =	vnsel vm8, $0xFFFFFFFF, v48;
	vm11 =	vgt.s32 v14, v42  }
0x234: {  	s0 =	sadd.s32 $0x90, s0;
	v50 =	vor.u32 s31, v1;
	v23 =	vnsel vm7, $0xFFFFFFFF, v49;
	vm8 =	vgt.s32 v20, v44;
	[tilespmem:v7+s26+$0x0] =	vst.idx.msk vm1, v13  }
0x235: {  	v51 =	vnsel vm3, $0xFFFFFFFF, v50;
	v52 =	vor.u32 s0, v1;
	vm12 =	vgt.s32 v23, v46;
	[tilespmem:v17+s26+$0x0] =	vst.idx.msk vm2, v37  }
0x236: {  	v53 =	vnsel vm0, $0xFFFFFFFF, v52;
	vm9 =	vgt.s32 v51, v3;
	[tilespmem:v18+s26+$0x0] =	vst.idx.msk vm6, v6  }
0x237: {  	vm3 =	vgt.s32 v53, v2;
	[tilespmem:v21+s26+$0x0] =	vst.idx.msk vm5, v45  }
0x238: {  	[tilespmem:v22+s26+$0x0] =	vst.idx.msk vm4, v9  }
0x239: {  	[tilespmem:v10+s26+$0x0] =	vst.idx.msk vm11, v14  }
0x23a: {  	[tilespmem:v19+s26+$0x0] =	vst.idx.msk vm8, v20  }
0x23b: {  	[tilespmem:v15+s26+$0x0] =	vst.idx.msk vm12, v23  }
0x23c: {  	[tilespmem:v12+s26+$0x0] =	vst.idx.msk vm9, v51  }
0x23d: {  	[tilespmem:v8+s26+$0x0] =	vst.idx.msk vm3, v53  }
0x23e: {  	v2 =	vld.idx.msk [tilespmem:v7+s26+$0x0], vm1  }
0x23f: {  	v3 =	vld.idx.msk [tilespmem:v17+s26+$0x0], vm2  }
0x240: {  	v54 =	vld.idx.msk [tilespmem:v18+s26+$0x0], vm6  }
0x241: {  	v55 =	vld.idx.msk [tilespmem:v21+s26+$0x0], vm5;
	_ =	sdelay $0x1  }
0x242: {  	vm0 =	vne.s32 v2, v13  }
0x243: {  	vm13 =	vmand vm1, vm0;
	vm0 =	vne.s32 v3, v37  }
0x244: {  	v2 =	vmpcnt.ones.xlane vm13;
	vm10 =	vmand vm2, vm0;
	vm0 =	vne.s32 v54, v6  }
0x245: {  	v3 =	vmpcnt.ones.xlane vm10;
	vm7 =	vmand vm6, vm0;
	vm0 =	vne.s32 v55, v45  }
0x246: {  	v56 =	vmpcnt.ones.xlane vm7;
	vm6 =	vmand vm5, vm0;
	(v2sf) =	vpush v2, $0x0  }
0x247: {  	v2 =	vmpcnt.ones.xlane vm6;
	(v2sf) =	vpush v3, $0x0  }
0x248: {  	(v2sf) =	vpush v56, $0x0  }
0x249: {  	(v2sf) =	vpush v2, $0x0;
	v2 =	vld.idx.msk [tilespmem:v10+s26+$0x0], vm11  }
0x24a: {  	v3 =	vld.idx.msk [tilespmem:v22+s26+$0x0], vm4  }
0x24b: {  	v57 =	vld.idx.msk [tilespmem:v19+s26+$0x0], vm8  }
0x24c: {  	v58 =	vld.idx.msk [tilespmem:v15+s26+$0x0], vm12;
	_ =	sdelay $0x1  }
0x24d: {  	v59 =	vld.idx.msk [tilespmem:v12+s26+$0x0], vm9;
	vm0 =	vne.s32 v2, v14  }
0x24e: {  	v8 =	vld.idx.msk [tilespmem:v8+s26+$0x0], vm3;
	vm1 =	vne.s32 v3, v9;
	vm0 =	vmand vm11, vm0  }
0x24f: {  	vm5 =	vmand vm4, vm1;
	vm1 =	vne.s32 v57, v20;
	v3 =	vmpcnt.ones.xlane vm0  }
0x250: {  	v60 =	vmpcnt.ones.xlane vm5;
	vm4 =	vmand vm8, vm1;
	vm1 =	vne.s32 v58, v23  }
0x251: {  	vm2 =	vmand vm12, vm1;
	(v2sf) =	vpush v3, $0x0  }
0x252: {  	vm1 =	vne.s32 v59, v51;
	v3 =	vmpcnt.ones.xlane vm4;
	(v2sf) =	vpush v60, $0x0  }
0x253: {  	vm15 =	vne.s32 v8, v53;
	vm1 =	vmand vm9, vm1;
	v61 =	vmpcnt.ones.xlane vm2  }
0x254: {  	vm3 =	vmand vm3, vm15;
	v62 =	vmpcnt.ones.xlane vm1;
	s5 =	spop (v2sf);
	(v2sf) =	vpush v3, $0x0  }
0x255: {  	v3 =	vmpcnt.ones.xlane vm3;
	s20 =	spop (v2sf);
	(v2sf) =	vpush v61, $0x0  }
0x256: {  	s30 =	spop (v2sf);
	(v2sf) =	vpush v62, $0x0  }
0x257: {  	s31 =	spop (v2sf);
	(v2sf) =	vpush v3, $0x0;
	_ =	sdelay $0x2  }
0x258: {  	s4 =	simm.s32 $0x10;
	v2 =	vor.u32 s15, v1  }
0x259: {  	s17 =	simm.s32 $0x20;
	[tilespmem:s15+$0x14480] =	vst.msk vm13, v2;
	v2 =	vor.u32 s4, v1;
	s19 =	sadd.s32 $0x0, s5  }
0x25a: {  	s21 =	simm.s32 $0x30;
	v63 =	vor.u32 s17, v1;
	[tilespmem:s19+$0x14480] =	vst.msk vm10, v2;
	s0 =	sadd.s32 s19, s20  }
0x25b: {  	s28 =	simm.s32 $0xA0;
	v2 =	vor.u32 s21, v1;
	[tilespmem:s0+$0x14480] =	vst.msk vm7, v63;
	s0 =	sadd.s32 s0, s30  }
0x25c: {  	s29 =	simm.s32 $0x4F70;
	s20 =	simm.s32 $0x40;
	[tilespmem:s0+$0x14480] =	vst.msk vm6, v2;
	s19 =	sadd.s32 s0, s31  }
.LBB2_39:
0x25d: {  	s0 =	sadd.s32 $0x50, s15  }
0x25e: {  	v2 =	vor.u32 s20, v1;
	s18 =	sadd.s32 $0xA0, s18;
	s3 =	spop (v2sf);
	s4 =	smov.u32 s28  }
0x25f: {  	p0 =	sne.s32 s28, $0x4D80;
	s28 =	sadd.s32 $0xA0, s28;
	v3 =	vor.u32 s0, v1;
	[tilespmem:s19+$0x14480] =	vst.msk vm5, v2;
	s0 =	spop (v2sf)  }
0x260: {  	s17 =	sadd.s32 $0x60, s15;
	s0 =	sadd.s32 s19, s0  }
0x261: {  	v2 =	vor.u32 s17, v1;
	s19 =	sadd.s32 $0x70, s15;
	[tilespmem:s0+$0x14480] =	vst.msk vm0, v3;
	s0 =	sadd.s32 s0, s3;
	s3 =	spop (v2sf)  }
0x262: {  	v3 =	vor.u32 s19, v1;
	[tilespmem:s0+$0x14480] =	vst.msk vm4, v2;
	s0 =	sadd.s32 s0, s3;
	s3 =	spop (v2sf)  }
0x263: {  	s15 =	sadd.s32 $0x90, s15;
	v2 =	vor.u32 s23, v1;
	[tilespmem:s0+$0x14480] =	vst.msk vm2, v3;
	s0 =	sadd.s32 s0, s3;
	s3 =	spop (v2sf)  }
0x264: {  	v3 =	vor.u32 s15, v1;
	s15 =	smov.u32 s4;
	[tilespmem:s0+$0x14480] =	vst.msk vm1, v2;
	s0 =	sadd.s32 s0, s3;
	s3 =	spop (v2sf)  }
0x265: {  	[tilespmem:s0+$0x14480] =	vst.msk vm3, v3;
	s19 =	sadd.s32 s0, s3  }
0x266: {  	v7 =	vld [tilespmem:s29+$0x0]  }
0x267: {  	v8 =	vld [tilespmem:s29+$0x40]  }
0x268: {  	v9 =	vld [tilespmem:s29+$0x10]  }
0x269: {  	v10 =	vld [tilespmem:s29+$0xFFFFFFF0]  }
0x26a: {  	v11 =	vld [tilespmem:s29+$0xFFFFFFE0]  }
0x26b: {  	v12 =	vld [tilespmem:s29+$0xFFFFFFD0]  }
0x26c: {  	v5 =	vld [tilespmem:s18+$0xFFFFFFB0]  }
0x26d: {  	v2 =	vld [tilespmem:s18+$0x40]  }
0x26e: {  	s23 =	sadd.s32 $0x80, s15;
	v13 =	vld [tilespmem:s29+$0xFFFFFFB0]  }
0x26f: {  	s0 =	sand.u32 $0xFF80, s23;
	s3 =	sand.u32 $0x60, s15;
	v4 =	vld [tilespmem:s18+$0x0]  }
0x270: {  	s0 =	sor.u32 s3, s0;
	v14 =	vld [tilespmem:s29+$0x20]  }
0x271: {  	v3 =	vld [tilespmem:s0+$0x0]  }
0x272: {  	v15 =	vld [tilespmem:s0+$0x4E80]  }
0x273: {  	v16 =	vld [tilespmem:s29+$0xFFFFFFC0]  }
0x274: {  	v6 =	vld [tilespmem:s18+$0x20]  }
0x275: {  	v17 =	vld.idx.msk [tilespmem:v2+s16+$0x0], $0xffff  }
0x276: {  	v18 =	vld [tilespmem:s18+$0xFFFFFFC0]  }
0x277: {  	v19 =	vld [tilespmem:s18+$0xFFFFFFD0]  }
0x278: {  	v20 =	vld [tilespmem:s18+$0x10]  }
0x279: {  	v21 =	vld.idx.msk [tilespmem:v3+s16+$0x0], $0xffff  }
0x27a: {  	v22 =	vld [tilespmem:s18+$0xFFFFFFE0]  }
0x27b: {  	vm0 =	veq.s32 v8, v17;
	v23 =	vld [tilespmem:s18+$0xFFFFFFF0]  }
0x27c: {  	v8 =	vld.idx.msk [tilespmem:v6+s16+$0x0], $0xffff  }
0x27d: {  	v17 =	vld.idx.msk [tilespmem:v5+s16+$0x0], $0xffff  }
0x27e: {  	v24 =	vld.idx.msk [tilespmem:v18+s26+$0x0], $0xffff  }
0x27f: {  	vm3 =	veq.s32 v15, v21;
	v15 =	vld.idx.msk [tilespmem:v19+s26+$0x0], $0xffff  }
0x280: {  	v21 =	vld.idx.msk [tilespmem:v18+s16+$0x0], $0xffff  }
0x281: {  	v25 =	vld.idx.msk [tilespmem:v5+s26+$0x0], $0xffff  }
0x282: {  	s0 =	sadd.s32 s15, s14;
	vm6 =	veq.s32 v14, v8;
	v8 =	vld.idx.msk [tilespmem:v22+s26+$0x0], $0xffff  }
0x283: {  	s3 =	sadd.s32 $0x10, s0;
	s4 =	sadd.s32 $0x20, s0;
	s17 =	sadd.s32 $0x30, s0;
	v14 =	vor.u32 s0, v1;
	vm1 =	veq.s32 v13, v17;
	v13 =	vld.idx.msk [tilespmem:v22+s16+$0x0], $0xffff  }
0x284: {  	s20 =	sadd.s32 $0x40, s0;
	s21 =	sadd.s32 $0x50, s0;
	s30 =	sadd.s32 $0x60, s0;
	v14 =	vnsel vm1, $0xFFFFFFFF, v14;
	v17 =	vld.idx.msk [tilespmem:v19+s16+$0x0], $0xffff  }
0x285: {  	s31 =	sadd.s32 $0x70, s0;
	s5 =	sadd.s32 $0x80, s0;
	s0 =	sadd.s32 $0x90, s0;
	v26 =	vld.idx.msk [tilespmem:v23+s16+$0x0], $0xffff  }
0x286: {  	v27 =	vor.u32 s3, v1;
	vm1 =	veq.s32 v16, v21;
	v16 =	vld.idx.msk [tilespmem:v20+s16+$0x0], $0xffff  }
0x287: {  	v21 =	vnsel vm1, $0xFFFFFFFF, v27;
	vm2 =	vgt.s32 v14, v25;
	v27 =	vld.idx.msk [tilespmem:v4+s16+$0x0], $0xffff  }
0x288: {  	vm1 =	vgt.s32 v21, v24;
	v25 =	vld.idx.msk [tilespmem:v23+s26+$0x0], $0xffff  }
0x289: {  	v28 =	vor.u32 s20, v1;
	v24 =	vor.u32 s17, v1;
	v29 =	vld.idx.msk [tilespmem:v4+s26+$0x0], $0xffff  }
0x28a: {  	v30 =	vor.u32 s4, v1;
	vm5 =	veq.s32 v11, v13;
	vm4 =	veq.s32 v12, v17;
	v11 =	vld.idx.msk [tilespmem:v20+s26+$0x0], $0xffff  }
0x28b: {  	v13 =	vnsel vm5, $0xFFFFFFFF, v24;
	v12 =	vnsel vm4, $0xFFFFFFFF, v30;
	vm4 =	veq.s32 v10, v26;
	v10 =	vld.idx.msk [tilespmem:v6+s26+$0x0], $0xffff  }
0x28c: {  	vm5 =	vgt.s32 v13, v8;
	vm7 =	veq.s32 v9, v16;
	vm9 =	vgt.s32 v12, v15;
	v9 =	vld.idx.msk [tilespmem:v3+s26+$0x0], $0xffff  }
0x28d: {  	v8 =	vnsel vm4, $0xFFFFFFFF, v28;
	v15 =	vor.u32 s21, v1;
	vm4 =	veq.s32 v7, v27;
	v7 =	vld.idx.msk [tilespmem:v2+s26+$0x0], $0xffff  }
0x28e: {  	v16 =	vor.u32 s30, v1;
	v15 =	vnsel vm4, $0xFFFFFFFF, v15;
	vm4 =	vgt.s32 v8, v25  }
0x28f: {  	v17 =	vor.u32 s31, v1;
	v16 =	vnsel vm7, $0xFFFFFFFF, v16;
	vm10 =	vgt.s32 v15, v29  }
0x290: {  	v24 =	vor.u32 s5, v1;
	v17 =	vnsel vm6, $0xFFFFFFFF, v17;
	vm6 =	vgt.s32 v16, v11;
	[tilespmem:v5+s26+$0x0] =	vst.idx.msk vm2, v14  }
0x291: {  	v11 =	vnsel vm3, $0xFFFFFFFF, v24;
	v24 =	vor.u32 s0, v1;
	vm7 =	vgt.s32 v17, v10;
	[tilespmem:v18+s26+$0x0] =	vst.idx.msk vm1, v21  }
0x292: {  	v10 =	vnsel vm0, $0xFFFFFFFF, v24;
	vm8 =	vgt.s32 v11, v9;
	[tilespmem:v19+s26+$0x0] =	vst.idx.msk vm9, v12  }
0x293: {  	vm3 =	vgt.s32 v10, v7;
	[tilespmem:v22+s26+$0x0] =	vst.idx.msk vm5, v13  }
0x294: {  	[tilespmem:v23+s26+$0x0] =	vst.idx.msk vm4, v8  }
0x295: {  	[tilespmem:v4+s26+$0x0] =	vst.idx.msk vm10, v15  }
0x296: {  	[tilespmem:v20+s26+$0x0] =	vst.idx.msk vm6, v16  }
0x297: {  	[tilespmem:v6+s26+$0x0] =	vst.idx.msk vm7, v17  }
0x298: {  	[tilespmem:v3+s26+$0x0] =	vst.idx.msk vm8, v11  }
0x299: {  	[tilespmem:v2+s26+$0x0] =	vst.idx.msk vm3, v10  }
0x29a: {  	v5 =	vld.idx.msk [tilespmem:v5+s26+$0x0], vm2  }
0x29b: {  	v7 =	vld.idx.msk [tilespmem:v18+s26+$0x0], vm1  }
0x29c: {  	v9 =	vld.idx.msk [tilespmem:v19+s26+$0x0], vm9  }
0x29d: {  	v18 =	vld.idx.msk [tilespmem:v22+s26+$0x0], vm5  }
0x29e: {  	v19 =	vld.idx.msk [tilespmem:v23+s26+$0x0], vm4  }
0x29f: {  	v4 =	vld.idx.msk [tilespmem:v4+s26+$0x0], vm10  }
0x2a0: {  	vm0 =	vne.s32 v5, v14;
	v20 =	vld.idx.msk [tilespmem:v20+s26+$0x0], vm6  }
0x2a1: {  	v5 =	vor.u32 s15, v1;
	vm0 =	vmand vm2, vm0;
	vm2 =	vne.s32 v7, v21;
	v6 =	vld.idx.msk [tilespmem:v6+s26+$0x0], vm7  }
0x2a2: {  	v7 =	vmpcnt.ones.xlane vm0;
	vm11 =	vmand vm1, vm2;
	vm1 =	vne.s32 v9, v12;
	v3 =	vld.idx.msk [tilespmem:v3+s26+$0x0], vm8  }
0x2a3: {  	v9 =	vmpcnt.ones.xlane vm11;
	vm9 =	vmand vm9, vm1;
	vm1 =	vne.s32 v18, v13;
	v2 =	vld.idx.msk [tilespmem:v2+s26+$0x0], vm3  }
0x2a4: {  	vm12 =	vmand vm5, vm1;
	[tilespmem:s19+$0x14480] =	vst.msk vm0, v5;
	v5 =	vmpcnt.ones.xlane vm9;
	(v2sf) =	vpush v7, $0x0  }
0x2a5: {  	v7 =	vmpcnt.ones.xlane vm12;
	vm0 =	vne.s32 v4, v15;
	(v2sf) =	vpush v9, $0x0  }
0x2a6: {  	vm1 =	vne.s32 v19, v8;
	vm0 =	vmand vm10, vm0;
	(v2sf) =	vpush v5, $0x0  }
0x2a7: {  	vm5 =	vmand vm4, vm1;
	v4 =	vmpcnt.ones.xlane vm0;
	(v2sf) =	vpush v7, $0x0  }
0x2a8: {  	vm1 =	vne.s32 v20, v16;
	v5 =	vmpcnt.ones.xlane vm5;
	vm2 =	vne.s32 v6, v17  }
0x2a9: {  	vm4 =	vmand vm6, vm1;
	vm1 =	vne.s32 v3, v11;
	(v2sf) =	vpush v4, $0x0  }
0x2aa: {  	v3 =	vmpcnt.ones.xlane vm4;
	vm2 =	vmand vm7, vm2;
	(v2sf) =	vpush v5, $0x0  }
0x2ab: {  	vm1 =	vmand vm8, vm1;
	vm6 =	vne.s32 v2, v10;
	v4 =	vmpcnt.ones.xlane vm2  }
0x2ac: {  	v2 =	vmpcnt.ones.xlane vm1;
	vm3 =	vmand vm3, vm6;
	(v2sf) =	vpush v3, $0x0  }
0x2ad: {  	v3 =	vmpcnt.ones.xlane vm3;
	(v2sf) =	vpush v4, $0x0  }
0x2ae: {  	(v2sf) =	vpush v2, $0x0  }
0x2af: {  	(v2sf) =	vpush v3, $0x0;
	_ =	sdelay $0x3  }
.Ltmp20:
0x2b0: {  	s0 =	sadd.s32 $0x10, s15;
	s3 =	spop (v2sf);
	(pc) =	sbr.rel @p0 .LBB2_39-.Ltmp20, $4  }
0x2b1: {  	s4 =	sadd.s32 $0x20, s15;
	v2 =	vor.u32 s0, v1;
	s0 =	sadd.s32 s19, s3;
	s3 =	spop (v2sf)  }
0x2b2: {  	s5 =	sadd.s32 $0x30, s15;
	v3 =	vor.u32 s4, v1;
	[tilespmem:s0+$0x14480] =	vst.msk vm11, v2;
	s0 =	sadd.s32 s0, s3;
	s3 =	spop (v2sf)  }
0x2b3: {  	v2 =	vor.u32 s5, v1;
	[tilespmem:s0+$0x14480] =	vst.msk vm9, v3;
	s0 =	sadd.s32 s0, s3;
	s3 =	spop (v2sf)  }
0x2b4: {  	s29 =	sadd.s32 $0xA0, s29;
	s20 =	sadd.s32 $0x40, s15;
	[tilespmem:s0+$0x14480] =	vst.msk vm12, v2;
	s19 =	sadd.s32 s0, s3  }
0x2b5: {  	s0 =	spop (v2sf)  }
0x2b6: {  	s3 =	spop (v2sf)  }
0x2b7: {  	s3 =	sadd.s32 s19, s3  }
0x2b8: {  	s0 =	sadd.s32 s3, s0;
	s4 =	spop (v2sf)  }
0x2b9: {  	s4 =	sadd.s32 s0, s4;
	s5 =	spop (v2sf)  }
0x2ba: {  	s5 =	sadd.s32 s4, s5;
	s14 =	spop (v2sf)  }
0x2bb: {  	s16 =	sadd.s32 s5, s14;
	s21 =	spop (v2sf)  }
0x2bc: {  	s17 =	sadd.s32 s16, s21  }
0x2bd: {  	s14 =	sadd.s32 $0xF, s17  }
0x2be: {  	s18 =	sadd.s32 $0x50, s15;
	s21 =	sand.u32 $0xF, s14  }
0x2bf: {  	v2 =	vor.u32 s20, v1;
	s28 =	sshra.s32 s14, $0x1F;
	p1 =	slt.s32 s14, $0x1;
	p0 =	sne.s32 s21, $0x0  }
0x2c0: {  	s26 =	sadd.s32 $0x60, s15;
	v3 =	vor.u32 s18, v1;
	[tilespmem:s19+$0x14480] =	vst.msk vm5, v2;
	s18 =	sshrl.u32 s28, $0x1C;
	p0 =	por !p1, !p0  }
0x2c1: {  	v2 =	vor.u32 s26, v1;
	[tilespmem:s3+$0x14480] =	vst.msk vm0, v3;
	s3 =	simm.s32 $0x1;
	s30 =	sadd.s32 s18, s14;
	p0 =	por !p0, !p0  }
0x2c2: {  	[tilespmem:s0+$0x14480] =	vst.msk vm4, v2;
	s0 =	sshra.s32 s30, $0x4;
	s3 =	simm.s32 @!p0 $0x0  }
0x2c3: {  	s14 =	ssub.s32 s0, s3  }
0x2c4: {  	s29 =	sadd.s32 $0x70, s15;
	p0 =	slt.s32 s14, $0x1  }
.Ltmp21:
0x2c5: {  	v3 =	vor.u32 s29, v1;
	(pc) =	sbr.rel @p0 .LBB2_43-.Ltmp21, $4  }
0x2c6: {  	s31 =	sadd.s32 $0x90, s15;
	v2 =	vor.u32 s23, v1;
	[tilespmem:s4+$0x14480] =	vst.msk vm2, v3  }
0x2c7: {  	v1 =	vor.u32 s31, v1;
	[tilespmem:s5+$0x14480] =	vst.msk vm1, v2  }
0x2c8: {  	[tilespmem:s16+$0x14480] =	vst.msk vm3, v1;
	v1 =	vimm.s32 $0x0  }
0x2c9: {  	[tilespmem:s17+$0x14480] =	vst v1  }
0x2ca: {  	s15 =	simm.s32 $0x14480;
	s16 =	simm.s32 $0x0  }
0x2cb: {  	s18 =	simm.s32 $0x4E80;
	s19 =	simm.s32 $0x9D00;
	s20 =	simm.s32 $0xC500  }
.LBB2_42:
0x2cc: {  	v1 =	vld [tilespmem:s15+$0x0];
	_ =	sdelay $0x7  }
0x2cd: {  	v2 =	vld.idx.msk [tilespmem:v1+s16+$0x0], $0xffff;
	_ =	sdelay $0x6  }
0x2ce: {  	v3 =	vld.idx.msk [tilespmem:v1+s18+$0x0], $0xffff  }
0x2cf: {  	v4 =	vld.idx.msk [tilespmem:v2+s19+$0x0], $0xffff;
	_ =	sdelay $0x1  }
0x2d0: {  	v5 =	vld.idx.msk [tilespmem:v2+s20+$0x0], $0xffff;
	_ =	sdelay $0x2  }
0x2d1: {  	v1 =	vadd.s32 v0, v1;
	vm0 =	veq.s32 v3, v4  }
0x2d2: {  	v1 =	vnsel vm0, $0xFFFFFFFF, v1  }
0x2d3: {  	vm0 =	vgt.s32 v1, v5;
	_ =	sdelay $0x5  }
0x2d4: {  	[tilespmem:v2+s20+$0x0] =	vst.idx.msk vm0, v1  }
0x2d5: {  	v3 =	vld.idx.msk [tilespmem:v2+s20+$0x0], $0xffff;
	_ =	sdelay $0x4  }
0x2d6: {  	vm13 =	vgt.s32 v1, v3;
	_ =	sdelay $0x5  }
0x2d7: {  	[tilespmem:v2+s20+$0x0] =	vst.idx.msk vm13, v1  }
0x2d8: {  	v3 =	vld.idx.msk [tilespmem:v2+s20+$0x0], $0xffff;
	_ =	sdelay $0x4  }
0x2d9: {  	vm14 =	vgt.s32 v1, v3;
	_ =	sdelay $0x5  }
0x2da: {  	[tilespmem:v2+s20+$0x0] =	vst.idx.msk vm14, v1  }
0x2db: {  	v3 =	vld.idx.msk [tilespmem:v2+s20+$0x0], $0xffff;
	_ =	sdelay $0x4  }
0x2dc: {  	vm15 =	vgt.s32 v1, v3;
	_ =	sdelay $0x5  }
0x2dd: {  	[tilespmem:v2+s20+$0x0] =	vst.idx.msk vm15, v1  }
0x2de: {  	v3 =	vld.idx.msk [tilespmem:v2+s20+$0x0], $0xffff;
	_ =	sdelay $0x4  }
0x2df: {  	vm4 =	vgt.s32 v1, v3;
	_ =	sdelay $0x5  }
0x2e0: {  	[tilespmem:v2+s20+$0x0] =	vst.idx.msk vm4, v1  }
0x2e1: {  	v3 =	vld.idx.msk [tilespmem:v2+s20+$0x0], $0xffff;
	_ =	sdelay $0x4  }
0x2e2: {  	vm5 =	vgt.s32 v1, v3;
	_ =	sdelay $0x5  }
0x2e3: {  	[tilespmem:v2+s20+$0x0] =	vst.idx.msk vm5, v1  }
0x2e4: {  	v3 =	vld.idx.msk [tilespmem:v2+s20+$0x0], $0xffff;
	_ =	sdelay $0x4  }
0x2e5: {  	vm6 =	vgt.s32 v1, v3;
	_ =	sdelay $0x5  }
0x2e6: {  	[tilespmem:v2+s20+$0x0] =	vst.idx.msk vm6, v1  }
0x2e7: {  	v3 =	vld.idx.msk [tilespmem:v2+s20+$0x0], $0xffff;
	_ =	sdelay $0x4  }
0x2e8: {  	vm7 =	vgt.s32 v1, v3;
	_ =	sdelay $0x5  }
0x2e9: {  	[tilespmem:v2+s20+$0x0] =	vst.idx.msk vm7, v1  }
0x2ea: {  	v3 =	vld.idx.msk [tilespmem:v2+s20+$0x0], $0xffff;
	_ =	sdelay $0x4  }
0x2eb: {  	vm8 =	vgt.s32 v1, v3;
	_ =	sdelay $0x5  }
0x2ec: {  	[tilespmem:v2+s20+$0x0] =	vst.idx.msk vm8, v1  }
0x2ed: {  	v3 =	vld.idx.msk [tilespmem:v2+s20+$0x0], $0xffff;
	_ =	sdelay $0x4  }
0x2ee: {  	vm9 =	vgt.s32 v1, v3;
	_ =	sdelay $0x5  }
0x2ef: {  	[tilespmem:v2+s20+$0x0] =	vst.idx.msk vm9, v1  }
0x2f0: {  	v3 =	vld.idx.msk [tilespmem:v2+s20+$0x0], $0xffff;
	_ =	sdelay $0x4  }
0x2f1: {  	vm10 =	vgt.s32 v1, v3;
	_ =	sdelay $0x5  }
0x2f2: {  	[tilespmem:v2+s20+$0x0] =	vst.idx.msk vm10, v1  }
0x2f3: {  	v3 =	vld.idx.msk [tilespmem:v2+s20+$0x0], $0xffff;
	_ =	sdelay $0x4  }
0x2f4: {  	vm11 =	vgt.s32 v1, v3;
	_ =	sdelay $0x5  }
0x2f5: {  	[tilespmem:v2+s20+$0x0] =	vst.idx.msk vm11, v1  }
0x2f6: {  	v3 =	vld.idx.msk [tilespmem:v2+s20+$0x0], $0xffff;
	_ =	sdelay $0x4  }
0x2f7: {  	vm12 =	vgt.s32 v1, v3;
	_ =	sdelay $0x5  }
0x2f8: {  	[tilespmem:v2+s20+$0x0] =	vst.idx.msk vm12, v1  }
0x2f9: {  	v3 =	vld.idx.msk [tilespmem:v2+s20+$0x0], $0xffff;
	_ =	sdelay $0x4  }
0x2fa: {  	vm13 =	vgt.s32 v1, v3;
	_ =	sdelay $0x5  }
0x2fb: {  	[tilespmem:v2+s20+$0x0] =	vst.idx.msk vm13, v1  }
0x2fc: {  	v3 =	vld.idx.msk [tilespmem:v2+s20+$0x0], $0xffff;
	_ =	sdelay $0x4  }
0x2fd: {  	vm14 =	vgt.s32 v1, v3;
	_ =	sdelay $0x5  }
0x2fe: {  	[tilespmem:v2+s20+$0x0] =	vst.idx.msk vm14, v1  }
0x2ff: {  	v3 =	vld.idx.msk [tilespmem:v2+s20+$0x0], $0xffff;
	_ =	sdelay $0x4  }
0x300: {  	vm15 =	vgt.s32 v1, v3  }
0x301: {  	p0 =	sne.s32 s14, $0x1  }
.Ltmp22:
0x302: {  	_ = 	snop;
	(pc) =	sbr.rel @p0 .LBB2_42-.Ltmp22, $2  }
0x303: {  	_ =	sdelay $0x2  }
0x304: {  	s15 =	sadd.s32 $0x10, s15;
	s14 =	sadd.s32 $0xFFFFFFFF, s14;
	[tilespmem:v2+s20+$0x0] =	vst.idx.msk vm15, v1  }
.LBB2_43:
0x305: {  	s0 =	simm.s32 $0x80  }
0x306: {  	s3 =	simm.s32 $0x400;
	s4 =	simm.s32 $0xC500;
	s28 =	simm.s32 $0x3  }
0x307: {  	[spmem:s13] =	stream.strided.scatter [tilespmem:s4], [sflag:$0x3], $0x2800, s3, s0, $0x38;
	[tilespmem:$0x1F380] =	vst v63  }
0x308: {  	_ =	swait.ge [sflag:s28], $0x2800  }
0x309: {  	[sflag:s28] =	ssyncset.done $0x0  }
0x30a: {  	[sflag:s28] =	ssyncadd.s32 $0xFFFFD800  }
0x30b: {  	s5 =	simm.s32 $0x14200;
	[bflag:$0x0] =	sbarrier.arrive $0xFFFF  }
0x30c: {  	[tilespmem:s5], [sflag:$0x3] =	stream.strided.gather [spmem:s24], $0x280, s3, s0, $0x38;
	[tilespmem:$0x1F380] =	vst v63  }
0x30d: {  	_ =	swait.ge [sflag:s28], $0x280  }
0x30e: {  	[sflag:s28] =	ssyncset.done $0x0  }
0x30f: {  	s29 =	simm.s32 $0x13F80;
	[sflag:s28] =	ssyncadd.s32 $0xFFFFFD80  }
0x310: {  	[tilespmem:s29], [sflag:$0x2] =	stream.strided.gather [spmem:s22], $0x280, s3, s0, $0x38;
	[tilespmem:$0x1F380] =	vst v63  }
0x311: {  	s30 =	simm.s32 $0x13D00;
	s31 =	simm.s32 $0x2  }
0x312: {  	[tilespmem:s30], [sflag:$0x1] =	stream.strided.gather [spmem:s12], $0x280, s3, s0, $0x38;
	[tilespmem:$0x1F380] =	vst v63  }
0x313: {  	_ =	swait.ge [sflag:s31], $0x280  }
0x314: {  	[sflag:s31] =	ssyncset.done $0x0  }
0x315: {  	s12 =	simm.s32 $0x0;
	[sflag:s31] =	ssyncadd.s32 $0xFFFFFD80  }
0x316: {  	s13 =	simm.s32 $0x40;
	v0 =	vld [tilespmem:s12+$0x13F80];
	s14 =	rddreg [dreg:$0x6]  }
.LBB2_44:
0x317: {  	p0 =	sne.s32 s13, $0x9C0;
	v1 =	vld [tilespmem:s12+$0x14200];
	_ =	sdelay $0x2  }
.Ltmp23:
0x318: {  	(pc) =	sbr.rel @p0 .LBB2_44-.Ltmp23, $4  }
0x319: {  	_ = 	snop  }
0x31a: {  	vm0 =	vgt.s32 v1, v0  }
0x31b: {  	s0 =	sshra.s32 s13, $0x2;
	v1 =	vsel vm0, v1, v0  }
0x31c: {  	s13 =	sadd.s32 $0x40, s13;
	v0 =	vld [tilespmem:s0+$0x13F80];
	[tilespmem:s12+$0x14200] =	vst v1;
	s12 =	smov.u32 s0  }
0x31d: {  	v1 =	vld [tilespmem:s12+$0x14200];
	_ =	sdelay $0x4  }
0x31e: {  	vm0 =	vgt.s32 v1, v0  }
0x31f: {  	s0 =	simm.s32 $0x80;
	v0 =	vsel vm0, v1, v0  }
0x320: {  	s3 =	simm.s32 $0x400;
	s4 =	simm.s32 $0x13F80;
	s31 =	simm.s32 $0x1;
	[tilespmem:s12+$0x14200] =	vst v0  }
0x321: {  	[tilespmem:s4], [sflag:$0x2] =	stream.strided.gather [spmem:s11], $0x280, s3, s0, $0x38;
	[tilespmem:$0x1F380] =	vst v63  }
0x322: {  	_ =	swait.ge [sflag:s31], $0x280  }
0x323: {  	[sflag:s31] =	ssyncset.done $0x0  }
0x324: {  	s11 =	simm.s32 $0x0;
	[sflag:s31] =	ssyncadd.s32 $0xFFFFFD80  }
0x325: {  	s12 =	simm.s32 $0x40;
	v0 =	vld [tilespmem:s11+$0x13D00];
	s13 =	rddreg [dreg:$0x5]  }
.LBB2_46:
0x326: {  	p0 =	sne.s32 s12, $0x9C0;
	v1 =	vld [tilespmem:s11+$0x14200];
	_ =	sdelay $0x2  }
.Ltmp24:
0x327: {  	(pc) =	sbr.rel @p0 .LBB2_46-.Ltmp24, $4  }
0x328: {  	_ = 	snop  }
0x329: {  	vm0 =	vgt.s32 v1, v0  }
0x32a: {  	s0 =	sshra.s32 s12, $0x2;
	v1 =	vsel vm0, v1, v0  }
0x32b: {  	s12 =	sadd.s32 $0x40, s12;
	v0 =	vld [tilespmem:s0+$0x13D00];
	[tilespmem:s11+$0x14200] =	vst v1;
	s11 =	smov.u32 s0  }
0x32c: {  	v1 =	vld [tilespmem:s11+$0x14200];
	_ =	sdelay $0x4  }
0x32d: {  	vm0 =	vgt.s32 v1, v0  }
0x32e: {  	s0 =	simm.s32 $0x80;
	v0 =	vsel vm0, v1, v0  }
0x32f: {  	s3 =	simm.s32 $0x400;
	s4 =	simm.s32 $0x13D00;
	s31 =	simm.s32 $0x2;
	[tilespmem:s11+$0x14200] =	vst v0  }
0x330: {  	[tilespmem:s4], [sflag:$0x1] =	stream.strided.gather [spmem:s10], $0x280, s3, s0, $0x38;
	[tilespmem:$0x1F380] =	vst v63  }
0x331: {  	_ =	swait.ge [sflag:s31], $0x280  }
0x332: {  	[sflag:s31] =	ssyncset.done $0x0  }
0x333: {  	s10 =	simm.s32 $0x0;
	[sflag:s31] =	ssyncadd.s32 $0xFFFFFD80  }
0x334: {  	s11 =	simm.s32 $0x40;
	v0 =	vld [tilespmem:s10+$0x13F80]  }
.LBB2_48:
0x335: {  	p0 =	sne.s32 s11, $0x9C0;
	v1 =	vld [tilespmem:s10+$0x14200];
	_ =	sdelay $0x2  }
.Ltmp25:
0x336: {  	(pc) =	sbr.rel @p0 .LBB2_48-.Ltmp25, $4  }
0x337: {  	_ = 	snop  }
0x338: {  	vm0 =	vgt.s32 v1, v0  }
0x339: {  	s0 =	sshra.s32 s11, $0x2;
	v1 =	vsel vm0, v1, v0  }
0x33a: {  	s11 =	sadd.s32 $0x40, s11;
	v0 =	vld [tilespmem:s0+$0x13F80];
	[tilespmem:s10+$0x14200] =	vst v1;
	s10 =	smov.u32 s0  }
0x33b: {  	v1 =	vld [tilespmem:s10+$0x14200];
	_ =	sdelay $0x4  }
0x33c: {  	vm0 =	vgt.s32 v1, v0  }
0x33d: {  	s0 =	simm.s32 $0x80;
	v0 =	vsel vm0, v1, v0  }
0x33e: {  	s3 =	simm.s32 $0x400;
	s4 =	simm.s32 $0x13F80;
	s31 =	simm.s32 $0x1;
	[tilespmem:s10+$0x14200] =	vst v0  }
0x33f: {  	[tilespmem:s4], [sflag:$0x2] =	stream.strided.gather [spmem:s9], $0x280, s3, s0, $0x38;
	[tilespmem:$0x1F380] =	vst v63  }
0x340: {  	_ =	swait.ge [sflag:s31], $0x280  }
0x341: {  	[sflag:s31] =	ssyncset.done $0x0  }
0x342: {  	s9 =	simm.s32 $0x0;
	[sflag:s31] =	ssyncadd.s32 $0xFFFFFD80  }
0x343: {  	s10 =	simm.s32 $0x40;
	v0 =	vld [tilespmem:s9+$0x13D00]  }
.LBB2_50:
0x344: {  	p0 =	sne.s32 s10, $0x9C0;
	v1 =	vld [tilespmem:s9+$0x14200];
	_ =	sdelay $0x2  }
.Ltmp26:
0x345: {  	(pc) =	sbr.rel @p0 .LBB2_50-.Ltmp26, $4  }
0x346: {  	_ = 	snop  }
0x347: {  	vm0 =	vgt.s32 v1, v0  }
0x348: {  	s0 =	sshra.s32 s10, $0x2;
	v1 =	vsel vm0, v1, v0  }
0x349: {  	s10 =	sadd.s32 $0x40, s10;
	v0 =	vld [tilespmem:s0+$0x13D00];
	[tilespmem:s9+$0x14200] =	vst v1;
	s9 =	smov.u32 s0  }
0x34a: {  	v1 =	vld [tilespmem:s9+$0x14200];
	_ =	sdelay $0x4  }
0x34b: {  	vm0 =	vgt.s32 v1, v0  }
0x34c: {  	s0 =	simm.s32 $0x80;
	v0 =	vsel vm0, v1, v0  }
0x34d: {  	s3 =	simm.s32 $0x400;
	s4 =	simm.s32 $0x13D00;
	s31 =	simm.s32 $0x2;
	[tilespmem:s9+$0x14200] =	vst v0  }
0x34e: {  	[tilespmem:s4], [sflag:$0x1] =	stream.strided.gather [spmem:s8], $0x280, s3, s0, $0x38;
	[tilespmem:$0x1F380] =	vst v63  }
0x34f: {  	_ =	swait.ge [sflag:s31], $0x280  }
0x350: {  	[sflag:s31] =	ssyncset.done $0x0  }
0x351: {  	s8 =	simm.s32 $0x0;
	[sflag:s31] =	ssyncadd.s32 $0xFFFFFD80  }
0x352: {  	s9 =	simm.s32 $0x40;
	v0 =	vld [tilespmem:s8+$0x13F80]  }
.LBB2_52:
0x353: {  	p0 =	sne.s32 s9, $0x9C0;
	v1 =	vld [tilespmem:s8+$0x14200];
	_ =	sdelay $0x2  }
.Ltmp27:
0x354: {  	(pc) =	sbr.rel @p0 .LBB2_52-.Ltmp27, $4  }
0x355: {  	_ = 	snop  }
0x356: {  	vm0 =	vgt.s32 v1, v0  }
0x357: {  	s0 =	sshra.s32 s9, $0x2;
	v1 =	vsel vm0, v1, v0  }
0x358: {  	s9 =	sadd.s32 $0x40, s9;
	v0 =	vld [tilespmem:s0+$0x13F80];
	[tilespmem:s8+$0x14200] =	vst v1;
	s8 =	smov.u32 s0  }
0x359: {  	v1 =	vld [tilespmem:s8+$0x14200];
	_ =	sdelay $0x4  }
0x35a: {  	vm0 =	vgt.s32 v1, v0  }
0x35b: {  	s0 =	simm.s32 $0x80;
	v0 =	vsel vm0, v1, v0  }
0x35c: {  	s3 =	simm.s32 $0x400;
	s4 =	simm.s32 $0x13F80;
	s31 =	simm.s32 $0x1;
	[tilespmem:s8+$0x14200] =	vst v0  }
0x35d: {  	[tilespmem:s4], [sflag:$0x2] =	stream.strided.gather [spmem:s7], $0x280, s3, s0, $0x38;
	[tilespmem:$0x1F380] =	vst v63  }
0x35e: {  	_ =	swait.ge [sflag:s31], $0x280  }
0x35f: {  	[sflag:s31] =	ssyncset.done $0x0  }
0x360: {  	s7 =	simm.s32 $0x0;
	[sflag:s31] =	ssyncadd.s32 $0xFFFFFD80  }
0x361: {  	s8 =	simm.s32 $0x40;
	v0 =	vld [tilespmem:s7+$0x13D00]  }
.LBB2_54:
0x362: {  	p0 =	sne.s32 s8, $0x9C0;
	v1 =	vld [tilespmem:s7+$0x14200];
	_ =	sdelay $0x2  }
.Ltmp28:
0x363: {  	(pc) =	sbr.rel @p0 .LBB2_54-.Ltmp28, $4  }
0x364: {  	_ = 	snop  }
0x365: {  	vm0 =	vgt.s32 v1, v0  }
0x366: {  	s0 =	sshra.s32 s8, $0x2;
	v1 =	vsel vm0, v1, v0  }
0x367: {  	s8 =	sadd.s32 $0x40, s8;
	v0 =	vld [tilespmem:s0+$0x13D00];
	[tilespmem:s7+$0x14200] =	vst v1;
	s7 =	smov.u32 s0  }
0x368: {  	v1 =	vld [tilespmem:s7+$0x14200];
	_ =	sdelay $0x4  }
0x369: {  	vm0 =	vgt.s32 v1, v0  }
0x36a: {  	s0 =	simm.s32 $0x80;
	v0 =	vsel vm0, v1, v0  }
0x36b: {  	s3 =	simm.s32 $0x400;
	s4 =	simm.s32 $0x13D00;
	s31 =	simm.s32 $0x2;
	[tilespmem:s7+$0x14200] =	vst v0  }
0x36c: {  	[tilespmem:s4], [sflag:$0x1] =	stream.strided.gather [spmem:s6], $0x280, s3, s0, $0x38;
	[tilespmem:$0x1F380] =	vst v63  }
0x36d: {  	_ =	swait.ge [sflag:s31], $0x280  }
0x36e: {  	[sflag:s31] =	ssyncset.done $0x0  }
0x36f: {  	s6 =	simm.s32 $0x0;
	[sflag:s31] =	ssyncadd.s32 $0xFFFFFD80  }
0x370: {  	s7 =	simm.s32 $0x40;
	v0 =	vld [tilespmem:s6+$0x13F80]  }
.LBB2_56:
0x371: {  	p0 =	sne.s32 s7, $0x9C0;
	v1 =	vld [tilespmem:s6+$0x14200];
	_ =	sdelay $0x2  }
.Ltmp29:
0x372: {  	(pc) =	sbr.rel @p0 .LBB2_56-.Ltmp29, $4  }
0x373: {  	_ = 	snop  }
0x374: {  	vm0 =	vgt.s32 v1, v0  }
0x375: {  	s0 =	sshra.s32 s7, $0x2;
	v1 =	vsel vm0, v1, v0  }
0x376: {  	s7 =	sadd.s32 $0x40, s7;
	v0 =	vld [tilespmem:s0+$0x13F80];
	[tilespmem:s6+$0x14200] =	vst v1;
	s6 =	smov.u32 s0  }
0x377: {  	v1 =	vld [tilespmem:s6+$0x14200];
	_ =	sdelay $0x4  }
0x378: {  	s5 =	sld [smem:$0x7FA];
	vm0 =	vgt.s32 v1, v0  }
0x379: {  	s0 =	simm.s32 $0x80;
	v0 =	vsel vm0, v1, v0  }
0x37a: {  	s3 =	simm.s32 $0x400;
	s4 =	simm.s32 $0x13F80;
	s31 =	simm.s32 $0x1;
	[tilespmem:s6+$0x14200] =	vst v0  }
0x37b: {  	[tilespmem:s4], [sflag:$0x2] =	stream.strided.gather [spmem:s5], $0x280, s3, s0, $0x38;
	[tilespmem:$0x1F380] =	vst v63  }
0x37c: {  	_ =	swait.ge [sflag:s31], $0x280  }
0x37d: {  	[sflag:s31] =	ssyncset.done $0x0  }
0x37e: {  	s5 =	simm.s32 $0x0;
	[sflag:s31] =	ssyncadd.s32 $0xFFFFFD80  }
0x37f: {  	s6 =	simm.s32 $0x40;
	v0 =	vld [tilespmem:s5+$0x13D00]  }
.LBB2_58:
0x380: {  	p0 =	sne.s32 s6, $0x9C0;
	v1 =	vld [tilespmem:s5+$0x14200];
	_ =	sdelay $0x2  }
.Ltmp30:
0x381: {  	(pc) =	sbr.rel @p0 .LBB2_58-.Ltmp30, $4  }
0x382: {  	_ = 	snop  }
0x383: {  	vm0 =	vgt.s32 v1, v0  }
0x384: {  	s0 =	sshra.s32 s6, $0x2;
	v1 =	vsel vm0, v1, v0  }
0x385: {  	s6 =	sadd.s32 $0x40, s6;
	v0 =	vld [tilespmem:s0+$0x13D00];
	[tilespmem:s5+$0x14200] =	vst v1;
	s5 =	smov.u32 s0  }
0x386: {  	v1 =	vld [tilespmem:s5+$0x14200];
	_ =	sdelay $0x4  }
0x387: {  	s30 =	sld [smem:$0x7FB];
	vm0 =	vgt.s32 v1, v0  }
0x388: {  	s0 =	simm.s32 $0x80;
	v0 =	vsel vm0, v1, v0  }
0x389: {  	s3 =	simm.s32 $0x400;
	s4 =	simm.s32 $0x13D00;
	s31 =	simm.s32 $0x2;
	[tilespmem:s5+$0x14200] =	vst v0  }
0x38a: {  	[tilespmem:s4], [sflag:$0x1] =	stream.strided.gather [spmem:s30], $0x280, s3, s0, $0x38;
	[tilespmem:$0x1F380] =	vst v63  }
0x38b: {  	_ =	swait.ge [sflag:s31], $0x280  }
0x38c: {  	[sflag:s31] =	ssyncset.done $0x0  }
0x38d: {  	s4 =	simm.s32 $0x0;
	[sflag:s31] =	ssyncadd.s32 $0xFFFFFD80  }
0x38e: {  	s5 =	simm.s32 $0x40;
	v0 =	vld [tilespmem:s4+$0x13F80]  }
.LBB2_60:
0x38f: {  	p0 =	sne.s32 s5, $0x9C0;
	v1 =	vld [tilespmem:s4+$0x14200];
	_ =	sdelay $0x2  }
.Ltmp31:
0x390: {  	(pc) =	sbr.rel @p0 .LBB2_60-.Ltmp31, $4  }
0x391: {  	_ = 	snop  }
0x392: {  	vm0 =	vgt.s32 v1, v0  }
0x393: {  	s0 =	sshra.s32 s5, $0x2;
	v1 =	vsel vm0, v1, v0  }
0x394: {  	s5 =	sadd.s32 $0x40, s5;
	v0 =	vld [tilespmem:s0+$0x13F80];
	[tilespmem:s4+$0x14200] =	vst v1;
	s4 =	smov.u32 s0  }
0x395: {  	v1 =	vld [tilespmem:s4+$0x14200];
	_ =	sdelay $0x4  }
0x396: {  	s5 =	sld [smem:$0x7FC];
	vm0 =	vgt.s32 v1, v0  }
0x397: {  	s0 =	simm.s32 $0x80;
	v0 =	vsel vm0, v1, v0  }
0x398: {  	s3 =	simm.s32 $0x400;
	s30 =	simm.s32 $0x13F80;
	s31 =	simm.s32 $0x1;
	[tilespmem:s4+$0x14200] =	vst v0  }
0x399: {  	[tilespmem:s30], [sflag:$0x2] =	stream.strided.gather [spmem:s5], $0x280, s3, s0, $0x38;
	[tilespmem:$0x1F380] =	vst v63  }
0x39a: {  	_ =	swait.ge [sflag:s31], $0x280  }
0x39b: {  	[sflag:s31] =	ssyncset.done $0x0  }
0x39c: {  	s3 =	simm.s32 $0x0;
	[sflag:s31] =	ssyncadd.s32 $0xFFFFFD80  }
0x39d: {  	s4 =	simm.s32 $0x40;
	v0 =	vld [tilespmem:s3+$0x13D00]  }
.LBB2_62:
0x39e: {  	p0 =	sne.s32 s4, $0x9C0;
	v1 =	vld [tilespmem:s3+$0x14200];
	_ =	sdelay $0x2  }
.Ltmp32:
0x39f: {  	(pc) =	sbr.rel @p0 .LBB2_62-.Ltmp32, $4  }
0x3a0: {  	_ = 	snop  }
0x3a1: {  	vm0 =	vgt.s32 v1, v0  }
0x3a2: {  	s0 =	sshra.s32 s4, $0x2;
	v1 =	vsel vm0, v1, v0  }
0x3a3: {  	s4 =	sadd.s32 $0x40, s4;
	v0 =	vld [tilespmem:s0+$0x13D00];
	[tilespmem:s3+$0x14200] =	vst v1;
	s3 =	smov.u32 s0  }
0x3a4: {  	v1 =	vld [tilespmem:s3+$0x14200];
	_ =	sdelay $0x4  }
0x3a5: {  	s5 =	sld [smem:$0x7FD];
	vm0 =	vgt.s32 v1, v0  }
0x3a6: {  	s0 =	simm.s32 $0x80;
	v0 =	vsel vm0, v1, v0  }
0x3a7: {  	s30 =	simm.s32 $0x400;
	s4 =	simm.s32 $0x13D00;
	s31 =	simm.s32 $0x2;
	[tilespmem:s3+$0x14200] =	vst v0  }
0x3a8: {  	[tilespmem:s4], [sflag:$0x1] =	stream.strided.gather [spmem:s5], $0x280, s30, s0, $0x38;
	[tilespmem:$0x1F380] =	vst v63  }
0x3a9: {  	_ =	swait.ge [sflag:s31], $0x280  }
0x3aa: {  	[sflag:s31] =	ssyncset.done $0x0  }
0x3ab: {  	s0 =	simm.s32 $0x0;
	[sflag:s31] =	ssyncadd.s32 $0xFFFFFD80  }
0x3ac: {  	s3 =	simm.s32 $0x40;
	v0 =	vld [tilespmem:s0+$0x13F80]  }
.LBB2_64:
0x3ad: {  	p0 =	sne.s32 s3, $0x9C0;
	v1 =	vld [tilespmem:s0+$0x14200];
	_ =	sdelay $0x2  }
.Ltmp33:
0x3ae: {  	(pc) =	sbr.rel @p0 .LBB2_64-.Ltmp33, $4  }
0x3af: {  	_ = 	snop  }
0x3b0: {  	vm0 =	vgt.s32 v1, v0  }
0x3b1: {  	s4 =	sshra.s32 s3, $0x2;
	v1 =	vsel vm0, v1, v0  }
0x3b2: {  	s3 =	sadd.s32 $0x40, s3;
	v0 =	vld [tilespmem:s4+$0x13F80];
	[tilespmem:s0+$0x14200] =	vst v1;
	s0 =	smov.u32 s4  }
0x3b3: {  	v1 =	vld [tilespmem:s0+$0x14200];
	_ =	sdelay $0x4  }
0x3b4: {  	vm0 =	vgt.s32 v1, v0  }
0x3b5: {  	s30 =	simm.s32 $0x80;
	s3 =	simm.s32 $0x400;
	v0 =	vsel vm0, v1, v0  }
0x3b6: {  	s4 =	simm.s32 $0x13F80;
	s5 =	rddreg [dreg:$0x1f];
	s31 =	simm.s32 $0x1;
	[tilespmem:s0+$0x14200] =	vst v0  }
0x3b7: {  	[tilespmem:s4], [sflag:$0x2] =	stream.strided.gather [spmem:s5], $0x280, s3, s30, $0x38;
	[tilespmem:$0x1F380] =	vst v63  }
0x3b8: {  	_ =	swait.ge [sflag:s31], $0x280  }
0x3b9: {  	[sflag:s31] =	ssyncset.done $0x0  }
0x3ba: {  	s0 =	simm.s32 $0x0;
	[sflag:s31] =	ssyncadd.s32 $0xFFFFFD80  }
0x3bb: {  	s3 =	simm.s32 $0x40;
	v0 =	vld [tilespmem:s0+$0x13D00]  }
.LBB2_66:
0x3bc: {  	p0 =	sne.s32 s3, $0x9C0;
	v1 =	vld [tilespmem:s0+$0x14200];
	_ =	sdelay $0x2  }
.Ltmp34:
0x3bd: {  	(pc) =	sbr.rel @p0 .LBB2_66-.Ltmp34, $4  }
0x3be: {  	_ = 	snop  }
0x3bf: {  	vm0 =	vgt.s32 v1, v0  }
0x3c0: {  	s4 =	sshra.s32 s3, $0x2;
	v1 =	vsel vm0, v1, v0  }
0x3c1: {  	s3 =	sadd.s32 $0x40, s3;
	v0 =	vld [tilespmem:s4+$0x13D00];
	[tilespmem:s0+$0x14200] =	vst v1;
	s0 =	smov.u32 s4  }
0x3c2: {  	v1 =	vld [tilespmem:s0+$0x14200];
	_ =	sdelay $0x4  }
0x3c3: {  	vm0 =	vgt.s32 v1, v0  }
0x3c4: {  	s30 =	simm.s32 $0x80;
	s3 =	simm.s32 $0x400;
	v0 =	vsel vm0, v1, v0  }
0x3c5: {  	s4 =	simm.s32 $0x13D00;
	s5 =	rddreg [dreg:$0x1e];
	s31 =	simm.s32 $0x2;
	[tilespmem:s0+$0x14200] =	vst v0  }
0x3c6: {  	[tilespmem:s4], [sflag:$0x1] =	stream.strided.gather [spmem:s5], $0x280, s3, s30, $0x38;
	[tilespmem:$0x1F380] =	vst v63  }
0x3c7: {  	_ =	swait.ge [sflag:s31], $0x280  }
0x3c8: {  	[sflag:s31] =	ssyncset.done $0x0  }
0x3c9: {  	s0 =	simm.s32 $0x0;
	[sflag:s31] =	ssyncadd.s32 $0xFFFFFD80  }
0x3ca: {  	s3 =	simm.s32 $0x40;
	v0 =	vld [tilespmem:s0+$0x13F80]  }
.LBB2_68:
0x3cb: {  	p0 =	sne.s32 s3, $0x9C0;
	v1 =	vld [tilespmem:s0+$0x14200];
	_ =	sdelay $0x2  }
.Ltmp35:
0x3cc: {  	(pc) =	sbr.rel @p0 .LBB2_68-.Ltmp35, $4  }
0x3cd: {  	_ = 	snop  }
0x3ce: {  	vm0 =	vgt.s32 v1, v0  }
0x3cf: {  	s4 =	sshra.s32 s3, $0x2;
	v1 =	vsel vm0, v1, v0  }
0x3d0: {  	s3 =	sadd.s32 $0x40, s3;
	v0 =	vld [tilespmem:s4+$0x13F80];
	[tilespmem:s0+$0x14200] =	vst v1;
	s0 =	smov.u32 s4  }
0x3d1: {  	v1 =	vld [tilespmem:s0+$0x14200];
	_ =	sdelay $0x4  }
0x3d2: {  	vm0 =	vgt.s32 v1, v0  }
0x3d3: {  	s30 =	simm.s32 $0x80;
	s3 =	simm.s32 $0x400;
	v0 =	vsel vm0, v1, v0  }
0x3d4: {  	s4 =	simm.s32 $0x13F80;
	s5 =	rddreg [dreg:$0x1d];
	s31 =	simm.s32 $0x1;
	[tilespmem:s0+$0x14200] =	vst v0  }
0x3d5: {  	[tilespmem:s4], [sflag:$0x2] =	stream.strided.gather [spmem:s5], $0x280, s3, s30, $0x38;
	[tilespmem:$0x1F380] =	vst v63  }
0x3d6: {  	_ =	swait.ge [sflag:s31], $0x280  }
0x3d7: {  	[sflag:s31] =	ssyncset.done $0x0  }
0x3d8: {  	s0 =	simm.s32 $0x0;
	[sflag:s31] =	ssyncadd.s32 $0xFFFFFD80  }
0x3d9: {  	s3 =	simm.s32 $0x40;
	v0 =	vld [tilespmem:s0+$0x13D00]  }
.LBB2_70:
0x3da: {  	p0 =	sne.s32 s3, $0x9C0;
	v1 =	vld [tilespmem:s0+$0x14200];
	_ =	sdelay $0x2  }
.Ltmp36:
0x3db: {  	(pc) =	sbr.rel @p0 .LBB2_70-.Ltmp36, $4  }
0x3dc: {  	_ = 	snop  }
0x3dd: {  	vm0 =	vgt.s32 v1, v0  }
0x3de: {  	s4 =	sshra.s32 s3, $0x2;
	v1 =	vsel vm0, v1, v0  }
0x3df: {  	s3 =	sadd.s32 $0x40, s3;
	v0 =	vld [tilespmem:s4+$0x13D00];
	[tilespmem:s0+$0x14200] =	vst v1;
	s0 =	smov.u32 s4  }
0x3e0: {  	v1 =	vld [tilespmem:s0+$0x14200];
	_ =	sdelay $0x4  }
0x3e1: {  	vm0 =	vgt.s32 v1, v0  }
0x3e2: {  	v0 =	vsel vm0, v1, v0  }
0x3e3: {  	s31 =	simm.s32 $0x2;
	[tilespmem:s0+$0x14200] =	vst v0  }
0x3e4: {  	_ =	swait.ge [sflag:s31], $0x280  }
0x3e5: {  	[sflag:s31] =	ssyncset.done $0x0  }
0x3e6: {  	s3 =	simm.s32 $0x0;
	[sflag:s31] =	ssyncadd.s32 $0xFFFFFD80  }
0x3e7: {  	s4 =	simm.s32 $0x40;
	s0 =	simm.s32 $0x0;
	v0 =	vld [tilespmem:s3+$0x13F80]  }
.LBB2_72:
0x3e8: {  	p0 =	sne.s32 s4, $0x9C0;
	v1 =	vld [tilespmem:s3+$0x14200];
	_ =	sdelay $0x2  }
.Ltmp37:
0x3e9: {  	(pc) =	sbr.rel @p0 .LBB2_72-.Ltmp37, $4  }
0x3ea: {  	_ = 	snop  }
0x3eb: {  	vm0 =	vgt.s32 v1, v0  }
0x3ec: {  	s5 =	sshra.s32 s4, $0x2;
	v1 =	vsel vm0, v1, v0  }
0x3ed: {  	s4 =	sadd.s32 $0x40, s4;
	v0 =	vld [tilespmem:s5+$0x13F80];
	[tilespmem:s3+$0x14200] =	vst v1;
	s3 =	smov.u32 s5  }
0x3ee: {  	v1 =	vld [tilespmem:s3+$0x14200];
	_ =	sdelay $0x4  }
0x3ef: {  	s4 =	sadd.s32 $0x0, s25;
	vm0 =	vgt.s32 v1, v0  }
0x3f0: {  	s6 =	sand.u32 $0x70, s0;
	s5 =	sand.u32 $0x7F80, s4;
	v0 =	vsel vm0, v1, v0  }
0x3f1: {  	s31 =	sor.u32 s6, s5;
	[tilespmem:s3+$0x14200] =	vst v0  }
0x3f2: {  	v0 =	vld [tilespmem:s31+$0x9D00];
	_ =	sdelay $0x4  }
0x3f3: {  	vm0 =	vgt.s32 v0, $0xFFFFFFFF  }
0x3f4: {  	v0 =	vmov s25;
	v2 =	vmpcnt.ones.xlane vm0;
	_ =	sdelay $0x1  }
0x3f5: {  	(v2sf) =	vpush v2, $0x0  }
0x3f6: {  	v1 =	vlaneseq.u32  }
0x3f7: {  	v3 =	vor.u32 s4, v1  }
0x3f8: {  	s3 =	simm.s32 $0x14200;
	[tilespmem:v0+s0+$0xED00 ss:$0x1] =	vst.idx.msk vm0, v3  }
0x3f9: {  	v2 =	vld [tilespmem:s3+$0x0];
	_ =	sdelay $0x2  }
0x3fa: {  	s5 =	simm.s32 $0x10;
	s6 =	simm.s32 $0x20;
	s4 =	sadd.s32 $0x10, s25  }
.LBB2_74:
0x3fb: {  	p0 =	sne.s32 s6, $0x270;
	s7 =	sand.u32 $0x7F80, s4;
	s5 =	sand.u32 $0x70, s5  }
0x3fc: {  	s7 =	sor.u32 s5, s7;
	[tilespmem:v0+s0+$0x11500 ss:$0x1] =	vst.idx.msk vm0, v2;
	s5 =	smov.u32 s6  }
0x3fd: {  	v2 =	vld [tilespmem:s7+$0x9D00];
	_ =	sdelay $0x4  }
0x3fe: {  	vm0 =	vgt.s32 v2, $0xFFFFFFFF;
	s7 =	spop (v2sf)  }
0x3ff: {  	v2 =	vmpcnt.ones.xlane vm0;
	s0 =	sadd.s32 s0, s7;
	_ =	sdelay $0x1  }
0x400: {  	(v2sf) =	vpush v2, $0x0;
	_ =	sdelay $0x1  }
0x401: {  	v2 =	vor.u32 s4, v1  }
.Ltmp38:
0x402: {  	s3 =	sadd.s32 $0x10, s3;
	[tilespmem:v0+s0+$0xED00 ss:$0x1] =	vst.idx.msk vm0, v2;
	(pc) =	sbr.rel @p0 .LBB2_74-.Ltmp38, $2  }
0x403: {  	v2 =	vld [tilespmem:s3+$0x0];
	_ =	sdelay $0x2  }
0x404: {  	s6 =	sadd.s32 $0x10, s6;
	s4 =	sadd.s32 s5, s25  }
0x405: {  	_ =	sdelay $0x3  }
0x406: {  	s6 =	sand.u32 $0x7F80, s4;
	s5 =	sand.u32 $0x70, s5  }
0x407: {  	s5 =	sor.u32 s5, s6;
	[tilespmem:v0+s0+$0x11500 ss:$0x1] =	vst.idx.msk vm0, v2  }
0x408: {  	v2 =	vld [tilespmem:s5+$0x9D00];
	_ =	sdelay $0x4  }
0x409: {  	vm0 =	vgt.s32 v2, $0xFFFFFFFF  }
0x40a: {  	v2 =	vmpcnt.ones.xlane vm0;
	_ =	sdelay $0x1  }
0x40b: {  	(v2sf) =	vpush v2, $0x0;
	_ =	sdelay $0x4  }
0x40c: {  	s16 =	spop (v2sf)  }
0x40d: {  	v1 =	vor.u32 s4, v1;
	s17 =	sadd.s32 s0, s16  }
0x40e: {  	s3 =	sadd.s32 $0x10, s3;
	[tilespmem:v0+s17+$0xED00 ss:$0x1] =	vst.idx.msk vm0, v1  }
0x40f: {  	v1 =	vld [tilespmem:s3+$0x0];
	_ =	sdelay $0x4  }
0x410: {  	s18 =	simm.s32 $0x80;
	s19 =	simm.s32 $0x400;
	s20 =	rddreg [dreg:$0x1c];
	[tilespmem:v0+s17+$0x11500 ss:$0x1] =	vst.idx.msk vm0, v1  }
0x411: {  	[spmem:s24] =	stream.strided.scatter [tilespmem:s20], [sflag:$0x3], $0x280, s19, s18, $0x38;
	[tilespmem:$0x1F380] =	vst v63  }
0x412: {  	s23 =	simm.s32 $0x3;
	s21 =	spop (v2sf)  }
0x413: {  	_ =	swait.ge [sflag:s23], $0x280  }
0x414: {  	[sflag:s23] =	ssyncset.done $0x0  }
0x415: {  	s7 =	rddreg [dreg:$0x1b];
	[sflag:s23] =	ssyncadd.s32 $0xFFFFFD80  }
0x416: {  	[spmem:s22] =	stream.strided.scatter [tilespmem:s7], [sflag:$0x3], $0x280, s19, s18, $0x38;
	[tilespmem:$0x1F380] =	vst v63  }
0x417: {  	_ =	swait.ge [sflag:s23], $0x280  }
0x418: {  	s0 =	sadd.s32 s17, s21;
	[sflag:s23] =	ssyncset.done $0x0  }
0x419: {  	v0 =	vmov s0;
	[sflag:s23] =	ssyncadd.s32 $0xFFFFFD80  }
0x41a: {  	s24 =	simm.s32 $0x14200;
	s25 =	rddreg [dreg:$0x19];
	[tilespmem:$0x14200] =	vst v0  }
0x41b: {  	[spmem:s25] =	stream.linear.scatter [tilespmem:s24], [sflag:$0x3], $0x10, $0x38;
	[tilespmem:$0x1F380] =	vst v63  }
0x41c: {  	_ =	swait.ge [sflag:s23], $0x10  }
0x41d: {  	[sflag:s23] =	ssyncset.done $0x0  }
0x41e: {  	[sflag:s23] =	ssyncadd.s32 $0xFFFFFFF0  }
0x41f: {  	s0 =	simm.s32 $0xED00;
	[bflag:$0x0] =	sbarrier.arrive $0xFFFF  }
0x420: {  	[tilespmem:s0], [sflag:$0x3] =	stream.strided.gather [spmem:s13], $0x2800, s19, s18, $0x38;
	[tilespmem:$0x1F380] =	vst v63  }
0x421: {  	_ =	swait.ge [sflag:s23], $0x2800  }
0x422: {  	[sflag:s23] =	ssyncset.done $0x0  }
0x423: {  	s3 =	simm.s32 $0x11500;
	s26 =	rddreg [dreg:$0x1a];
	[sflag:s23] =	ssyncadd.s32 $0xFFFFD800  }
0x424: {  	[tilespmem:s3], [sflag:$0x3] =	stream.strided.gather [spmem:s26], $0x2800, s19, s18, $0x38;
	[tilespmem:$0x1F380] =	vst v63  }
0x425: {  	v17 =	vlaneseq.u32;
	_ =	swait.ge [sflag:s23], $0x2800  }
0x426: {  	v0 =	vmul.u32 $0x10, v17;
	[sflag:s23] =	ssyncset.done $0x0  }
0x427: {  	s28 =	simm.s32 $0x19800;
	[sflag:s23] =	ssyncadd.s32 $0xFFFFD800  }
0x428: {  	[tilespmem:s28], [sflag:$0x3] =	stream.linear.gather [spmem:s14], $0x100, $0x38;
	[tilespmem:$0x1F380] =	vst v63  }
0x429: {  	_ =	swait.ge [sflag:s23], $0x100  }
0x42a: {  	[sflag:s23] =	ssyncset.done $0x0  }
0x42b: {  	[sflag:s23] =	ssyncadd.s32 $0xFFFFFF00  }
0x42c: {  	v0 =	vld.idx.msk [tilespmem:v0+s28+$0x0], $0xffff;
	_ =	sdelay $0x4  }
0x42d: {  	(xrf0) =	vadd.scan.msk.s32 $0xffff, v0;
	_ =	sdelay $0x5  }
0x42e: {  	v1, _, _ =	vpop (xrf0)  }
0x42f: {  	v2 =	vxor.u32 $0x80000000, v1  }
0x430: {  	(xrf0) =	vmax.scan.msk.u32 $0xffff, v2;
	_ =	sdelay $0x5  }
0x431: {  	v2, _, _ =	vpop (xrf0)  }
0x432: {  	(v2sf) =	vpush v2, $0xF;
	_ =	sdelay $0x6  }
0x433: {  	v0 =	vsub.s32 v1, v0;
	v1 =	vimm.s32 $0x1  }
0x434: {  	v15 =	vperm.xlane v0, v1;
	v1 =	vimm.s32 $0x2  }
0x435: {  	v16 =	vperm.xlane v0, v1;
	v1 =	vimm.s32 $0x4  }
0x436: {  	v3 =	vimm.s32 $0xF;
	v11 =	vperm.xlane v0, v1;
	v1 =	vimm.s32 $0x5  }
0x437: {  	v18 =	vimm.s32 $0x0;
	s30 =	rddreg [dreg:$0x18];
	v12 =	vperm.xlane v0, v1;
	v1 =	vimm.s32 $0x7  }
0x438: {  	v19 =	vor.u32 s30, v17;
	v8 =	vperm.xlane v0, v1;
	v1 =	vimm.s32 $0x8  }
0x439: {  	v3 =	vperm.xlane v0, v3;
	v9 =	vperm.xlane v0, v1;
	v1 =	vimm.s32 $0xA  }
0x43a: {  	v5 =	vperm.xlane v0, v1;
	v1 =	vimm.s32 $0xB;
	v2 =	vimm.s32 $0x3  }
0x43b: {  	v6 =	vperm.xlane v0, v1;
	v13 =	vperm.xlane v0, v2;
	v2 =	vimm.s32 $0x6;
	s29 =	spop (v2sf)  }
0x43c: {  	v1 =	vimm.s32 $0xD;
	v10 =	vperm.xlane v0, v2;
	v2 =	vimm.s32 $0x9;
	s4 =	sxor.u32 $0x80000000, s29  }
0x43d: {  	v7 =	vperm.xlane v0, v2;
	v2 =	vimm.s32 $0xC;
	v14 =	vmov s4  }
0x43e: {  	v4 =	vperm.xlane v0, v2;
	v2 =	vimm.s32 $0xE;
	vm0 =	vlt.s32 v19, v14  }
0x43f: {  	v1 =	vperm.xlane v0, v1;
	v2 =	vperm.xlane v0, v2;
	s4 =	sadd.s32 $0x10, s30;
	v21 =	vnsel vm0, $0x0, v19  }
0x440: {  	v19 =	vor.u32 s4, v17;
	vm0 =	vle.s32 v15, v21;
	vm1 =	vle.s32 v16, v21  }
0x441: {  	vm2 =	vle.s32 v13, v21;
	v20 =	vsel vm0, $0x1, v18;
	v22 =	vsel vm1, $0x1, v18  }
0x442: {  	vm1 =	vlt.s32 v19, v14;
	v20 =	vadd.s32 v20, v22;
	v22 =	vsel vm2, $0x1, v18  }
0x443: {  	vm0 =	vle.s32 v11, v21;
	v19 =	vnsel vm1, $0x0, v19;
	v20 =	vadd.s32 v22, v20  }
0x444: {  	v22 =	vsel vm0, $0x1, v18;
	vm0 =	vle.s32 v12, v21;
	vm1 =	vle.s32 v11, v19  }
0x445: {  	v20 =	vadd.s32 v22, v20;
	v22 =	vsel vm0, $0x1, v18;
	vm0 =	vle.s32 v10, v21  }
0x446: {  	v20 =	vadd.s32 v22, v20;
	v22 =	vsel vm0, $0x1, v18;
	vm0 =	vle.s32 v8, v21  }
0x447: {  	v20 =	vadd.s32 v22, v20;
	v22 =	vsel vm0, $0x1, v18;
	vm0 =	vle.s32 v9, v21  }
0x448: {  	v20 =	vadd.s32 v22, v20;
	v22 =	vsel vm0, $0x1, v18;
	vm0 =	vle.s32 v7, v21  }
0x449: {  	v20 =	vadd.s32 v22, v20;
	v22 =	vsel vm0, $0x1, v18;
	vm0 =	vle.s32 v5, v21  }
0x44a: {  	v20 =	vadd.s32 v22, v20;
	v22 =	vsel vm0, $0x1, v18;
	vm0 =	vle.s32 v6, v21  }
0x44b: {  	v20 =	vadd.s32 v22, v20;
	v22 =	vsel vm0, $0x1, v18;
	vm0 =	vle.s32 v4, v21  }
0x44c: {  	v20 =	vadd.s32 v22, v20;
	v22 =	vsel vm0, $0x1, v18;
	vm0 =	vle.s32 v1, v21  }
0x44d: {  	v20 =	vadd.s32 v22, v20;
	v22 =	vsel vm0, $0x1, v18;
	vm0 =	vle.s32 v2, v21  }
0x44e: {  	v20 =	vadd.s32 v22, v20;
	v22 =	vsel vm0, $0x1, v18;
	vm0 =	vle.s32 v3, v21  }
0x44f: {  	vm2 =	vle.s32 v15, v19;
	v22 =	vadd.s32 v22, v20;
	v23 =	vsel vm0, $0x1, v18  }
0x450: {  	vm3 =	vle.s32 v16, v19;
	v24 =	vsel vm2, $0x1, v18;
	v22 =	vadd.s32 v23, v22  }
0x451: {  	s31 =	sadd.s32 $0x10, s4;
	v25 =	vsel vm3, $0x1, v18;
	vm0 =	vle.s32 v13, v19;
	v23 =	vperm.xlane v0, v22  }
0x452: {  	v20 =	vor.u32 s31, v17;
	v62 =	vsel vm0, $0x1, v18;
	v22 =	vmul.u32 $0x280, v22  }
0x453: {  	vm0 =	vle.s32 v12, v19;
	v21 =	vsub.s32 v21, v23;
	v23 =	vadd.s32 v24, v25  }
0x454: {  	v21 =	vadd.s32 v21, v22;
	v22 =	vadd.s32 v62, v23;
	v23 =	vsel vm1, $0x1, v18  }
0x455: {  	v22 =	vadd.s32 v23, v22;
	v23 =	vsel vm0, $0x1, v18;
	vm0 =	vle.s32 v10, v19  }
0x456: {  	v22 =	vadd.s32 v23, v22;
	v23 =	vsel vm0, $0x1, v18;
	vm0 =	vle.s32 v8, v19  }
0x457: {  	v22 =	vadd.s32 v23, v22;
	v23 =	vsel vm0, $0x1, v18;
	vm0 =	vle.s32 v9, v19  }
0x458: {  	v22 =	vadd.s32 v23, v22;
	v23 =	vsel vm0, $0x1, v18;
	vm0 =	vle.s32 v7, v19  }
0x459: {  	v63 =	vld.idx.msk [tilespmem:v21+s0+$0x0], $0xffff;
	v22 =	vadd.s32 v23, v22;
	v23 =	vsel vm0, $0x1, v18;
	vm0 =	vle.s32 v5, v19  }
0x45a: {  	v22 =	vadd.s32 v23, v22;
	v23 =	vsel vm0, $0x1, v18;
	vm0 =	vle.s32 v6, v19  }
0x45b: {  	v22 =	vadd.s32 v23, v22;
	v23 =	vsel vm0, $0x1, v18;
	vm0 =	vle.s32 v4, v19  }
0x45c: {  	v22 =	vadd.s32 v23, v22;
	v23 =	vsel vm0, $0x1, v18;
	vm0 =	vle.s32 v1, v19  }
0x45d: {  	s6 =	simm.s32 $0x0;
	v22 =	vadd.s32 v23, v22;
	v23 =	vsel vm0, $0x1, v18;
	vm0 =	vle.s32 v2, v19  }
0x45e: {  	s8 =	simm.s32 $0xC0;
	vm1 =	vle.s32 v3, v19;
	v22 =	vadd.s32 v23, v22;
	v23 =	vsel vm0, $0x1, v18;
	[tilespmem:s6+$0x19580] =	vst v63  }
0x45f: {  	s5 =	simm.s32 $0x40;
	s4 =	simm.s32 $0x80;
	s7 =	sadd.s32 $0x10, s31;
	vm0 =	vlt.s32 v20, v14;
	v22 =	vadd.s32 v23, v22;
	v23 =	vsel vm1, $0x1, v18;
	v21 =	vld.idx.msk [tilespmem:v21+s3+$0x0], $0xffff  }
.LBB2_76:
0x460: {  	p0 =	sne.s32 s8, $0x980;
	v24 =	vnsel vm0, $0x0, v20;
	v20 =	vor.u32 s7, v17;
	v22 =	vadd.s32 v23, v22  }
0x461: {  	vm0 =	vle.s32 v13, v24;
	vm1 =	vle.s32 v11, v24;
	v23 =	vperm.xlane v0, v22  }
0x462: {  	vm2 =	vle.s32 v15, v24;
	vm3 =	vle.s32 v16, v24;
	v22 =	vmul.u32 $0x280, v22  }
0x463: {  	v25 =	vsel vm2, $0x1, v18;
	v26 =	vsel vm3, $0x1, v18;
	v23 =	vsub.s32 v19, v23;
	v19 =	vmovc v24  }
0x464: {  	v24 =	vadd.s32 v25, v26;
	v25 =	vsel vm0, $0x1, v18;
	v26 =	vadd.s32 v23, v22  }
0x465: {  	v22 =	vadd.s32 v25, v24;
	v23 =	vsel vm1, $0x1, v18;
	vm0 =	vle.s32 v12, v19;
	[tilespmem:s6+$0x19300] =	vst v21  }
0x466: {  	v21 =	vadd.s32 v23, v22;
	v22 =	vsel vm0, $0x1, v18;
	vm0 =	vle.s32 v10, v19  }
0x467: {  	v21 =	vadd.s32 v22, v21;
	v22 =	vsel vm0, $0x1, v18;
	vm0 =	vle.s32 v8, v19  }
0x468: {  	v21 =	vadd.s32 v22, v21;
	v22 =	vsel vm0, $0x1, v18;
	vm0 =	vle.s32 v9, v19  }
0x469: {  	v21 =	vadd.s32 v22, v21;
	v22 =	vsel vm0, $0x1, v18;
	vm0 =	vle.s32 v7, v19;
	v23 =	vld.idx.msk [tilespmem:v26+s0+$0x0], $0xffff  }
0x46a: {  	v21 =	vadd.s32 v22, v21;
	v22 =	vsel vm0, $0x1, v18;
	vm0 =	vle.s32 v5, v19  }
0x46b: {  	v21 =	vadd.s32 v22, v21;
	v22 =	vsel vm0, $0x1, v18;
	vm0 =	vle.s32 v6, v19  }
.Ltmp39:
0x46c: {  	v21 =	vadd.s32 v22, v21;
	v22 =	vsel vm0, $0x1, v18;
	vm0 =	vle.s32 v4, v19;
	(pc) =	sbr.rel @p0 .LBB2_76-.Ltmp39, $4  }
0x46d: {  	v21 =	vadd.s32 v22, v21;
	v22 =	vsel vm0, $0x1, v18;
	vm0 =	vle.s32 v1, v19  }
0x46e: {  	s6 =	sshra.s32 s5, $0x2;
	s5 =	smov.u32 s4;
	s4 =	smov.u32 s8;
	v21 =	vadd.s32 v22, v21;
	v22 =	vsel vm0, $0x1, v18;
	vm0 =	vle.s32 v2, v19  }
0x46f: {  	vm1 =	vle.s32 v3, v19;
	v21 =	vadd.s32 v22, v21;
	v22 =	vsel vm0, $0x1, v18;
	[tilespmem:s6+$0x19580] =	vst v23  }
0x470: {  	s7 =	sadd.s32 $0x10, s7;
	s8 =	sadd.s32 $0x40, s8;
	vm0 =	vlt.s32 v20, v14;
	v22 =	vadd.s32 v22, v21;
	v23 =	vsel vm1, $0x1, v18;
	v21 =	vld.idx.msk [tilespmem:v26+s3+$0x0], $0xffff  }
0x471: {  	v17 =	vnsel vm0, $0x0, v20;
	v47 =	vadd.s32 v23, v22  }
0x472: {  	vm0 =	vle.s32 v13, v17;
	vm1 =	vle.s32 v11, v17;
	v22 =	vperm.xlane v0, v47  }
0x473: {  	vm2 =	vle.s32 v15, v17;
	vm3 =	vle.s32 v16, v17;
	v20 =	vmul.u32 $0x280, v47  }
0x474: {  	vm5 =	vle.s32 v12, v17;
	v48 =	vsel vm2, $0x1, v18;
	v24 =	vsel vm3, $0x1, v18  }
0x475: {  	vm6 =	vle.s32 v10, v17;
	v50 =	vsel vm0, $0x1, v18;
	v49 =	vadd.s32 v48, v24  }
0x476: {  	v52 =	vsel vm1, $0x1, v18;
	v19 =	vsub.s32 v19, v22;
	v51 =	vadd.s32 v50, v49  }
0x477: {  	v53 =	vsel vm5, $0x1, v18;
	v19 =	vadd.s32 v19, v20;
	v20 =	vadd.s32 v52, v51  }
0x478: {  	vm7 =	vle.s32 v8, v17;
	v54 =	vsel vm6, $0x1, v18;
	v20 =	vadd.s32 v53, v20  }
0x479: {  	vm8 =	vle.s32 v9, v17;
	v55 =	vsel vm7, $0x1, v18;
	v20 =	vadd.s32 v54, v20  }
0x47a: {  	vm9 =	vle.s32 v7, v17;
	v56 =	vsel vm8, $0x1, v18;
	v20 =	vadd.s32 v55, v20  }
0x47b: {  	vm10 =	vle.s32 v5, v17;
	v57 =	vsel vm9, $0x1, v18;
	v20 =	vadd.s32 v56, v20  }
0x47c: {  	vm11 =	vle.s32 v6, v17;
	v58 =	vsel vm10, $0x1, v18;
	v20 =	vadd.s32 v57, v20  }
0x47d: {  	vm12 =	vle.s32 v4, v17;
	v59 =	vsel vm11, $0x1, v18;
	v20 =	vadd.s32 v58, v20  }
0x47e: {  	vm13 =	vle.s32 v1, v17;
	v60 =	vsel vm12, $0x1, v18;
	[tilespmem:s6+$0x19300] =	vst v21;
	v20 =	vadd.s32 v59, v20  }
0x47f: {  	vm14 =	vle.s32 v2, v17;
	v62 =	vsel vm13, $0x1, v18;
	v61 =	vld.idx.msk [tilespmem:v19+s0+$0x0], $0xffff;
	v20 =	vadd.s32 v60, v20  }
0x480: {  	vm15 =	vle.s32 v3, v17;
	v63 =	vsel vm14, $0x1, v18;
	v20 =	vadd.s32 v62, v20  }
0x481: {  	v18 =	vsel vm15, $0x1, v18;
	v20 =	vadd.s32 v63, v20  }
0x482: {  	v18 =	vadd.s32 v18, v20  }
0x483: {  	s5 =	sshra.s32 s5, $0x2;
	v20 =	vperm.xlane v0, v18  }
0x484: {  	[tilespmem:s5+$0x19580] =	vst v61;
	v18 =	vmul.u32 $0x280, v18  }
0x485: {  	v19 =	vld.idx.msk [tilespmem:v19+s3+$0x0], $0xffff;
	v17 =	vsub.s32 v17, v20  }
0x486: {  	v17 =	vadd.s32 v17, v18;
	_ =	sdelay $0x3  }
0x487: {  	[tilespmem:s5+$0x19300] =	vst v19  }
0x488: {  	v18 =	vld.idx.msk [tilespmem:v17+s0+$0x0], $0xffff;
	_ =	sdelay $0x3  }
0x489: {  	s29 =	sshra.s32 s4, $0x2  }
0x48a: {  	[tilespmem:s29+$0x19580] =	vst v18  }
0x48b: {  	v17 =	vld.idx.msk [tilespmem:v17+s3+$0x0], $0xffff;
	_ =	sdelay $0x3  }
0x48c: {  	s30 =	simm.s32 $0x19580;
	s31 =	rddreg [dreg:$0x17];
	p0 =	sne.s32 s1, $0xF  }
.Ltmp40:
0x48d: {  	s0 =	simm.s32 $0x0;
	s3 =	simm.s32 $0x3;
	[tilespmem:s29+$0x19300] =	vst v17;
	(pc) =	sbr.rel @p0 .LBB2_79-.Ltmp40, $4  }
0x48e: {  	[hbm4b:s31+s0] =	stream.linear.scatter [tilespmem:s30], [sflag:$0x3], $0x270, $0x38;
	[tilespmem:$0x1F380] =	vst v63  }
0x48f: {  	_ =	swait.ge [sflag:s3], $0x270  }
0x490: {  	[sflag:s3] =	ssyncset.done $0x0  }
0x491: {  	[sflag:s3] =	ssyncadd.s32 $0xFFFFFD90  }
0x492: {  	v17 =	vlaneseq.u32  }
0x493: {  	v17 =	vor.u32 $0x2700, v17  }
0x494: {  	vm0 =	vgt.s32 v14, v17  }
0x495: {  	v14 =	vnsel vm0, $0x0, v17  }
0x496: {  	v44 =	vimm.s32 $0x0;
	vm0 =	vle.s32 v15, v14;
	vm1 =	vle.s32 v16, v14  }
0x497: {  	vm15 =	vle.s32 v13, v14;
	v45 =	vsel vm0, $0x1, v44;
	v46 =	vsel vm1, $0x1, v44  }
0x498: {  	vm4 =	vle.s32 v11, v14;
	v48 =	vsel vm15, $0x1, v44;
	v47 =	vadd.s32 v45, v46  }
0x499: {  	vm5 =	vle.s32 v12, v14;
	v50 =	vsel vm4, $0x1, v44;
	v49 =	vadd.s32 v48, v47  }
0x49a: {  	vm6 =	vle.s32 v10, v14;
	v12 =	vsel vm5, $0x1, v44;
	v11 =	vadd.s32 v50, v49  }
0x49b: {  	vm7 =	vle.s32 v8, v14;
	v52 =	vsel vm6, $0x1, v44;
	v51 =	vadd.s32 v12, v11  }
0x49c: {  	vm8 =	vle.s32 v9, v14;
	v54 =	vsel vm7, $0x1, v44;
	v53 =	vadd.s32 v52, v51  }
0x49d: {  	vm9 =	vle.s32 v7, v14;
	v9 =	vsel vm8, $0x1, v44;
	v8 =	vadd.s32 v54, v53  }
0x49e: {  	vm10 =	vle.s32 v5, v14;
	v56 =	vsel vm9, $0x1, v44;
	v55 =	vadd.s32 v9, v8  }
0x49f: {  	vm11 =	vle.s32 v6, v14;
	v58 =	vsel vm10, $0x1, v44;
	v57 =	vadd.s32 v56, v55  }
0x4a0: {  	vm12 =	vle.s32 v4, v14;
	v6 =	vsel vm11, $0x1, v44;
	v5 =	vadd.s32 v58, v57  }
0x4a1: {  	vm13 =	vle.s32 v1, v14;
	v60 =	vsel vm12, $0x1, v44;
	v59 =	vadd.s32 v6, v5  }
0x4a2: {  	vm14 =	vle.s32 v2, v14;
	v62 =	vsel vm13, $0x1, v44;
	v61 =	vadd.s32 v60, v59  }
0x4a3: {  	v2 =	vsel vm14, $0x1, v44;
	vm15 =	vle.s32 v3, v14;
	v1 =	vadd.s32 v62, v61  }
0x4a4: {  	v63 =	vsel vm15, $0x1, v44;
	v1 =	vadd.s32 v2, v1  }
0x4a5: {  	v1 =	vadd.s32 v63, v1  }
0x4a6: {  	v0 =	vperm.xlane v0, v1  }
0x4a7: {  	v1 =	vmul.u32 $0x280, v1  }
0x4a8: {  	v0 =	vsub.s32 v14, v0  }
0x4a9: {  	v0 =	vadd.s32 v0, v1;
	_ =	sdelay $0x3  }
0x4aa: {  	s4 =	simm.s32 $0xED00  }
0x4ab: {  	v1 =	vld.idx.msk [tilespmem:v0+s4+$0x0], $0xffff;
	_ =	sdelay $0x4  }
0x4ac: {  	s30 =	simm.s32 $0x11500;
	[tilespmem:$0x197F0] =	vst v1  }
0x4ad: {  	v0 =	vld.idx.msk [tilespmem:v0+s30+$0x0], $0xffff;
	_ =	sdelay $0x4  }
0x4ae: {  	s31 =	simm.s32 $0x197F0;
	s5 =	rddreg [dreg:$0x16];
	[tilespmem:$0x19570] =	vst v0  }
0x4af: {  	[hbm4b:s5+s0] =	stream.linear.scatter [tilespmem:s31], [sflag:$0x3], $0x10, $0x38;
	[tilespmem:$0x1F380] =	vst v63  }
0x4b0: {  	_ =	swait.ge [sflag:s3], $0x10  }
0x4b1: {  	[sflag:s3] =	ssyncset.done $0x0  }
0x4b2: {  	[sflag:s3] =	ssyncadd.s32 $0xFFFFFFF0  }
.LBB2_79:
0x4b3: {  	s6 =	simm.s32 $0x30;
	s5 =	simm.s32 $0x19300;
	s4 =	simm.s32 $0x19900  }
0x4b4: {  	[tilespmem:s4], [sflag:$0x1] =	stream.indirect.gather [hbm4b:s2+s6], $0x80, s5, s6, $0xb8;
	[tilespmem:$0x1F380] =	vst v63  }
0x4b5: {  	s29 =	simm.s32 $0x19330;
	s7 =	simm.s32 $0x1B100;
	s5 =	simm.s32 $0x1  }
0x4b6: {  	[tilespmem:s7], [sflag:$0x2] =	stream.indirect.gather [hbm4b:s2+s6], $0x80, s29, s6, $0xb8;
	[tilespmem:$0x1F380] =	vst v63  }
0x4b7: {  	_ =	swait.ge [sflag:s5], $0x1800  }
0x4b8: {  	[sflag:s5] =	ssyncset.done $0x0  }
0x4b9: {  	s8 =	rddreg [dreg:$0x15];
	[sflag:s5] =	ssyncadd.s32 $0xFFFFE800  }
0x4ba: {  	[hbm4b:s8+s0] =	stream.linear.scatter [tilespmem:s4], [sflag:$0x3], $0x1800, $0x38;
	[tilespmem:$0x1F380] =	vst v63  }
0x4bb: {  	_ =	swait.ge [sflag:s3], $0x1800  }
0x4bc: {  	[sflag:s3] =	ssyncset.done $0x0  }
0x4bd: {  	s30 =	simm.s32 $0x19360;
	s31 =	simm.s32 $0x2;
	[sflag:s3] =	ssyncadd.s32 $0xFFFFE800  }
0x4be: {  	[tilespmem:s4], [sflag:$0x1] =	stream.indirect.gather [hbm4b:s2+s6], $0x80, s30, s6, $0xb8;
	[tilespmem:$0x1F380] =	vst v63  }
0x4bf: {  	_ =	swait.ge [sflag:s31], $0x1800  }
0x4c0: {  	[sflag:s31] =	ssyncset.done $0x0  }
0x4c1: {  	s9 =	rddreg [dreg:$0x14];
	[sflag:s31] =	ssyncadd.s32 $0xFFFFE800  }
0x4c2: {  	[hbm4b:s9+s0] =	stream.linear.scatter [tilespmem:s7], [sflag:$0x3], $0x1800, $0x38;
	[tilespmem:$0x1F380] =	vst v63  }
0x4c3: {  	_ =	swait.ge [sflag:s3], $0x1800  }
0x4c4: {  	[sflag:s3] =	ssyncset.done $0x0  }
0x4c5: {  	s10 =	simm.s32 $0x19390;
	[sflag:s3] =	ssyncadd.s32 $0xFFFFE800  }
0x4c6: {  	[tilespmem:s7], [sflag:$0x2] =	stream.indirect.gather [hbm4b:s2+s6], $0x80, s10, s6, $0xb8;
	[tilespmem:$0x1F380] =	vst v63  }
0x4c7: {  	_ =	swait.ge [sflag:s5], $0x1800  }
0x4c8: {  	[sflag:s5] =	ssyncset.done $0x0  }
0x4c9: {  	s11 =	rddreg [dreg:$0x13];
	[sflag:s5] =	ssyncadd.s32 $0xFFFFE800  }
0x4ca: {  	[hbm4b:s11+s0] =	stream.linear.scatter [tilespmem:s4], [sflag:$0x3], $0x1800, $0x38;
	[tilespmem:$0x1F380] =	vst v63  }
0x4cb: {  	_ =	swait.ge [sflag:s3], $0x1800  }
0x4cc: {  	[sflag:s3] =	ssyncset.done $0x0  }
0x4cd: {  	s12 =	simm.s32 $0x193C0;
	[sflag:s3] =	ssyncadd.s32 $0xFFFFE800  }
0x4ce: {  	[tilespmem:s4], [sflag:$0x1] =	stream.indirect.gather [hbm4b:s2+s6], $0x80, s12, s6, $0xb8;
	[tilespmem:$0x1F380] =	vst v63  }
0x4cf: {  	_ =	swait.ge [sflag:s31], $0x1800  }
0x4d0: {  	[sflag:s31] =	ssyncset.done $0x0  }
0x4d1: {  	s13 =	rddreg [dreg:$0x12];
	[sflag:s31] =	ssyncadd.s32 $0xFFFFE800  }
0x4d2: {  	[hbm4b:s13+s0] =	stream.linear.scatter [tilespmem:s7], [sflag:$0x3], $0x1800, $0x38;
	[tilespmem:$0x1F380] =	vst v63  }
0x4d3: {  	_ =	swait.ge [sflag:s3], $0x1800  }
0x4d4: {  	[sflag:s3] =	ssyncset.done $0x0  }
0x4d5: {  	s14 =	simm.s32 $0x193F0;
	[sflag:s3] =	ssyncadd.s32 $0xFFFFE800  }
0x4d6: {  	[tilespmem:s7], [sflag:$0x2] =	stream.indirect.gather [hbm4b:s2+s6], $0x80, s14, s6, $0xb8;
	[tilespmem:$0x1F380] =	vst v63  }
0x4d7: {  	_ =	swait.ge [sflag:s5], $0x1800  }
0x4d8: {  	[sflag:s5] =	ssyncset.done $0x0  }
0x4d9: {  	s15 =	rddreg [dreg:$0x11];
	[sflag:s5] =	ssyncadd.s32 $0xFFFFE800  }
0x4da: {  	[hbm4b:s15+s0] =	stream.linear.scatter [tilespmem:s4], [sflag:$0x3], $0x1800, $0x38;
	[tilespmem:$0x1F380] =	vst v63  }
0x4db: {  	_ =	swait.ge [sflag:s3], $0x1800  }
0x4dc: {  	[sflag:s3] =	ssyncset.done $0x0  }
0x4dd: {  	s16 =	simm.s32 $0x19420;
	[sflag:s3] =	ssyncadd.s32 $0xFFFFE800  }
0x4de: {  	[tilespmem:s4], [sflag:$0x1] =	stream.indirect.gather [hbm4b:s2+s6], $0x80, s16, s6, $0xb8;
	[tilespmem:$0x1F380] =	vst v63  }
0x4df: {  	_ =	swait.ge [sflag:s31], $0x1800  }
0x4e0: {  	[sflag:s31] =	ssyncset.done $0x0  }
0x4e1: {  	s17 =	rddreg [dreg:$0x10];
	[sflag:s31] =	ssyncadd.s32 $0xFFFFE800  }
0x4e2: {  	[hbm4b:s17+s0] =	stream.linear.scatter [tilespmem:s7], [sflag:$0x3], $0x1800, $0x38;
	[tilespmem:$0x1F380] =	vst v63  }
0x4e3: {  	_ =	swait.ge [sflag:s3], $0x1800  }
0x4e4: {  	[sflag:s3] =	ssyncset.done $0x0  }
0x4e5: {  	s18 =	simm.s32 $0x19450;
	[sflag:s3] =	ssyncadd.s32 $0xFFFFE800  }
0x4e6: {  	[tilespmem:s7], [sflag:$0x2] =	stream.indirect.gather [hbm4b:s2+s6], $0x80, s18, s6, $0xb8;
	[tilespmem:$0x1F380] =	vst v63  }
0x4e7: {  	_ =	swait.ge [sflag:s5], $0x1800  }
0x4e8: {  	[sflag:s5] =	ssyncset.done $0x0  }
0x4e9: {  	s19 =	rddreg [dreg:$0xf];
	[sflag:s5] =	ssyncadd.s32 $0xFFFFE800  }
0x4ea: {  	[hbm4b:s19+s0] =	stream.linear.scatter [tilespmem:s4], [sflag:$0x3], $0x1800, $0x38;
	[tilespmem:$0x1F380] =	vst v63  }
0x4eb: {  	_ =	swait.ge [sflag:s3], $0x1800  }
0x4ec: {  	[sflag:s3] =	ssyncset.done $0x0  }
0x4ed: {  	s20 =	simm.s32 $0x19480;
	[sflag:s3] =	ssyncadd.s32 $0xFFFFE800  }
0x4ee: {  	[tilespmem:s4], [sflag:$0x1] =	stream.indirect.gather [hbm4b:s2+s6], $0x80, s20, s6, $0xb8;
	[tilespmem:$0x1F380] =	vst v63  }
0x4ef: {  	_ =	swait.ge [sflag:s31], $0x1800  }
0x4f0: {  	[sflag:s31] =	ssyncset.done $0x0  }
0x4f1: {  	s21 =	rddreg [dreg:$0xe];
	[sflag:s31] =	ssyncadd.s32 $0xFFFFE800  }
0x4f2: {  	[hbm4b:s21+s0] =	stream.linear.scatter [tilespmem:s7], [sflag:$0x3], $0x1800, $0x38;
	[tilespmem:$0x1F380] =	vst v63  }
0x4f3: {  	_ =	swait.ge [sflag:s3], $0x1800  }
0x4f4: {  	[sflag:s3] =	ssyncset.done $0x0  }
0x4f5: {  	s22 =	simm.s32 $0x194B0;
	[sflag:s3] =	ssyncadd.s32 $0xFFFFE800  }
0x4f6: {  	[tilespmem:s7], [sflag:$0x2] =	stream.indirect.gather [hbm4b:s2+s6], $0x80, s22, s6, $0xb8;
	[tilespmem:$0x1F380] =	vst v63  }
0x4f7: {  	_ =	swait.ge [sflag:s5], $0x1800  }
0x4f8: {  	[sflag:s5] =	ssyncset.done $0x0  }
0x4f9: {  	s23 =	rddreg [dreg:$0xd];
	[sflag:s5] =	ssyncadd.s32 $0xFFFFE800  }
0x4fa: {  	[hbm4b:s23+s0] =	stream.linear.scatter [tilespmem:s4], [sflag:$0x3], $0x1800, $0x38;
	[tilespmem:$0x1F380] =	vst v63  }
0x4fb: {  	_ =	swait.ge [sflag:s3], $0x1800  }
0x4fc: {  	[sflag:s3] =	ssyncset.done $0x0  }
0x4fd: {  	s24 =	simm.s32 $0x194E0;
	[sflag:s3] =	ssyncadd.s32 $0xFFFFE800  }
0x4fe: {  	[tilespmem:s4], [sflag:$0x1] =	stream.indirect.gather [hbm4b:s2+s6], $0x80, s24, s6, $0xb8;
	[tilespmem:$0x1F380] =	vst v63  }
0x4ff: {  	_ =	swait.ge [sflag:s31], $0x1800  }
0x500: {  	[sflag:s31] =	ssyncset.done $0x0  }
0x501: {  	s25 =	rddreg [dreg:$0xc];
	[sflag:s31] =	ssyncadd.s32 $0xFFFFE800  }
0x502: {  	[hbm4b:s25+s0] =	stream.linear.scatter [tilespmem:s7], [sflag:$0x3], $0x1800, $0x38;
	[tilespmem:$0x1F380] =	vst v63  }
0x503: {  	_ =	swait.ge [sflag:s3], $0x1800  }
0x504: {  	[sflag:s3] =	ssyncset.done $0x0  }
0x505: {  	s26 =	simm.s32 $0x19510;
	[sflag:s3] =	ssyncadd.s32 $0xFFFFE800  }
0x506: {  	[tilespmem:s7], [sflag:$0x2] =	stream.indirect.gather [hbm4b:s2+s6], $0x80, s26, s6, $0xb8;
	[tilespmem:$0x1F380] =	vst v63  }
0x507: {  	_ =	swait.ge [sflag:s5], $0x1800  }
0x508: {  	[sflag:s5] =	ssyncset.done $0x0  }
0x509: {  	s28 =	rddreg [dreg:$0xb];
	[sflag:s5] =	ssyncadd.s32 $0xFFFFE800  }
0x50a: {  	[hbm4b:s28+s0] =	stream.linear.scatter [tilespmem:s4], [sflag:$0x3], $0x1800, $0x38;
	[tilespmem:$0x1F380] =	vst v63  }
0x50b: {  	_ =	swait.ge [sflag:s3], $0x1800  }
0x50c: {  	[sflag:s3] =	ssyncset.done $0x0  }
0x50d: {  	s29 =	simm.s32 $0x19540;
	[sflag:s3] =	ssyncadd.s32 $0xFFFFE800  }
0x50e: {  	[tilespmem:s4], [sflag:$0x1] =	stream.indirect.gather [hbm4b:s2+s6], $0x80, s29, s6, $0xb8;
	[tilespmem:$0x1F380] =	vst v63  }
0x50f: {  	_ =	swait.ge [sflag:s31], $0x1800  }
0x510: {  	[sflag:s31] =	ssyncset.done $0x0  }
0x511: {  	s30 =	rddreg [dreg:$0xa];
	[sflag:s31] =	ssyncadd.s32 $0xFFFFE800  }
0x512: {  	[hbm4b:s30+s0] =	stream.linear.scatter [tilespmem:s7], [sflag:$0x3], $0x1800, $0x38;
	[tilespmem:$0x1F380] =	vst v63  }
0x513: {  	_ =	swait.ge [sflag:s3], $0x1800  }
0x514: {  	[sflag:s3] =	ssyncset.done $0x0  }
0x515: {  	[sflag:s3] =	ssyncadd.s32 $0xFFFFE800  }
0x516: {  	_ =	swait.ge [sflag:s5], $0x1800  }
0x517: {  	[sflag:s5] =	ssyncset.done $0x0  }
0x518: {  	s31 =	rddreg [dreg:$0x9];
	[sflag:s5] =	ssyncadd.s32 $0xFFFFE800  }
0x519: {  	[hbm4b:s31+s0] =	stream.linear.scatter [tilespmem:s4], [sflag:$0x3], $0x1800, $0x38;
	[tilespmem:$0x1F380] =	vst v63  }
0x51a: {  	_ =	swait.ge [sflag:s3], $0x1800  }
0x51b: {  	s0 =	simm.s32 @!p0 $0x10;
	[sflag:s3] =	ssyncset.done $0x0  }
0x51c: {  	s4 =	simm.s32 @!p0 $0x19900;
	[sflag:s3] =	ssyncadd.s32 $0xFFFFE800;
	s3 =	simm.s32 @!p0 $0x19570  }
0x51d: {  	[tilespmem:s4], [sflag:$0x1] =	stream.indirect.gather @!p0 [hbm4b:s2+s0], $0x80, s3, s0, $0xb8;
	[tilespmem:$0x1F380] =	vst v63  }
0x51e: {  	s0 =	simm.s32 @!p0 $0x1  }
0x51f: {  	_ =	swait.ge @!p0 [sflag:s0], $0x800  }
0x520: {  	[sflag:s0] =	ssyncset.done @!p0 $0x0  }
0x521: {  	s2 =	rddreg [dreg:$0x8];
	[sflag:s0] =	ssyncadd.s32 @!p0 $0xFFFFF800;
	s0 =	simm.s32 @!p0 $0x0  }
0x522: {  	[hbm4b:s2+s0] =	stream.linear.scatter @!p0 [tilespmem:s4], [sflag:$0x3], $0x800, $0x38;
	[tilespmem:$0x1F380] =	vst v63  }
0x523: {  	s0 =	simm.s32 @!p0 $0x3  }
0x524: {  	_ =	swait.ge @!p0 [sflag:s0], $0x800  }
0x525: {  	[sflag:s0] =	ssyncset.done @!p0 $0x0  }
0x526: {  	[sflag:s0] =	ssyncadd.s32 @!p0 $0xFFFFF800  }
0x527: {  	s7 =	rddreg [dreg:$0x7]  }
.LBB2_80:
0x528: {  	_ =	sfence.sel $0x180000  }
0x529: {  	[bflag:$0x0] =	sbarrier.arrive $0xFFFF  }
0x52a: {  	p0 =	sne.s32 s1, $0x0;
	_ =	strace $0x90000047  }
0x52b: {  	s0 =	sadd.s32 @!p0 $0x100000, s7;
	[bflag:$0x2] =	sbarrier.arrive $0xFFFF  }
0x52c: {  	[sflag:s0] =	ssyncadd.tile.s32 @!p0 $0x1;
	_ =	shalt  }
.Lfunc_end2:
_tile_overlayer_lowered:
.L_overlay_start_2:
0x52d: {  	(tag) =	ssettag $0x2  }
0x52e: {  	s0 =	rddreg [dreg:$0x0];
	s2 =	stileid.u32  }
0x52f: {  	s1 =	rddreg [dreg:$0x1];
	p0 =	sne.s32 s2, $0x0  }
0x530: {  	s3 =	rddreg [dreg:$0x2];
	[bflag:$0x3] =	sbarrier.arrive $0xFFFF;
	s2 =	simm.s32 @!p0 $0x1C03  }
0x531: {  	[timem:s3], [sflag:s2] =	dma.local @!p0 [hbm:s0], s1  }
0x532: {  	s0 =	simm.s32 @!p0 $0x3  }
0x533: {  	_ =	swait.ge @!p0 [sflag:s0], s1  }
0x534: {  	s1 =	ssub.s32 @!p0 $0x0, s1;
	[sflag:s0] =	ssyncset.done @!p0 $0x0  }
0x535: {  	[sflag:s0] =	ssyncadd.s32 @!p0 s1  }
0x536: {  	[bflag:$0x3] =	sbarrier.arrive $0xFFFF  }
0x537: {  	_ =	shalt  }

</sc_bundles>
